<compile_context>
chip_gen: v7x
topology: tpu7x:2x2x1
jax: 0.10.2.dev20260603
libtpu: 0.0.44.dev20260713+nightly
codegen_flags: <defaults>
</compile_context>

<pallas_src>
import functools

import jax
import jax.numpy as jnp
from jax import lax
from jax.experimental import pallas as pl
from jax.experimental.pallas import tpu as pltpu
from jax.experimental.pallas import tpu_sc as plsc

N = 100000
NP = 102400
E = 3200000
EP = 3276800
EPM = EP // 128
G = 64
NC, NS = 2, 16
NTILES = NC * NS
K = 8
NSL = NP // NS
DUMMY = NP - 1
EDGE_SPLIT = (1432, 168)
DEG_SPLIT = (920, 680)

F32 = jnp.float32


def _sc_mesh():
    return plsc.VectorSubcoreMesh(core_axis_name="c", subcore_axis_name="s")


_SC_PARAMS = pltpu.CompilerParams(use_tc_tiling_on_sc=False)


def _sc_degree(dstp, zeros1, ones_rows):

    @functools.partial(
        pl.kernel,
        out_type=[jax.ShapeDtypeStruct((NP,), F32) for _ in range(NC)],
        mesh=_sc_mesh(),
        compiler_params=_SC_PARAMS,
        scratch_types=[
            pltpu.VMEM_SHARED((NP,), F32),
            pltpu.VMEM((K, 128), jnp.int32),
            pltpu.VMEM((K, 128), F32),
            pltpu.SemaphoreType.DMA,
        ],
    )
    def k(dstp_h, z_h, ones_h, dega_h, degb_h, acc, idxd, ones_v, ssem):
        c = lax.axis_index("c")
        s = lax.axis_index("s")
        sl = pl.ds(s * NSL, NSL)
        pltpu.sync_copy(z_h.at[sl], acc.at[sl])
        pltpu.sync_copy(ones_h, ones_v)
        plsc.subcore_barrier()
        D0, D1 = DEG_SPLIT
        tb = jnp.where(c == 0, s * D0, NS * D0 + s * D1)
        nch = jnp.where(c == 0, D0 // K, D1 // K)

        def body(kk, carry):
            base = tb + kk * K
            pltpu.sync_copy(dstp_h.at[pl.ds(base, K)], idxd)
            cps = [
                pltpu.async_copy(ones_v.at[j], acc.at[idxd.at[j]], ssem, add=True)
                for j in range(K)
            ]
            for cp in cps:
                cp.wait()
            return carry

        lax.fori_loop(0, nch, body, 0)
        plsc.subcore_barrier()

        @pl.when(c == 0)
        def _():
            pltpu.sync_copy(acc.at[sl], dega_h.at[sl])

        @pl.when(c == 1)
        def _():
            pltpu.sync_copy(acc.at[sl], degb_h.at[sl])

    return k(dstp, zeros1, ones_rows)


def _sc_edge_pass(table, srcp, dstp, zeros, R):

    KC = 4
    R0, R1 = EDGE_SPLIT
    assert 16 * (R0 + R1) == EPM and R0 % 8 == 0 and R1 % 8 == 0

    @functools.partial(
        pl.kernel,
        out_type=[jax.ShapeDtypeStruct((NP, R), F32) for _ in range(NC)],
        mesh=_sc_mesh(),
        compiler_params=_SC_PARAMS,
        scratch_types=[
            pltpu.VMEM_SHARED((NP, R), F32),
            [pltpu.VMEM((KC, 128), jnp.int32) for _ in range(2)],
            [pltpu.VMEM((KC, 128), jnp.int32) for _ in range(2)],
            [pltpu.VMEM((KC, 128, R), F32) for _ in range(2)],
            pltpu.SemaphoreType.DMA,
            pltpu.SemaphoreType.DMA,
            pltpu.SemaphoreType.DMA,
        ],
    )
    def k(table_h, srcp_h, dstp_h, z_h, outa_h, outb_h,
          acc, idxs, idxd, rows, gsem, ssem, isem):
        c = lax.axis_index("c")
        s = lax.axis_index("s")
        sl = pl.ds(s * NSL, NSL)
        pltpu.sync_copy(z_h.at[sl], acc.at[sl])
        plsc.subcore_barrier()
        tb = jnp.where(c == 0, s * R0, NS * R0 + s * R1)
        nch = jnp.where(c == 0, R0 // KC, R1 // KC)

        def fire_idx(kk, b):
            base = tb + kk * KC
            pltpu.async_copy(srcp_h.at[pl.ds(base, KC)], idxs[b], isem)
            pltpu.async_copy(dstp_h.at[pl.ds(base, KC)], idxd[b], isem)

        def wait_idx(b):
            pltpu.make_async_copy(srcp_h.at[pl.ds(0, KC)], idxs[b], isem).wait()
            pltpu.make_async_copy(dstp_h.at[pl.ds(0, KC)], idxd[b], isem).wait()

        def fire_gather(b):
            for j in range(KC):
                pltpu.async_copy(table_h.at[idxs[b].at[j]], rows[b].at[j], gsem)

        def wait_gather(b):
            for j in range(KC):
                pltpu.make_async_copy(
                    table_h.at[idxs[b].at[j]], rows[b].at[j], gsem).wait()

        def fire_scatter(b):
            for j in range(KC):
                pltpu.async_copy(rows[b].at[j], acc.at[idxd[b].at[j]], ssem,
                                 add=True)

        def wait_scatter(b):
            for j in range(KC):
                pltpu.make_async_copy(
                    rows[b].at[j], acc.at[idxd[b].at[j]], ssem).wait()

        pltpu.sync_copy(srcp_h.at[pl.ds(tb, KC)], idxs[0])
        pltpu.sync_copy(dstp_h.at[pl.ds(tb, KC)], idxd[0])
        fire_gather(0)

        def phase(kk, b):
            @pl.when(kk >= 1)
            def _():
                wait_scatter(b ^ 1)

            @pl.when(kk + 1 < nch)
            def _():
                fire_idx(kk + 1, b ^ 1)

            wait_gather(b)
            fire_scatter(b)

            @pl.when(kk + 1 < nch)
            def _():
                wait_idx(b ^ 1)
                fire_gather(b ^ 1)

        def body(i, carry):
            phase(2 * i, 0)
            phase(2 * i + 1, 1)
            return carry

        lax.fori_loop(0, nch // 2, body, 0)
        wait_scatter(1)
        plsc.subcore_barrier()

        @pl.when(c == 0)
        def _():
            pltpu.sync_copy(acc.at[sl], outa_h.at[sl])

        @pl.when(c == 1)
        def _():
            pltpu.sync_copy(acc.at[sl], outb_h.at[sl])

    return k(table, srcp, dstp, zeros)


def _tc_prolog(dega, degb, x_pad, W1):
    BB = 2048

    def body(da, db, xr, w1, dis_r, xws_r):
        deg = da[...] + db[...] + 1.0
        dis = lax.rsqrt(deg)
        dis_r[...] = dis
        xw = xr[:, 0:1] * w1[0:1, :] + xr[:, 1:2] * w1[1:2, :]
        xws_r[...] = xw * dis

    return pl.pallas_call(
        body,
        grid=(NP // BB,),
        in_specs=[
            pl.BlockSpec((BB, 1), lambda i: (i, 0)),
            pl.BlockSpec((BB, 1), lambda i: (i, 0)),
            pl.BlockSpec((BB, 2), lambda i: (i, 0)),
            pl.BlockSpec((2, 16), lambda i: (0, 0)),
        ],
        out_specs=[
            pl.BlockSpec((BB, 1), lambda i: (i, 0)),
            pl.BlockSpec((BB, 16), lambda i: (i, 0)),
        ],
        out_shape=[
            jax.ShapeDtypeStruct((NP, 1), F32),
            jax.ShapeDtypeStruct((NP, 16), F32),
        ],
    )(dega.reshape(NP, 1), degb.reshape(NP, 1), x_pad, W1)


def _tc_layer1(acc1a, acc1b, xws1, dis, b1):
    BB = 2048

    def body(aa, ab, xws_r, dis_r, b1r, out_r):
        t = aa[...] + ab[...] + xws_r[...]
        h1 = jnp.maximum(t * dis_r[...] + b1r[...], 0.0)
        out_r[...] = h1 * dis_r[...]

    return pl.pallas_call(
        body,
        grid=(NP // BB,),
        in_specs=[
            pl.BlockSpec((BB, 16), lambda i: (i, 0)),
            pl.BlockSpec((BB, 16), lambda i: (i, 0)),
            pl.BlockSpec((BB, 16), lambda i: (i, 0)),
            pl.BlockSpec((BB, 1), lambda i: (i, 0)),
            pl.BlockSpec((1, 16), lambda i: (0, 0)),
        ],
        out_specs=pl.BlockSpec((BB, 16), lambda i: (i, 0)),
        out_shape=jax.ShapeDtypeStruct((NP, 16), F32),
    )(acc1a, acc1b, xws1, dis, b1.reshape(1, 16))


def _tc_final(acc2a, acc2b, h1s, dis, W2, b2, batch3, fc1_W, fc1_b, fc2_W, fc2_b):
    BF = 512
    NBF = NP // BF

    def body(aa, ab, h1s_r, dis_r, w2, b2r, bat, f1w, f1b, f2w, f2b,
             out_r, sums, counts):
        i = pl.program_id(0)

        @pl.when(i == 0)
        def _():
            sums[...] = jnp.zeros_like(sums)
            counts[...] = jnp.zeros_like(counts)

        m = aa[...] + ab[...] + h1s_r[...]
        h2 = jnp.maximum(
            jnp.dot(m, w2[...], preferred_element_type=F32) * dis_r[...]
            + b2r[...], 0.0)
        bid = bat[0, 0, :]
        oh = (bid[None, :] == lax.broadcasted_iota(jnp.int32, (G, BF), 0)
              ).astype(F32)
        sums[...] += jnp.dot(oh, h2, preferred_element_type=F32)
        counts[...] += jnp.sum(oh, axis=1, keepdims=True)

        @pl.when(i == NBF - 1)
        def _():
            pooled = sums[...] / jnp.maximum(counts[...], 1.0)
            hh = jnp.maximum(
                jnp.dot(pooled, f1w[...], preferred_element_type=F32)
                + f1b[...], 0.0)
            out_r[...] = jnp.dot(hh, f2w[...], preferred_element_type=F32) + f2b[...]

    return pl.pallas_call(
        body,
        grid=(NBF,),
        in_specs=[
            pl.BlockSpec((BF, 16), lambda i: (i, 0)),
            pl.BlockSpec((BF, 16), lambda i: (i, 0)),
            pl.BlockSpec((BF, 16), lambda i: (i, 0)),
            pl.BlockSpec((BF, 1), lambda i: (i, 0)),
            pl.BlockSpec((16, 32), lambda i: (0, 0)),
            pl.BlockSpec((1, 32), lambda i: (0, 0)),
            pl.BlockSpec((1, 1, BF), lambda i: (i, 0, 0)),
            pl.BlockSpec((32, 16), lambda i: (0, 0)),
            pl.BlockSpec((1, 16), lambda i: (0, 0)),
            pl.BlockSpec((16, 1), lambda i: (0, 0)),
            pl.BlockSpec((1, 1), lambda i: (0, 0)),
        ],
        out_specs=pl.BlockSpec((G, 1), lambda i: (0, 0)),
        out_shape=jax.ShapeDtypeStruct((G, 1), F32),
        scratch_shapes=[
            pltpu.VMEM((G, 32), F32),
            pltpu.VMEM((G, 1), F32),
        ],
    )(acc2a, acc2b, h1s, dis, W2, b2.reshape(1, 32), batch3,
      fc1_W, fc1_b.reshape(1, 16), fc2_W, fc2_b.reshape(1, 1))


def kernel(x, edge_index, batch, W1, b1, W2, b2, fc1_W, fc1_b, fc2_W, fc2_b):
    src = edge_index[0].astype(jnp.int32)
    dst = edge_index[1].astype(jnp.int32)
    pad_e = jnp.full((EP - E,), DUMMY, jnp.int32)
    srcp = jnp.concatenate([src, pad_e]).reshape(EPM, 128)
    dstp = jnp.concatenate([dst, pad_e]).reshape(EPM, 128)
    x_pad = jnp.pad(x, ((0, NP - N), (0, 0)))
    batch3 = jnp.concatenate(
        [batch.astype(jnp.int32), jnp.full((NP - N,), G, jnp.int32)]
    ).reshape(NP // 512, 1, 512)
    zeros1 = jnp.zeros((NP,), F32)
    zeros16 = jnp.zeros((NP, 16), F32)
    ones_rows = jnp.ones((K, 128), F32)

    dega, degb = _sc_degree(dstp, zeros1, ones_rows)
    dis, xws1 = _tc_prolog(dega, degb, x_pad, W1)
    acc1a, acc1b = _sc_edge_pass(xws1, srcp, dstp, zeros16, 16)
    h1s = _tc_layer1(acc1a, acc1b, xws1, dis, b1)
    acc2a, acc2b = _sc_edge_pass(h1s, srcp, dstp, zeros16, 16)
    out = _tc_final(acc2a, acc2b, h1s, dis, W2, b2, batch3,
                    fc1_W, fc1_b, fc2_W, fc2_b)
    return out.reshape((G,))

# --- scband reference (transcript-rebuilt; emitter-appended) ---
"""Pipeline reference for scband-gnnmodel-17549236371687 (READ-ONLY COPY).

The authoritative reference and input builder live on the scoring server;
editing this copy changes nothing except your own understanding.
"""

import jax, jax.numpy as jnp
import numpy as np

NUM_NODES = 100000
NUM_EDGES = 3200000
NUM_GRAPHS = 64


def setup_inputs(seed: int = 0) -> dict:
    key = jax.random.key(seed)
    ks = jax.random.split(key, 12)
    x = jax.random.normal(ks[0], (NUM_NODES, 2), dtype=jnp.float32)
    edge_index = jax.random.randint(ks[1], (2, NUM_EDGES), 0, NUM_NODES, dtype=jnp.int64)
    batch = jnp.sort(jax.random.randint(ks[2], (NUM_NODES,), 0, NUM_GRAPHS, dtype=jnp.int64))
    # GCNConv(2, 16)
    W1 = jax.random.normal(ks[3], (2, 16), dtype=jnp.float32) * (1.0 / np.sqrt(2))
    b1 = jnp.zeros((16,), dtype=jnp.float32)
    # GCNConv(16, 32)
    W2 = jax.random.normal(ks[4], (16, 32), dtype=jnp.float32) * (1.0 / np.sqrt(16))
    b2 = jnp.zeros((32,), dtype=jnp.float32)
    # Linear(32, 16)
    fc1_W = jax.random.normal(ks[5], (32, 16), dtype=jnp.float32) * (1.0 / np.sqrt(32))
    fc1_b = jnp.zeros((16,), dtype=jnp.float32)
    # Linear(16, 1)
    fc2_W = jax.random.normal(ks[6], (16, 1), dtype=jnp.float32) * (1.0 / np.sqrt(16))
    fc2_b = jnp.zeros((1,), dtype=jnp.float32)
    return {"x": x, "edge_index": edge_index, "batch": batch,
            "W1": W1, "b1": b1, "W2": W2, "b2": b2,
            "fc1_W": fc1_W, "fc1_b": fc1_b, "fc2_W": fc2_W, "fc2_b": fc2_b}


def gcn_conv(x, src, dst, norm, W, b, num_nodes):
    # x' = D^{-1/2} (A + I) D^{-1/2} X W + b  (PyG GCNConv semantics)
    xw = x @ W
    msg = xw[src] * norm[:, None]
    out = jnp.zeros((num_nodes, W.shape[1]), dtype=x.dtype).at[dst].add(msg)
    return out + b


def reference(x, edge_index, batch, W1, b1, W2, b2, fc1_W, fc1_b, fc2_W, fc2_b):
    num_nodes = x.shape[0]
    loop = jnp.arange(num_nodes, dtype=edge_index.dtype)
    src = jnp.concatenate([edge_index[0], loop])
    dst = jnp.concatenate([edge_index[1], loop])
    deg = jnp.zeros((num_nodes,), dtype=x.dtype).at[dst].add(1.0)
    deg_inv_sqrt = jnp.where(deg > 0, deg ** -0.5, 0.0)
    norm = deg_inv_sqrt[src] * deg_inv_sqrt[dst]

    h = gcn_conv(x, src, dst, norm, W1, b1, num_nodes)
    h = jax.nn.relu(h)
    h = gcn_conv(h, src, dst, norm, W2, b2, num_nodes)
    h = jax.nn.relu(h)

    # global_mean_pool
    sums = jax.ops.segment_sum(h, batch, num_segments=NUM_GRAPHS)
    counts = jax.ops.segment_sum(jnp.ones((num_nodes,), dtype=h.dtype), batch, num_segments=NUM_GRAPHS)
    pooled = sums / jnp.maximum(counts, 1.0)[:, None]

    h = jax.nn.relu(pooled @ fc1_W + fc1_b)
    out = h @ fc2_W + fc2_b
    return out.squeeze()

if __name__ == "__main__":
    import jax
    _d = setup_inputs()
    print(jax.jit(kernel)(*tuple(_d.values())))

</pallas_src>

<mosaic_0001>
#map = affine_map<(d0, d1) -> (0, 0)>
module attributes {stable_mosaic.version = 14 : i64} {
  func.func @k(%arg0: i32, %arg1: i32, %arg2: memref<102400x16xf32, #tpu.memory_space<hbm>>, %arg3: memref<25600x128xi32, #tpu.memory_space<hbm>>, %arg4: memref<25600x128xi32, #tpu.memory_space<hbm>>, %arg5: memref<102400x16xf32, #tpu.memory_space<hbm>>, %arg6: memref<102400x16xf32, #tpu.memory_space<hbm>>, %arg7: memref<102400x16xf32, #tpu.memory_space<hbm>>, %arg8: memref<102400x16xf32, #tpu.memory_space<vmem_shared>>, %arg9: memref<4x128xi32, #tpu.memory_space<vmem>>, %arg10: memref<4x128xi32, #tpu.memory_space<vmem>>, %arg11: memref<4x128xi32, #tpu.memory_space<vmem>>, %arg12: memref<4x128xi32, #tpu.memory_space<vmem>>, %arg13: memref<4x128x16xf32, #tpu.memory_space<vmem>>, %arg14: memref<4x128x16xf32, #tpu.memory_space<vmem>>, %arg15: memref<!tpu.dma_semaphore, #tpu.memory_space<semaphore_mem>>, %arg16: memref<!tpu.dma_semaphore, #tpu.memory_space<semaphore_mem>>, %arg17: memref<!tpu.dma_semaphore, #tpu.memory_space<semaphore_mem>>) attributes {dimension_semantics = [#tpu.dimension_semantics<core_parallel>, #tpu.dimension_semantics<subcore_parallel>], iteration_bounds = array<i64: 2, 16>, scalar_prefetch = 0 : i64, scratch_operands = 10 : i64, tpu.core_type = #tpu.core_type<sc_vector_subcore>, window_params = [{transform_indices = #map}, {transform_indices = #map}, {transform_indices = #map}, {transform_indices = #map}, {transform_indices = #map}, {transform_indices = #map}]} {
    %mul3A = arith.constant 6400 : i32
    %mul3A_0 = arith.muli %arg1, %mul3A : i32
    "tpu.region"() ({
      %run_scoped3A = tpu.sem_alloc : memref<!tpu.dma_semaphore, #tpu.memory_space<semaphore_mem>>
      %dma_start3A_141 = arith.constant 0 : i32
      %dma_start3A_142 = tpu.memref_slice %arg8[%mul3A_0, %dma_start3A_141] : memref<102400x16xf32, #tpu.memory_space<vmem_shared>> -> memref<6400x16xf32, #tpu.memory_space<vmem_shared>>
      %dma_start3A_143 = arith.constant 0 : i32
      %dma_start3A_144 = tpu.memref_slice %arg5[%mul3A_0, %dma_start3A_143] : memref<102400x16xf32, #tpu.memory_space<hbm>> -> memref<6400x16xf32, #tpu.memory_space<hbm>>
      tpu.enqueue_dma source(%dma_start3A_144 : memref<6400x16xf32, #tpu.memory_space<hbm>>) target(%dma_start3A_142 : memref<6400x16xf32, #tpu.memory_space<vmem_shared>>) target_semaphore(%run_scoped3A : memref<!tpu.dma_semaphore, #tpu.memory_space<semaphore_mem>>)
      %dma_wait3A_145 = arith.constant 0 : i32
      %dma_wait3A_146 = tpu.memref_slice %arg8[%mul3A_0, %dma_wait3A_145] : memref<102400x16xf32, #tpu.memory_space<vmem_shared>> -> memref<6400x16xf32, #tpu.memory_space<vmem_shared>>
      %dma_wait3A_147 = arith.constant 0 : i32
      %dma_wait3A_148 = tpu.memref_slice %arg5[%mul3A_0, %dma_wait3A_147] : memref<102400x16xf32, #tpu.memory_space<hbm>> -> memref<6400x16xf32, #tpu.memory_space<hbm>>
      tpu.wait_dma2 semaphore(%run_scoped3A : memref<!tpu.dma_semaphore, #tpu.memory_space<semaphore_mem>>) src(%dma_wait3A_148 : memref<6400x16xf32, #tpu.memory_space<hbm>>) dst(%dma_wait3A_146 : memref<6400x16xf32, #tpu.memory_space<vmem_shared>>)
      tpu.yield
    }) : () -> ()
    %barrier3A = arith.constant 0 : index
    tpu.barrier barrier_id(%barrier3A)
    %eq3A = arith.constant 0 : i32
    %eq3A_1 = arith.cmpi eq, %arg0, %eq3A : i32
    %mul3A_2 = arith.constant 1432 : i32
    %mul3A_3 = arith.muli %arg1, %mul3A_2 : i32
    %mul3A_4 = arith.constant 168 : i32
    %mul3A_5 = arith.muli %arg1, %mul3A_4 : i32
    %add3A = arith.constant 22912 : i32
    %add3A_6 = arith.addi %add3A, %mul3A_5 : i32
    %select_n3A = arith.select %eq3A_1, %mul3A_3, %add3A_6 : i32
    %eq3A_7 = arith.constant 0 : i32
    %eq3A_8 = arith.cmpi eq, %arg0, %eq3A_7 : i32
    %jit3A = arith.constant 358 : i32
    %jit3A_9 = arith.constant 42 : i32
    %select_n3A_10 = arith.select %eq3A_8, %jit3A, %jit3A_9 : i32
    "tpu.region"() ({
      %run_scoped3A = tpu.sem_alloc : memref<!tpu.dma_semaphore, #tpu.memory_space<semaphore_mem>>
      %dma_start3A_141 = arith.constant 0 : i32
      %dma_start3A_142 = tpu.memref_slice %arg3[%select_n3A, %dma_start3A_141] : memref<25600x128xi32, #tpu.memory_space<hbm>> -> memref<4x128xi32, #tpu.memory_space<hbm>>
      %dma_start3A_143 = arith.constant 0 : i32
      %dma_start3A_144 = tpu.memref_slice %arg3[%select_n3A, %dma_start3A_143] : memref<25600x128xi32, #tpu.memory_space<hbm>> -> memref<4x128xi32, #tpu.memory_space<hbm>>
      tpu.enqueue_dma source(%dma_start3A_144 : memref<4x128xi32, #tpu.memory_space<hbm>>) target(%arg9 : memref<4x128xi32, #tpu.memory_space<vmem>>) target_semaphore(%run_scoped3A : memref<!tpu.dma_semaphore, #tpu.memory_space<semaphore_mem>>)
      %dma_wait3A_145 = arith.constant 0 : i32
      %dma_wait3A_146 = tpu.memref_slice %arg3[%select_n3A, %dma_wait3A_145] : memref<25600x128xi32, #tpu.memory_space<hbm>> -> memref<4x128xi32, #tpu.memory_space<hbm>>
      %dma_wait3A_147 = arith.constant 0 : i32
      %dma_wait3A_148 = tpu.memref_slice %arg3[%select_n3A, %dma_wait3A_147] : memref<25600x128xi32, #tpu.memory_space<hbm>> -> memref<4x128xi32, #tpu.memory_space<hbm>>
      tpu.wait_dma2 semaphore(%run_scoped3A : memref<!tpu.dma_semaphore, #tpu.memory_space<semaphore_mem>>) src(%dma_wait3A_148 : memref<4x128xi32, #tpu.memory_space<hbm>>) dst(%arg9 : memref<4x128xi32, #tpu.memory_space<vmem>>)
      tpu.yield
    }) : () -> ()
    "tpu.region"() ({
      %run_scoped3A = tpu.sem_alloc : memref<!tpu.dma_semaphore, #tpu.memory_space<semaphore_mem>>
      %dma_start3A_141 = arith.constant 0 : i32
      %dma_start3A_142 = tpu.memref_slice %arg4[%select_n3A, %dma_start3A_141] : memref<25600x128xi32, #tpu.memory_space<hbm>> -> memref<4x128xi32, #tpu.memory_space<hbm>>
      %dma_start3A_143 = arith.constant 0 : i32
      %dma_start3A_144 = tpu.memref_slice %arg4[%select_n3A, %dma_start3A_143] : memref<25600x128xi32, #tpu.memory_space<hbm>> -> memref<4x128xi32, #tpu.memory_space<hbm>>
      tpu.enqueue_dma source(%dma_start3A_144 : memref<4x128xi32, #tpu.memory_space<hbm>>) target(%arg11 : memref<4x128xi32, #tpu.memory_space<vmem>>) target_semaphore(%run_scoped3A : memref<!tpu.dma_semaphore, #tpu.memory_space<semaphore_mem>>)
      %dma_wait3A_145 = arith.constant 0 : i32
      %dma_wait3A_146 = tpu.memref_slice %arg4[%select_n3A, %dma_wait3A_145] : memref<25600x128xi32, #tpu.memory_space<hbm>> -> memref<4x128xi32, #tpu.memory_space<hbm>>
      %dma_wait3A_147 = arith.constant 0 : i32
      %dma_wait3A_148 = tpu.memref_slice %arg4[%select_n3A, %dma_wait3A_147] : memref<25600x128xi32, #tpu.memory_space<hbm>> -> memref<4x128xi32, #tpu.memory_space<hbm>>
      tpu.wait_dma2 semaphore(%run_scoped3A : memref<!tpu.dma_semaphore, #tpu.memory_space<semaphore_mem>>) src(%dma_wait3A_148 : memref<4x128xi32, #tpu.memory_space<hbm>>) dst(%arg11 : memref<4x128xi32, #tpu.memory_space<vmem>>)
      tpu.yield
    }) : () -> ()
    %dma_start3A = arith.constant 0 : i32
    %dma_start3A_11 = arith.constant 0 : i32
    %dma_start3A_12 = arith.constant 0 : i32
    %dma_start3A_13 = arith.constant 0 : i32
    %dma_start3A_14 = tpu.memref_slice %arg13[%dma_start3A_11, %dma_start3A_12, %dma_start3A_13] : memref<4x128x16xf32, #tpu.memory_space<vmem>> -> memref<1x128x16xf32, #tpu.memory_space<vmem>>
    %dma_start3A_15 = tpu.memref_squeeze %dma_start3A_14 : memref<1x128x16xf32, #tpu.memory_space<vmem>> -> memref<128x16xf32, #tpu.memory_space<vmem>>
    %dma_start3A_16 = arith.constant 0 : i32
    %dma_start3A_17 = tpu.memref_slice %arg9[%dma_start3A, %dma_start3A_16] : memref<4x128xi32, #tpu.memory_space<vmem>> -> memref<1x128xi32, #tpu.memory_space<vmem>>
    %dma_start3A_18 = tpu.memref_squeeze %dma_start3A_17 : memref<1x128xi32, #tpu.memory_space<vmem>> -> memref<128xi32, #tpu.memory_space<vmem>>
    %dma_start3A_19 = arith.constant 0 : i32
    %dma_start3A_20 = arith.constant 0 : i32
    %dma_start3A_21 = tpu.memref_slice %arg2[%dma_start3A_19, %dma_start3A_20] : memref<102400x16xf32, #tpu.memory_space<hbm>> -> memref<102400x16xf32, #tpu.memory_space<hbm>>
    tpu.enqueue_indirect_dma source(%dma_start3A_21 : memref<102400x16xf32, #tpu.memory_space<hbm>>) target(%dma_start3A_15 : memref<128x16xf32, #tpu.memory_space<vmem>>) offsets(%dma_start3A_18 : memref<128xi32, #tpu.memory_space<vmem>>) semaphore(%arg15 : memref<!tpu.dma_semaphore, #tpu.memory_space<semaphore_mem>>)
    %dma_start3A_22 = arith.constant 1 : i32
    %dma_start3A_23 = arith.constant 1 : i32
    %dma_start3A_24 = arith.constant 0 : i32
    %dma_start3A_25 = arith.constant 0 : i32
    %dma_start3A_26 = tpu.memref_slice %arg13[%dma_start3A_23, %dma_start3A_24, %dma_start3A_25] : memref<4x128x16xf32, #tpu.memory_space<vmem>> -> memref<1x128x16xf32, #tpu.memory_space<vmem>>
    %dma_start3A_27 = tpu.memref_squeeze %dma_start3A_26 : memref<1x128x16xf32, #tpu.memory_space<vmem>> -> memref<128x16xf32, #tpu.memory_space<vmem>>
    %dma_start3A_28 = arith.constant 0 : i32
    %dma_start3A_29 = tpu.memref_slice %arg9[%dma_start3A_22, %dma_start3A_28] : memref<4x128xi32, #tpu.memory_space<vmem>> -> memref<1x128xi32, #tpu.memory_space<vmem>>
    %dma_start3A_30 = tpu.memref_squeeze %dma_start3A_29 : memref<1x128xi32, #tpu.memory_space<vmem>> -> memref<128xi32, #tpu.memory_space<vmem>>
    %dma_start3A_31 = arith.constant 0 : i32
    %dma_start3A_32 = arith.constant 0 : i32
    %dma_start3A_33 = tpu.memref_slice %arg2[%dma_start3A_31, %dma_start3A_32] : memref<102400x16xf32, #tpu.memory_space<hbm>> -> memref<102400x16xf32, #tpu.memory_space<hbm>>
    tpu.enqueue_indirect_dma source(%dma_start3A_33 : memref<102400x16xf32, #tpu.memory_space<hbm>>) target(%dma_start3A_27 : memref<128x16xf32, #tpu.memory_space<vmem>>) offsets(%dma_start3A_30 : memref<128xi32, #tpu.memory_space<vmem>>) semaphore(%arg15 : memref<!tpu.dma_semaphore, #tpu.memory_space<semaphore_mem>>)
    %dma_start3A_34 = arith.constant 2 : i32
    %dma_start3A_35 = arith.constant 2 : i32
    %dma_start3A_36 = arith.constant 0 : i32
    %dma_start3A_37 = arith.constant 0 : i32
    %dma_start3A_38 = tpu.memref_slice %arg13[%dma_start3A_35, %dma_start3A_36, %dma_start3A_37] : memref<4x128x16xf32, #tpu.memory_space<vmem>> -> memref<1x128x16xf32, #tpu.memory_space<vmem>>
    %dma_start3A_39 = tpu.memref_squeeze %dma_start3A_38 : memref<1x128x16xf32, #tpu.memory_space<vmem>> -> memref<128x16xf32, #tpu.memory_space<vmem>>
    %dma_start3A_40 = arith.constant 0 : i32
    %dma_start3A_41 = tpu.memref_slice %arg9[%dma_start3A_34, %dma_start3A_40] : memref<4x128xi32, #tpu.memory_space<vmem>> -> memref<1x128xi32, #tpu.memory_space<vmem>>
    %dma_start3A_42 = tpu.memref_squeeze %dma_start3A_41 : memref<1x128xi32, #tpu.memory_space<vmem>> -> memref<128xi32, #tpu.memory_space<vmem>>
    %dma_start3A_43 = arith.constant 0 : i32
    %dma_start3A_44 = arith.constant 0 : i32
    %dma_start3A_45 = tpu.memref_slice %arg2[%dma_start3A_43, %dma_start3A_44] : memref<102400x16xf32, #tpu.memory_space<hbm>> -> memref<102400x16xf32, #tpu.memory_space<hbm>>
    tpu.enqueue_indirect_dma source(%dma_start3A_45 : memref<102400x16xf32, #tpu.memory_space<hbm>>) target(%dma_start3A_39 : memref<128x16xf32, #tpu.memory_space<vmem>>) offsets(%dma_start3A_42 : memref<128xi32, #tpu.memory_space<vmem>>) semaphore(%arg15 : memref<!tpu.dma_semaphore, #tpu.memory_space<semaphore_mem>>)
    %dma_start3A_46 = arith.constant 3 : i32
    %dma_start3A_47 = arith.constant 3 : i32
    %dma_start3A_48 = arith.constant 0 : i32
    %dma_start3A_49 = arith.constant 0 : i32
    %dma_start3A_50 = tpu.memref_slice %arg13[%dma_start3A_47, %dma_start3A_48, %dma_start3A_49] : memref<4x128x16xf32, #tpu.memory_space<vmem>> -> memref<1x128x16xf32, #tpu.memory_space<vmem>>
    %dma_start3A_51 = tpu.memref_squeeze %dma_start3A_50 : memref<1x128x16xf32, #tpu.memory_space<vmem>> -> memref<128x16xf32, #tpu.memory_space<vmem>>
    %dma_start3A_52 = arith.constant 0 : i32
    %dma_start3A_53 = tpu.memref_slice %arg9[%dma_start3A_46, %dma_start3A_52] : memref<4x128xi32, #tpu.memory_space<vmem>> -> memref<1x128xi32, #tpu.memory_space<vmem>>
    %dma_start3A_54 = tpu.memref_squeeze %dma_start3A_53 : memref<1x128xi32, #tpu.memory_space<vmem>> -> memref<128xi32, #tpu.memory_space<vmem>>
    %dma_start3A_55 = arith.constant 0 : i32
    %dma_start3A_56 = arith.constant 0 : i32
    %dma_start3A_57 = tpu.memref_slice %arg2[%dma_start3A_55, %dma_start3A_56] : memref<102400x16xf32, #tpu.memory_space<hbm>> -> memref<102400x16xf32, #tpu.memory_space<hbm>>
    tpu.enqueue_indirect_dma source(%dma_start3A_57 : memref<102400x16xf32, #tpu.memory_space<hbm>>) target(%dma_start3A_51 : memref<128x16xf32, #tpu.memory_space<vmem>>) offsets(%dma_start3A_54 : memref<128xi32, #tpu.memory_space<vmem>>) semaphore(%arg15 : memref<!tpu.dma_semaphore, #tpu.memory_space<semaphore_mem>>)
    %jit3A_58 = arith.constant 2 : i32
    %div3A = arith.divsi %select_n3A_10, %jit3A_58 : i32
    %sign3A = arith.constant 0 : i32
    %sign3A_59 = arith.cmpi sgt, %select_n3A_10, %sign3A : i32
    %sign3A_60 = arith.extui %sign3A_59 : i1 to i32
    %sign3A_61 = arith.constant 0 : i32
    %sign3A_62 = arith.cmpi slt, %select_n3A_10, %sign3A_61 : i32
    %sign3A_63 = arith.extui %sign3A_62 : i1 to i32
    %sign3A_64 = arith.subi %sign3A_60, %sign3A_63 : i32
    %sign3A_65 = arith.constant 0 : i32
    %sign3A_66 = arith.cmpi sgt, %jit3A_58, %sign3A_65 : i32
    %sign3A_67 = arith.extui %sign3A_66 : i1 to i32
    %sign3A_68 = arith.constant 0 : i32
    %sign3A_69 = arith.cmpi slt, %jit3A_58, %sign3A_68 : i32
    %sign3A_70 = arith.extui %sign3A_69 : i1 to i32
    %sign3A_71 = arith.subi %sign3A_67, %sign3A_70 : i32
    %ne3A = arith.cmpi ne, %sign3A_64, %sign3A_71 : i32
    %rem3A = arith.remsi %select_n3A_10, %jit3A_58 : i32
    %ne3A_72 = arith.constant 0 : i32
    %ne3A_73 = arith.cmpi ne, %rem3A, %ne3A_72 : i32
    %and3A = arith.andi %ne3A, %ne3A_73 : i1
    %sub3A = arith.constant 1 : i32
    %sub3A_74 = arith.subi %div3A, %sub3A : i32
    %select_n3A_75 = arith.select %and3A, %sub3A_74, %div3A : i32
    %while3A = arith.constant 0 : i32
    %while3A_76 = arith.constant 0 : i32
    %while3A_77 = arith.subi %select_n3A_75, %while3A_76 : i32
    %while3A_78 = arith.addi %while3A_76, %while3A_77 : i32
    %while3A_79 = arith.constant 1 : i32
    %while3A_80 = arith.divsi %while3A_77, %while3A_79 : i32
    %while3A_81 = arith.muli %while3A_80, %while3A_79 : i32
    %while3A_82 = arith.addi %while3A_76, %while3A_81 : i32
    %while3A_83 = arith.constant 1 : i32
    scf.for %while3A_141 = %while3A_76 to %while3A_82 step %while3A_83  : i32 {
      %mul3A_142 = arith.constant 2 : i32
      %mul3A_143 = arith.muli %mul3A_142, %while3A_141 : i32
      %ge3A = arith.constant 1 : i32
      %ge3A_144 = arith.cmpi sge, %mul3A_143, %ge3A : i32
      %convert_element_type3A_145 = arith.extui %ge3A_144 : i1 to i32
      %cond3A_146 = arith.constant 0 : i32
      %cond3A_147 = arith.cmpi ne, %convert_element_type3A_145, %cond3A_146 : i32
      scf.if %cond3A_147 {
        %dma_wait3A_372 = arith.constant 0 : i32
        %dma_wait3A_373 = arith.constant 0 : i32
        %dma_wait3A_374 = arith.constant 0 : i32
        %dma_wait3A_375 = arith.constant 0 : i32
        %dma_wait3A_376 = tpu.memref_slice %arg14[%dma_wait3A_372, %dma_wait3A_374, %dma_wait3A_375] : memref<4x128x16xf32, #tpu.memory_space<vmem>> -> memref<1x128x16xf32, #tpu.memory_space<vmem>>
        %dma_wait3A_377 = tpu.memref_squeeze %dma_wait3A_376 : memref<1x128x16xf32, #tpu.memory_space<vmem>> -> memref<128x16xf32, #tpu.memory_space<vmem>>
        %dma_wait3A_378 = arith.constant 0 : i32
        %dma_wait3A_379 = tpu.memref_slice %arg12[%dma_wait3A_373, %dma_wait3A_378] : memref<4x128xi32, #tpu.memory_space<vmem>> -> memref<1x128xi32, #tpu.memory_space<vmem>>
        %dma_wait3A_380 = tpu.memref_squeeze %dma_wait3A_379 : memref<1x128xi32, #tpu.memory_space<vmem>> -> memref<128xi32, #tpu.memory_space<vmem>>
        %dma_wait3A_381 = arith.constant 0 : i32
        %dma_wait3A_382 = arith.constant 0 : i32
        %dma_wait3A_383 = tpu.memref_slice %arg8[%dma_wait3A_381, %dma_wait3A_382] : memref<102400x16xf32, #tpu.memory_space<vmem_shared>> -> memref<102400x16xf32, #tpu.memory_space<vmem_shared>>
        tpu.wait_indirect_dma semaphore(%arg16 : memref<!tpu.dma_semaphore, #tpu.memory_space<semaphore_mem>>) src(%dma_wait3A_377 : memref<128x16xf32, #tpu.memory_space<vmem>>) dst(%dma_wait3A_383 : memref<102400x16xf32, #tpu.memory_space<vmem_shared>>)
        %dma_wait3A_384 = arith.constant 1 : i32
        %dma_wait3A_385 = arith.constant 1 : i32
        %dma_wait3A_386 = arith.constant 0 : i32
        %dma_wait3A_387 = arith.constant 0 : i32
        %dma_wait3A_388 = tpu.memref_slice %arg14[%dma_wait3A_384, %dma_wait3A_386, %dma_wait3A_387] : memref<4x128x16xf32, #tpu.memory_space<vmem>> -> memref<1x128x16xf32, #tpu.memory_space<vmem>>
        %dma_wait3A_389 = tpu.memref_squeeze %dma_wait3A_388 : memref<1x128x16xf32, #tpu.memory_space<vmem>> -> memref<128x16xf32, #tpu.memory_space<vmem>>
        %dma_wait3A_390 = arith.constant 0 : i32
        %dma_wait3A_391 = tpu.memref_slice %arg12[%dma_wait3A_385, %dma_wait3A_390] : memref<4x128xi32, #tpu.memory_space<vmem>> -> memref<1x128xi32, #tpu.memory_space<vmem>>
        %dma_wait3A_392 = tpu.memref_squeeze %dma_wait3A_391 : memref<1x128xi32, #tpu.memory_space<vmem>> -> memref<128xi32, #tpu.memory_space<vmem>>
        %dma_wait3A_393 = arith.constant 0 : i32
        %dma_wait3A_394 = arith.constant 0 : i32
        %dma_wait3A_395 = tpu.memref_slice %arg8[%dma_wait3A_393, %dma_wait3A_394] : memref<102400x16xf32, #tpu.memory_space<vmem_shared>> -> memref<102400x16xf32, #tpu.memory_space<vmem_shared>>
        tpu.wait_indirect_dma semaphore(%arg16 : memref<!tpu.dma_semaphore, #tpu.memory_space<semaphore_mem>>) src(%dma_wait3A_389 : memref<128x16xf32, #tpu.memory_space<vmem>>) dst(%dma_wait3A_395 : memref<102400x16xf32, #tpu.memory_space<vmem_shared>>)
        %dma_wait3A_396 = arith.constant 2 : i32
        %dma_wait3A_397 = arith.constant 2 : i32
        %dma_wait3A_398 = arith.constant 0 : i32
        %dma_wait3A_399 = arith.constant 0 : i32
        %dma_wait3A_400 = tpu.memref_slice %arg14[%dma_wait3A_396, %dma_wait3A_398, %dma_wait3A_399] : memref<4x128x16xf32, #tpu.memory_space<vmem>> -> memref<1x128x16xf32, #tpu.memory_space<vmem>>
        %dma_wait3A_401 = tpu.memref_squeeze %dma_wait3A_400 : memref<1x128x16xf32, #tpu.memory_space<vmem>> -> memref<128x16xf32, #tpu.memory_space<vmem>>
        %dma_wait3A_402 = arith.constant 0 : i32
        %dma_wait3A_403 = tpu.memref_slice %arg12[%dma_wait3A_397, %dma_wait3A_402] : memref<4x128xi32, #tpu.memory_space<vmem>> -> memref<1x128xi32, #tpu.memory_space<vmem>>
        %dma_wait3A_404 = tpu.memref_squeeze %dma_wait3A_403 : memref<1x128xi32, #tpu.memory_space<vmem>> -> memref<128xi32, #tpu.memory_space<vmem>>
        %dma_wait3A_405 = arith.constant 0 : i32
        %dma_wait3A_406 = arith.constant 0 : i32
        %dma_wait3A_407 = tpu.memref_slice %arg8[%dma_wait3A_405, %dma_wait3A_406] : memref<102400x16xf32, #tpu.memory_space<vmem_shared>> -> memref<102400x16xf32, #tpu.memory_space<vmem_shared>>
        tpu.wait_indirect_dma semaphore(%arg16 : memref<!tpu.dma_semaphore, #tpu.memory_space<semaphore_mem>>) src(%dma_wait3A_401 : memref<128x16xf32, #tpu.memory_space<vmem>>) dst(%dma_wait3A_407 : memref<102400x16xf32, #tpu.memory_space<vmem_shared>>)
        %dma_wait3A_408 = arith.constant 3 : i32
        %dma_wait3A_409 = arith.constant 3 : i32
        %dma_wait3A_410 = arith.constant 0 : i32
        %dma_wait3A_411 = arith.constant 0 : i32
        %dma_wait3A_412 = tpu.memref_slice %arg14[%dma_wait3A_408, %dma_wait3A_410, %dma_wait3A_411] : memref<4x128x16xf32, #tpu.memory_space<vmem>> -> memref<1x128x16xf32, #tpu.memory_space<vmem>>
        %dma_wait3A_413 = tpu.memref_squeeze %dma_wait3A_412 : memref<1x128x16xf32, #tpu.memory_space<vmem>> -> memref<128x16xf32, #tpu.memory_space<vmem>>
        %dma_wait3A_414 = arith.constant 0 : i32
        %dma_wait3A_415 = tpu.memref_slice %arg12[%dma_wait3A_409, %dma_wait3A_414] : memref<4x128xi32, #tpu.memory_space<vmem>> -> memref<1x128xi32, #tpu.memory_space<vmem>>
        %dma_wait3A_416 = tpu.memref_squeeze %dma_wait3A_415 : memref<1x128xi32, #tpu.memory_space<vmem>> -> memref<128xi32, #tpu.memory_space<vmem>>
        %dma_wait3A_417 = arith.constant 0 : i32
        %dma_wait3A_418 = arith.constant 0 : i32
        %dma_wait3A_419 = tpu.memref_slice %arg8[%dma_wait3A_417, %dma_wait3A_418] : memref<102400x16xf32, #tpu.memory_space<vmem_shared>> -> memref<102400x16xf32, #tpu.memory_space<vmem_shared>>
        tpu.wait_indirect_dma semaphore(%arg16 : memref<!tpu.dma_semaphore, #tpu.memory_space<semaphore_mem>>) src(%dma_wait3A_413 : memref<128x16xf32, #tpu.memory_space<vmem>>) dst(%dma_wait3A_419 : memref<102400x16xf32, #tpu.memory_space<vmem_shared>>)
      } else {
      }
      %add3A_148 = arith.constant 1 : i32
      %add3A_149 = arith.addi %mul3A_143, %add3A_148 : i32
      %lt3A = arith.cmpi slt, %add3A_149, %select_n3A_10 : i32
      %convert_element_type3A_150 = arith.extui %lt3A : i1 to i32
      %cond3A_151 = arith.constant 0 : i32
      %cond3A_152 = arith.cmpi ne, %convert_element_type3A_150, %cond3A_151 : i32
      scf.if %cond3A_152 {
        %add3A_372 = arith.constant 1 : i32
        %add3A_373 = arith.addi %mul3A_143, %add3A_372 : i32
        %mul3A_374 = arith.constant 4 : i32
        %mul3A_375 = arith.muli %add3A_373, %mul3A_374 : i32
        %add3A_376 = arith.addi %select_n3A, %mul3A_375 : i32
        %dma_start3A_377 = arith.constant 0 : i32
        %dma_start3A_378 = tpu.memref_slice %arg3[%add3A_376, %dma_start3A_377] : memref<25600x128xi32, #tpu.memory_space<hbm>> -> memref<4x128xi32, #tpu.memory_space<hbm>>
        %dma_start3A_379 = arith.constant 0 : i32
        %dma_start3A_380 = tpu.memref_slice %arg3[%add3A_376, %dma_start3A_379] : memref<25600x128xi32, #tpu.memory_space<hbm>> -> memref<4x128xi32, #tpu.memory_space<hbm>>
        tpu.enqueue_dma source(%dma_start3A_380 : memref<4x128xi32, #tpu.memory_space<hbm>>) target(%arg10 : memref<4x128xi32, #tpu.memory_space<vmem>>) target_semaphore(%arg17 : memref<!tpu.dma_semaphore, #tpu.memory_space<semaphore_mem>>)
        %dma_start3A_381 = arith.constant 0 : i32
        %dma_start3A_382 = tpu.memref_slice %arg4[%add3A_376, %dma_start3A_381] : memref<25600x128xi32, #tpu.memory_space<hbm>> -> memref<4x128xi32, #tpu.memory_space<hbm>>
        %dma_start3A_383 = arith.constant 0 : i32
        %dma_start3A_384 = tpu.memref_slice %arg4[%add3A_376, %dma_start3A_383] : memref<25600x128xi32, #tpu.memory_space<hbm>> -> memref<4x128xi32, #tpu.memory_space<hbm>>
        tpu.enqueue_dma source(%dma_start3A_384 : memref<4x128xi32, #tpu.memory_space<hbm>>) target(%arg12 : memref<4x128xi32, #tpu.memory_space<vmem>>) target_semaphore(%arg17 : memref<!tpu.dma_semaphore, #tpu.memory_space<semaphore_mem>>)
      } else {
      }
      %dma_wait3A_153 = arith.constant 0 : i32
      %dma_wait3A_154 = arith.constant 0 : i32
      %dma_wait3A_155 = arith.constant 0 : i32
      %dma_wait3A_156 = arith.constant 0 : i32
      %dma_wait3A_157 = tpu.memref_slice %arg13[%dma_wait3A_154, %dma_wait3A_155, %dma_wait3A_156] : memref<4x128x16xf32, #tpu.memory_space<vmem>> -> memref<1x128x16xf32, #tpu.memory_space<vmem>>
      %dma_wait3A_158 = tpu.memref_squeeze %dma_wait3A_157 : memref<1x128x16xf32, #tpu.memory_space<vmem>> -> memref<128x16xf32, #tpu.memory_space<vmem>>
      %dma_wait3A_159 = arith.constant 0 : i32
      %dma_wait3A_160 = tpu.memref_slice %arg9[%dma_wait3A_153, %dma_wait3A_159] : memref<4x128xi32, #tpu.memory_space<vmem>> -> memref<1x128xi32, #tpu.memory_space<vmem>>
      %dma_wait3A_161 = tpu.memref_squeeze %dma_wait3A_160 : memref<1x128xi32, #tpu.memory_space<vmem>> -> memref<128xi32, #tpu.memory_space<vmem>>
      %dma_wait3A_162 = arith.constant 0 : i32
      %dma_wait3A_163 = arith.constant 0 : i32
      %dma_wait3A_164 = tpu.memref_slice %arg2[%dma_wait3A_162, %dma_wait3A_163] : memref<102400x16xf32, #tpu.memory_space<hbm>> -> memref<102400x16xf32, #tpu.memory_space<hbm>>
      tpu.wait_indirect_dma semaphore(%arg15 : memref<!tpu.dma_semaphore, #tpu.memory_space<semaphore_mem>>) src(%dma_wait3A_164 : memref<102400x16xf32, #tpu.memory_space<hbm>>) dst(%dma_wait3A_158 : memref<128x16xf32, #tpu.memory_space<vmem>>)
      %dma_wait3A_165 = arith.constant 1 : i32
      %dma_wait3A_166 = arith.constant 1 : i32
      %dma_wait3A_167 = arith.constant 0 : i32
      %dma_wait3A_168 = arith.constant 0 : i32
      %dma_wait3A_169 = tpu.memref_slice %arg13[%dma_wait3A_166, %dma_wait3A_167, %dma_wait3A_168] : memref<4x128x16xf32, #tpu.memory_space<vmem>> -> memref<1x128x16xf32, #tpu.memory_space<vmem>>
      %dma_wait3A_170 = tpu.memref_squeeze %dma_wait3A_169 : memref<1x128x16xf32, #tpu.memory_space<vmem>> -> memref<128x16xf32, #tpu.memory_space<vmem>>
      %dma_wait3A_171 = arith.constant 0 : i32
      %dma_wait3A_172 = tpu.memref_slice %arg9[%dma_wait3A_165, %dma_wait3A_171] : memref<4x128xi32, #tpu.memory_space<vmem>> -> memref<1x128xi32, #tpu.memory_space<vmem>>
      %dma_wait3A_173 = tpu.memref_squeeze %dma_wait3A_172 : memref<1x128xi32, #tpu.memory_space<vmem>> -> memref<128xi32, #tpu.memory_space<vmem>>
      %dma_wait3A_174 = arith.constant 0 : i32
      %dma_wait3A_175 = arith.constant 0 : i32
      %dma_wait3A_176 = tpu.memref_slice %arg2[%dma_wait3A_174, %dma_wait3A_175] : memref<102400x16xf32, #tpu.memory_space<hbm>> -> memref<102400x16xf32, #tpu.memory_space<hbm>>
      tpu.wait_indirect_dma semaphore(%arg15 : memref<!tpu.dma_semaphore, #tpu.memory_space<semaphore_mem>>) src(%dma_wait3A_176 : memref<102400x16xf32, #tpu.memory_space<hbm>>) dst(%dma_wait3A_170 : memref<128x16xf32, #tpu.memory_space<vmem>>)
      %dma_wait3A_177 = arith.constant 2 : i32
      %dma_wait3A_178 = arith.constant 2 : i32
      %dma_wait3A_179 = arith.constant 0 : i32
      %dma_wait3A_180 = arith.constant 0 : i32
      %dma_wait3A_181 = tpu.memref_slice %arg13[%dma_wait3A_178, %dma_wait3A_179, %dma_wait3A_180] : memref<4x128x16xf32, #tpu.memory_space<vmem>> -> memref<1x128x16xf32, #tpu.memory_space<vmem>>
      %dma_wait3A_182 = tpu.memref_squeeze %dma_wait3A_181 : memref<1x128x16xf32, #tpu.memory_space<vmem>> -> memref<128x16xf32, #tpu.memory_space<vmem>>
      %dma_wait3A_183 = arith.constant 0 : i32
      %dma_wait3A_184 = tpu.memref_slice %arg9[%dma_wait3A_177, %dma_wait3A_183] : memref<4x128xi32, #tpu.memory_space<vmem>> -> memref<1x128xi32, #tpu.memory_space<vmem>>
      %dma_wait3A_185 = tpu.memref_squeeze %dma_wait3A_184 : memref<1x128xi32, #tpu.memory_space<vmem>> -> memref<128xi32, #tpu.memory_space<vmem>>
      %dma_wait3A_186 = arith.constant 0 : i32
      %dma_wait3A_187 = arith.constant 0 : i32
      %dma_wait3A_188 = tpu.memref_slice %arg2[%dma_wait3A_186, %dma_wait3A_187] : memref<102400x16xf32, #tpu.memory_space<hbm>> -> memref<102400x16xf32, #tpu.memory_space<hbm>>
      tpu.wait_indirect_dma semaphore(%arg15 : memref<!tpu.dma_semaphore, #tpu.memory_space<semaphore_mem>>) src(%dma_wait3A_188 : memref<102400x16xf32, #tpu.memory_space<hbm>>) dst(%dma_wait3A_182 : memref<128x16xf32, #tpu.memory_space<vmem>>)
      %dma_wait3A_189 = arith.constant 3 : i32
      %dma_wait3A_190 = arith.constant 3 : i32
      %dma_wait3A_191 = arith.constant 0 : i32
      %dma_wait3A_192 = arith.constant 0 : i32
      %dma_wait3A_193 = tpu.memref_slice %arg13[%dma_wait3A_190, %dma_wait3A_191, %dma_wait3A_192] : memref<4x128x16xf32, #tpu.memory_space<vmem>> -> memref<1x128x16xf32, #tpu.memory_space<vmem>>
      %dma_wait3A_194 = tpu.memref_squeeze %dma_wait3A_193 : memref<1x128x16xf32, #tpu.memory_space<vmem>> -> memref<128x16xf32, #tpu.memory_space<vmem>>
      %dma_wait3A_195 = arith.constant 0 : i32
      %dma_wait3A_196 = tpu.memref_slice %arg9[%dma_wait3A_189, %dma_wait3A_195] : memref<4x128xi32, #tpu.memory_space<vmem>> -> memref<1x128xi32, #tpu.memory_space<vmem>>
      %dma_wait3A_197 = tpu.memref_squeeze %dma_wait3A_196 : memref<1x128xi32, #tpu.memory_space<vmem>> -> memref<128xi32, #tpu.memory_space<vmem>>
      %dma_wait3A_198 = arith.constant 0 : i32
      %dma_wait3A_199 = arith.constant 0 : i32
      %dma_wait3A_200 = tpu.memref_slice %arg2[%dma_wait3A_198, %dma_wait3A_199] : memref<102400x16xf32, #tpu.memory_space<hbm>> -> memref<102400x16xf32, #tpu.memory_space<hbm>>
      tpu.wait_indirect_dma semaphore(%arg15 : memref<!tpu.dma_semaphore, #tpu.memory_space<semaphore_mem>>) src(%dma_wait3A_200 : memref<102400x16xf32, #tpu.memory_space<hbm>>) dst(%dma_wait3A_194 : memref<128x16xf32, #tpu.memory_space<vmem>>)
      %dma_start3A_201 = arith.constant 0 : i32
      %dma_start3A_202 = arith.constant 0 : i32
      %dma_start3A_203 = arith.constant 0 : i32
      %dma_start3A_204 = arith.constant 0 : i32
      %dma_start3A_205 = tpu.memref_slice %arg13[%dma_start3A_201, %dma_start3A_203, %dma_start3A_204] : memref<4x128x16xf32, #tpu.memory_space<vmem>> -> memref<1x128x16xf32, #tpu.memory_space<vmem>>
      %dma_start3A_206 = tpu.memref_squeeze %dma_start3A_205 : memref<1x128x16xf32, #tpu.memory_space<vmem>> -> memref<128x16xf32, #tpu.memory_space<vmem>>
      %dma_start3A_207 = arith.constant 0 : i32
      %dma_start3A_208 = tpu.memref_slice %arg11[%dma_start3A_202, %dma_start3A_207] : memref<4x128xi32, #tpu.memory_space<vmem>> -> memref<1x128xi32, #tpu.memory_space<vmem>>
      %dma_start3A_209 = tpu.memref_squeeze %dma_start3A_208 : memref<1x128xi32, #tpu.memory_space<vmem>> -> memref<128xi32, #tpu.memory_space<vmem>>
      %dma_start3A_210 = arith.constant 0 : i32
      %dma_start3A_211 = arith.constant 0 : i32
      %dma_start3A_212 = tpu.memref_slice %arg8[%dma_start3A_210, %dma_start3A_211] : memref<102400x16xf32, #tpu.memory_space<vmem_shared>> -> memref<102400x16xf32, #tpu.memory_space<vmem_shared>>
      tpu.enqueue_indirect_dma source(%dma_start3A_206 : memref<128x16xf32, #tpu.memory_space<vmem>>) target(%dma_start3A_212 : memref<102400x16xf32, #tpu.memory_space<vmem_shared>>) offsets(%dma_start3A_209 : memref<128xi32, #tpu.memory_space<vmem>>) semaphore(%arg16 : memref<!tpu.dma_semaphore, #tpu.memory_space<semaphore_mem>>) {add = true}
      %dma_start3A_213 = arith.constant 1 : i32
      %dma_start3A_214 = arith.constant 1 : i32
      %dma_start3A_215 = arith.constant 0 : i32
      %dma_start3A_216 = arith.constant 0 : i32
      %dma_start3A_217 = tpu.memref_slice %arg13[%dma_start3A_213, %dma_start3A_215, %dma_start3A_216] : memref<4x128x16xf32, #tpu.memory_space<vmem>> -> memref<1x128x16xf32, #tpu.memory_space<vmem>>
      %dma_start3A_218 = tpu.memref_squeeze %dma_start3A_217 : memref<1x128x16xf32, #tpu.memory_space<vmem>> -> memref<128x16xf32, #tpu.memory_space<vmem>>
      %dma_start3A_219 = arith.constant 0 : i32
      %dma_start3A_220 = tpu.memref_slice %arg11[%dma_start3A_214, %dma_start3A_219] : memref<4x128xi32, #tpu.memory_space<vmem>> -> memref<1x128xi32, #tpu.memory_space<vmem>>
      %dma_start3A_221 = tpu.memref_squeeze %dma_start3A_220 : memref<1x128xi32, #tpu.memory_space<vmem>> -> memref<128xi32, #tpu.memory_space<vmem>>
      %dma_start3A_222 = arith.constant 0 : i32
      %dma_start3A_223 = arith.constant 0 : i32
      %dma_start3A_224 = tpu.memref_slice %arg8[%dma_start3A_222, %dma_start3A_223] : memref<102400x16xf32, #tpu.memory_space<vmem_shared>> -> memref<102400x16xf32, #tpu.memory_space<vmem_shared>>
      tpu.enqueue_indirect_dma source(%dma_start3A_218 : memref<128x16xf32, #tpu.memory_space<vmem>>) target(%dma_start3A_224 : memref<102400x16xf32, #tpu.memory_space<vmem_shared>>) offsets(%dma_start3A_221 : memref<128xi32, #tpu.memory_space<vmem>>) semaphore(%arg16 : memref<!tpu.dma_semaphore, #tpu.memory_space<semaphore_mem>>) {add = true}
      %dma_start3A_225 = arith.constant 2 : i32
      %dma_start3A_226 = arith.constant 2 : i32
      %dma_start3A_227 = arith.constant 0 : i32
      %dma_start3A_228 = arith.constant 0 : i32
      %dma_start3A_229 = tpu.memref_slice %arg13[%dma_start3A_225, %dma_start3A_227, %dma_start3A_228] : memref<4x128x16xf32, #tpu.memory_space<vmem>> -> memref<1x128x16xf32, #tpu.memory_space<vmem>>
      %dma_start3A_230 = tpu.memref_squeeze %dma_start3A_229 : memref<1x128x16xf32, #tpu.memory_space<vmem>> -> memref<128x16xf32, #tpu.memory_space<vmem>>
      %dma_start3A_231 = arith.constant 0 : i32
      %dma_start3A_232 = tpu.memref_slice %arg11[%dma_start3A_226, %dma_start3A_231] : memref<4x128xi32, #tpu.memory_space<vmem>> -> memref<1x128xi32, #tpu.memory_space<vmem>>
      %dma_start3A_233 = tpu.memref_squeeze %dma_start3A_232 : memref<1x128xi32, #tpu.memory_space<vmem>> -> memref<128xi32, #tpu.memory_space<vmem>>
      %dma_start3A_234 = arith.constant 0 : i32
      %dma_start3A_235 = arith.constant 0 : i32
      %dma_start3A_236 = tpu.memref_slice %arg8[%dma_start3A_234, %dma_start3A_235] : memref<102400x16xf32, #tpu.memory_space<vmem_shared>> -> memref<102400x16xf32, #tpu.memory_space<vmem_shared>>
      tpu.enqueue_indirect_dma source(%dma_start3A_230 : memref<128x16xf32, #tpu.memory_space<vmem>>) target(%dma_start3A_236 : memref<102400x16xf32, #tpu.memory_space<vmem_shared>>) offsets(%dma_start3A_233 : memref<128xi32, #tpu.memory_space<vmem>>) semaphore(%arg16 : memref<!tpu.dma_semaphore, #tpu.memory_space<semaphore_mem>>) {add = true}
      %dma_start3A_237 = arith.constant 3 : i32
      %dma_start3A_238 = arith.constant 3 : i32
      %dma_start3A_239 = arith.constant 0 : i32
      %dma_start3A_240 = arith.constant 0 : i32
      %dma_start3A_241 = tpu.memref_slice %arg13[%dma_start3A_237, %dma_start3A_239, %dma_start3A_240] : memref<4x128x16xf32, #tpu.memory_space<vmem>> -> memref<1x128x16xf32, #tpu.memory_space<vmem>>
      %dma_start3A_242 = tpu.memref_squeeze %dma_start3A_241 : memref<1x128x16xf32, #tpu.memory_space<vmem>> -> memref<128x16xf32, #tpu.memory_space<vmem>>
      %dma_start3A_243 = arith.constant 0 : i32
      %dma_start3A_244 = tpu.memref_slice %arg11[%dma_start3A_238, %dma_start3A_243] : memref<4x128xi32, #tpu.memory_space<vmem>> -> memref<1x128xi32, #tpu.memory_space<vmem>>
      %dma_start3A_245 = tpu.memref_squeeze %dma_start3A_244 : memref<1x128xi32, #tpu.memory_space<vmem>> -> memref<128xi32, #tpu.memory_space<vmem>>
      %dma_start3A_246 = arith.constant 0 : i32
      %dma_start3A_247 = arith.constant 0 : i32
      %dma_start3A_248 = tpu.memref_slice %arg8[%dma_start3A_246, %dma_start3A_247] : memref<102400x16xf32, #tpu.memory_space<vmem_shared>> -> memref<102400x16xf32, #tpu.memory_space<vmem_shared>>
      tpu.enqueue_indirect_dma source(%dma_start3A_242 : memref<128x16xf32, #tpu.memory_space<vmem>>) target(%dma_start3A_248 : memref<102400x16xf32, #tpu.memory_space<vmem_shared>>) offsets(%dma_start3A_245 : memref<128xi32, #tpu.memory_space<vmem>>) semaphore(%arg16 : memref<!tpu.dma_semaphore, #tpu.memory_space<semaphore_mem>>) {add = true}
      %add3A_249 = arith.constant 1 : i32
      %add3A_250 = arith.addi %mul3A_143, %add3A_249 : i32
      %lt3A_251 = arith.cmpi slt, %add3A_250, %select_n3A_10 : i32
      %convert_element_type3A_252 = arith.extui %lt3A_251 : i1 to i32
      %cond3A_253 = arith.constant 0 : i32
      %cond3A_254 = arith.cmpi ne, %convert_element_type3A_252, %cond3A_253 : i32
      scf.if %cond3A_254 {
        %dma_wait3A_372 = arith.constant 0 : i32
        %dma_wait3A_373 = arith.constant 0 : i32
        %dma_wait3A_374 = tpu.memref_slice %arg3[%dma_wait3A_372, %dma_wait3A_373] : memref<25600x128xi32, #tpu.memory_space<hbm>> -> memref<4x128xi32, #tpu.memory_space<hbm>>
        %dma_wait3A_375 = arith.constant 0 : i32
        %dma_wait3A_376 = arith.constant 0 : i32
        %dma_wait3A_377 = tpu.memref_slice %arg3[%dma_wait3A_375, %dma_wait3A_376] : memref<25600x128xi32, #tpu.memory_space<hbm>> -> memref<4x128xi32, #tpu.memory_space<hbm>>
        tpu.wait_dma2 semaphore(%arg17 : memref<!tpu.dma_semaphore, #tpu.memory_space<semaphore_mem>>) src(%dma_wait3A_377 : memref<4x128xi32, #tpu.memory_space<hbm>>) dst(%arg10 : memref<4x128xi32, #tpu.memory_space<vmem>>)
        %dma_wait3A_378 = arith.constant 0 : i32
        %dma_wait3A_379 = arith.constant 0 : i32
        %dma_wait3A_380 = tpu.memref_slice %arg4[%dma_wait3A_378, %dma_wait3A_379] : memref<25600x128xi32, #tpu.memory_space<hbm>> -> memref<4x128xi32, #tpu.memory_space<hbm>>
        %dma_wait3A_381 = arith.constant 0 : i32
        %dma_wait3A_382 = arith.constant 0 : i32
        %dma_wait3A_383 = tpu.memref_slice %arg4[%dma_wait3A_381, %dma_wait3A_382] : memref<25600x128xi32, #tpu.memory_space<hbm>> -> memref<4x128xi32, #tpu.memory_space<hbm>>
        tpu.wait_dma2 semaphore(%arg17 : memref<!tpu.dma_semaphore, #tpu.memory_space<semaphore_mem>>) src(%dma_wait3A_383 : memref<4x128xi32, #tpu.memory_space<hbm>>) dst(%arg12 : memref<4x128xi32, #tpu.memory_space<vmem>>)
        %dma_start3A_384 = arith.constant 0 : i32
        %dma_start3A_385 = arith.constant 0 : i32
        %dma_start3A_386 = arith.constant 0 : i32
        %dma_start3A_387 = arith.constant 0 : i32
        %dma_start3A_388 = tpu.memref_slice %arg14[%dma_start3A_385, %dma_start3A_386, %dma_start3A_387] : memref<4x128x16xf32, #tpu.memory_space<vmem>> -> memref<1x128x16xf32, #tpu.memory_space<vmem>>
        %dma_start3A_389 = tpu.memref_squeeze %dma_start3A_388 : memref<1x128x16xf32, #tpu.memory_space<vmem>> -> memref<128x16xf32, #tpu.memory_space<vmem>>
        %dma_start3A_390 = arith.constant 0 : i32
        %dma_start3A_391 = tpu.memref_slice %arg10[%dma_start3A_384, %dma_start3A_390] : memref<4x128xi32, #tpu.memory_space<vmem>> -> memref<1x128xi32, #tpu.memory_space<vmem>>
        %dma_start3A_392 = tpu.memref_squeeze %dma_start3A_391 : memref<1x128xi32, #tpu.memory_space<vmem>> -> memref<128xi32, #tpu.memory_space<vmem>>
        %dma_start3A_393 = arith.constant 0 : i32
        %dma_start3A_394 = arith.constant 0 : i32
        %dma_start3A_395 = tpu.memref_slice %arg2[%dma_start3A_393, %dma_start3A_394] : memref<102400x16xf32, #tpu.memory_space<hbm>> -> memref<102400x16xf32, #tpu.memory_space<hbm>>
        tpu.enqueue_indirect_dma source(%dma_start3A_395 : memref<102400x16xf32, #tpu.memory_space<hbm>>) target(%dma_start3A_389 : memref<128x16xf32, #tpu.memory_space<vmem>>) offsets(%dma_start3A_392 : memref<128xi32, #tpu.memory_space<vmem>>) semaphore(%arg15 : memref<!tpu.dma_semaphore, #tpu.memory_space<semaphore_mem>>)
        %dma_start3A_396 = arith.constant 1 : i32
        %dma_start3A_397 = arith.constant 1 : i32
        %dma_start3A_398 = arith.constant 0 : i32
        %dma_start3A_399 = arith.constant 0 : i32
        %dma_start3A_400 = tpu.memref_slice %arg14[%dma_start3A_397, %dma_start3A_398, %dma_start3A_399] : memref<4x128x16xf32, #tpu.memory_space<vmem>> -> memref<1x128x16xf32, #tpu.memory_space<vmem>>
        %dma_start3A_401 = tpu.memref_squeeze %dma_start3A_400 : memref<1x128x16xf32, #tpu.memory_space<vmem>> -> memref<128x16xf32, #tpu.memory_space<vmem>>
        %dma_start3A_402 = arith.constant 0 : i32
        %dma_start3A_403 = tpu.memref_slice %arg10[%dma_start3A_396, %dma_start3A_402] : memref<4x128xi32, #tpu.memory_space<vmem>> -> memref<1x128xi32, #tpu.memory_space<vmem>>
        %dma_start3A_404 = tpu.memref_squeeze %dma_start3A_403 : memref<1x128xi32, #tpu.memory_space<vmem>> -> memref<128xi32, #tpu.memory_space<vmem>>
        %dma_start3A_405 = arith.constant 0 : i32
        %dma_start3A_406 = arith.constant 0 : i32
        %dma_start3A_407 = tpu.memref_slice %arg2[%dma_start3A_405, %dma_start3A_406] : memref<102400x16xf32, #tpu.memory_space<hbm>> -> memref<102400x16xf32, #tpu.memory_space<hbm>>
        tpu.enqueue_indirect_dma source(%dma_start3A_407 : memref<102400x16xf32, #tpu.memory_space<hbm>>) target(%dma_start3A_401 : memref<128x16xf32, #tpu.memory_space<vmem>>) offsets(%dma_start3A_404 : memref<128xi32, #tpu.memory_space<vmem>>) semaphore(%arg15 : memref<!tpu.dma_semaphore, #tpu.memory_space<semaphore_mem>>)
        %dma_start3A_408 = arith.constant 2 : i32
        %dma_start3A_409 = arith.constant 2 : i32
        %dma_start3A_410 = arith.constant 0 : i32
        %dma_start3A_411 = arith.constant 0 : i32
        %dma_start3A_412 = tpu.memref_slice %arg14[%dma_start3A_409, %dma_start3A_410, %dma_start3A_411] : memref<4x128x16xf32, #tpu.memory_space<vmem>> -> memref<1x128x16xf32, #tpu.memory_space<vmem>>
        %dma_start3A_413 = tpu.memref_squeeze %dma_start3A_412 : memref<1x128x16xf32, #tpu.memory_space<vmem>> -> memref<128x16xf32, #tpu.memory_space<vmem>>
        %dma_start3A_414 = arith.constant 0 : i32
        %dma_start3A_415 = tpu.memref_slice %arg10[%dma_start3A_408, %dma_start3A_414] : memref<4x128xi32, #tpu.memory_space<vmem>> -> memref<1x128xi32, #tpu.memory_space<vmem>>
        %dma_start3A_416 = tpu.memref_squeeze %dma_start3A_415 : memref<1x128xi32, #tpu.memory_space<vmem>> -> memref<128xi32, #tpu.memory_space<vmem>>
        %dma_start3A_417 = arith.constant 0 : i32
        %dma_start3A_418 = arith.constant 0 : i32
        %dma_start3A_419 = tpu.memref_slice %arg2[%dma_start3A_417, %dma_start3A_418] : memref<102400x16xf32, #tpu.memory_space<hbm>> -> memref<102400x16xf32, #tpu.memory_space<hbm>>
        tpu.enqueue_indirect_dma source(%dma_start3A_419 : memref<102400x16xf32, #tpu.memory_space<hbm>>) target(%dma_start3A_413 : memref<128x16xf32, #tpu.memory_space<vmem>>) offsets(%dma_start3A_416 : memref<128xi32, #tpu.memory_space<vmem>>) semaphore(%arg15 : memref<!tpu.dma_semaphore, #tpu.memory_space<semaphore_mem>>)
        %dma_start3A_420 = arith.constant 3 : i32
        %dma_start3A_421 = arith.constant 3 : i32
        %dma_start3A_422 = arith.constant 0 : i32
        %dma_start3A_423 = arith.constant 0 : i32
        %dma_start3A_424 = tpu.memref_slice %arg14[%dma_start3A_421, %dma_start3A_422, %dma_start3A_423] : memref<4x128x16xf32, #tpu.memory_space<vmem>> -> memref<1x128x16xf32, #tpu.memory_space<vmem>>
        %dma_start3A_425 = tpu.memref_squeeze %dma_start3A_424 : memref<1x128x16xf32, #tpu.memory_space<vmem>> -> memref<128x16xf32, #tpu.memory_space<vmem>>
        %dma_start3A_426 = arith.constant 0 : i32
        %dma_start3A_427 = tpu.memref_slice %arg10[%dma_start3A_420, %dma_start3A_426] : memref<4x128xi32, #tpu.memory_space<vmem>> -> memref<1x128xi32, #tpu.memory_space<vmem>>
        %dma_start3A_428 = tpu.memref_squeeze %dma_start3A_427 : memref<1x128xi32, #tpu.memory_space<vmem>> -> memref<128xi32, #tpu.memory_space<vmem>>
        %dma_start3A_429 = arith.constant 0 : i32
        %dma_start3A_430 = arith.constant 0 : i32
        %dma_start3A_431 = tpu.memref_slice %arg2[%dma_start3A_429, %dma_start3A_430] : memref<102400x16xf32, #tpu.memory_space<hbm>> -> memref<102400x16xf32, #tpu.memory_space<hbm>>
        tpu.enqueue_indirect_dma source(%dma_start3A_431 : memref<102400x16xf32, #tpu.memory_space<hbm>>) target(%dma_start3A_425 : memref<128x16xf32, #tpu.memory_space<vmem>>) offsets(%dma_start3A_428 : memref<128xi32, #tpu.memory_space<vmem>>) semaphore(%arg15 : memref<!tpu.dma_semaphore, #tpu.memory_space<semaphore_mem>>)
      } else {
      }
      %mul3A_255 = arith.constant 2 : i32
      %mul3A_256 = arith.muli %mul3A_255, %while3A_141 : i32
      %add3A_257 = arith.constant 1 : i32
      %add3A_258 = arith.addi %mul3A_256, %add3A_257 : i32
      %ge3A_259 = arith.constant 1 : i32
      %ge3A_260 = arith.cmpi sge, %add3A_258, %ge3A_259 : i32
      %convert_element_type3A_261 = arith.extui %ge3A_260 : i1 to i32
      %cond3A_262 = arith.constant 0 : i32
      %cond3A_263 = arith.cmpi ne, %convert_element_type3A_261, %cond3A_262 : i32
      scf.if %cond3A_263 {
        %dma_wait3A_372 = arith.constant 0 : i32
        %dma_wait3A_373 = arith.constant 0 : i32
        %dma_wait3A_374 = arith.constant 0 : i32
        %dma_wait3A_375 = arith.constant 0 : i32
        %dma_wait3A_376 = tpu.memref_slice %arg13[%dma_wait3A_372, %dma_wait3A_374, %dma_wait3A_375] : memref<4x128x16xf32, #tpu.memory_space<vmem>> -> memref<1x128x16xf32, #tpu.memory_space<vmem>>
        %dma_wait3A_377 = tpu.memref_squeeze %dma_wait3A_376 : memref<1x128x16xf32, #tpu.memory_space<vmem>> -> memref<128x16xf32, #tpu.memory_space<vmem>>
        %dma_wait3A_378 = arith.constant 0 : i32
        %dma_wait3A_379 = tpu.memref_slice %arg11[%dma_wait3A_373, %dma_wait3A_378] : memref<4x128xi32, #tpu.memory_space<vmem>> -> memref<1x128xi32, #tpu.memory_space<vmem>>
        %dma_wait3A_380 = tpu.memref_squeeze %dma_wait3A_379 : memref<1x128xi32, #tpu.memory_space<vmem>> -> memref<128xi32, #tpu.memory_space<vmem>>
        %dma_wait3A_381 = arith.constant 0 : i32
        %dma_wait3A_382 = arith.constant 0 : i32
        %dma_wait3A_383 = tpu.memref_slice %arg8[%dma_wait3A_381, %dma_wait3A_382] : memref<102400x16xf32, #tpu.memory_space<vmem_shared>> -> memref<102400x16xf32, #tpu.memory_space<vmem_shared>>
        tpu.wait_indirect_dma semaphore(%arg16 : memref<!tpu.dma_semaphore, #tpu.memory_space<semaphore_mem>>) src(%dma_wait3A_377 : memref<128x16xf32, #tpu.memory_space<vmem>>) dst(%dma_wait3A_383 : memref<102400x16xf32, #tpu.memory_space<vmem_shared>>)
        %dma_wait3A_384 = arith.constant 1 : i32
        %dma_wait3A_385 = arith.constant 1 : i32
        %dma_wait3A_386 = arith.constant 0 : i32
        %dma_wait3A_387 = arith.constant 0 : i32
        %dma_wait3A_388 = tpu.memref_slice %arg13[%dma_wait3A_384, %dma_wait3A_386, %dma_wait3A_387] : memref<4x128x16xf32, #tpu.memory_space<vmem>> -> memref<1x128x16xf32, #tpu.memory_space<vmem>>
        %dma_wait3A_389 = tpu.memref_squeeze %dma_wait3A_388 : memref<1x128x16xf32, #tpu.memory_space<vmem>> -> memref<128x16xf32, #tpu.memory_space<vmem>>
        %dma_wait3A_390 = arith.constant 0 : i32
        %dma_wait3A_391 = tpu.memref_slice %arg11[%dma_wait3A_385, %dma_wait3A_390] : memref<4x128xi32, #tpu.memory_space<vmem>> -> memref<1x128xi32, #tpu.memory_space<vmem>>
        %dma_wait3A_392 = tpu.memref_squeeze %dma_wait3A_391 : memref<1x128xi32, #tpu.memory_space<vmem>> -> memref<128xi32, #tpu.memory_space<vmem>>
        %dma_wait3A_393 = arith.constant 0 : i32
        %dma_wait3A_394 = arith.constant 0 : i32
        %dma_wait3A_395 = tpu.memref_slice %arg8[%dma_wait3A_393, %dma_wait3A_394] : memref<102400x16xf32, #tpu.memory_space<vmem_shared>> -> memref<102400x16xf32, #tpu.memory_space<vmem_shared>>
        tpu.wait_indirect_dma semaphore(%arg16 : memref<!tpu.dma_semaphore, #tpu.memory_space<semaphore_mem>>) src(%dma_wait3A_389 : memref<128x16xf32, #tpu.memory_space<vmem>>) dst(%dma_wait3A_395 : memref<102400x16xf32, #tpu.memory_space<vmem_shared>>)
        %dma_wait3A_396 = arith.constant 2 : i32
        %dma_wait3A_397 = arith.constant 2 : i32
        %dma_wait3A_398 = arith.constant 0 : i32
        %dma_wait3A_399 = arith.constant 0 : i32
        %dma_wait3A_400 = tpu.memref_slice %arg13[%dma_wait3A_396, %dma_wait3A_398, %dma_wait3A_399] : memref<4x128x16xf32, #tpu.memory_space<vmem>> -> memref<1x128x16xf32, #tpu.memory_space<vmem>>
        %dma_wait3A_401 = tpu.memref_squeeze %dma_wait3A_400 : memref<1x128x16xf32, #tpu.memory_space<vmem>> -> memref<128x16xf32, #tpu.memory_space<vmem>>
        %dma_wait3A_402 = arith.constant 0 : i32
        %dma_wait3A_403 = tpu.memref_slice %arg11[%dma_wait3A_397, %dma_wait3A_402] : memref<4x128xi32, #tpu.memory_space<vmem>> -> memref<1x128xi32, #tpu.memory_space<vmem>>
        %dma_wait3A_404 = tpu.memref_squeeze %dma_wait3A_403 : memref<1x128xi32, #tpu.memory_space<vmem>> -> memref<128xi32, #tpu.memory_space<vmem>>
        %dma_wait3A_405 = arith.constant 0 : i32
        %dma_wait3A_406 = arith.constant 0 : i32
        %dma_wait3A_407 = tpu.memref_slice %arg8[%dma_wait3A_405, %dma_wait3A_406] : memref<102400x16xf32, #tpu.memory_space<vmem_shared>> -> memref<102400x16xf32, #tpu.memory_space<vmem_shared>>
        tpu.wait_indirect_dma semaphore(%arg16 : memref<!tpu.dma_semaphore, #tpu.memory_space<semaphore_mem>>) src(%dma_wait3A_401 : memref<128x16xf32, #tpu.memory_space<vmem>>) dst(%dma_wait3A_407 : memref<102400x16xf32, #tpu.memory_space<vmem_shared>>)
        %dma_wait3A_408 = arith.constant 3 : i32
        %dma_wait3A_409 = arith.constant 3 : i32
        %dma_wait3A_410 = arith.constant 0 : i32
        %dma_wait3A_411 = arith.constant 0 : i32
        %dma_wait3A_412 = tpu.memref_slice %arg13[%dma_wait3A_408, %dma_wait3A_410, %dma_wait3A_411] : memref<4x128x16xf32, #tpu.memory_space<vmem>> -> memref<1x128x16xf32, #tpu.memory_space<vmem>>
        %dma_wait3A_413 = tpu.memref_squeeze %dma_wait3A_412 : memref<1x128x16xf32, #tpu.memory_space<vmem>> -> memref<128x16xf32, #tpu.memory_space<vmem>>
        %dma_wait3A_414 = arith.constant 0 : i32
        %dma_wait3A_415 = tpu.memref_slice %arg11[%dma_wait3A_409, %dma_wait3A_414] : memref<4x128xi32, #tpu.memory_space<vmem>> -> memref<1x128xi32, #tpu.memory_space<vmem>>
        %dma_wait3A_416 = tpu.memref_squeeze %dma_wait3A_415 : memref<1x128xi32, #tpu.memory_space<vmem>> -> memref<128xi32, #tpu.memory_space<vmem>>
        %dma_wait3A_417 = arith.constant 0 : i32
        %dma_wait3A_418 = arith.constant 0 : i32
        %dma_wait3A_419 = tpu.memref_slice %arg8[%dma_wait3A_417, %dma_wait3A_418] : memref<102400x16xf32, #tpu.memory_space<vmem_shared>> -> memref<102400x16xf32, #tpu.memory_space<vmem_shared>>
        tpu.wait_indirect_dma semaphore(%arg16 : memref<!tpu.dma_semaphore, #tpu.memory_space<semaphore_mem>>) src(%dma_wait3A_413 : memref<128x16xf32, #tpu.memory_space<vmem>>) dst(%dma_wait3A_419 : memref<102400x16xf32, #tpu.memory_space<vmem_shared>>)
      } else {
      }
      %add3A_264 = arith.constant 1 : i32
      %add3A_265 = arith.addi %add3A_258, %add3A_264 : i32
      %lt3A_266 = arith.cmpi slt, %add3A_265, %select_n3A_10 : i32
      %convert_element_type3A_267 = arith.extui %lt3A_266 : i1 to i32
      %cond3A_268 = arith.constant 0 : i32
      %cond3A_269 = arith.cmpi ne, %convert_element_type3A_267, %cond3A_268 : i32
      scf.if %cond3A_269 {
        %add3A_372 = arith.constant 1 : i32
        %add3A_373 = arith.addi %add3A_258, %add3A_372 : i32
        %mul3A_374 = arith.constant 4 : i32
        %mul3A_375 = arith.muli %add3A_373, %mul3A_374 : i32
        %add3A_376 = arith.addi %select_n3A, %mul3A_375 : i32
        %dma_start3A_377 = arith.constant 0 : i32
        %dma_start3A_378 = tpu.memref_slice %arg3[%add3A_376, %dma_start3A_377] : memref<25600x128xi32, #tpu.memory_space<hbm>> -> memref<4x128xi32, #tpu.memory_space<hbm>>
        %dma_start3A_379 = arith.constant 0 : i32
        %dma_start3A_380 = tpu.memref_slice %arg3[%add3A_376, %dma_start3A_379] : memref<25600x128xi32, #tpu.memory_space<hbm>> -> memref<4x128xi32, #tpu.memory_space<hbm>>
        tpu.enqueue_dma source(%dma_start3A_380 : memref<4x128xi32, #tpu.memory_space<hbm>>) target(%arg9 : memref<4x128xi32, #tpu.memory_space<vmem>>) target_semaphore(%arg17 : memref<!tpu.dma_semaphore, #tpu.memory_space<semaphore_mem>>)
        %dma_start3A_381 = arith.constant 0 : i32
        %dma_start3A_382 = tpu.memref_slice %arg4[%add3A_376, %dma_start3A_381] : memref<25600x128xi32, #tpu.memory_space<hbm>> -> memref<4x128xi32, #tpu.memory_space<hbm>>
        %dma_start3A_383 = arith.constant 0 : i32
        %dma_start3A_384 = tpu.memref_slice %arg4[%add3A_376, %dma_start3A_383] : memref<25600x128xi32, #tpu.memory_space<hbm>> -> memref<4x128xi32, #tpu.memory_space<hbm>>
        tpu.enqueue_dma source(%dma_start3A_384 : memref<4x128xi32, #tpu.memory_space<hbm>>) target(%arg11 : memref<4x128xi32, #tpu.memory_space<vmem>>) target_semaphore(%arg17 : memref<!tpu.dma_semaphore, #tpu.memory_space<semaphore_mem>>)
      } else {
      }
      %dma_wait3A_270 = arith.constant 0 : i32
      %dma_wait3A_271 = arith.constant 0 : i32
      %dma_wait3A_272 = arith.constant 0 : i32
      %dma_wait3A_273 = arith.constant 0 : i32
      %dma_wait3A_274 = tpu.memref_slice %arg14[%dma_wait3A_271, %dma_wait3A_272, %dma_wait3A_273] : memref<4x128x16xf32, #tpu.memory_space<vmem>> -> memref<1x128x16xf32, #tpu.memory_space<vmem>>
      %dma_wait3A_275 = tpu.memref_squeeze %dma_wait3A_274 : memref<1x128x16xf32, #tpu.memory_space<vmem>> -> memref<128x16xf32, #tpu.memory_space<vmem>>
      %dma_wait3A_276 = arith.constant 0 : i32
      %dma_wait3A_277 = tpu.memref_slice %arg10[%dma_wait3A_270, %dma_wait3A_276] : memref<4x128xi32, #tpu.memory_space<vmem>> -> memref<1x128xi32, #tpu.memory_space<vmem>>
      %dma_wait3A_278 = tpu.memref_squeeze %dma_wait3A_277 : memref<1x128xi32, #tpu.memory_space<vmem>> -> memref<128xi32, #tpu.memory_space<vmem>>
      %dma_wait3A_279 = arith.constant 0 : i32
      %dma_wait3A_280 = arith.constant 0 : i32
      %dma_wait3A_281 = tpu.memref_slice %arg2[%dma_wait3A_279, %dma_wait3A_280] : memref<102400x16xf32, #tpu.memory_space<hbm>> -> memref<102400x16xf32, #tpu.memory_space<hbm>>
      tpu.wait_indirect_dma semaphore(%arg15 : memref<!tpu.dma_semaphore, #tpu.memory_space<semaphore_mem>>) src(%dma_wait3A_281 : memref<102400x16xf32, #tpu.memory_space<hbm>>) dst(%dma_wait3A_275 : memref<128x16xf32, #tpu.memory_space<vmem>>)
      %dma_wait3A_282 = arith.constant 1 : i32
      %dma_wait3A_283 = arith.constant 1 : i32
      %dma_wait3A_284 = arith.constant 0 : i32
      %dma_wait3A_285 = arith.constant 0 : i32
      %dma_wait3A_286 = tpu.memref_slice %arg14[%dma_wait3A_283, %dma_wait3A_284, %dma_wait3A_285] : memref<4x128x16xf32, #tpu.memory_space<vmem>> -> memref<1x128x16xf32, #tpu.memory_space<vmem>>
      %dma_wait3A_287 = tpu.memref_squeeze %dma_wait3A_286 : memref<1x128x16xf32, #tpu.memory_space<vmem>> -> memref<128x16xf32, #tpu.memory_space<vmem>>
      %dma_wait3A_288 = arith.constant 0 : i32
      %dma_wait3A_289 = tpu.memref_slice %arg10[%dma_wait3A_282, %dma_wait3A_288] : memref<4x128xi32, #tpu.memory_space<vmem>> -> memref<1x128xi32, #tpu.memory_space<vmem>>
      %dma_wait3A_290 = tpu.memref_squeeze %dma_wait3A_289 : memref<1x128xi32, #tpu.memory_space<vmem>> -> memref<128xi32, #tpu.memory_space<vmem>>
      %dma_wait3A_291 = arith.constant 0 : i32
      %dma_wait3A_292 = arith.constant 0 : i32
      %dma_wait3A_293 = tpu.memref_slice %arg2[%dma_wait3A_291, %dma_wait3A_292] : memref<102400x16xf32, #tpu.memory_space<hbm>> -> memref<102400x16xf32, #tpu.memory_space<hbm>>
      tpu.wait_indirect_dma semaphore(%arg15 : memref<!tpu.dma_semaphore, #tpu.memory_space<semaphore_mem>>) src(%dma_wait3A_293 : memref<102400x16xf32, #tpu.memory_space<hbm>>) dst(%dma_wait3A_287 : memref<128x16xf32, #tpu.memory_space<vmem>>)
      %dma_wait3A_294 = arith.constant 2 : i32
      %dma_wait3A_295 = arith.constant 2 : i32
      %dma_wait3A_296 = arith.constant 0 : i32
      %dma_wait3A_297 = arith.constant 0 : i32
      %dma_wait3A_298 = tpu.memref_slice %arg14[%dma_wait3A_295, %dma_wait3A_296, %dma_wait3A_297] : memref<4x128x16xf32, #tpu.memory_space<vmem>> -> memref<1x128x16xf32, #tpu.memory_space<vmem>>
      %dma_wait3A_299 = tpu.memref_squeeze %dma_wait3A_298 : memref<1x128x16xf32, #tpu.memory_space<vmem>> -> memref<128x16xf32, #tpu.memory_space<vmem>>
      %dma_wait3A_300 = arith.constant 0 : i32
      %dma_wait3A_301 = tpu.memref_slice %arg10[%dma_wait3A_294, %dma_wait3A_300] : memref<4x128xi32, #tpu.memory_space<vmem>> -> memref<1x128xi32, #tpu.memory_space<vmem>>
      %dma_wait3A_302 = tpu.memref_squeeze %dma_wait3A_301 : memref<1x128xi32, #tpu.memory_space<vmem>> -> memref<128xi32, #tpu.memory_space<vmem>>
      %dma_wait3A_303 = arith.constant 0 : i32
      %dma_wait3A_304 = arith.constant 0 : i32
      %dma_wait3A_305 = tpu.memref_slice %arg2[%dma_wait3A_303, %dma_wait3A_304] : memref<102400x16xf32, #tpu.memory_space<hbm>> -> memref<102400x16xf32, #tpu.memory_space<hbm>>
      tpu.wait_indirect_dma semaphore(%arg15 : memref<!tpu.dma_semaphore, #tpu.memory_space<semaphore_mem>>) src(%dma_wait3A_305 : memref<102400x16xf32, #tpu.memory_space<hbm>>) dst(%dma_wait3A_299 : memref<128x16xf32, #tpu.memory_space<vmem>>)
      %dma_wait3A_306 = arith.constant 3 : i32
      %dma_wait3A_307 = arith.constant 3 : i32
      %dma_wait3A_308 = arith.constant 0 : i32
      %dma_wait3A_309 = arith.constant 0 : i32
      %dma_wait3A_310 = tpu.memref_slice %arg14[%dma_wait3A_307, %dma_wait3A_308, %dma_wait3A_309] : memref<4x128x16xf32, #tpu.memory_space<vmem>> -> memref<1x128x16xf32, #tpu.memory_space<vmem>>
      %dma_wait3A_311 = tpu.memref_squeeze %dma_wait3A_310 : memref<1x128x16xf32, #tpu.memory_space<vmem>> -> memref<128x16xf32, #tpu.memory_space<vmem>>
      %dma_wait3A_312 = arith.constant 0 : i32
      %dma_wait3A_313 = tpu.memref_slice %arg10[%dma_wait3A_306, %dma_wait3A_312] : memref<4x128xi32, #tpu.memory_space<vmem>> -> memref<1x128xi32, #tpu.memory_space<vmem>>
      %dma_wait3A_314 = tpu.memref_squeeze %dma_wait3A_313 : memref<1x128xi32, #tpu.memory_space<vmem>> -> memref<128xi32, #tpu.memory_space<vmem>>
      %dma_wait3A_315 = arith.constant 0 : i32
      %dma_wait3A_316 = arith.constant 0 : i32
      %dma_wait3A_317 = tpu.memref_slice %arg2[%dma_wait3A_315, %dma_wait3A_316] : memref<102400x16xf32, #tpu.memory_space<hbm>> -> memref<102400x16xf32, #tpu.memory_space<hbm>>
      tpu.wait_indirect_dma semaphore(%arg15 : memref<!tpu.dma_semaphore, #tpu.memory_space<semaphore_mem>>) src(%dma_wait3A_317 : memref<102400x16xf32, #tpu.memory_space<hbm>>) dst(%dma_wait3A_311 : memref<128x16xf32, #tpu.memory_space<vmem>>)
      %dma_start3A_318 = arith.constant 0 : i32
      %dma_start3A_319 = arith.constant 0 : i32
      %dma_start3A_320 = arith.constant 0 : i32
      %dma_start3A_321 = arith.constant 0 : i32
      %dma_start3A_322 = tpu.memref_slice %arg14[%dma_start3A_318, %dma_start3A_320, %dma_start3A_321] : memref<4x128x16xf32, #tpu.memory_space<vmem>> -> memref<1x128x16xf32, #tpu.memory_space<vmem>>
      %dma_start3A_323 = tpu.memref_squeeze %dma_start3A_322 : memref<1x128x16xf32, #tpu.memory_space<vmem>> -> memref<128x16xf32, #tpu.memory_space<vmem>>
      %dma_start3A_324 = arith.constant 0 : i32
      %dma_start3A_325 = tpu.memref_slice %arg12[%dma_start3A_319, %dma_start3A_324] : memref<4x128xi32, #tpu.memory_space<vmem>> -> memref<1x128xi32, #tpu.memory_space<vmem>>
      %dma_start3A_326 = tpu.memref_squeeze %dma_start3A_325 : memref<1x128xi32, #tpu.memory_space<vmem>> -> memref<128xi32, #tpu.memory_space<vmem>>
      %dma_start3A_327 = arith.constant 0 : i32
      %dma_start3A_328 = arith.constant 0 : i32
      %dma_start3A_329 = tpu.memref_slice %arg8[%dma_start3A_327, %dma_start3A_328] : memref<102400x16xf32, #tpu.memory_space<vmem_shared>> -> memref<102400x16xf32, #tpu.memory_space<vmem_shared>>
      tpu.enqueue_indirect_dma source(%dma_start3A_323 : memref<128x16xf32, #tpu.memory_space<vmem>>) target(%dma_start3A_329 : memref<102400x16xf32, #tpu.memory_space<vmem_shared>>) offsets(%dma_start3A_326 : memref<128xi32, #tpu.memory_space<vmem>>) semaphore(%arg16 : memref<!tpu.dma_semaphore, #tpu.memory_space<semaphore_mem>>) {add = true}
      %dma_start3A_330 = arith.constant 1 : i32
      %dma_start3A_331 = arith.constant 1 : i32
      %dma_start3A_332 = arith.constant 0 : i32
      %dma_start3A_333 = arith.constant 0 : i32
      %dma_start3A_334 = tpu.memref_slice %arg14[%dma_start3A_330, %dma_start3A_332, %dma_start3A_333] : memref<4x128x16xf32, #tpu.memory_space<vmem>> -> memref<1x128x16xf32, #tpu.memory_space<vmem>>
      %dma_start3A_335 = tpu.memref_squeeze %dma_start3A_334 : memref<1x128x16xf32, #tpu.memory_space<vmem>> -> memref<128x16xf32, #tpu.memory_space<vmem>>
      %dma_start3A_336 = arith.constant 0 : i32
      %dma_start3A_337 = tpu.memref_slice %arg12[%dma_start3A_331, %dma_start3A_336] : memref<4x128xi32, #tpu.memory_space<vmem>> -> memref<1x128xi32, #tpu.memory_space<vmem>>
      %dma_start3A_338 = tpu.memref_squeeze %dma_start3A_337 : memref<1x128xi32, #tpu.memory_space<vmem>> -> memref<128xi32, #tpu.memory_space<vmem>>
      %dma_start3A_339 = arith.constant 0 : i32
      %dma_start3A_340 = arith.constant 0 : i32
      %dma_start3A_341 = tpu.memref_slice %arg8[%dma_start3A_339, %dma_start3A_340] : memref<102400x16xf32, #tpu.memory_space<vmem_shared>> -> memref<102400x16xf32, #tpu.memory_space<vmem_shared>>
      tpu.enqueue_indirect_dma source(%dma_start3A_335 : memref<128x16xf32, #tpu.memory_space<vmem>>) target(%dma_start3A_341 : memref<102400x16xf32, #tpu.memory_space<vmem_shared>>) offsets(%dma_start3A_338 : memref<128xi32, #tpu.memory_space<vmem>>) semaphore(%arg16 : memref<!tpu.dma_semaphore, #tpu.memory_space<semaphore_mem>>) {add = true}
      %dma_start3A_342 = arith.constant 2 : i32
      %dma_start3A_343 = arith.constant 2 : i32
      %dma_start3A_344 = arith.constant 0 : i32
      %dma_start3A_345 = arith.constant 0 : i32
      %dma_start3A_346 = tpu.memref_slice %arg14[%dma_start3A_342, %dma_start3A_344, %dma_start3A_345] : memref<4x128x16xf32, #tpu.memory_space<vmem>> -> memref<1x128x16xf32, #tpu.memory_space<vmem>>
      %dma_start3A_347 = tpu.memref_squeeze %dma_start3A_346 : memref<1x128x16xf32, #tpu.memory_space<vmem>> -> memref<128x16xf32, #tpu.memory_space<vmem>>
      %dma_start3A_348 = arith.constant 0 : i32
      %dma_start3A_349 = tpu.memref_slice %arg12[%dma_start3A_343, %dma_start3A_348] : memref<4x128xi32, #tpu.memory_space<vmem>> -> memref<1x128xi32, #tpu.memory_space<vmem>>
      %dma_start3A_350 = tpu.memref_squeeze %dma_start3A_349 : memref<1x128xi32, #tpu.memory_space<vmem>> -> memref<128xi32, #tpu.memory_space<vmem>>
      %dma_start3A_351 = arith.constant 0 : i32
      %dma_start3A_352 = arith.constant 0 : i32
      %dma_start3A_353 = tpu.memref_slice %arg8[%dma_start3A_351, %dma_start3A_352] : memref<102400x16xf32, #tpu.memory_space<vmem_shared>> -> memref<102400x16xf32, #tpu.memory_space<vmem_shared>>
      tpu.enqueue_indirect_dma source(%dma_start3A_347 : memref<128x16xf32, #tpu.memory_space<vmem>>) target(%dma_start3A_353 : memref<102400x16xf32, #tpu.memory_space<vmem_shared>>) offsets(%dma_start3A_350 : memref<128xi32, #tpu.memory_space<vmem>>) semaphore(%arg16 : memref<!tpu.dma_semaphore, #tpu.memory_space<semaphore_mem>>) {add = true}
      %dma_start3A_354 = arith.constant 3 : i32
      %dma_start3A_355 = arith.constant 3 : i32
      %dma_start3A_356 = arith.constant 0 : i32
      %dma_start3A_357 = arith.constant 0 : i32
      %dma_start3A_358 = tpu.memref_slice %arg14[%dma_start3A_354, %dma_start3A_356, %dma_start3A_357] : memref<4x128x16xf32, #tpu.memory_space<vmem>> -> memref<1x128x16xf32, #tpu.memory_space<vmem>>
      %dma_start3A_359 = tpu.memref_squeeze %dma_start3A_358 : memref<1x128x16xf32, #tpu.memory_space<vmem>> -> memref<128x16xf32, #tpu.memory_space<vmem>>
      %dma_start3A_360 = arith.constant 0 : i32
      %dma_start3A_361 = tpu.memref_slice %arg12[%dma_start3A_355, %dma_start3A_360] : memref<4x128xi32, #tpu.memory_space<vmem>> -> memref<1x128xi32, #tpu.memory_space<vmem>>
      %dma_start3A_362 = tpu.memref_squeeze %dma_start3A_361 : memref<1x128xi32, #tpu.memory_space<vmem>> -> memref<128xi32, #tpu.memory_space<vmem>>
      %dma_start3A_363 = arith.constant 0 : i32
      %dma_start3A_364 = arith.constant 0 : i32
      %dma_start3A_365 = tpu.memref_slice %arg8[%dma_start3A_363, %dma_start3A_364] : memref<102400x16xf32, #tpu.memory_space<vmem_shared>> -> memref<102400x16xf32, #tpu.memory_space<vmem_shared>>
      tpu.enqueue_indirect_dma source(%dma_start3A_359 : memref<128x16xf32, #tpu.memory_space<vmem>>) target(%dma_start3A_365 : memref<102400x16xf32, #tpu.memory_space<vmem_shared>>) offsets(%dma_start3A_362 : memref<128xi32, #tpu.memory_space<vmem>>) semaphore(%arg16 : memref<!tpu.dma_semaphore, #tpu.memory_space<semaphore_mem>>) {add = true}
      %add3A_366 = arith.constant 1 : i32
      %add3A_367 = arith.addi %add3A_258, %add3A_366 : i32
      %lt3A_368 = arith.cmpi slt, %add3A_367, %select_n3A_10 : i32
      %convert_element_type3A_369 = arith.extui %lt3A_368 : i1 to i32
      %cond3A_370 = arith.constant 0 : i32
      %cond3A_371 = arith.cmpi ne, %convert_element_type3A_369, %cond3A_370 : i32
      scf.if %cond3A_371 {
        %dma_wait3A_372 = arith.constant 0 : i32
        %dma_wait3A_373 = arith.constant 0 : i32
        %dma_wait3A_374 = tpu.memref_slice %arg3[%dma_wait3A_372, %dma_wait3A_373] : memref<25600x128xi32, #tpu.memory_space<hbm>> -> memref<4x128xi32, #tpu.memory_space<hbm>>
        %dma_wait3A_375 = arith.constant 0 : i32
        %dma_wait3A_376 = arith.constant 0 : i32
        %dma_wait3A_377 = tpu.memref_slice %arg3[%dma_wait3A_375, %dma_wait3A_376] : memref<25600x128xi32, #tpu.memory_space<hbm>> -> memref<4x128xi32, #tpu.memory_space<hbm>>
        tpu.wait_dma2 semaphore(%arg17 : memref<!tpu.dma_semaphore, #tpu.memory_space<semaphore_mem>>) src(%dma_wait3A_377 : memref<4x128xi32, #tpu.memory_space<hbm>>) dst(%arg9 : memref<4x128xi32, #tpu.memory_space<vmem>>)
        %dma_wait3A_378 = arith.constant 0 : i32
        %dma_wait3A_379 = arith.constant 0 : i32
        %dma_wait3A_380 = tpu.memref_slice %arg4[%dma_wait3A_378, %dma_wait3A_379] : memref<25600x128xi32, #tpu.memory_space<hbm>> -> memref<4x128xi32, #tpu.memory_space<hbm>>
        %dma_wait3A_381 = arith.constant 0 : i32
        %dma_wait3A_382 = arith.constant 0 : i32
        %dma_wait3A_383 = tpu.memref_slice %arg4[%dma_wait3A_381, %dma_wait3A_382] : memref<25600x128xi32, #tpu.memory_space<hbm>> -> memref<4x128xi32, #tpu.memory_space<hbm>>
        tpu.wait_dma2 semaphore(%arg17 : memref<!tpu.dma_semaphore, #tpu.memory_space<semaphore_mem>>) src(%dma_wait3A_383 : memref<4x128xi32, #tpu.memory_space<hbm>>) dst(%arg11 : memref<4x128xi32, #tpu.memory_space<vmem>>)
        %dma_start3A_384 = arith.constant 0 : i32
        %dma_start3A_385 = arith.constant 0 : i32
        %dma_start3A_386 = arith.constant 0 : i32
        %dma_start3A_387 = arith.constant 0 : i32
        %dma_start3A_388 = tpu.memref_slice %arg13[%dma_start3A_385, %dma_start3A_386, %dma_start3A_387] : memref<4x128x16xf32, #tpu.memory_space<vmem>> -> memref<1x128x16xf32, #tpu.memory_space<vmem>>
        %dma_start3A_389 = tpu.memref_squeeze %dma_start3A_388 : memref<1x128x16xf32, #tpu.memory_space<vmem>> -> memref<128x16xf32, #tpu.memory_space<vmem>>
        %dma_start3A_390 = arith.constant 0 : i32
        %dma_start3A_391 = tpu.memref_slice %arg9[%dma_start3A_384, %dma_start3A_390] : memref<4x128xi32, #tpu.memory_space<vmem>> -> memref<1x128xi32, #tpu.memory_space<vmem>>
        %dma_start3A_392 = tpu.memref_squeeze %dma_start3A_391 : memref<1x128xi32, #tpu.memory_space<vmem>> -> memref<128xi32, #tpu.memory_space<vmem>>
        %dma_start3A_393 = arith.constant 0 : i32
        %dma_start3A_394 = arith.constant 0 : i32
        %dma_start3A_395 = tpu.memref_slice %arg2[%dma_start3A_393, %dma_start3A_394] : memref<102400x16xf32, #tpu.memory_space<hbm>> -> memref<102400x16xf32, #tpu.memory_space<hbm>>
        tpu.enqueue_indirect_dma source(%dma_start3A_395 : memref<102400x16xf32, #tpu.memory_space<hbm>>) target(%dma_start3A_389 : memref<128x16xf32, #tpu.memory_space<vmem>>) offsets(%dma_start3A_392 : memref<128xi32, #tpu.memory_space<vmem>>) semaphore(%arg15 : memref<!tpu.dma_semaphore, #tpu.memory_space<semaphore_mem>>)
        %dma_start3A_396 = arith.constant 1 : i32
        %dma_start3A_397 = arith.constant 1 : i32
        %dma_start3A_398 = arith.constant 0 : i32
        %dma_start3A_399 = arith.constant 0 : i32
        %dma_start3A_400 = tpu.memref_slice %arg13[%dma_start3A_397, %dma_start3A_398, %dma_start3A_399] : memref<4x128x16xf32, #tpu.memory_space<vmem>> -> memref<1x128x16xf32, #tpu.memory_space<vmem>>
        %dma_start3A_401 = tpu.memref_squeeze %dma_start3A_400 : memref<1x128x16xf32, #tpu.memory_space<vmem>> -> memref<128x16xf32, #tpu.memory_space<vmem>>
        %dma_start3A_402 = arith.constant 0 : i32
        %dma_start3A_403 = tpu.memref_slice %arg9[%dma_start3A_396, %dma_start3A_402] : memref<4x128xi32, #tpu.memory_space<vmem>> -> memref<1x128xi32, #tpu.memory_space<vmem>>
        %dma_start3A_404 = tpu.memref_squeeze %dma_start3A_403 : memref<1x128xi32, #tpu.memory_space<vmem>> -> memref<128xi32, #tpu.memory_space<vmem>>
        %dma_start3A_405 = arith.constant 0 : i32
        %dma_start3A_406 = arith.constant 0 : i32
        %dma_start3A_407 = tpu.memref_slice %arg2[%dma_start3A_405, %dma_start3A_406] : memref<102400x16xf32, #tpu.memory_space<hbm>> -> memref<102400x16xf32, #tpu.memory_space<hbm>>
        tpu.enqueue_indirect_dma source(%dma_start3A_407 : memref<102400x16xf32, #tpu.memory_space<hbm>>) target(%dma_start3A_401 : memref<128x16xf32, #tpu.memory_space<vmem>>) offsets(%dma_start3A_404 : memref<128xi32, #tpu.memory_space<vmem>>) semaphore(%arg15 : memref<!tpu.dma_semaphore, #tpu.memory_space<semaphore_mem>>)
        %dma_start3A_408 = arith.constant 2 : i32
        %dma_start3A_409 = arith.constant 2 : i32
        %dma_start3A_410 = arith.constant 0 : i32
        %dma_start3A_411 = arith.constant 0 : i32
        %dma_start3A_412 = tpu.memref_slice %arg13[%dma_start3A_409, %dma_start3A_410, %dma_start3A_411] : memref<4x128x16xf32, #tpu.memory_space<vmem>> -> memref<1x128x16xf32, #tpu.memory_space<vmem>>
        %dma_start3A_413 = tpu.memref_squeeze %dma_start3A_412 : memref<1x128x16xf32, #tpu.memory_space<vmem>> -> memref<128x16xf32, #tpu.memory_space<vmem>>
        %dma_start3A_414 = arith.constant 0 : i32
        %dma_start3A_415 = tpu.memref_slice %arg9[%dma_start3A_408, %dma_start3A_414] : memref<4x128xi32, #tpu.memory_space<vmem>> -> memref<1x128xi32, #tpu.memory_space<vmem>>
        %dma_start3A_416 = tpu.memref_squeeze %dma_start3A_415 : memref<1x128xi32, #tpu.memory_space<vmem>> -> memref<128xi32, #tpu.memory_space<vmem>>
        %dma_start3A_417 = arith.constant 0 : i32
        %dma_start3A_418 = arith.constant 0 : i32
        %dma_start3A_419 = tpu.memref_slice %arg2[%dma_start3A_417, %dma_start3A_418] : memref<102400x16xf32, #tpu.memory_space<hbm>> -> memref<102400x16xf32, #tpu.memory_space<hbm>>
        tpu.enqueue_indirect_dma source(%dma_start3A_419 : memref<102400x16xf32, #tpu.memory_space<hbm>>) target(%dma_start3A_413 : memref<128x16xf32, #tpu.memory_space<vmem>>) offsets(%dma_start3A_416 : memref<128xi32, #tpu.memory_space<vmem>>) semaphore(%arg15 : memref<!tpu.dma_semaphore, #tpu.memory_space<semaphore_mem>>)
        %dma_start3A_420 = arith.constant 3 : i32
        %dma_start3A_421 = arith.constant 3 : i32
        %dma_start3A_422 = arith.constant 0 : i32
        %dma_start3A_423 = arith.constant 0 : i32
        %dma_start3A_424 = tpu.memref_slice %arg13[%dma_start3A_421, %dma_start3A_422, %dma_start3A_423] : memref<4x128x16xf32, #tpu.memory_space<vmem>> -> memref<1x128x16xf32, #tpu.memory_space<vmem>>
        %dma_start3A_425 = tpu.memref_squeeze %dma_start3A_424 : memref<1x128x16xf32, #tpu.memory_space<vmem>> -> memref<128x16xf32, #tpu.memory_space<vmem>>
        %dma_start3A_426 = arith.constant 0 : i32
        %dma_start3A_427 = tpu.memref_slice %arg9[%dma_start3A_420, %dma_start3A_426] : memref<4x128xi32, #tpu.memory_space<vmem>> -> memref<1x128xi32, #tpu.memory_space<vmem>>
        %dma_start3A_428 = tpu.memref_squeeze %dma_start3A_427 : memref<1x128xi32, #tpu.memory_space<vmem>> -> memref<128xi32, #tpu.memory_space<vmem>>
        %dma_start3A_429 = arith.constant 0 : i32
        %dma_start3A_430 = arith.constant 0 : i32
        %dma_start3A_431 = tpu.memref_slice %arg2[%dma_start3A_429, %dma_start3A_430] : memref<102400x16xf32, #tpu.memory_space<hbm>> -> memref<102400x16xf32, #tpu.memory_space<hbm>>
        tpu.enqueue_indirect_dma source(%dma_start3A_431 : memref<102400x16xf32, #tpu.memory_space<hbm>>) target(%dma_start3A_425 : memref<128x16xf32, #tpu.memory_space<vmem>>) offsets(%dma_start3A_428 : memref<128xi32, #tpu.memory_space<vmem>>) semaphore(%arg15 : memref<!tpu.dma_semaphore, #tpu.memory_space<semaphore_mem>>)
      } else {
      }
    }
    %while3A_84 = arith.constant 1 : i32
    scf.for %while3A_141 = %while3A_82 to %while3A_78 step %while3A_84  : i32 {
      %mul3A_142 = arith.constant 2 : i32
      %mul3A_143 = arith.muli %mul3A_142, %while3A_141 : i32
      %ge3A = arith.constant 1 : i32
      %ge3A_144 = arith.cmpi sge, %mul3A_143, %ge3A : i32
      %convert_element_type3A_145 = arith.extui %ge3A_144 : i1 to i32
      %cond3A_146 = arith.constant 0 : i32
      %cond3A_147 = arith.cmpi ne, %convert_element_type3A_145, %cond3A_146 : i32
      scf.if %cond3A_147 {
        %dma_wait3A_372 = arith.constant 0 : i32
        %dma_wait3A_373 = arith.constant 0 : i32
        %dma_wait3A_374 = arith.constant 0 : i32
        %dma_wait3A_375 = arith.constant 0 : i32
        %dma_wait3A_376 = tpu.memref_slice %arg14[%dma_wait3A_372, %dma_wait3A_374, %dma_wait3A_375] : memref<4x128x16xf32, #tpu.memory_space<vmem>> -> memref<1x128x16xf32, #tpu.memory_space<vmem>>
        %dma_wait3A_377 = tpu.memref_squeeze %dma_wait3A_376 : memref<1x128x16xf32, #tpu.memory_space<vmem>> -> memref<128x16xf32, #tpu.memory_space<vmem>>
        %dma_wait3A_378 = arith.constant 0 : i32
        %dma_wait3A_379 = tpu.memref_slice %arg12[%dma_wait3A_373, %dma_wait3A_378] : memref<4x128xi32, #tpu.memory_space<vmem>> -> memref<1x128xi32, #tpu.memory_space<vmem>>
        %dma_wait3A_380 = tpu.memref_squeeze %dma_wait3A_379 : memref<1x128xi32, #tpu.memory_space<vmem>> -> memref<128xi32, #tpu.memory_space<vmem>>
        %dma_wait3A_381 = arith.constant 0 : i32
        %dma_wait3A_382 = arith.constant 0 : i32
        %dma_wait3A_383 = tpu.memref_slice %arg8[%dma_wait3A_381, %dma_wait3A_382] : memref<102400x16xf32, #tpu.memory_space<vmem_shared>> -> memref<102400x16xf32, #tpu.memory_space<vmem_shared>>
        tpu.wait_indirect_dma semaphore(%arg16 : memref<!tpu.dma_semaphore, #tpu.memory_space<semaphore_mem>>) src(%dma_wait3A_377 : memref<128x16xf32, #tpu.memory_space<vmem>>) dst(%dma_wait3A_383 : memref<102400x16xf32, #tpu.memory_space<vmem_shared>>)
        %dma_wait3A_384 = arith.constant 1 : i32
        %dma_wait3A_385 = arith.constant 1 : i32
        %dma_wait3A_386 = arith.constant 0 : i32
        %dma_wait3A_387 = arith.constant 0 : i32
        %dma_wait3A_388 = tpu.memref_slice %arg14[%dma_wait3A_384, %dma_wait3A_386, %dma_wait3A_387] : memref<4x128x16xf32, #tpu.memory_space<vmem>> -> memref<1x128x16xf32, #tpu.memory_space<vmem>>
        %dma_wait3A_389 = tpu.memref_squeeze %dma_wait3A_388 : memref<1x128x16xf32, #tpu.memory_space<vmem>> -> memref<128x16xf32, #tpu.memory_space<vmem>>
        %dma_wait3A_390 = arith.constant 0 : i32
        %dma_wait3A_391 = tpu.memref_slice %arg12[%dma_wait3A_385, %dma_wait3A_390] : memref<4x128xi32, #tpu.memory_space<vmem>> -> memref<1x128xi32, #tpu.memory_space<vmem>>
        %dma_wait3A_392 = tpu.memref_squeeze %dma_wait3A_391 : memref<1x128xi32, #tpu.memory_space<vmem>> -> memref<128xi32, #tpu.memory_space<vmem>>
        %dma_wait3A_393 = arith.constant 0 : i32
        %dma_wait3A_394 = arith.constant 0 : i32
        %dma_wait3A_395 = tpu.memref_slice %arg8[%dma_wait3A_393, %dma_wait3A_394] : memref<102400x16xf32, #tpu.memory_space<vmem_shared>> -> memref<102400x16xf32, #tpu.memory_space<vmem_shared>>
        tpu.wait_indirect_dma semaphore(%arg16 : memref<!tpu.dma_semaphore, #tpu.memory_space<semaphore_mem>>) src(%dma_wait3A_389 : memref<128x16xf32, #tpu.memory_space<vmem>>) dst(%dma_wait3A_395 : memref<102400x16xf32, #tpu.memory_space<vmem_shared>>)
        %dma_wait3A_396 = arith.constant 2 : i32
        %dma_wait3A_397 = arith.constant 2 : i32
        %dma_wait3A_398 = arith.constant 0 : i32
        %dma_wait3A_399 = arith.constant 0 : i32
        %dma_wait3A_400 = tpu.memref_slice %arg14[%dma_wait3A_396, %dma_wait3A_398, %dma_wait3A_399] : memref<4x128x16xf32, #tpu.memory_space<vmem>> -> memref<1x128x16xf32, #tpu.memory_space<vmem>>
        %dma_wait3A_401 = tpu.memref_squeeze %dma_wait3A_400 : memref<1x128x16xf32, #tpu.memory_space<vmem>> -> memref<128x16xf32, #tpu.memory_space<vmem>>
        %dma_wait3A_402 = arith.constant 0 : i32
        %dma_wait3A_403 = tpu.memref_slice %arg12[%dma_wait3A_397, %dma_wait3A_402] : memref<4x128xi32, #tpu.memory_space<vmem>> -> memref<1x128xi32, #tpu.memory_space<vmem>>
        %dma_wait3A_404 = tpu.memref_squeeze %dma_wait3A_403 : memref<1x128xi32, #tpu.memory_space<vmem>> -> memref<128xi32, #tpu.memory_space<vmem>>
        %dma_wait3A_405 = arith.constant 0 : i32
        %dma_wait3A_406 = arith.constant 0 : i32
        %dma_wait3A_407 = tpu.memref_slice %arg8[%dma_wait3A_405, %dma_wait3A_406] : memref<102400x16xf32, #tpu.memory_space<vmem_shared>> -> memref<102400x16xf32, #tpu.memory_space<vmem_shared>>
        tpu.wait_indirect_dma semaphore(%arg16 : memref<!tpu.dma_semaphore, #tpu.memory_space<semaphore_mem>>) src(%dma_wait3A_401 : memref<128x16xf32, #tpu.memory_space<vmem>>) dst(%dma_wait3A_407 : memref<102400x16xf32, #tpu.memory_space<vmem_shared>>)
        %dma_wait3A_408 = arith.constant 3 : i32
        %dma_wait3A_409 = arith.constant 3 : i32
        %dma_wait3A_410 = arith.constant 0 : i32
        %dma_wait3A_411 = arith.constant 0 : i32
        %dma_wait3A_412 = tpu.memref_slice %arg14[%dma_wait3A_408, %dma_wait3A_410, %dma_wait3A_411] : memref<4x128x16xf32, #tpu.memory_space<vmem>> -> memref<1x128x16xf32, #tpu.memory_space<vmem>>
        %dma_wait3A_413 = tpu.memref_squeeze %dma_wait3A_412 : memref<1x128x16xf32, #tpu.memory_space<vmem>> -> memref<128x16xf32, #tpu.memory_space<vmem>>
        %dma_wait3A_414 = arith.constant 0 : i32
        %dma_wait3A_415 = tpu.memref_slice %arg12[%dma_wait3A_409, %dma_wait3A_414] : memref<4x128xi32, #tpu.memory_space<vmem>> -> memref<1x128xi32, #tpu.memory_space<vmem>>
        %dma_wait3A_416 = tpu.memref_squeeze %dma_wait3A_415 : memref<1x128xi32, #tpu.memory_space<vmem>> -> memref<128xi32, #tpu.memory_space<vmem>>
        %dma_wait3A_417 = arith.constant 0 : i32
        %dma_wait3A_418 = arith.constant 0 : i32
        %dma_wait3A_419 = tpu.memref_slice %arg8[%dma_wait3A_417, %dma_wait3A_418] : memref<102400x16xf32, #tpu.memory_space<vmem_shared>> -> memref<102400x16xf32, #tpu.memory_space<vmem_shared>>
        tpu.wait_indirect_dma semaphore(%arg16 : memref<!tpu.dma_semaphore, #tpu.memory_space<semaphore_mem>>) src(%dma_wait3A_413 : memref<128x16xf32, #tpu.memory_space<vmem>>) dst(%dma_wait3A_419 : memref<102400x16xf32, #tpu.memory_space<vmem_shared>>)
      } else {
      }
      %add3A_148 = arith.constant 1 : i32
      %add3A_149 = arith.addi %mul3A_143, %add3A_148 : i32
      %lt3A = arith.cmpi slt, %add3A_149, %select_n3A_10 : i32
      %convert_element_type3A_150 = arith.extui %lt3A : i1 to i32
      %cond3A_151 = arith.constant 0 : i32
      %cond3A_152 = arith.cmpi ne, %convert_element_type3A_150, %cond3A_151 : i32
      scf.if %cond3A_152 {
        %add3A_372 = arith.constant 1 : i32
        %add3A_373 = arith.addi %mul3A_143, %add3A_372 : i32
        %mul3A_374 = arith.constant 4 : i32
        %mul3A_375 = arith.muli %add3A_373, %mul3A_374 : i32
        %add3A_376 = arith.addi %select_n3A, %mul3A_375 : i32
        %dma_start3A_377 = arith.constant 0 : i32
        %dma_start3A_378 = tpu.memref_slice %arg3[%add3A_376, %dma_start3A_377] : memref<25600x128xi32, #tpu.memory_space<hbm>> -> memref<4x128xi32, #tpu.memory_space<hbm>>
        %dma_start3A_379 = arith.constant 0 : i32
        %dma_start3A_380 = tpu.memref_slice %arg3[%add3A_376, %dma_start3A_379] : memref<25600x128xi32, #tpu.memory_space<hbm>> -> memref<4x128xi32, #tpu.memory_space<hbm>>
        tpu.enqueue_dma source(%dma_start3A_380 : memref<4x128xi32, #tpu.memory_space<hbm>>) target(%arg10 : memref<4x128xi32, #tpu.memory_space<vmem>>) target_semaphore(%arg17 : memref<!tpu.dma_semaphore, #tpu.memory_space<semaphore_mem>>)
        %dma_start3A_381 = arith.constant 0 : i32
        %dma_start3A_382 = tpu.memref_slice %arg4[%add3A_376, %dma_start3A_381] : memref<25600x128xi32, #tpu.memory_space<hbm>> -> memref<4x128xi32, #tpu.memory_space<hbm>>
        %dma_start3A_383 = arith.constant 0 : i32
        %dma_start3A_384 = tpu.memref_slice %arg4[%add3A_376, %dma_start3A_383] : memref<25600x128xi32, #tpu.memory_space<hbm>> -> memref<4x128xi32, #tpu.memory_space<hbm>>
        tpu.enqueue_dma source(%dma_start3A_384 : memref<4x128xi32, #tpu.memory_space<hbm>>) target(%arg12 : memref<4x128xi32, #tpu.memory_space<vmem>>) target_semaphore(%arg17 : memref<!tpu.dma_semaphore, #tpu.memory_space<semaphore_mem>>)
      } else {
      }
      %dma_wait3A_153 = arith.constant 0 : i32
      %dma_wait3A_154 = arith.constant 0 : i32
      %dma_wait3A_155 = arith.constant 0 : i32
      %dma_wait3A_156 = arith.constant 0 : i32
      %dma_wait3A_157 = tpu.memref_slice %arg13[%dma_wait3A_154, %dma_wait3A_155, %dma_wait3A_156] : memref<4x128x16xf32, #tpu.memory_space<vmem>> -> memref<1x128x16xf32, #tpu.memory_space<vmem>>
      %dma_wait3A_158 = tpu.memref_squeeze %dma_wait3A_157 : memref<1x128x16xf32, #tpu.memory_space<vmem>> -> memref<128x16xf32, #tpu.memory_space<vmem>>
      %dma_wait3A_159 = arith.constant 0 : i32
      %dma_wait3A_160 = tpu.memref_slice %arg9[%dma_wait3A_153, %dma_wait3A_159] : memref<4x128xi32, #tpu.memory_space<vmem>> -> memref<1x128xi32, #tpu.memory_space<vmem>>
      %dma_wait3A_161 = tpu.memref_squeeze %dma_wait3A_160 : memref<1x128xi32, #tpu.memory_space<vmem>> -> memref<128xi32, #tpu.memory_space<vmem>>
      %dma_wait3A_162 = arith.constant 0 : i32
      %dma_wait3A_163 = arith.constant 0 : i32
      %dma_wait3A_164 = tpu.memref_slice %arg2[%dma_wait3A_162, %dma_wait3A_163] : memref<102400x16xf32, #tpu.memory_space<hbm>> -> memref<102400x16xf32, #tpu.memory_space<hbm>>
      tpu.wait_indirect_dma semaphore(%arg15 : memref<!tpu.dma_semaphore, #tpu.memory_space<semaphore_mem>>) src(%dma_wait3A_164 : memref<102400x16xf32, #tpu.memory_space<hbm>>) dst(%dma_wait3A_158 : memref<128x16xf32, #tpu.memory_space<vmem>>)
      %dma_wait3A_165 = arith.constant 1 : i32
      %dma_wait3A_166 = arith.constant 1 : i32
      %dma_wait3A_167 = arith.constant 0 : i32
      %dma_wait3A_168 = arith.constant 0 : i32
      %dma_wait3A_169 = tpu.memref_slice %arg13[%dma_wait3A_166, %dma_wait3A_167, %dma_wait3A_168] : memref<4x128x16xf32, #tpu.memory_space<vmem>> -> memref<1x128x16xf32, #tpu.memory_space<vmem>>
      %dma_wait3A_170 = tpu.memref_squeeze %dma_wait3A_169 : memref<1x128x16xf32, #tpu.memory_space<vmem>> -> memref<128x16xf32, #tpu.memory_space<vmem>>
      %dma_wait3A_171 = arith.constant 0 : i32
      %dma_wait3A_172 = tpu.memref_slice %arg9[%dma_wait3A_165, %dma_wait3A_171] : memref<4x128xi32, #tpu.memory_space<vmem>> -> memref<1x128xi32, #tpu.memory_space<vmem>>
      %dma_wait3A_173 = tpu.memref_squeeze %dma_wait3A_172 : memref<1x128xi32, #tpu.memory_space<vmem>> -> memref<128xi32, #tpu.memory_space<vmem>>
      %dma_wait3A_174 = arith.constant 0 : i32
      %dma_wait3A_175 = arith.constant 0 : i32
      %dma_wait3A_176 = tpu.memref_slice %arg2[%dma_wait3A_174, %dma_wait3A_175] : memref<102400x16xf32, #tpu.memory_space<hbm>> -> memref<102400x16xf32, #tpu.memory_space<hbm>>
      tpu.wait_indirect_dma semaphore(%arg15 : memref<!tpu.dma_semaphore, #tpu.memory_space<semaphore_mem>>) src(%dma_wait3A_176 : memref<102400x16xf32, #tpu.memory_space<hbm>>) dst(%dma_wait3A_170 : memref<128x16xf32, #tpu.memory_space<vmem>>)
      %dma_wait3A_177 = arith.constant 2 : i32
      %dma_wait3A_178 = arith.constant 2 : i32
      %dma_wait3A_179 = arith.constant 0 : i32
      %dma_wait3A_180 = arith.constant 0 : i32
      %dma_wait3A_181 = tpu.memref_slice %arg13[%dma_wait3A_178, %dma_wait3A_179, %dma_wait3A_180] : memref<4x128x16xf32, #tpu.memory_space<vmem>> -> memref<1x128x16xf32, #tpu.memory_space<vmem>>
      %dma_wait3A_182 = tpu.memref_squeeze %dma_wait3A_181 : memref<1x128x16xf32, #tpu.memory_space<vmem>> -> memref<128x16xf32, #tpu.memory_space<vmem>>
      %dma_wait3A_183 = arith.constant 0 : i32
      %dma_wait3A_184 = tpu.memref_slice %arg9[%dma_wait3A_177, %dma_wait3A_183] : memref<4x128xi32, #tpu.memory_space<vmem>> -> memref<1x128xi32, #tpu.memory_space<vmem>>
      %dma_wait3A_185 = tpu.memref_squeeze %dma_wait3A_184 : memref<1x128xi32, #tpu.memory_space<vmem>> -> memref<128xi32, #tpu.memory_space<vmem>>
      %dma_wait3A_186 = arith.constant 0 : i32
      %dma_wait3A_187 = arith.constant 0 : i32
      %dma_wait3A_188 = tpu.memref_slice %arg2[%dma_wait3A_186, %dma_wait3A_187] : memref<102400x16xf32, #tpu.memory_space<hbm>> -> memref<102400x16xf32, #tpu.memory_space<hbm>>
      tpu.wait_indirect_dma semaphore(%arg15 : memref<!tpu.dma_semaphore, #tpu.memory_space<semaphore_mem>>) src(%dma_wait3A_188 : memref<102400x16xf32, #tpu.memory_space<hbm>>) dst(%dma_wait3A_182 : memref<128x16xf32, #tpu.memory_space<vmem>>)
      %dma_wait3A_189 = arith.constant 3 : i32
      %dma_wait3A_190 = arith.constant 3 : i32
      %dma_wait3A_191 = arith.constant 0 : i32
      %dma_wait3A_192 = arith.constant 0 : i32
      %dma_wait3A_193 = tpu.memref_slice %arg13[%dma_wait3A_190, %dma_wait3A_191, %dma_wait3A_192] : memref<4x128x16xf32, #tpu.memory_space<vmem>> -> memref<1x128x16xf32, #tpu.memory_space<vmem>>
      %dma_wait3A_194 = tpu.memref_squeeze %dma_wait3A_193 : memref<1x128x16xf32, #tpu.memory_space<vmem>> -> memref<128x16xf32, #tpu.memory_space<vmem>>
      %dma_wait3A_195 = arith.constant 0 : i32
      %dma_wait3A_196 = tpu.memref_slice %arg9[%dma_wait3A_189, %dma_wait3A_195] : memref<4x128xi32, #tpu.memory_space<vmem>> -> memref<1x128xi32, #tpu.memory_space<vmem>>
      %dma_wait3A_197 = tpu.memref_squeeze %dma_wait3A_196 : memref<1x128xi32, #tpu.memory_space<vmem>> -> memref<128xi32, #tpu.memory_space<vmem>>
      %dma_wait3A_198 = arith.constant 0 : i32
      %dma_wait3A_199 = arith.constant 0 : i32
      %dma_wait3A_200 = tpu.memref_slice %arg2[%dma_wait3A_198, %dma_wait3A_199] : memref<102400x16xf32, #tpu.memory_space<hbm>> -> memref<102400x16xf32, #tpu.memory_space<hbm>>
      tpu.wait_indirect_dma semaphore(%arg15 : memref<!tpu.dma_semaphore, #tpu.memory_space<semaphore_mem>>) src(%dma_wait3A_200 : memref<102400x16xf32, #tpu.memory_space<hbm>>) dst(%dma_wait3A_194 : memref<128x16xf32, #tpu.memory_space<vmem>>)
      %dma_start3A_201 = arith.constant 0 : i32
      %dma_start3A_202 = arith.constant 0 : i32
      %dma_start3A_203 = arith.constant 0 : i32
      %dma_start3A_204 = arith.constant 0 : i32
      %dma_start3A_205 = tpu.memref_slice %arg13[%dma_start3A_201, %dma_start3A_203, %dma_start3A_204] : memref<4x128x16xf32, #tpu.memory_space<vmem>> -> memref<1x128x16xf32, #tpu.memory_space<vmem>>
      %dma_start3A_206 = tpu.memref_squeeze %dma_start3A_205 : memref<1x128x16xf32, #tpu.memory_space<vmem>> -> memref<128x16xf32, #tpu.memory_space<vmem>>
      %dma_start3A_207 = arith.constant 0 : i32
      %dma_start3A_208 = tpu.memref_slice %arg11[%dma_start3A_202, %dma_start3A_207] : memref<4x128xi32, #tpu.memory_space<vmem>> -> memref<1x128xi32, #tpu.memory_space<vmem>>
      %dma_start3A_209 = tpu.memref_squeeze %dma_start3A_208 : memref<1x128xi32, #tpu.memory_space<vmem>> -> memref<128xi32, #tpu.memory_space<vmem>>
      %dma_start3A_210 = arith.constant 0 : i32
      %dma_start3A_211 = arith.constant 0 : i32
      %dma_start3A_212 = tpu.memref_slice %arg8[%dma_start3A_210, %dma_start3A_211] : memref<102400x16xf32, #tpu.memory_space<vmem_shared>> -> memref<102400x16xf32, #tpu.memory_space<vmem_shared>>
      tpu.enqueue_indirect_dma source(%dma_start3A_206 : memref<128x16xf32, #tpu.memory_space<vmem>>) target(%dma_start3A_212 : memref<102400x16xf32, #tpu.memory_space<vmem_shared>>) offsets(%dma_start3A_209 : memref<128xi32, #tpu.memory_space<vmem>>) semaphore(%arg16 : memref<!tpu.dma_semaphore, #tpu.memory_space<semaphore_mem>>) {add = true}
      %dma_start3A_213 = arith.constant 1 : i32
      %dma_start3A_214 = arith.constant 1 : i32
      %dma_start3A_215 = arith.constant 0 : i32
      %dma_start3A_216 = arith.constant 0 : i32
      %dma_start3A_217 = tpu.memref_slice %arg13[%dma_start3A_213, %dma_start3A_215, %dma_start3A_216] : memref<4x128x16xf32, #tpu.memory_space<vmem>> -> memref<1x128x16xf32, #tpu.memory_space<vmem>>
      %dma_start3A_218 = tpu.memref_squeeze %dma_start3A_217 : memref<1x128x16xf32, #tpu.memory_space<vmem>> -> memref<128x16xf32, #tpu.memory_space<vmem>>
      %dma_start3A_219 = arith.constant 0 : i32
      %dma_start3A_220 = tpu.memref_slice %arg11[%dma_start3A_214, %dma_start3A_219] : memref<4x128xi32, #tpu.memory_space<vmem>> -> memref<1x128xi32, #tpu.memory_space<vmem>>
      %dma_start3A_221 = tpu.memref_squeeze %dma_start3A_220 : memref<1x128xi32, #tpu.memory_space<vmem>> -> memref<128xi32, #tpu.memory_space<vmem>>
      %dma_start3A_222 = arith.constant 0 : i32
      %dma_start3A_223 = arith.constant 0 : i32
      %dma_start3A_224 = tpu.memref_slice %arg8[%dma_start3A_222, %dma_start3A_223] : memref<102400x16xf32, #tpu.memory_space<vmem_shared>> -> memref<102400x16xf32, #tpu.memory_space<vmem_shared>>
      tpu.enqueue_indirect_dma source(%dma_start3A_218 : memref<128x16xf32, #tpu.memory_space<vmem>>) target(%dma_start3A_224 : memref<102400x16xf32, #tpu.memory_space<vmem_shared>>) offsets(%dma_start3A_221 : memref<128xi32, #tpu.memory_space<vmem>>) semaphore(%arg16 : memref<!tpu.dma_semaphore, #tpu.memory_space<semaphore_mem>>) {add = true}
      %dma_start3A_225 = arith.constant 2 : i32
      %dma_start3A_226 = arith.constant 2 : i32
      %dma_start3A_227 = arith.constant 0 : i32
      %dma_start3A_228 = arith.constant 0 : i32
      %dma_start3A_229 = tpu.memref_slice %arg13[%dma_start3A_225, %dma_start3A_227, %dma_start3A_228] : memref<4x128x16xf32, #tpu.memory_space<vmem>> -> memref<1x128x16xf32, #tpu.memory_space<vmem>>
      %dma_start3A_230 = tpu.memref_squeeze %dma_start3A_229 : memref<1x128x16xf32, #tpu.memory_space<vmem>> -> memref<128x16xf32, #tpu.memory_space<vmem>>
      %dma_start3A_231 = arith.constant 0 : i32
      %dma_start3A_232 = tpu.memref_slice %arg11[%dma_start3A_226, %dma_start3A_231] : memref<4x128xi32, #tpu.memory_space<vmem>> -> memref<1x128xi32, #tpu.memory_space<vmem>>
      %dma_start3A_233 = tpu.memref_squeeze %dma_start3A_232 : memref<1x128xi32, #tpu.memory_space<vmem>> -> memref<128xi32, #tpu.memory_space<vmem>>
      %dma_start3A_234 = arith.constant 0 : i32
      %dma_start3A_235 = arith.constant 0 : i32
      %dma_start3A_236 = tpu.memref_slice %arg8[%dma_start3A_234, %dma_start3A_235] : memref<102400x16xf32, #tpu.memory_space<vmem_shared>> -> memref<102400x16xf32, #tpu.memory_space<vmem_shared>>
      tpu.enqueue_indirect_dma source(%dma_start3A_230 : memref<128x16xf32, #tpu.memory_space<vmem>>) target(%dma_start3A_236 : memref<102400x16xf32, #tpu.memory_space<vmem_shared>>) offsets(%dma_start3A_233 : memref<128xi32, #tpu.memory_space<vmem>>) semaphore(%arg16 : memref<!tpu.dma_semaphore, #tpu.memory_space<semaphore_mem>>) {add = true}
      %dma_start3A_237 = arith.constant 3 : i32
      %dma_start3A_238 = arith.constant 3 : i32
      %dma_start3A_239 = arith.constant 0 : i32
      %dma_start3A_240 = arith.constant 0 : i32
      %dma_start3A_241 = tpu.memref_slice %arg13[%dma_start3A_237, %dma_start3A_239, %dma_start3A_240] : memref<4x128x16xf32, #tpu.memory_space<vmem>> -> memref<1x128x16xf32, #tpu.memory_space<vmem>>
      %dma_start3A_242 = tpu.memref_squeeze %dma_start3A_241 : memref<1x128x16xf32, #tpu.memory_space<vmem>> -> memref<128x16xf32, #tpu.memory_space<vmem>>
      %dma_start3A_243 = arith.constant 0 : i32
      %dma_start3A_244 = tpu.memref_slice %arg11[%dma_start3A_238, %dma_start3A_243] : memref<4x128xi32, #tpu.memory_space<vmem>> -> memref<1x128xi32, #tpu.memory_space<vmem>>
      %dma_start3A_245 = tpu.memref_squeeze %dma_start3A_244 : memref<1x128xi32, #tpu.memory_space<vmem>> -> memref<128xi32, #tpu.memory_space<vmem>>
      %dma_start3A_246 = arith.constant 0 : i32
      %dma_start3A_247 = arith.constant 0 : i32
      %dma_start3A_248 = tpu.memref_slice %arg8[%dma_start3A_246, %dma_start3A_247] : memref<102400x16xf32, #tpu.memory_space<vmem_shared>> -> memref<102400x16xf32, #tpu.memory_space<vmem_shared>>
      tpu.enqueue_indirect_dma source(%dma_start3A_242 : memref<128x16xf32, #tpu.memory_space<vmem>>) target(%dma_start3A_248 : memref<102400x16xf32, #tpu.memory_space<vmem_shared>>) offsets(%dma_start3A_245 : memref<128xi32, #tpu.memory_space<vmem>>) semaphore(%arg16 : memref<!tpu.dma_semaphore, #tpu.memory_space<semaphore_mem>>) {add = true}
      %add3A_249 = arith.constant 1 : i32
      %add3A_250 = arith.addi %mul3A_143, %add3A_249 : i32
      %lt3A_251 = arith.cmpi slt, %add3A_250, %select_n3A_10 : i32
      %convert_element_type3A_252 = arith.extui %lt3A_251 : i1 to i32
      %cond3A_253 = arith.constant 0 : i32
      %cond3A_254 = arith.cmpi ne, %convert_element_type3A_252, %cond3A_253 : i32
      scf.if %cond3A_254 {
        %dma_wait3A_372 = arith.constant 0 : i32
        %dma_wait3A_373 = arith.constant 0 : i32
        %dma_wait3A_374 = tpu.memref_slice %arg3[%dma_wait3A_372, %dma_wait3A_373] : memref<25600x128xi32, #tpu.memory_space<hbm>> -> memref<4x128xi32, #tpu.memory_space<hbm>>
        %dma_wait3A_375 = arith.constant 0 : i32
        %dma_wait3A_376 = arith.constant 0 : i32
        %dma_wait3A_377 = tpu.memref_slice %arg3[%dma_wait3A_375, %dma_wait3A_376] : memref<25600x128xi32, #tpu.memory_space<hbm>> -> memref<4x128xi32, #tpu.memory_space<hbm>>
        tpu.wait_dma2 semaphore(%arg17 : memref<!tpu.dma_semaphore, #tpu.memory_space<semaphore_mem>>) src(%dma_wait3A_377 : memref<4x128xi32, #tpu.memory_space<hbm>>) dst(%arg10 : memref<4x128xi32, #tpu.memory_space<vmem>>)
        %dma_wait3A_378 = arith.constant 0 : i32
        %dma_wait3A_379 = arith.constant 0 : i32
        %dma_wait3A_380 = tpu.memref_slice %arg4[%dma_wait3A_378, %dma_wait3A_379] : memref<25600x128xi32, #tpu.memory_space<hbm>> -> memref<4x128xi32, #tpu.memory_space<hbm>>
        %dma_wait3A_381 = arith.constant 0 : i32
        %dma_wait3A_382 = arith.constant 0 : i32
        %dma_wait3A_383 = tpu.memref_slice %arg4[%dma_wait3A_381, %dma_wait3A_382] : memref<25600x128xi32, #tpu.memory_space<hbm>> -> memref<4x128xi32, #tpu.memory_space<hbm>>
        tpu.wait_dma2 semaphore(%arg17 : memref<!tpu.dma_semaphore, #tpu.memory_space<semaphore_mem>>) src(%dma_wait3A_383 : memref<4x128xi32, #tpu.memory_space<hbm>>) dst(%arg12 : memref<4x128xi32, #tpu.memory_space<vmem>>)
        %dma_start3A_384 = arith.constant 0 : i32
        %dma_start3A_385 = arith.constant 0 : i32
        %dma_start3A_386 = arith.constant 0 : i32
        %dma_start3A_387 = arith.constant 0 : i32
        %dma_start3A_388 = tpu.memref_slice %arg14[%dma_start3A_385, %dma_start3A_386, %dma_start3A_387] : memref<4x128x16xf32, #tpu.memory_space<vmem>> -> memref<1x128x16xf32, #tpu.memory_space<vmem>>
        %dma_start3A_389 = tpu.memref_squeeze %dma_start3A_388 : memref<1x128x16xf32, #tpu.memory_space<vmem>> -> memref<128x16xf32, #tpu.memory_space<vmem>>
        %dma_start3A_390 = arith.constant 0 : i32
        %dma_start3A_391 = tpu.memref_slice %arg10[%dma_start3A_384, %dma_start3A_390] : memref<4x128xi32, #tpu.memory_space<vmem>> -> memref<1x128xi32, #tpu.memory_space<vmem>>
        %dma_start3A_392 = tpu.memref_squeeze %dma_start3A_391 : memref<1x128xi32, #tpu.memory_space<vmem>> -> memref<128xi32, #tpu.memory_space<vmem>>
        %dma_start3A_393 = arith.constant 0 : i32
        %dma_start3A_394 = arith.constant 0 : i32
        %dma_start3A_395 = tpu.memref_slice %arg2[%dma_start3A_393, %dma_start3A_394] : memref<102400x16xf32, #tpu.memory_space<hbm>> -> memref<102400x16xf32, #tpu.memory_space<hbm>>
        tpu.enqueue_indirect_dma source(%dma_start3A_395 : memref<102400x16xf32, #tpu.memory_space<hbm>>) target(%dma_start3A_389 : memref<128x16xf32, #tpu.memory_space<vmem>>) offsets(%dma_start3A_392 : memref<128xi32, #tpu.memory_space<vmem>>) semaphore(%arg15 : memref<!tpu.dma_semaphore, #tpu.memory_space<semaphore_mem>>)
        %dma_start3A_396 = arith.constant 1 : i32
        %dma_start3A_397 = arith.constant 1 : i32
        %dma_start3A_398 = arith.constant 0 : i32
        %dma_start3A_399 = arith.constant 0 : i32
        %dma_start3A_400 = tpu.memref_slice %arg14[%dma_start3A_397, %dma_start3A_398, %dma_start3A_399] : memref<4x128x16xf32, #tpu.memory_space<vmem>> -> memref<1x128x16xf32, #tpu.memory_space<vmem>>
        %dma_start3A_401 = tpu.memref_squeeze %dma_start3A_400 : memref<1x128x16xf32, #tpu.memory_space<vmem>> -> memref<128x16xf32, #tpu.memory_space<vmem>>
        %dma_start3A_402 = arith.constant 0 : i32
        %dma_start3A_403 = tpu.memref_slice %arg10[%dma_start3A_396, %dma_start3A_402] : memref<4x128xi32, #tpu.memory_space<vmem>> -> memref<1x128xi32, #tpu.memory_space<vmem>>
        %dma_start3A_404 = tpu.memref_squeeze %dma_start3A_403 : memref<1x128xi32, #tpu.memory_space<vmem>> -> memref<128xi32, #tpu.memory_space<vmem>>
        %dma_start3A_405 = arith.constant 0 : i32
        %dma_start3A_406 = arith.constant 0 : i32
        %dma_start3A_407 = tpu.memref_slice %arg2[%dma_start3A_405, %dma_start3A_406] : memref<102400x16xf32, #tpu.memory_space<hbm>> -> memref<102400x16xf32, #tpu.memory_space<hbm>>
        tpu.enqueue_indirect_dma source(%dma_start3A_407 : memref<102400x16xf32, #tpu.memory_space<hbm>>) target(%dma_start3A_401 : memref<128x16xf32, #tpu.memory_space<vmem>>) offsets(%dma_start3A_404 : memref<128xi32, #tpu.memory_space<vmem>>) semaphore(%arg15 : memref<!tpu.dma_semaphore, #tpu.memory_space<semaphore_mem>>)
        %dma_start3A_408 = arith.constant 2 : i32
        %dma_start3A_409 = arith.constant 2 : i32
        %dma_start3A_410 = arith.constant 0 : i32
        %dma_start3A_411 = arith.constant 0 : i32
        %dma_start3A_412 = tpu.memref_slice %arg14[%dma_start3A_409, %dma_start3A_410, %dma_start3A_411] : memref<4x128x16xf32, #tpu.memory_space<vmem>> -> memref<1x128x16xf32, #tpu.memory_space<vmem>>
        %dma_start3A_413 = tpu.memref_squeeze %dma_start3A_412 : memref<1x128x16xf32, #tpu.memory_space<vmem>> -> memref<128x16xf32, #tpu.memory_space<vmem>>
        %dma_start3A_414 = arith.constant 0 : i32
        %dma_start3A_415 = tpu.memref_slice %arg10[%dma_start3A_408, %dma_start3A_414] : memref<4x128xi32, #tpu.memory_space<vmem>> -> memref<1x128xi32, #tpu.memory_space<vmem>>
        %dma_start3A_416 = tpu.memref_squeeze %dma_start3A_415 : memref<1x128xi32, #tpu.memory_space<vmem>> -> memref<128xi32, #tpu.memory_space<vmem>>
        %dma_start3A_417 = arith.constant 0 : i32
        %dma_start3A_418 = arith.constant 0 : i32
        %dma_start3A_419 = tpu.memref_slice %arg2[%dma_start3A_417, %dma_start3A_418] : memref<102400x16xf32, #tpu.memory_space<hbm>> -> memref<102400x16xf32, #tpu.memory_space<hbm>>
        tpu.enqueue_indirect_dma source(%dma_start3A_419 : memref<102400x16xf32, #tpu.memory_space<hbm>>) target(%dma_start3A_413 : memref<128x16xf32, #tpu.memory_space<vmem>>) offsets(%dma_start3A_416 : memref<128xi32, #tpu.memory_space<vmem>>) semaphore(%arg15 : memref<!tpu.dma_semaphore, #tpu.memory_space<semaphore_mem>>)
        %dma_start3A_420 = arith.constant 3 : i32
        %dma_start3A_421 = arith.constant 3 : i32
        %dma_start3A_422 = arith.constant 0 : i32
        %dma_start3A_423 = arith.constant 0 : i32
        %dma_start3A_424 = tpu.memref_slice %arg14[%dma_start3A_421, %dma_start3A_422, %dma_start3A_423] : memref<4x128x16xf32, #tpu.memory_space<vmem>> -> memref<1x128x16xf32, #tpu.memory_space<vmem>>
        %dma_start3A_425 = tpu.memref_squeeze %dma_start3A_424 : memref<1x128x16xf32, #tpu.memory_space<vmem>> -> memref<128x16xf32, #tpu.memory_space<vmem>>
        %dma_start3A_426 = arith.constant 0 : i32
        %dma_start3A_427 = tpu.memref_slice %arg10[%dma_start3A_420, %dma_start3A_426] : memref<4x128xi32, #tpu.memory_space<vmem>> -> memref<1x128xi32, #tpu.memory_space<vmem>>
        %dma_start3A_428 = tpu.memref_squeeze %dma_start3A_427 : memref<1x128xi32, #tpu.memory_space<vmem>> -> memref<128xi32, #tpu.memory_space<vmem>>
        %dma_start3A_429 = arith.constant 0 : i32
        %dma_start3A_430 = arith.constant 0 : i32
        %dma_start3A_431 = tpu.memref_slice %arg2[%dma_start3A_429, %dma_start3A_430] : memref<102400x16xf32, #tpu.memory_space<hbm>> -> memref<102400x16xf32, #tpu.memory_space<hbm>>
        tpu.enqueue_indirect_dma source(%dma_start3A_431 : memref<102400x16xf32, #tpu.memory_space<hbm>>) target(%dma_start3A_425 : memref<128x16xf32, #tpu.memory_space<vmem>>) offsets(%dma_start3A_428 : memref<128xi32, #tpu.memory_space<vmem>>) semaphore(%arg15 : memref<!tpu.dma_semaphore, #tpu.memory_space<semaphore_mem>>)
      } else {
      }
      %mul3A_255 = arith.constant 2 : i32
      %mul3A_256 = arith.muli %mul3A_255, %while3A_141 : i32
      %add3A_257 = arith.constant 1 : i32
      %add3A_258 = arith.addi %mul3A_256, %add3A_257 : i32
      %ge3A_259 = arith.constant 1 : i32
      %ge3A_260 = arith.cmpi sge, %add3A_258, %ge3A_259 : i32
      %convert_element_type3A_261 = arith.extui %ge3A_260 : i1 to i32
      %cond3A_262 = arith.constant 0 : i32
      %cond3A_263 = arith.cmpi ne, %convert_element_type3A_261, %cond3A_262 : i32
      scf.if %cond3A_263 {
        %dma_wait3A_372 = arith.constant 0 : i32
        %dma_wait3A_373 = arith.constant 0 : i32
        %dma_wait3A_374 = arith.constant 0 : i32
        %dma_wait3A_375 = arith.constant 0 : i32
        %dma_wait3A_376 = tpu.memref_slice %arg13[%dma_wait3A_372, %dma_wait3A_374, %dma_wait3A_375] : memref<4x128x16xf32, #tpu.memory_space<vmem>> -> memref<1x128x16xf32, #tpu.memory_space<vmem>>
        %dma_wait3A_377 = tpu.memref_squeeze %dma_wait3A_376 : memref<1x128x16xf32, #tpu.memory_space<vmem>> -> memref<128x16xf32, #tpu.memory_space<vmem>>
        %dma_wait3A_378 = arith.constant 0 : i32
        %dma_wait3A_379 = tpu.memref_slice %arg11[%dma_wait3A_373, %dma_wait3A_378] : memref<4x128xi32, #tpu.memory_space<vmem>> -> memref<1x128xi32, #tpu.memory_space<vmem>>
        %dma_wait3A_380 = tpu.memref_squeeze %dma_wait3A_379 : memref<1x128xi32, #tpu.memory_space<vmem>> -> memref<128xi32, #tpu.memory_space<vmem>>
        %dma_wait3A_381 = arith.constant 0 : i32
        %dma_wait3A_382 = arith.constant 0 : i32
        %dma_wait3A_383 = tpu.memref_slice %arg8[%dma_wait3A_381, %dma_wait3A_382] : memref<102400x16xf32, #tpu.memory_space<vmem_shared>> -> memref<102400x16xf32, #tpu.memory_space<vmem_shared>>
        tpu.wait_indirect_dma semaphore(%arg16 : memref<!tpu.dma_semaphore, #tpu.memory_space<semaphore_mem>>) src(%dma_wait3A_377 : memref<128x16xf32, #tpu.memory_space<vmem>>) dst(%dma_wait3A_383 : memref<102400x16xf32, #tpu.memory_space<vmem_shared>>)
        %dma_wait3A_384 = arith.constant 1 : i32
        %dma_wait3A_385 = arith.constant 1 : i32
        %dma_wait3A_386 = arith.constant 0 : i32
        %dma_wait3A_387 = arith.constant 0 : i32
        %dma_wait3A_388 = tpu.memref_slice %arg13[%dma_wait3A_384, %dma_wait3A_386, %dma_wait3A_387] : memref<4x128x16xf32, #tpu.memory_space<vmem>> -> memref<1x128x16xf32, #tpu.memory_space<vmem>>
        %dma_wait3A_389 = tpu.memref_squeeze %dma_wait3A_388 : memref<1x128x16xf32, #tpu.memory_space<vmem>> -> memref<128x16xf32, #tpu.memory_space<vmem>>
        %dma_wait3A_390 = arith.constant 0 : i32
        %dma_wait3A_391 = tpu.memref_slice %arg11[%dma_wait3A_385, %dma_wait3A_390] : memref<4x128xi32, #tpu.memory_space<vmem>> -> memref<1x128xi32, #tpu.memory_space<vmem>>
        %dma_wait3A_392 = tpu.memref_squeeze %dma_wait3A_391 : memref<1x128xi32, #tpu.memory_space<vmem>> -> memref<128xi32, #tpu.memory_space<vmem>>
        %dma_wait3A_393 = arith.constant 0 : i32
        %dma_wait3A_394 = arith.constant 0 : i32
        %dma_wait3A_395 = tpu.memref_slice %arg8[%dma_wait3A_393, %dma_wait3A_394] : memref<102400x16xf32, #tpu.memory_space<vmem_shared>> -> memref<102400x16xf32, #tpu.memory_space<vmem_shared>>
        tpu.wait_indirect_dma semaphore(%arg16 : memref<!tpu.dma_semaphore, #tpu.memory_space<semaphore_mem>>) src(%dma_wait3A_389 : memref<128x16xf32, #tpu.memory_space<vmem>>) dst(%dma_wait3A_395 : memref<102400x16xf32, #tpu.memory_space<vmem_shared>>)
        %dma_wait3A_396 = arith.constant 2 : i32
        %dma_wait3A_397 = arith.constant 2 : i32
        %dma_wait3A_398 = arith.constant 0 : i32
        %dma_wait3A_399 = arith.constant 0 : i32
        %dma_wait3A_400 = tpu.memref_slice %arg13[%dma_wait3A_396, %dma_wait3A_398, %dma_wait3A_399] : memref<4x128x16xf32, #tpu.memory_space<vmem>> -> memref<1x128x16xf32, #tpu.memory_space<vmem>>
        %dma_wait3A_401 = tpu.memref_squeeze %dma_wait3A_400 : memref<1x128x16xf32, #tpu.memory_space<vmem>> -> memref<128x16xf32, #tpu.memory_space<vmem>>
        %dma_wait3A_402 = arith.constant 0 : i32
        %dma_wait3A_403 = tpu.memref_slice %arg11[%dma_wait3A_397, %dma_wait3A_402] : memref<4x128xi32, #tpu.memory_space<vmem>> -> memref<1x128xi32, #tpu.memory_space<vmem>>
        %dma_wait3A_404 = tpu.memref_squeeze %dma_wait3A_403 : memref<1x128xi32, #tpu.memory_space<vmem>> -> memref<128xi32, #tpu.memory_space<vmem>>
        %dma_wait3A_405 = arith.constant 0 : i32
        %dma_wait3A_406 = arith.constant 0 : i32
        %dma_wait3A_407 = tpu.memref_slice %arg8[%dma_wait3A_405, %dma_wait3A_406] : memref<102400x16xf32, #tpu.memory_space<vmem_shared>> -> memref<102400x16xf32, #tpu.memory_space<vmem_shared>>
        tpu.wait_indirect_dma semaphore(%arg16 : memref<!tpu.dma_semaphore, #tpu.memory_space<semaphore_mem>>) src(%dma_wait3A_401 : memref<128x16xf32, #tpu.memory_space<vmem>>) dst(%dma_wait3A_407 : memref<102400x16xf32, #tpu.memory_space<vmem_shared>>)
        %dma_wait3A_408 = arith.constant 3 : i32
        %dma_wait3A_409 = arith.constant 3 : i32
        %dma_wait3A_410 = arith.constant 0 : i32
        %dma_wait3A_411 = arith.constant 0 : i32
        %dma_wait3A_412 = tpu.memref_slice %arg13[%dma_wait3A_408, %dma_wait3A_410, %dma_wait3A_411] : memref<4x128x16xf32, #tpu.memory_space<vmem>> -> memref<1x128x16xf32, #tpu.memory_space<vmem>>
        %dma_wait3A_413 = tpu.memref_squeeze %dma_wait3A_412 : memref<1x128x16xf32, #tpu.memory_space<vmem>> -> memref<128x16xf32, #tpu.memory_space<vmem>>
        %dma_wait3A_414 = arith.constant 0 : i32
        %dma_wait3A_415 = tpu.memref_slice %arg11[%dma_wait3A_409, %dma_wait3A_414] : memref<4x128xi32, #tpu.memory_space<vmem>> -> memref<1x128xi32, #tpu.memory_space<vmem>>
        %dma_wait3A_416 = tpu.memref_squeeze %dma_wait3A_415 : memref<1x128xi32, #tpu.memory_space<vmem>> -> memref<128xi32, #tpu.memory_space<vmem>>
        %dma_wait3A_417 = arith.constant 0 : i32
        %dma_wait3A_418 = arith.constant 0 : i32
        %dma_wait3A_419 = tpu.memref_slice %arg8[%dma_wait3A_417, %dma_wait3A_418] : memref<102400x16xf32, #tpu.memory_space<vmem_shared>> -> memref<102400x16xf32, #tpu.memory_space<vmem_shared>>
        tpu.wait_indirect_dma semaphore(%arg16 : memref<!tpu.dma_semaphore, #tpu.memory_space<semaphore_mem>>) src(%dma_wait3A_413 : memref<128x16xf32, #tpu.memory_space<vmem>>) dst(%dma_wait3A_419 : memref<102400x16xf32, #tpu.memory_space<vmem_shared>>)
      } else {
      }
      %add3A_264 = arith.constant 1 : i32
      %add3A_265 = arith.addi %add3A_258, %add3A_264 : i32
      %lt3A_266 = arith.cmpi slt, %add3A_265, %select_n3A_10 : i32
      %convert_element_type3A_267 = arith.extui %lt3A_266 : i1 to i32
      %cond3A_268 = arith.constant 0 : i32
      %cond3A_269 = arith.cmpi ne, %convert_element_type3A_267, %cond3A_268 : i32
      scf.if %cond3A_269 {
        %add3A_372 = arith.constant 1 : i32
        %add3A_373 = arith.addi %add3A_258, %add3A_372 : i32
        %mul3A_374 = arith.constant 4 : i32
        %mul3A_375 = arith.muli %add3A_373, %mul3A_374 : i32
        %add3A_376 = arith.addi %select_n3A, %mul3A_375 : i32
        %dma_start3A_377 = arith.constant 0 : i32
        %dma_start3A_378 = tpu.memref_slice %arg3[%add3A_376, %dma_start3A_377] : memref<25600x128xi32, #tpu.memory_space<hbm>> -> memref<4x128xi32, #tpu.memory_space<hbm>>
        %dma_start3A_379 = arith.constant 0 : i32
        %dma_start3A_380 = tpu.memref_slice %arg3[%add3A_376, %dma_start3A_379] : memref<25600x128xi32, #tpu.memory_space<hbm>> -> memref<4x128xi32, #tpu.memory_space<hbm>>
        tpu.enqueue_dma source(%dma_start3A_380 : memref<4x128xi32, #tpu.memory_space<hbm>>) target(%arg9 : memref<4x128xi32, #tpu.memory_space<vmem>>) target_semaphore(%arg17 : memref<!tpu.dma_semaphore, #tpu.memory_space<semaphore_mem>>)
        %dma_start3A_381 = arith.constant 0 : i32
        %dma_start3A_382 = tpu.memref_slice %arg4[%add3A_376, %dma_start3A_381] : memref<25600x128xi32, #tpu.memory_space<hbm>> -> memref<4x128xi32, #tpu.memory_space<hbm>>
        %dma_start3A_383 = arith.constant 0 : i32
        %dma_start3A_384 = tpu.memref_slice %arg4[%add3A_376, %dma_start3A_383] : memref<25600x128xi32, #tpu.memory_space<hbm>> -> memref<4x128xi32, #tpu.memory_space<hbm>>
        tpu.enqueue_dma source(%dma_start3A_384 : memref<4x128xi32, #tpu.memory_space<hbm>>) target(%arg11 : memref<4x128xi32, #tpu.memory_space<vmem>>) target_semaphore(%arg17 : memref<!tpu.dma_semaphore, #tpu.memory_space<semaphore_mem>>)
      } else {
      }
      %dma_wait3A_270 = arith.constant 0 : i32
      %dma_wait3A_271 = arith.constant 0 : i32
      %dma_wait3A_272 = arith.constant 0 : i32
      %dma_wait3A_273 = arith.constant 0 : i32
      %dma_wait3A_274 = tpu.memref_slice %arg14[%dma_wait3A_271, %dma_wait3A_272, %dma_wait3A_273] : memref<4x128x16xf32, #tpu.memory_space<vmem>> -> memref<1x128x16xf32, #tpu.memory_space<vmem>>
      %dma_wait3A_275 = tpu.memref_squeeze %dma_wait3A_274 : memref<1x128x16xf32, #tpu.memory_space<vmem>> -> memref<128x16xf32, #tpu.memory_space<vmem>>
      %dma_wait3A_276 = arith.constant 0 : i32
      %dma_wait3A_277 = tpu.memref_slice %arg10[%dma_wait3A_270, %dma_wait3A_276] : memref<4x128xi32, #tpu.memory_space<vmem>> -> memref<1x128xi32, #tpu.memory_space<vmem>>
      %dma_wait3A_278 = tpu.memref_squeeze %dma_wait3A_277 : memref<1x128xi32, #tpu.memory_space<vmem>> -> memref<128xi32, #tpu.memory_space<vmem>>
      %dma_wait3A_279 = arith.constant 0 : i32
      %dma_wait3A_280 = arith.constant 0 : i32
      %dma_wait3A_281 = tpu.memref_slice %arg2[%dma_wait3A_279, %dma_wait3A_280] : memref<102400x16xf32, #tpu.memory_space<hbm>> -> memref<102400x16xf32, #tpu.memory_space<hbm>>
      tpu.wait_indirect_dma semaphore(%arg15 : memref<!tpu.dma_semaphore, #tpu.memory_space<semaphore_mem>>) src(%dma_wait3A_281 : memref<102400x16xf32, #tpu.memory_space<hbm>>) dst(%dma_wait3A_275 : memref<128x16xf32, #tpu.memory_space<vmem>>)
      %dma_wait3A_282 = arith.constant 1 : i32
      %dma_wait3A_283 = arith.constant 1 : i32
      %dma_wait3A_284 = arith.constant 0 : i32
      %dma_wait3A_285 = arith.constant 0 : i32
      %dma_wait3A_286 = tpu.memref_slice %arg14[%dma_wait3A_283, %dma_wait3A_284, %dma_wait3A_285] : memref<4x128x16xf32, #tpu.memory_space<vmem>> -> memref<1x128x16xf32, #tpu.memory_space<vmem>>
      %dma_wait3A_287 = tpu.memref_squeeze %dma_wait3A_286 : memref<1x128x16xf32, #tpu.memory_space<vmem>> -> memref<128x16xf32, #tpu.memory_space<vmem>>
      %dma_wait3A_288 = arith.constant 0 : i32
      %dma_wait3A_289 = tpu.memref_slice %arg10[%dma_wait3A_282, %dma_wait3A_288] : memref<4x128xi32, #tpu.memory_space<vmem>> -> memref<1x128xi32, #tpu.memory_space<vmem>>
      %dma_wait3A_290 = tpu.memref_squeeze %dma_wait3A_289 : memref<1x128xi32, #tpu.memory_space<vmem>> -> memref<128xi32, #tpu.memory_space<vmem>>
      %dma_wait3A_291 = arith.constant 0 : i32
      %dma_wait3A_292 = arith.constant 0 : i32
      %dma_wait3A_293 = tpu.memref_slice %arg2[%dma_wait3A_291, %dma_wait3A_292] : memref<102400x16xf32, #tpu.memory_space<hbm>> -> memref<102400x16xf32, #tpu.memory_space<hbm>>
      tpu.wait_indirect_dma semaphore(%arg15 : memref<!tpu.dma_semaphore, #tpu.memory_space<semaphore_mem>>) src(%dma_wait3A_293 : memref<102400x16xf32, #tpu.memory_space<hbm>>) dst(%dma_wait3A_287 : memref<128x16xf32, #tpu.memory_space<vmem>>)
      %dma_wait3A_294 = arith.constant 2 : i32
      %dma_wait3A_295 = arith.constant 2 : i32
      %dma_wait3A_296 = arith.constant 0 : i32
      %dma_wait3A_297 = arith.constant 0 : i32
      %dma_wait3A_298 = tpu.memref_slice %arg14[%dma_wait3A_295, %dma_wait3A_296, %dma_wait3A_297] : memref<4x128x16xf32, #tpu.memory_space<vmem>> -> memref<1x128x16xf32, #tpu.memory_space<vmem>>
      %dma_wait3A_299 = tpu.memref_squeeze %dma_wait3A_298 : memref<1x128x16xf32, #tpu.memory_space<vmem>> -> memref<128x16xf32, #tpu.memory_space<vmem>>
      %dma_wait3A_300 = arith.constant 0 : i32
      %dma_wait3A_301 = tpu.memref_slice %arg10[%dma_wait3A_294, %dma_wait3A_300] : memref<4x128xi32, #tpu.memory_space<vmem>> -> memref<1x128xi32, #tpu.memory_space<vmem>>
      %dma_wait3A_302 = tpu.memref_squeeze %dma_wait3A_301 : memref<1x128xi32, #tpu.memory_space<vmem>> -> memref<128xi32, #tpu.memory_space<vmem>>
      %dma_wait3A_303 = arith.constant 0 : i32
      %dma_wait3A_304 = arith.constant 0 : i32
      %dma_wait3A_305 = tpu.memref_slice %arg2[%dma_wait3A_303, %dma_wait3A_304] : memref<102400x16xf32, #tpu.memory_space<hbm>> -> memref<102400x16xf32, #tpu.memory_space<hbm>>
      tpu.wait_indirect_dma semaphore(%arg15 : memref<!tpu.dma_semaphore, #tpu.memory_space<semaphore_mem>>) src(%dma_wait3A_305 : memref<102400x16xf32, #tpu.memory_space<hbm>>) dst(%dma_wait3A_299 : memref<128x16xf32, #tpu.memory_space<vmem>>)
      %dma_wait3A_306 = arith.constant 3 : i32
      %dma_wait3A_307 = arith.constant 3 : i32
      %dma_wait3A_308 = arith.constant 0 : i32
      %dma_wait3A_309 = arith.constant 0 : i32
      %dma_wait3A_310 = tpu.memref_slice %arg14[%dma_wait3A_307, %dma_wait3A_308, %dma_wait3A_309] : memref<4x128x16xf32, #tpu.memory_space<vmem>> -> memref<1x128x16xf32, #tpu.memory_space<vmem>>
      %dma_wait3A_311 = tpu.memref_squeeze %dma_wait3A_310 : memref<1x128x16xf32, #tpu.memory_space<vmem>> -> memref<128x16xf32, #tpu.memory_space<vmem>>
      %dma_wait3A_312 = arith.constant 0 : i32
      %dma_wait3A_313 = tpu.memref_slice %arg10[%dma_wait3A_306, %dma_wait3A_312] : memref<4x128xi32, #tpu.memory_space<vmem>> -> memref<1x128xi32, #tpu.memory_space<vmem>>
      %dma_wait3A_314 = tpu.memref_squeeze %dma_wait3A_313 : memref<1x128xi32, #tpu.memory_space<vmem>> -> memref<128xi32, #tpu.memory_space<vmem>>
      %dma_wait3A_315 = arith.constant 0 : i32
      %dma_wait3A_316 = arith.constant 0 : i32
      %dma_wait3A_317 = tpu.memref_slice %arg2[%dma_wait3A_315, %dma_wait3A_316] : memref<102400x16xf32, #tpu.memory_space<hbm>> -> memref<102400x16xf32, #tpu.memory_space<hbm>>
      tpu.wait_indirect_dma semaphore(%arg15 : memref<!tpu.dma_semaphore, #tpu.memory_space<semaphore_mem>>) src(%dma_wait3A_317 : memref<102400x16xf32, #tpu.memory_space<hbm>>) dst(%dma_wait3A_311 : memref<128x16xf32, #tpu.memory_space<vmem>>)
      %dma_start3A_318 = arith.constant 0 : i32
      %dma_start3A_319 = arith.constant 0 : i32
      %dma_start3A_320 = arith.constant 0 : i32
      %dma_start3A_321 = arith.constant 0 : i32
      %dma_start3A_322 = tpu.memref_slice %arg14[%dma_start3A_318, %dma_start3A_320, %dma_start3A_321] : memref<4x128x16xf32, #tpu.memory_space<vmem>> -> memref<1x128x16xf32, #tpu.memory_space<vmem>>
      %dma_start3A_323 = tpu.memref_squeeze %dma_start3A_322 : memref<1x128x16xf32, #tpu.memory_space<vmem>> -> memref<128x16xf32, #tpu.memory_space<vmem>>
      %dma_start3A_324 = arith.constant 0 : i32
      %dma_start3A_325 = tpu.memref_slice %arg12[%dma_start3A_319, %dma_start3A_324] : memref<4x128xi32, #tpu.memory_space<vmem>> -> memref<1x128xi32, #tpu.memory_space<vmem>>
      %dma_start3A_326 = tpu.memref_squeeze %dma_start3A_325 : memref<1x128xi32, #tpu.memory_space<vmem>> -> memref<128xi32, #tpu.memory_space<vmem>>
      %dma_start3A_327 = arith.constant 0 : i32
      %dma_start3A_328 = arith.constant 0 : i32
      %dma_start3A_329 = tpu.memref_slice %arg8[%dma_start3A_327, %dma_start3A_328] : memref<102400x16xf32, #tpu.memory_space<vmem_shared>> -> memref<102400x16xf32, #tpu.memory_space<vmem_shared>>
      tpu.enqueue_indirect_dma source(%dma_start3A_323 : memref<128x16xf32, #tpu.memory_space<vmem>>) target(%dma_start3A_329 : memref<102400x16xf32, #tpu.memory_space<vmem_shared>>) offsets(%dma_start3A_326 : memref<128xi32, #tpu.memory_space<vmem>>) semaphore(%arg16 : memref<!tpu.dma_semaphore, #tpu.memory_space<semaphore_mem>>) {add = true}
      %dma_start3A_330 = arith.constant 1 : i32
      %dma_start3A_331 = arith.constant 1 : i32
      %dma_start3A_332 = arith.constant 0 : i32
      %dma_start3A_333 = arith.constant 0 : i32
      %dma_start3A_334 = tpu.memref_slice %arg14[%dma_start3A_330, %dma_start3A_332, %dma_start3A_333] : memref<4x128x16xf32, #tpu.memory_space<vmem>> -> memref<1x128x16xf32, #tpu.memory_space<vmem>>
      %dma_start3A_335 = tpu.memref_squeeze %dma_start3A_334 : memref<1x128x16xf32, #tpu.memory_space<vmem>> -> memref<128x16xf32, #tpu.memory_space<vmem>>
      %dma_start3A_336 = arith.constant 0 : i32
      %dma_start3A_337 = tpu.memref_slice %arg12[%dma_start3A_331, %dma_start3A_336] : memref<4x128xi32, #tpu.memory_space<vmem>> -> memref<1x128xi32, #tpu.memory_space<vmem>>
      %dma_start3A_338 = tpu.memref_squeeze %dma_start3A_337 : memref<1x128xi32, #tpu.memory_space<vmem>> -> memref<128xi32, #tpu.memory_space<vmem>>
      %dma_start3A_339 = arith.constant 0 : i32
      %dma_start3A_340 = arith.constant 0 : i32
      %dma_start3A_341 = tpu.memref_slice %arg8[%dma_start3A_339, %dma_start3A_340] : memref<102400x16xf32, #tpu.memory_space<vmem_shared>> -> memref<102400x16xf32, #tpu.memory_space<vmem_shared>>
      tpu.enqueue_indirect_dma source(%dma_start3A_335 : memref<128x16xf32, #tpu.memory_space<vmem>>) target(%dma_start3A_341 : memref<102400x16xf32, #tpu.memory_space<vmem_shared>>) offsets(%dma_start3A_338 : memref<128xi32, #tpu.memory_space<vmem>>) semaphore(%arg16 : memref<!tpu.dma_semaphore, #tpu.memory_space<semaphore_mem>>) {add = true}
      %dma_start3A_342 = arith.constant 2 : i32
      %dma_start3A_343 = arith.constant 2 : i32
      %dma_start3A_344 = arith.constant 0 : i32
      %dma_start3A_345 = arith.constant 0 : i32
      %dma_start3A_346 = tpu.memref_slice %arg14[%dma_start3A_342, %dma_start3A_344, %dma_start3A_345] : memref<4x128x16xf32, #tpu.memory_space<vmem>> -> memref<1x128x16xf32, #tpu.memory_space<vmem>>
      %dma_start3A_347 = tpu.memref_squeeze %dma_start3A_346 : memref<1x128x16xf32, #tpu.memory_space<vmem>> -> memref<128x16xf32, #tpu.memory_space<vmem>>
      %dma_start3A_348 = arith.constant 0 : i32
      %dma_start3A_349 = tpu.memref_slice %arg12[%dma_start3A_343, %dma_start3A_348] : memref<4x128xi32, #tpu.memory_space<vmem>> -> memref<1x128xi32, #tpu.memory_space<vmem>>
      %dma_start3A_350 = tpu.memref_squeeze %dma_start3A_349 : memref<1x128xi32, #tpu.memory_space<vmem>> -> memref<128xi32, #tpu.memory_space<vmem>>
      %dma_start3A_351 = arith.constant 0 : i32
      %dma_start3A_352 = arith.constant 0 : i32
      %dma_start3A_353 = tpu.memref_slice %arg8[%dma_start3A_351, %dma_start3A_352] : memref<102400x16xf32, #tpu.memory_space<vmem_shared>> -> memref<102400x16xf32, #tpu.memory_space<vmem_shared>>
      tpu.enqueue_indirect_dma source(%dma_start3A_347 : memref<128x16xf32, #tpu.memory_space<vmem>>) target(%dma_start3A_353 : memref<102400x16xf32, #tpu.memory_space<vmem_shared>>) offsets(%dma_start3A_350 : memref<128xi32, #tpu.memory_space<vmem>>) semaphore(%arg16 : memref<!tpu.dma_semaphore, #tpu.memory_space<semaphore_mem>>) {add = true}
      %dma_start3A_354 = arith.constant 3 : i32
      %dma_start3A_355 = arith.constant 3 : i32
      %dma_start3A_356 = arith.constant 0 : i32
      %dma_start3A_357 = arith.constant 0 : i32
      %dma_start3A_358 = tpu.memref_slice %arg14[%dma_start3A_354, %dma_start3A_356, %dma_start3A_357] : memref<4x128x16xf32, #tpu.memory_space<vmem>> -> memref<1x128x16xf32, #tpu.memory_space<vmem>>
      %dma_start3A_359 = tpu.memref_squeeze %dma_start3A_358 : memref<1x128x16xf32, #tpu.memory_space<vmem>> -> memref<128x16xf32, #tpu.memory_space<vmem>>
      %dma_start3A_360 = arith.constant 0 : i32
      %dma_start3A_361 = tpu.memref_slice %arg12[%dma_start3A_355, %dma_start3A_360] : memref<4x128xi32, #tpu.memory_space<vmem>> -> memref<1x128xi32, #tpu.memory_space<vmem>>
      %dma_start3A_362 = tpu.memref_squeeze %dma_start3A_361 : memref<1x128xi32, #tpu.memory_space<vmem>> -> memref<128xi32, #tpu.memory_space<vmem>>
      %dma_start3A_363 = arith.constant 0 : i32
      %dma_start3A_364 = arith.constant 0 : i32
      %dma_start3A_365 = tpu.memref_slice %arg8[%dma_start3A_363, %dma_start3A_364] : memref<102400x16xf32, #tpu.memory_space<vmem_shared>> -> memref<102400x16xf32, #tpu.memory_space<vmem_shared>>
      tpu.enqueue_indirect_dma source(%dma_start3A_359 : memref<128x16xf32, #tpu.memory_space<vmem>>) target(%dma_start3A_365 : memref<102400x16xf32, #tpu.memory_space<vmem_shared>>) offsets(%dma_start3A_362 : memref<128xi32, #tpu.memory_space<vmem>>) semaphore(%arg16 : memref<!tpu.dma_semaphore, #tpu.memory_space<semaphore_mem>>) {add = true}
      %add3A_366 = arith.constant 1 : i32
      %add3A_367 = arith.addi %add3A_258, %add3A_366 : i32
      %lt3A_368 = arith.cmpi slt, %add3A_367, %select_n3A_10 : i32
      %convert_element_type3A_369 = arith.extui %lt3A_368 : i1 to i32
      %cond3A_370 = arith.constant 0 : i32
      %cond3A_371 = arith.cmpi ne, %convert_element_type3A_369, %cond3A_370 : i32
      scf.if %cond3A_371 {
        %dma_wait3A_372 = arith.constant 0 : i32
        %dma_wait3A_373 = arith.constant 0 : i32
        %dma_wait3A_374 = tpu.memref_slice %arg3[%dma_wait3A_372, %dma_wait3A_373] : memref<25600x128xi32, #tpu.memory_space<hbm>> -> memref<4x128xi32, #tpu.memory_space<hbm>>
        %dma_wait3A_375 = arith.constant 0 : i32
        %dma_wait3A_376 = arith.constant 0 : i32
        %dma_wait3A_377 = tpu.memref_slice %arg3[%dma_wait3A_375, %dma_wait3A_376] : memref<25600x128xi32, #tpu.memory_space<hbm>> -> memref<4x128xi32, #tpu.memory_space<hbm>>
        tpu.wait_dma2 semaphore(%arg17 : memref<!tpu.dma_semaphore, #tpu.memory_space<semaphore_mem>>) src(%dma_wait3A_377 : memref<4x128xi32, #tpu.memory_space<hbm>>) dst(%arg9 : memref<4x128xi32, #tpu.memory_space<vmem>>)
        %dma_wait3A_378 = arith.constant 0 : i32
        %dma_wait3A_379 = arith.constant 0 : i32
        %dma_wait3A_380 = tpu.memref_slice %arg4[%dma_wait3A_378, %dma_wait3A_379] : memref<25600x128xi32, #tpu.memory_space<hbm>> -> memref<4x128xi32, #tpu.memory_space<hbm>>
        %dma_wait3A_381 = arith.constant 0 : i32
        %dma_wait3A_382 = arith.constant 0 : i32
        %dma_wait3A_383 = tpu.memref_slice %arg4[%dma_wait3A_381, %dma_wait3A_382] : memref<25600x128xi32, #tpu.memory_space<hbm>> -> memref<4x128xi32, #tpu.memory_space<hbm>>
        tpu.wait_dma2 semaphore(%arg17 : memref<!tpu.dma_semaphore, #tpu.memory_space<semaphore_mem>>) src(%dma_wait3A_383 : memref<4x128xi32, #tpu.memory_space<hbm>>) dst(%arg11 : memref<4x128xi32, #tpu.memory_space<vmem>>)
        %dma_start3A_384 = arith.constant 0 : i32
        %dma_start3A_385 = arith.constant 0 : i32
        %dma_start3A_386 = arith.constant 0 : i32
        %dma_start3A_387 = arith.constant 0 : i32
        %dma_start3A_388 = tpu.memref_slice %arg13[%dma_start3A_385, %dma_start3A_386, %dma_start3A_387] : memref<4x128x16xf32, #tpu.memory_space<vmem>> -> memref<1x128x16xf32, #tpu.memory_space<vmem>>
        %dma_start3A_389 = tpu.memref_squeeze %dma_start3A_388 : memref<1x128x16xf32, #tpu.memory_space<vmem>> -> memref<128x16xf32, #tpu.memory_space<vmem>>
        %dma_start3A_390 = arith.constant 0 : i32
        %dma_start3A_391 = tpu.memref_slice %arg9[%dma_start3A_384, %dma_start3A_390] : memref<4x128xi32, #tpu.memory_space<vmem>> -> memref<1x128xi32, #tpu.memory_space<vmem>>
        %dma_start3A_392 = tpu.memref_squeeze %dma_start3A_391 : memref<1x128xi32, #tpu.memory_space<vmem>> -> memref<128xi32, #tpu.memory_space<vmem>>
        %dma_start3A_393 = arith.constant 0 : i32
        %dma_start3A_394 = arith.constant 0 : i32
        %dma_start3A_395 = tpu.memref_slice %arg2[%dma_start3A_393, %dma_start3A_394] : memref<102400x16xf32, #tpu.memory_space<hbm>> -> memref<102400x16xf32, #tpu.memory_space<hbm>>
        tpu.enqueue_indirect_dma source(%dma_start3A_395 : memref<102400x16xf32, #tpu.memory_space<hbm>>) target(%dma_start3A_389 : memref<128x16xf32, #tpu.memory_space<vmem>>) offsets(%dma_start3A_392 : memref<128xi32, #tpu.memory_space<vmem>>) semaphore(%arg15 : memref<!tpu.dma_semaphore, #tpu.memory_space<semaphore_mem>>)
        %dma_start3A_396 = arith.constant 1 : i32
        %dma_start3A_397 = arith.constant 1 : i32
        %dma_start3A_398 = arith.constant 0 : i32
        %dma_start3A_399 = arith.constant 0 : i32
        %dma_start3A_400 = tpu.memref_slice %arg13[%dma_start3A_397, %dma_start3A_398, %dma_start3A_399] : memref<4x128x16xf32, #tpu.memory_space<vmem>> -> memref<1x128x16xf32, #tpu.memory_space<vmem>>
        %dma_start3A_401 = tpu.memref_squeeze %dma_start3A_400 : memref<1x128x16xf32, #tpu.memory_space<vmem>> -> memref<128x16xf32, #tpu.memory_space<vmem>>
        %dma_start3A_402 = arith.constant 0 : i32
        %dma_start3A_403 = tpu.memref_slice %arg9[%dma_start3A_396, %dma_start3A_402] : memref<4x128xi32, #tpu.memory_space<vmem>> -> memref<1x128xi32, #tpu.memory_space<vmem>>
        %dma_start3A_404 = tpu.memref_squeeze %dma_start3A_403 : memref<1x128xi32, #tpu.memory_space<vmem>> -> memref<128xi32, #tpu.memory_space<vmem>>
        %dma_start3A_405 = arith.constant 0 : i32
        %dma_start3A_406 = arith.constant 0 : i32
        %dma_start3A_407 = tpu.memref_slice %arg2[%dma_start3A_405, %dma_start3A_406] : memref<102400x16xf32, #tpu.memory_space<hbm>> -> memref<102400x16xf32, #tpu.memory_space<hbm>>
        tpu.enqueue_indirect_dma source(%dma_start3A_407 : memref<102400x16xf32, #tpu.memory_space<hbm>>) target(%dma_start3A_401 : memref<128x16xf32, #tpu.memory_space<vmem>>) offsets(%dma_start3A_404 : memref<128xi32, #tpu.memory_space<vmem>>) semaphore(%arg15 : memref<!tpu.dma_semaphore, #tpu.memory_space<semaphore_mem>>)
        %dma_start3A_408 = arith.constant 2 : i32
        %dma_start3A_409 = arith.constant 2 : i32
        %dma_start3A_410 = arith.constant 0 : i32
        %dma_start3A_411 = arith.constant 0 : i32
        %dma_start3A_412 = tpu.memref_slice %arg13[%dma_start3A_409, %dma_start3A_410, %dma_start3A_411] : memref<4x128x16xf32, #tpu.memory_space<vmem>> -> memref<1x128x16xf32, #tpu.memory_space<vmem>>
        %dma_start3A_413 = tpu.memref_squeeze %dma_start3A_412 : memref<1x128x16xf32, #tpu.memory_space<vmem>> -> memref<128x16xf32, #tpu.memory_space<vmem>>
        %dma_start3A_414 = arith.constant 0 : i32
        %dma_start3A_415 = tpu.memref_slice %arg9[%dma_start3A_408, %dma_start3A_414] : memref<4x128xi32, #tpu.memory_space<vmem>> -> memref<1x128xi32, #tpu.memory_space<vmem>>
        %dma_start3A_416 = tpu.memref_squeeze %dma_start3A_415 : memref<1x128xi32, #tpu.memory_space<vmem>> -> memref<128xi32, #tpu.memory_space<vmem>>
        %dma_start3A_417 = arith.constant 0 : i32
        %dma_start3A_418 = arith.constant 0 : i32
        %dma_start3A_419 = tpu.memref_slice %arg2[%dma_start3A_417, %dma_start3A_418] : memref<102400x16xf32, #tpu.memory_space<hbm>> -> memref<102400x16xf32, #tpu.memory_space<hbm>>
        tpu.enqueue_indirect_dma source(%dma_start3A_419 : memref<102400x16xf32, #tpu.memory_space<hbm>>) target(%dma_start3A_413 : memref<128x16xf32, #tpu.memory_space<vmem>>) offsets(%dma_start3A_416 : memref<128xi32, #tpu.memory_space<vmem>>) semaphore(%arg15 : memref<!tpu.dma_semaphore, #tpu.memory_space<semaphore_mem>>)
        %dma_start3A_420 = arith.constant 3 : i32
        %dma_start3A_421 = arith.constant 3 : i32
        %dma_start3A_422 = arith.constant 0 : i32
        %dma_start3A_423 = arith.constant 0 : i32
        %dma_start3A_424 = tpu.memref_slice %arg13[%dma_start3A_421, %dma_start3A_422, %dma_start3A_423] : memref<4x128x16xf32, #tpu.memory_space<vmem>> -> memref<1x128x16xf32, #tpu.memory_space<vmem>>
        %dma_start3A_425 = tpu.memref_squeeze %dma_start3A_424 : memref<1x128x16xf32, #tpu.memory_space<vmem>> -> memref<128x16xf32, #tpu.memory_space<vmem>>
        %dma_start3A_426 = arith.constant 0 : i32
        %dma_start3A_427 = tpu.memref_slice %arg9[%dma_start3A_420, %dma_start3A_426] : memref<4x128xi32, #tpu.memory_space<vmem>> -> memref<1x128xi32, #tpu.memory_space<vmem>>
        %dma_start3A_428 = tpu.memref_squeeze %dma_start3A_427 : memref<1x128xi32, #tpu.memory_space<vmem>> -> memref<128xi32, #tpu.memory_space<vmem>>
        %dma_start3A_429 = arith.constant 0 : i32
        %dma_start3A_430 = arith.constant 0 : i32
        %dma_start3A_431 = tpu.memref_slice %arg2[%dma_start3A_429, %dma_start3A_430] : memref<102400x16xf32, #tpu.memory_space<hbm>> -> memref<102400x16xf32, #tpu.memory_space<hbm>>
        tpu.enqueue_indirect_dma source(%dma_start3A_431 : memref<102400x16xf32, #tpu.memory_space<hbm>>) target(%dma_start3A_425 : memref<128x16xf32, #tpu.memory_space<vmem>>) offsets(%dma_start3A_428 : memref<128xi32, #tpu.memory_space<vmem>>) semaphore(%arg15 : memref<!tpu.dma_semaphore, #tpu.memory_space<semaphore_mem>>)
      } else {
      }
    }
    %dma_wait3A = arith.constant 0 : i32
    %dma_wait3A_85 = arith.constant 0 : i32
    %dma_wait3A_86 = arith.constant 0 : i32
    %dma_wait3A_87 = arith.constant 0 : i32
    %dma_wait3A_88 = tpu.memref_slice %arg14[%dma_wait3A, %dma_wait3A_86, %dma_wait3A_87] : memref<4x128x16xf32, #tpu.memory_space<vmem>> -> memref<1x128x16xf32, #tpu.memory_space<vmem>>
    %dma_wait3A_89 = tpu.memref_squeeze %dma_wait3A_88 : memref<1x128x16xf32, #tpu.memory_space<vmem>> -> memref<128x16xf32, #tpu.memory_space<vmem>>
    %dma_wait3A_90 = arith.constant 0 : i32
    %dma_wait3A_91 = tpu.memref_slice %arg12[%dma_wait3A_85, %dma_wait3A_90] : memref<4x128xi32, #tpu.memory_space<vmem>> -> memref<1x128xi32, #tpu.memory_space<vmem>>
    %dma_wait3A_92 = tpu.memref_squeeze %dma_wait3A_91 : memref<1x128xi32, #tpu.memory_space<vmem>> -> memref<128xi32, #tpu.memory_space<vmem>>
    %dma_wait3A_93 = arith.constant 0 : i32
    %dma_wait3A_94 = arith.constant 0 : i32
    %dma_wait3A_95 = tpu.memref_slice %arg8[%dma_wait3A_93, %dma_wait3A_94] : memref<102400x16xf32, #tpu.memory_space<vmem_shared>> -> memref<102400x16xf32, #tpu.memory_space<vmem_shared>>
    tpu.wait_indirect_dma semaphore(%arg16 : memref<!tpu.dma_semaphore, #tpu.memory_space<semaphore_mem>>) src(%dma_wait3A_89 : memref<128x16xf32, #tpu.memory_space<vmem>>) dst(%dma_wait3A_95 : memref<102400x16xf32, #tpu.memory_space<vmem_shared>>)
    %dma_wait3A_96 = arith.constant 1 : i32
    %dma_wait3A_97 = arith.constant 1 : i32
    %dma_wait3A_98 = arith.constant 0 : i32
    %dma_wait3A_99 = arith.constant 0 : i32
    %dma_wait3A_100 = tpu.memref_slice %arg14[%dma_wait3A_96, %dma_wait3A_98, %dma_wait3A_99] : memref<4x128x16xf32, #tpu.memory_space<vmem>> -> memref<1x128x16xf32, #tpu.memory_space<vmem>>
    %dma_wait3A_101 = tpu.memref_squeeze %dma_wait3A_100 : memref<1x128x16xf32, #tpu.memory_space<vmem>> -> memref<128x16xf32, #tpu.memory_space<vmem>>
    %dma_wait3A_102 = arith.constant 0 : i32
    %dma_wait3A_103 = tpu.memref_slice %arg12[%dma_wait3A_97, %dma_wait3A_102] : memref<4x128xi32, #tpu.memory_space<vmem>> -> memref<1x128xi32, #tpu.memory_space<vmem>>
    %dma_wait3A_104 = tpu.memref_squeeze %dma_wait3A_103 : memref<1x128xi32, #tpu.memory_space<vmem>> -> memref<128xi32, #tpu.memory_space<vmem>>
    %dma_wait3A_105 = arith.constant 0 : i32
    %dma_wait3A_106 = arith.constant 0 : i32
    %dma_wait3A_107 = tpu.memref_slice %arg8[%dma_wait3A_105, %dma_wait3A_106] : memref<102400x16xf32, #tpu.memory_space<vmem_shared>> -> memref<102400x16xf32, #tpu.memory_space<vmem_shared>>
    tpu.wait_indirect_dma semaphore(%arg16 : memref<!tpu.dma_semaphore, #tpu.memory_space<semaphore_mem>>) src(%dma_wait3A_101 : memref<128x16xf32, #tpu.memory_space<vmem>>) dst(%dma_wait3A_107 : memref<102400x16xf32, #tpu.memory_space<vmem_shared>>)
    %dma_wait3A_108 = arith.constant 2 : i32
    %dma_wait3A_109 = arith.constant 2 : i32
    %dma_wait3A_110 = arith.constant 0 : i32
    %dma_wait3A_111 = arith.constant 0 : i32
    %dma_wait3A_112 = tpu.memref_slice %arg14[%dma_wait3A_108, %dma_wait3A_110, %dma_wait3A_111] : memref<4x128x16xf32, #tpu.memory_space<vmem>> -> memref<1x128x16xf32, #tpu.memory_space<vmem>>
    %dma_wait3A_113 = tpu.memref_squeeze %dma_wait3A_112 : memref<1x128x16xf32, #tpu.memory_space<vmem>> -> memref<128x16xf32, #tpu.memory_space<vmem>>
    %dma_wait3A_114 = arith.constant 0 : i32
    %dma_wait3A_115 = tpu.memref_slice %arg12[%dma_wait3A_109, %dma_wait3A_114] : memref<4x128xi32, #tpu.memory_space<vmem>> -> memref<1x128xi32, #tpu.memory_space<vmem>>
    %dma_wait3A_116 = tpu.memref_squeeze %dma_wait3A_115 : memref<1x128xi32, #tpu.memory_space<vmem>> -> memref<128xi32, #tpu.memory_space<vmem>>
    %dma_wait3A_117 = arith.constant 0 : i32
    %dma_wait3A_118 = arith.constant 0 : i32
    %dma_wait3A_119 = tpu.memref_slice %arg8[%dma_wait3A_117, %dma_wait3A_118] : memref<102400x16xf32, #tpu.memory_space<vmem_shared>> -> memref<102400x16xf32, #tpu.memory_space<vmem_shared>>
    tpu.wait_indirect_dma semaphore(%arg16 : memref<!tpu.dma_semaphore, #tpu.memory_space<semaphore_mem>>) src(%dma_wait3A_113 : memref<128x16xf32, #tpu.memory_space<vmem>>) dst(%dma_wait3A_119 : memref<102400x16xf32, #tpu.memory_space<vmem_shared>>)
    %dma_wait3A_120 = arith.constant 3 : i32
    %dma_wait3A_121 = arith.constant 3 : i32
    %dma_wait3A_122 = arith.constant 0 : i32
    %dma_wait3A_123 = arith.constant 0 : i32
    %dma_wait3A_124 = tpu.memref_slice %arg14[%dma_wait3A_120, %dma_wait3A_122, %dma_wait3A_123] : memref<4x128x16xf32, #tpu.memory_space<vmem>> -> memref<1x128x16xf32, #tpu.memory_space<vmem>>
    %dma_wait3A_125 = tpu.memref_squeeze %dma_wait3A_124 : memref<1x128x16xf32, #tpu.memory_space<vmem>> -> memref<128x16xf32, #tpu.memory_space<vmem>>
    %dma_wait3A_126 = arith.constant 0 : i32
    %dma_wait3A_127 = tpu.memref_slice %arg12[%dma_wait3A_121, %dma_wait3A_126] : memref<4x128xi32, #tpu.memory_space<vmem>> -> memref<1x128xi32, #tpu.memory_space<vmem>>
    %dma_wait3A_128 = tpu.memref_squeeze %dma_wait3A_127 : memref<1x128xi32, #tpu.memory_space<vmem>> -> memref<128xi32, #tpu.memory_space<vmem>>
    %dma_wait3A_129 = arith.constant 0 : i32
    %dma_wait3A_130 = arith.constant 0 : i32
    %dma_wait3A_131 = tpu.memref_slice %arg8[%dma_wait3A_129, %dma_wait3A_130] : memref<102400x16xf32, #tpu.memory_space<vmem_shared>> -> memref<102400x16xf32, #tpu.memory_space<vmem_shared>>
    tpu.wait_indirect_dma semaphore(%arg16 : memref<!tpu.dma_semaphore, #tpu.memory_space<semaphore_mem>>) src(%dma_wait3A_125 : memref<128x16xf32, #tpu.memory_space<vmem>>) dst(%dma_wait3A_131 : memref<102400x16xf32, #tpu.memory_space<vmem_shared>>)
    %barrier3A_132 = arith.constant 0 : index
    tpu.barrier barrier_id(%barrier3A_132)
    %eq3A_133 = arith.constant 0 : i32
    %eq3A_134 = arith.cmpi eq, %arg0, %eq3A_133 : i32
    %convert_element_type3A = arith.extui %eq3A_134 : i1 to i32
    %cond3A = arith.constant 0 : i32
    %cond3A_135 = arith.cmpi ne, %convert_element_type3A, %cond3A : i32
    scf.if %cond3A_135 {
      "tpu.region"() ({
        %run_scoped3A = tpu.sem_alloc : memref<!tpu.dma_semaphore, #tpu.memory_space<semaphore_mem>>
        %dma_start3A_141 = arith.constant 0 : i32
        %dma_start3A_142 = tpu.memref_slice %arg6[%mul3A_0, %dma_start3A_141] : memref<102400x16xf32, #tpu.memory_space<hbm>> -> memref<6400x16xf32, #tpu.memory_space<hbm>>
        %dma_start3A_143 = arith.constant 0 : i32
        %dma_start3A_144 = tpu.memref_slice %arg8[%mul3A_0, %dma_start3A_143] : memref<102400x16xf32, #tpu.memory_space<vmem_shared>> -> memref<6400x16xf32, #tpu.memory_space<vmem_shared>>
        tpu.enqueue_dma source(%dma_start3A_144 : memref<6400x16xf32, #tpu.memory_space<vmem_shared>>) target(%dma_start3A_142 : memref<6400x16xf32, #tpu.memory_space<hbm>>) target_semaphore(%run_scoped3A : memref<!tpu.dma_semaphore, #tpu.memory_space<semaphore_mem>>)
        %dma_wait3A_145 = arith.constant 0 : i32
        %dma_wait3A_146 = tpu.memref_slice %arg6[%mul3A_0, %dma_wait3A_145] : memref<102400x16xf32, #tpu.memory_space<hbm>> -> memref<6400x16xf32, #tpu.memory_space<hbm>>
        %dma_wait3A_147 = arith.constant 0 : i32
        %dma_wait3A_148 = tpu.memref_slice %arg8[%mul3A_0, %dma_wait3A_147] : memref<102400x16xf32, #tpu.memory_space<vmem_shared>> -> memref<6400x16xf32, #tpu.memory_space<vmem_shared>>
        tpu.wait_dma2 semaphore(%run_scoped3A : memref<!tpu.dma_semaphore, #tpu.memory_space<semaphore_mem>>) src(%dma_wait3A_148 : memref<6400x16xf32, #tpu.memory_space<vmem_shared>>) dst(%dma_wait3A_146 : memref<6400x16xf32, #tpu.memory_space<hbm>>)
        tpu.yield
      }) : () -> ()
    } else {
    }
    %eq3A_136 = arith.constant 1 : i32
    %eq3A_137 = arith.cmpi eq, %arg0, %eq3A_136 : i32
    %convert_element_type3A_138 = arith.extui %eq3A_137 : i1 to i32
    %cond3A_139 = arith.constant 0 : i32
    %cond3A_140 = arith.cmpi ne, %convert_element_type3A_138, %cond3A_139 : i32
    scf.if %cond3A_140 {
      "tpu.region"() ({
        %run_scoped3A = tpu.sem_alloc : memref<!tpu.dma_semaphore, #tpu.memory_space<semaphore_mem>>
        %dma_start3A_141 = arith.constant 0 : i32
        %dma_start3A_142 = tpu.memref_slice %arg7[%mul3A_0, %dma_start3A_141] : memref<102400x16xf32, #tpu.memory_space<hbm>> -> memref<6400x16xf32, #tpu.memory_space<hbm>>
        %dma_start3A_143 = arith.constant 0 : i32
        %dma_start3A_144 = tpu.memref_slice %arg8[%mul3A_0, %dma_start3A_143] : memref<102400x16xf32, #tpu.memory_space<vmem_shared>> -> memref<6400x16xf32, #tpu.memory_space<vmem_shared>>
        tpu.enqueue_dma source(%dma_start3A_144 : memref<6400x16xf32, #tpu.memory_space<vmem_shared>>) target(%dma_start3A_142 : memref<6400x16xf32, #tpu.memory_space<hbm>>) target_semaphore(%run_scoped3A : memref<!tpu.dma_semaphore, #tpu.memory_space<semaphore_mem>>)
        %dma_wait3A_145 = arith.constant 0 : i32
        %dma_wait3A_146 = tpu.memref_slice %arg7[%mul3A_0, %dma_wait3A_145] : memref<102400x16xf32, #tpu.memory_space<hbm>> -> memref<6400x16xf32, #tpu.memory_space<hbm>>
        %dma_wait3A_147 = arith.constant 0 : i32
        %dma_wait3A_148 = tpu.memref_slice %arg8[%mul3A_0, %dma_wait3A_147] : memref<102400x16xf32, #tpu.memory_space<vmem_shared>> -> memref<6400x16xf32, #tpu.memory_space<vmem_shared>>
        tpu.wait_dma2 semaphore(%run_scoped3A : memref<!tpu.dma_semaphore, #tpu.memory_space<semaphore_mem>>) src(%dma_wait3A_148 : memref<6400x16xf32, #tpu.memory_space<vmem_shared>>) dst(%dma_wait3A_146 : memref<6400x16xf32, #tpu.memory_space<hbm>>)
        tpu.yield
      }) : () -> ()
    } else {
    }
    return
  }
}

#map = affine_map<(d0, d1) -> (0, 0)>
#map1 = affine_map<(d0, d1) -> (0)>
module attributes {stable_mosaic.version = 14 : i64} {
  func.func @k(%arg0: i32, %arg1: i32, %arg2: memref<25600x128xi32, #tpu.memory_space<hbm>>, %arg3: memref<102400xf32, #tpu.memory_space<hbm>>, %arg4: memref<8x128xf32, #tpu.memory_space<hbm>>, %arg5: memref<102400xf32, #tpu.memory_space<hbm>>, %arg6: memref<102400xf32, #tpu.memory_space<hbm>>, %arg7: memref<102400xf32, #tpu.memory_space<vmem_shared>>, %arg8: memref<8x128xi32, #tpu.memory_space<vmem>>, %arg9: memref<8x128xf32, #tpu.memory_space<vmem>>, %arg10: memref<!tpu.dma_semaphore, #tpu.memory_space<semaphore_mem>>) attributes {dimension_semantics = [#tpu.dimension_semantics<core_parallel>, #tpu.dimension_semantics<subcore_parallel>], iteration_bounds = array<i64: 2, 16>, scalar_prefetch = 0 : i64, scratch_operands = 4 : i64, tpu.core_type = #tpu.core_type<sc_vector_subcore>, window_params = [{transform_indices = #map}, {transform_indices = #map1}, {transform_indices = #map}, {transform_indices = #map1}, {transform_indices = #map1}]} {
    %mul3A = arith.constant 6400 : i32
    %mul3A_0 = arith.muli %arg1, %mul3A : i32
    "tpu.region"() ({
      %run_scoped3A = tpu.sem_alloc : memref<!tpu.dma_semaphore, #tpu.memory_space<semaphore_mem>>
      %dma_start3A = tpu.memref_slice %arg7[%mul3A_0] : memref<102400xf32, #tpu.memory_space<vmem_shared>> -> memref<6400xf32, #tpu.memory_space<vmem_shared>>
      %dma_start3A_29 = tpu.memref_slice %arg3[%mul3A_0] : memref<102400xf32, #tpu.memory_space<hbm>> -> memref<6400xf32, #tpu.memory_space<hbm>>
      tpu.enqueue_dma source(%dma_start3A_29 : memref<6400xf32, #tpu.memory_space<hbm>>) target(%dma_start3A : memref<6400xf32, #tpu.memory_space<vmem_shared>>) target_semaphore(%run_scoped3A : memref<!tpu.dma_semaphore, #tpu.memory_space<semaphore_mem>>)
      %dma_wait3A = tpu.memref_slice %arg7[%mul3A_0] : memref<102400xf32, #tpu.memory_space<vmem_shared>> -> memref<6400xf32, #tpu.memory_space<vmem_shared>>
      %dma_wait3A_30 = tpu.memref_slice %arg3[%mul3A_0] : memref<102400xf32, #tpu.memory_space<hbm>> -> memref<6400xf32, #tpu.memory_space<hbm>>
      tpu.wait_dma2 semaphore(%run_scoped3A : memref<!tpu.dma_semaphore, #tpu.memory_space<semaphore_mem>>) src(%dma_wait3A_30 : memref<6400xf32, #tpu.memory_space<hbm>>) dst(%dma_wait3A : memref<6400xf32, #tpu.memory_space<vmem_shared>>)
      tpu.yield
    }) : () -> ()
    "tpu.region"() ({
      %run_scoped3A = tpu.sem_alloc : memref<!tpu.dma_semaphore, #tpu.memory_space<semaphore_mem>>
      tpu.enqueue_dma source(%arg4 : memref<8x128xf32, #tpu.memory_space<hbm>>) target(%arg9 : memref<8x128xf32, #tpu.memory_space<vmem>>) target_semaphore(%run_scoped3A : memref<!tpu.dma_semaphore, #tpu.memory_space<semaphore_mem>>)
      tpu.wait_dma2 semaphore(%run_scoped3A : memref<!tpu.dma_semaphore, #tpu.memory_space<semaphore_mem>>) src(%arg4 : memref<8x128xf32, #tpu.memory_space<hbm>>) dst(%arg9 : memref<8x128xf32, #tpu.memory_space<vmem>>)
      tpu.yield
    }) : () -> ()
    %barrier3A = arith.constant 0 : index
    tpu.barrier barrier_id(%barrier3A)
    %eq3A = arith.constant 0 : i32
    %eq3A_1 = arith.cmpi eq, %arg0, %eq3A : i32
    %mul3A_2 = arith.constant 920 : i32
    %mul3A_3 = arith.muli %arg1, %mul3A_2 : i32
    %mul3A_4 = arith.constant 680 : i32
    %mul3A_5 = arith.muli %arg1, %mul3A_4 : i32
    %add3A = arith.constant 14720 : i32
    %add3A_6 = arith.addi %add3A, %mul3A_5 : i32
    %select_n3A = arith.select %eq3A_1, %mul3A_3, %add3A_6 : i32
    %eq3A_7 = arith.constant 0 : i32
    %eq3A_8 = arith.cmpi eq, %arg0, %eq3A_7 : i32
    %jit3A = arith.constant 115 : i32
    %jit3A_9 = arith.constant 85 : i32
    %select_n3A_10 = arith.select %eq3A_8, %jit3A, %jit3A_9 : i32
    %while3A = arith.constant 0 : i32
    %while3A_11 = arith.constant 0 : i32
    %while3A_12 = arith.subi %select_n3A_10, %while3A_11 : i32
    %while3A_13 = arith.addi %while3A_11, %while3A_12 : i32
    %while3A_14 = arith.constant 1 : i32
    %while3A_15 = arith.divsi %while3A_12, %while3A_14 : i32
    %while3A_16 = arith.muli %while3A_15, %while3A_14 : i32
    %while3A_17 = arith.addi %while3A_11, %while3A_16 : i32
    %while3A_18 = arith.constant 1 : i32
    scf.for %while3A_29 = %while3A_11 to %while3A_17 step %while3A_18  : i32 {
      %mul3A_30 = arith.constant 8 : i32
      %mul3A_31 = arith.muli %while3A_29, %mul3A_30 : i32
      %add3A_32 = arith.addi %select_n3A, %mul3A_31 : i32
      "tpu.region"() ({
        %run_scoped3A = tpu.sem_alloc : memref<!tpu.dma_semaphore, #tpu.memory_space<semaphore_mem>>
        %dma_start3A_191 = arith.constant 0 : i32
        %dma_start3A_192 = tpu.memref_slice %arg2[%add3A_32, %dma_start3A_191] : memref<25600x128xi32, #tpu.memory_space<hbm>> -> memref<8x128xi32, #tpu.memory_space<hbm>>
        %dma_start3A_193 = arith.constant 0 : i32
        %dma_start3A_194 = tpu.memref_slice %arg2[%add3A_32, %dma_start3A_193] : memref<25600x128xi32, #tpu.memory_space<hbm>> -> memref<8x128xi32, #tpu.memory_space<hbm>>
        tpu.enqueue_dma source(%dma_start3A_194 : memref<8x128xi32, #tpu.memory_space<hbm>>) target(%arg8 : memref<8x128xi32, #tpu.memory_space<vmem>>) target_semaphore(%run_scoped3A : memref<!tpu.dma_semaphore, #tpu.memory_space<semaphore_mem>>)
        %dma_wait3A_195 = arith.constant 0 : i32
        %dma_wait3A_196 = tpu.memref_slice %arg2[%add3A_32, %dma_wait3A_195] : memref<25600x128xi32, #tpu.memory_space<hbm>> -> memref<8x128xi32, #tpu.memory_space<hbm>>
        %dma_wait3A_197 = arith.constant 0 : i32
        %dma_wait3A_198 = tpu.memref_slice %arg2[%add3A_32, %dma_wait3A_197] : memref<25600x128xi32, #tpu.memory_space<hbm>> -> memref<8x128xi32, #tpu.memory_space<hbm>>
        tpu.wait_dma2 semaphore(%run_scoped3A : memref<!tpu.dma_semaphore, #tpu.memory_space<semaphore_mem>>) src(%dma_wait3A_198 : memref<8x128xi32, #tpu.memory_space<hbm>>) dst(%arg8 : memref<8x128xi32, #tpu.memory_space<vmem>>)
        tpu.yield
      }) : () -> ()
      %dma_start3A = arith.constant 0 : i32
      %dma_start3A_33 = arith.constant 0 : i32
      %dma_start3A_34 = arith.constant 0 : i32
      %dma_start3A_35 = tpu.memref_slice %arg9[%dma_start3A, %dma_start3A_34] : memref<8x128xf32, #tpu.memory_space<vmem>> -> memref<1x128xf32, #tpu.memory_space<vmem>>
      %dma_start3A_36 = tpu.memref_squeeze %dma_start3A_35 : memref<1x128xf32, #tpu.memory_space<vmem>> -> memref<128xf32, #tpu.memory_space<vmem>>
      %dma_start3A_37 = arith.constant 0 : i32
      %dma_start3A_38 = tpu.memref_slice %arg8[%dma_start3A_33, %dma_start3A_37] : memref<8x128xi32, #tpu.memory_space<vmem>> -> memref<1x128xi32, #tpu.memory_space<vmem>>
      %dma_start3A_39 = tpu.memref_squeeze %dma_start3A_38 : memref<1x128xi32, #tpu.memory_space<vmem>> -> memref<128xi32, #tpu.memory_space<vmem>>
      %dma_start3A_40 = arith.constant 0 : i32
      %dma_start3A_41 = tpu.memref_slice %arg7[%dma_start3A_40] : memref<102400xf32, #tpu.memory_space<vmem_shared>> -> memref<102400xf32, #tpu.memory_space<vmem_shared>>
      tpu.enqueue_indirect_dma source(%dma_start3A_36 : memref<128xf32, #tpu.memory_space<vmem>>) target(%dma_start3A_41 : memref<102400xf32, #tpu.memory_space<vmem_shared>>) offsets(%dma_start3A_39 : memref<128xi32, #tpu.memory_space<vmem>>) semaphore(%arg10 : memref<!tpu.dma_semaphore, #tpu.memory_space<semaphore_mem>>) {add = true}
      %dma_start3A_42 = arith.constant 1 : i32
      %dma_start3A_43 = arith.constant 1 : i32
      %dma_start3A_44 = arith.constant 0 : i32
      %dma_start3A_45 = tpu.memref_slice %arg9[%dma_start3A_42, %dma_start3A_44] : memref<8x128xf32, #tpu.memory_space<vmem>> -> memref<1x128xf32, #tpu.memory_space<vmem>>
      %dma_start3A_46 = tpu.memref_squeeze %dma_start3A_45 : memref<1x128xf32, #tpu.memory_space<vmem>> -> memref<128xf32, #tpu.memory_space<vmem>>
      %dma_start3A_47 = arith.constant 0 : i32
      %dma_start3A_48 = tpu.memref_slice %arg8[%dma_start3A_43, %dma_start3A_47] : memref<8x128xi32, #tpu.memory_space<vmem>> -> memref<1x128xi32, #tpu.memory_space<vmem>>
      %dma_start3A_49 = tpu.memref_squeeze %dma_start3A_48 : memref<1x128xi32, #tpu.memory_space<vmem>> -> memref<128xi32, #tpu.memory_space<vmem>>
      %dma_start3A_50 = arith.constant 0 : i32
      %dma_start3A_51 = tpu.memref_slice %arg7[%dma_start3A_50] : memref<102400xf32, #tpu.memory_space<vmem_shared>> -> memref<102400xf32, #tpu.memory_space<vmem_shared>>
      tpu.enqueue_indirect_dma source(%dma_start3A_46 : memref<128xf32, #tpu.memory_space<vmem>>) target(%dma_start3A_51 : memref<102400xf32, #tpu.memory_space<vmem_shared>>) offsets(%dma_start3A_49 : memref<128xi32, #tpu.memory_space<vmem>>) semaphore(%arg10 : memref<!tpu.dma_semaphore, #tpu.memory_space<semaphore_mem>>) {add = true}
      %dma_start3A_52 = arith.constant 2 : i32
      %dma_start3A_53 = arith.constant 2 : i32
      %dma_start3A_54 = arith.constant 0 : i32
      %dma_start3A_55 = tpu.memref_slice %arg9[%dma_start3A_52, %dma_start3A_54] : memref<8x128xf32, #tpu.memory_space<vmem>> -> memref<1x128xf32, #tpu.memory_space<vmem>>
      %dma_start3A_56 = tpu.memref_squeeze %dma_start3A_55 : memref<1x128xf32, #tpu.memory_space<vmem>> -> memref<128xf32, #tpu.memory_space<vmem>>
      %dma_start3A_57 = arith.constant 0 : i32
      %dma_start3A_58 = tpu.memref_slice %arg8[%dma_start3A_53, %dma_start3A_57] : memref<8x128xi32, #tpu.memory_space<vmem>> -> memref<1x128xi32, #tpu.memory_space<vmem>>
      %dma_start3A_59 = tpu.memref_squeeze %dma_start3A_58 : memref<1x128xi32, #tpu.memory_space<vmem>> -> memref<128xi32, #tpu.memory_space<vmem>>
      %dma_start3A_60 = arith.constant 0 : i32
      %dma_start3A_61 = tpu.memref_slice %arg7[%dma_start3A_60] : memref<102400xf32, #tpu.memory_space<vmem_shared>> -> memref<102400xf32, #tpu.memory_space<vmem_shared>>
      tpu.enqueue_indirect_dma source(%dma_start3A_56 : memref<128xf32, #tpu.memory_space<vmem>>) target(%dma_start3A_61 : memref<102400xf32, #tpu.memory_space<vmem_shared>>) offsets(%dma_start3A_59 : memref<128xi32, #tpu.memory_space<vmem>>) semaphore(%arg10 : memref<!tpu.dma_semaphore, #tpu.memory_space<semaphore_mem>>) {add = true}
      %dma_start3A_62 = arith.constant 3 : i32
      %dma_start3A_63 = arith.constant 3 : i32
      %dma_start3A_64 = arith.constant 0 : i32
      %dma_start3A_65 = tpu.memref_slice %arg9[%dma_start3A_62, %dma_start3A_64] : memref<8x128xf32, #tpu.memory_space<vmem>> -> memref<1x128xf32, #tpu.memory_space<vmem>>
      %dma_start3A_66 = tpu.memref_squeeze %dma_start3A_65 : memref<1x128xf32, #tpu.memory_space<vmem>> -> memref<128xf32, #tpu.memory_space<vmem>>
      %dma_start3A_67 = arith.constant 0 : i32
      %dma_start3A_68 = tpu.memref_slice %arg8[%dma_start3A_63, %dma_start3A_67] : memref<8x128xi32, #tpu.memory_space<vmem>> -> memref<1x128xi32, #tpu.memory_space<vmem>>
      %dma_start3A_69 = tpu.memref_squeeze %dma_start3A_68 : memref<1x128xi32, #tpu.memory_space<vmem>> -> memref<128xi32, #tpu.memory_space<vmem>>
      %dma_start3A_70 = arith.constant 0 : i32
      %dma_start3A_71 = tpu.memref_slice %arg7[%dma_start3A_70] : memref<102400xf32, #tpu.memory_space<vmem_shared>> -> memref<102400xf32, #tpu.memory_space<vmem_shared>>
      tpu.enqueue_indirect_dma source(%dma_start3A_66 : memref<128xf32, #tpu.memory_space<vmem>>) target(%dma_start3A_71 : memref<102400xf32, #tpu.memory_space<vmem_shared>>) offsets(%dma_start3A_69 : memref<128xi32, #tpu.memory_space<vmem>>) semaphore(%arg10 : memref<!tpu.dma_semaphore, #tpu.memory_space<semaphore_mem>>) {add = true}
      %dma_start3A_72 = arith.constant 4 : i32
      %dma_start3A_73 = arith.constant 4 : i32
      %dma_start3A_74 = arith.constant 0 : i32
      %dma_start3A_75 = tpu.memref_slice %arg9[%dma_start3A_72, %dma_start3A_74] : memref<8x128xf32, #tpu.memory_space<vmem>> -> memref<1x128xf32, #tpu.memory_space<vmem>>
      %dma_start3A_76 = tpu.memref_squeeze %dma_start3A_75 : memref<1x128xf32, #tpu.memory_space<vmem>> -> memref<128xf32, #tpu.memory_space<vmem>>
      %dma_start3A_77 = arith.constant 0 : i32
      %dma_start3A_78 = tpu.memref_slice %arg8[%dma_start3A_73, %dma_start3A_77] : memref<8x128xi32, #tpu.memory_space<vmem>> -> memref<1x128xi32, #tpu.memory_space<vmem>>
      %dma_start3A_79 = tpu.memref_squeeze %dma_start3A_78 : memref<1x128xi32, #tpu.memory_space<vmem>> -> memref<128xi32, #tpu.memory_space<vmem>>
      %dma_start3A_80 = arith.constant 0 : i32
      %dma_start3A_81 = tpu.memref_slice %arg7[%dma_start3A_80] : memref<102400xf32, #tpu.memory_space<vmem_shared>> -> memref<102400xf32, #tpu.memory_space<vmem_shared>>
      tpu.enqueue_indirect_dma source(%dma_start3A_76 : memref<128xf32, #tpu.memory_space<vmem>>) target(%dma_start3A_81 : memref<102400xf32, #tpu.memory_space<vmem_shared>>) offsets(%dma_start3A_79 : memref<128xi32, #tpu.memory_space<vmem>>) semaphore(%arg10 : memref<!tpu.dma_semaphore, #tpu.memory_space<semaphore_mem>>) {add = true}
      %dma_start3A_82 = arith.constant 5 : i32
      %dma_start3A_83 = arith.constant 5 : i32
      %dma_start3A_84 = arith.constant 0 : i32
      %dma_start3A_85 = tpu.memref_slice %arg9[%dma_start3A_82, %dma_start3A_84] : memref<8x128xf32, #tpu.memory_space<vmem>> -> memref<1x128xf32, #tpu.memory_space<vmem>>
      %dma_start3A_86 = tpu.memref_squeeze %dma_start3A_85 : memref<1x128xf32, #tpu.memory_space<vmem>> -> memref<128xf32, #tpu.memory_space<vmem>>
      %dma_start3A_87 = arith.constant 0 : i32
      %dma_start3A_88 = tpu.memref_slice %arg8[%dma_start3A_83, %dma_start3A_87] : memref<8x128xi32, #tpu.memory_space<vmem>> -> memref<1x128xi32, #tpu.memory_space<vmem>>
      %dma_start3A_89 = tpu.memref_squeeze %dma_start3A_88 : memref<1x128xi32, #tpu.memory_space<vmem>> -> memref<128xi32, #tpu.memory_space<vmem>>
      %dma_start3A_90 = arith.constant 0 : i32
      %dma_start3A_91 = tpu.memref_slice %arg7[%dma_start3A_90] : memref<102400xf32, #tpu.memory_space<vmem_shared>> -> memref<102400xf32, #tpu.memory_space<vmem_shared>>
      tpu.enqueue_indirect_dma source(%dma_start3A_86 : memref<128xf32, #tpu.memory_space<vmem>>) target(%dma_start3A_91 : memref<102400xf32, #tpu.memory_space<vmem_shared>>) offsets(%dma_start3A_89 : memref<128xi32, #tpu.memory_space<vmem>>) semaphore(%arg10 : memref<!tpu.dma_semaphore, #tpu.memory_space<semaphore_mem>>) {add = true}
      %dma_start3A_92 = arith.constant 6 : i32
      %dma_start3A_93 = arith.constant 6 : i32
      %dma_start3A_94 = arith.constant 0 : i32
      %dma_start3A_95 = tpu.memref_slice %arg9[%dma_start3A_92, %dma_start3A_94] : memref<8x128xf32, #tpu.memory_space<vmem>> -> memref<1x128xf32, #tpu.memory_space<vmem>>
      %dma_start3A_96 = tpu.memref_squeeze %dma_start3A_95 : memref<1x128xf32, #tpu.memory_space<vmem>> -> memref<128xf32, #tpu.memory_space<vmem>>
      %dma_start3A_97 = arith.constant 0 : i32
      %dma_start3A_98 = tpu.memref_slice %arg8[%dma_start3A_93, %dma_start3A_97] : memref<8x128xi32, #tpu.memory_space<vmem>> -> memref<1x128xi32, #tpu.memory_space<vmem>>
      %dma_start3A_99 = tpu.memref_squeeze %dma_start3A_98 : memref<1x128xi32, #tpu.memory_space<vmem>> -> memref<128xi32, #tpu.memory_space<vmem>>
      %dma_start3A_100 = arith.constant 0 : i32
      %dma_start3A_101 = tpu.memref_slice %arg7[%dma_start3A_100] : memref<102400xf32, #tpu.memory_space<vmem_shared>> -> memref<102400xf32, #tpu.memory_space<vmem_shared>>
      tpu.enqueue_indirect_dma source(%dma_start3A_96 : memref<128xf32, #tpu.memory_space<vmem>>) target(%dma_start3A_101 : memref<102400xf32, #tpu.memory_space<vmem_shared>>) offsets(%dma_start3A_99 : memref<128xi32, #tpu.memory_space<vmem>>) semaphore(%arg10 : memref<!tpu.dma_semaphore, #tpu.memory_space<semaphore_mem>>) {add = true}
      %dma_start3A_102 = arith.constant 7 : i32
      %dma_start3A_103 = arith.constant 7 : i32
      %dma_start3A_104 = arith.constant 0 : i32
      %dma_start3A_105 = tpu.memref_slice %arg9[%dma_start3A_102, %dma_start3A_104] : memref<8x128xf32, #tpu.memory_space<vmem>> -> memref<1x128xf32, #tpu.memory_space<vmem>>
      %dma_start3A_106 = tpu.memref_squeeze %dma_start3A_105 : memref<1x128xf32, #tpu.memory_space<vmem>> -> memref<128xf32, #tpu.memory_space<vmem>>
      %dma_start3A_107 = arith.constant 0 : i32
      %dma_start3A_108 = tpu.memref_slice %arg8[%dma_start3A_103, %dma_start3A_107] : memref<8x128xi32, #tpu.memory_space<vmem>> -> memref<1x128xi32, #tpu.memory_space<vmem>>
      %dma_start3A_109 = tpu.memref_squeeze %dma_start3A_108 : memref<1x128xi32, #tpu.memory_space<vmem>> -> memref<128xi32, #tpu.memory_space<vmem>>
      %dma_start3A_110 = arith.constant 0 : i32
      %dma_start3A_111 = tpu.memref_slice %arg7[%dma_start3A_110] : memref<102400xf32, #tpu.memory_space<vmem_shared>> -> memref<102400xf32, #tpu.memory_space<vmem_shared>>
      tpu.enqueue_indirect_dma source(%dma_start3A_106 : memref<128xf32, #tpu.memory_space<vmem>>) target(%dma_start3A_111 : memref<102400xf32, #tpu.memory_space<vmem_shared>>) offsets(%dma_start3A_109 : memref<128xi32, #tpu.memory_space<vmem>>) semaphore(%arg10 : memref<!tpu.dma_semaphore, #tpu.memory_space<semaphore_mem>>) {add = true}
      %dma_wait3A = arith.constant 0 : i32
      %dma_wait3A_112 = arith.constant 0 : i32
      %dma_wait3A_113 = arith.constant 0 : i32
      %dma_wait3A_114 = tpu.memref_slice %arg9[%dma_wait3A, %dma_wait3A_113] : memref<8x128xf32, #tpu.memory_space<vmem>> -> memref<1x128xf32, #tpu.memory_space<vmem>>
      %dma_wait3A_115 = tpu.memref_squeeze %dma_wait3A_114 : memref<1x128xf32, #tpu.memory_space<vmem>> -> memref<128xf32, #tpu.memory_space<vmem>>
      %dma_wait3A_116 = arith.constant 0 : i32
      %dma_wait3A_117 = tpu.memref_slice %arg8[%dma_wait3A_112, %dma_wait3A_116] : memref<8x128xi32, #tpu.memory_space<vmem>> -> memref<1x128xi32, #tpu.memory_space<vmem>>
      %dma_wait3A_118 = tpu.memref_squeeze %dma_wait3A_117 : memref<1x128xi32, #tpu.memory_space<vmem>> -> memref<128xi32, #tpu.memory_space<vmem>>
      %dma_wait3A_119 = arith.constant 0 : i32
      %dma_wait3A_120 = tpu.memref_slice %arg7[%dma_wait3A_119] : memref<102400xf32, #tpu.memory_space<vmem_shared>> -> memref<102400xf32, #tpu.memory_space<vmem_shared>>
      tpu.wait_indirect_dma semaphore(%arg10 : memref<!tpu.dma_semaphore, #tpu.memory_space<semaphore_mem>>) src(%dma_wait3A_115 : memref<128xf32, #tpu.memory_space<vmem>>) dst(%dma_wait3A_120 : memref<102400xf32, #tpu.memory_space<vmem_shared>>)
      %dma_wait3A_121 = arith.constant 1 : i32
      %dma_wait3A_122 = arith.constant 1 : i32
      %dma_wait3A_123 = arith.constant 0 : i32
      %dma_wait3A_124 = tpu.memref_slice %arg9[%dma_wait3A_121, %dma_wait3A_123] : memref<8x128xf32, #tpu.memory_space<vmem>> -> memref<1x128xf32, #tpu.memory_space<vmem>>
      %dma_wait3A_125 = tpu.memref_squeeze %dma_wait3A_124 : memref<1x128xf32, #tpu.memory_space<vmem>> -> memref<128xf32, #tpu.memory_space<vmem>>
      %dma_wait3A_126 = arith.constant 0 : i32
      %dma_wait3A_127 = tpu.memref_slice %arg8[%dma_wait3A_122, %dma_wait3A_126] : memref<8x128xi32, #tpu.memory_space<vmem>> -> memref<1x128xi32, #tpu.memory_space<vmem>>
      %dma_wait3A_128 = tpu.memref_squeeze %dma_wait3A_127 : memref<1x128xi32, #tpu.memory_space<vmem>> -> memref<128xi32, #tpu.memory_space<vmem>>
      %dma_wait3A_129 = arith.constant 0 : i32
      %dma_wait3A_130 = tpu.memref_slice %arg7[%dma_wait3A_129] : memref<102400xf32, #tpu.memory_space<vmem_shared>> -> memref<102400xf32, #tpu.memory_space<vmem_shared>>
      tpu.wait_indirect_dma semaphore(%arg10 : memref<!tpu.dma_semaphore, #tpu.memory_space<semaphore_mem>>) src(%dma_wait3A_125 : memref<128xf32, #tpu.memory_space<vmem>>) dst(%dma_wait3A_130 : memref<102400xf32, #tpu.memory_space<vmem_shared>>)
      %dma_wait3A_131 = arith.constant 2 : i32
      %dma_wait3A_132 = arith.constant 2 : i32
      %dma_wait3A_133 = arith.constant 0 : i32
      %dma_wait3A_134 = tpu.memref_slice %arg9[%dma_wait3A_131, %dma_wait3A_133] : memref<8x128xf32, #tpu.memory_space<vmem>> -> memref<1x128xf32, #tpu.memory_space<vmem>>
      %dma_wait3A_135 = tpu.memref_squeeze %dma_wait3A_134 : memref<1x128xf32, #tpu.memory_space<vmem>> -> memref<128xf32, #tpu.memory_space<vmem>>
      %dma_wait3A_136 = arith.constant 0 : i32
      %dma_wait3A_137 = tpu.memref_slice %arg8[%dma_wait3A_132, %dma_wait3A_136] : memref<8x128xi32, #tpu.memory_space<vmem>> -> memref<1x128xi32, #tpu.memory_space<vmem>>
      %dma_wait3A_138 = tpu.memref_squeeze %dma_wait3A_137 : memref<1x128xi32, #tpu.memory_space<vmem>> -> memref<128xi32, #tpu.memory_space<vmem>>
      %dma_wait3A_139 = arith.constant 0 : i32
      %dma_wait3A_140 = tpu.memref_slice %arg7[%dma_wait3A_139] : memref<102400xf32, #tpu.memory_space<vmem_shared>> -> memref<102400xf32, #tpu.memory_space<vmem_shared>>
      tpu.wait_indirect_dma semaphore(%arg10 : memref<!tpu.dma_semaphore, #tpu.memory_space<semaphore_mem>>) src(%dma_wait3A_135 : memref<128xf32, #tpu.memory_space<vmem>>) dst(%dma_wait3A_140 : memref<102400xf32, #tpu.memory_space<vmem_shared>>)
      %dma_wait3A_141 = arith.constant 3 : i32
      %dma_wait3A_142 = arith.constant 3 : i32
      %dma_wait3A_143 = arith.constant 0 : i32
      %dma_wait3A_144 = tpu.memref_slice %arg9[%dma_wait3A_141, %dma_wait3A_143] : memref<8x128xf32, #tpu.memory_space<vmem>> -> memref<1x128xf32, #tpu.memory_space<vmem>>
      %dma_wait3A_145 = tpu.memref_squeeze %dma_wait3A_144 : memref<1x128xf32, #tpu.memory_space<vmem>> -> memref<128xf32, #tpu.memory_space<vmem>>
      %dma_wait3A_146 = arith.constant 0 : i32
      %dma_wait3A_147 = tpu.memref_slice %arg8[%dma_wait3A_142, %dma_wait3A_146] : memref<8x128xi32, #tpu.memory_space<vmem>> -> memref<1x128xi32, #tpu.memory_space<vmem>>
      %dma_wait3A_148 = tpu.memref_squeeze %dma_wait3A_147 : memref<1x128xi32, #tpu.memory_space<vmem>> -> memref<128xi32, #tpu.memory_space<vmem>>
      %dma_wait3A_149 = arith.constant 0 : i32
      %dma_wait3A_150 = tpu.memref_slice %arg7[%dma_wait3A_149] : memref<102400xf32, #tpu.memory_space<vmem_shared>> -> memref<102400xf32, #tpu.memory_space<vmem_shared>>
      tpu.wait_indirect_dma semaphore(%arg10 : memref<!tpu.dma_semaphore, #tpu.memory_space<semaphore_mem>>) src(%dma_wait3A_145 : memref<128xf32, #tpu.memory_space<vmem>>) dst(%dma_wait3A_150 : memref<102400xf32, #tpu.memory_space<vmem_shared>>)
      %dma_wait3A_151 = arith.constant 4 : i32
      %dma_wait3A_152 = arith.constant 4 : i32
      %dma_wait3A_153 = arith.constant 0 : i32
      %dma_wait3A_154 = tpu.memref_slice %arg9[%dma_wait3A_151, %dma_wait3A_153] : memref<8x128xf32, #tpu.memory_space<vmem>> -> memref<1x128xf32, #tpu.memory_space<vmem>>
      %dma_wait3A_155 = tpu.memref_squeeze %dma_wait3A_154 : memref<1x128xf32, #tpu.memory_space<vmem>> -> memref<128xf32, #tpu.memory_space<vmem>>
      %dma_wait3A_156 = arith.constant 0 : i32
      %dma_wait3A_157 = tpu.memref_slice %arg8[%dma_wait3A_152, %dma_wait3A_156] : memref<8x128xi32, #tpu.memory_space<vmem>> -> memref<1x128xi32, #tpu.memory_space<vmem>>
      %dma_wait3A_158 = tpu.memref_squeeze %dma_wait3A_157 : memref<1x128xi32, #tpu.memory_space<vmem>> -> memref<128xi32, #tpu.memory_space<vmem>>
      %dma_wait3A_159 = arith.constant 0 : i32
      %dma_wait3A_160 = tpu.memref_slice %arg7[%dma_wait3A_159] : memref<102400xf32, #tpu.memory_space<vmem_shared>> -> memref<102400xf32, #tpu.memory_space<vmem_shared>>
      tpu.wait_indirect_dma semaphore(%arg10 : memref<!tpu.dma_semaphore, #tpu.memory_space<semaphore_mem>>) src(%dma_wait3A_155 : memref<128xf32, #tpu.memory_space<vmem>>) dst(%dma_wait3A_160 : memref<102400xf32, #tpu.memory_space<vmem_shared>>)
      %dma_wait3A_161 = arith.constant 5 : i32
      %dma_wait3A_162 = arith.constant 5 : i32
      %dma_wait3A_163 = arith.constant 0 : i32
      %dma_wait3A_164 = tpu.memref_slice %arg9[%dma_wait3A_161, %dma_wait3A_163] : memref<8x128xf32, #tpu.memory_space<vmem>> -> memref<1x128xf32, #tpu.memory_space<vmem>>
      %dma_wait3A_165 = tpu.memref_squeeze %dma_wait3A_164 : memref<1x128xf32, #tpu.memory_space<vmem>> -> memref<128xf32, #tpu.memory_space<vmem>>
      %dma_wait3A_166 = arith.constant 0 : i32
      %dma_wait3A_167 = tpu.memref_slice %arg8[%dma_wait3A_162, %dma_wait3A_166] : memref<8x128xi32, #tpu.memory_space<vmem>> -> memref<1x128xi32, #tpu.memory_space<vmem>>
      %dma_wait3A_168 = tpu.memref_squeeze %dma_wait3A_167 : memref<1x128xi32, #tpu.memory_space<vmem>> -> memref<128xi32, #tpu.memory_space<vmem>>
      %dma_wait3A_169 = arith.constant 0 : i32
      %dma_wait3A_170 = tpu.memref_slice %arg7[%dma_wait3A_169] : memref<102400xf32, #tpu.memory_space<vmem_shared>> -> memref<102400xf32, #tpu.memory_space<vmem_shared>>
      tpu.wait_indirect_dma semaphore(%arg10 : memref<!tpu.dma_semaphore, #tpu.memory_space<semaphore_mem>>) src(%dma_wait3A_165 : memref<128xf32, #tpu.memory_space<vmem>>) dst(%dma_wait3A_170 : memref<102400xf32, #tpu.memory_space<vmem_shared>>)
      %dma_wait3A_171 = arith.constant 6 : i32
      %dma_wait3A_172 = arith.constant 6 : i32
      %dma_wait3A_173 = arith.constant 0 : i32
      %dma_wait3A_174 = tpu.memref_slice %arg9[%dma_wait3A_171, %dma_wait3A_173] : memref<8x128xf32, #tpu.memory_space<vmem>> -> memref<1x128xf32, #tpu.memory_space<vmem>>
      %dma_wait3A_175 = tpu.memref_squeeze %dma_wait3A_174 : memref<1x128xf32, #tpu.memory_space<vmem>> -> memref<128xf32, #tpu.memory_space<vmem>>
      %dma_wait3A_176 = arith.constant 0 : i32
      %dma_wait3A_177 = tpu.memref_slice %arg8[%dma_wait3A_172, %dma_wait3A_176] : memref<8x128xi32, #tpu.memory_space<vmem>> -> memref<1x128xi32, #tpu.memory_space<vmem>>
      %dma_wait3A_178 = tpu.memref_squeeze %dma_wait3A_177 : memref<1x128xi32, #tpu.memory_space<vmem>> -> memref<128xi32, #tpu.memory_space<vmem>>
      %dma_wait3A_179 = arith.constant 0 : i32
      %dma_wait3A_180 = tpu.memref_slice %arg7[%dma_wait3A_179] : memref<102400xf32, #tpu.memory_space<vmem_shared>> -> memref<102400xf32, #tpu.memory_space<vmem_shared>>
      tpu.wait_indirect_dma semaphore(%arg10 : memref<!tpu.dma_semaphore, #tpu.memory_space<semaphore_mem>>) src(%dma_wait3A_175 : memref<128xf32, #tpu.memory_space<vmem>>) dst(%dma_wait3A_180 : memref<102400xf32, #tpu.memory_space<vmem_shared>>)
      %dma_wait3A_181 = arith.constant 7 : i32
      %dma_wait3A_182 = arith.constant 7 : i32
      %dma_wait3A_183 = arith.constant 0 : i32
      %dma_wait3A_184 = tpu.memref_slice %arg9[%dma_wait3A_181, %dma_wait3A_183] : memref<8x128xf32, #tpu.memory_space<vmem>> -> memref<1x128xf32, #tpu.memory_space<vmem>>
      %dma_wait3A_185 = tpu.memref_squeeze %dma_wait3A_184 : memref<1x128xf32, #tpu.memory_space<vmem>> -> memref<128xf32, #tpu.memory_space<vmem>>
      %dma_wait3A_186 = arith.constant 0 : i32
      %dma_wait3A_187 = tpu.memref_slice %arg8[%dma_wait3A_182, %dma_wait3A_186] : memref<8x128xi32, #tpu.memory_space<vmem>> -> memref<1x128xi32, #tpu.memory_space<vmem>>
      %dma_wait3A_188 = tpu.memref_squeeze %dma_wait3A_187 : memref<1x128xi32, #tpu.memory_space<vmem>> -> memref<128xi32, #tpu.memory_space<vmem>>
      %dma_wait3A_189 = arith.constant 0 : i32
      %dma_wait3A_190 = tpu.memref_slice %arg7[%dma_wait3A_189] : memref<102400xf32, #tpu.memory_space<vmem_shared>> -> memref<102400xf32, #tpu.memory_space<vmem_shared>>
      tpu.wait_indirect_dma semaphore(%arg10 : memref<!tpu.dma_semaphore, #tpu.memory_space<semaphore_mem>>) src(%dma_wait3A_185 : memref<128xf32, #tpu.memory_space<vmem>>) dst(%dma_wait3A_190 : memref<102400xf32, #tpu.memory_space<vmem_shared>>)
    }
    %while3A_19 = arith.constant 1 : i32
    scf.for %while3A_29 = %while3A_17 to %while3A_13 step %while3A_19  : i32 {
      %mul3A_30 = arith.constant 8 : i32
      %mul3A_31 = arith.muli %while3A_29, %mul3A_30 : i32
      %add3A_32 = arith.addi %select_n3A, %mul3A_31 : i32
      "tpu.region"() ({
        %run_scoped3A = tpu.sem_alloc : memref<!tpu.dma_semaphore, #tpu.memory_space<semaphore_mem>>
        %dma_start3A_191 = arith.constant 0 : i32
        %dma_start3A_192 = tpu.memref_slice %arg2[%add3A_32, %dma_start3A_191] : memref<25600x128xi32, #tpu.memory_space<hbm>> -> memref<8x128xi32, #tpu.memory_space<hbm>>
        %dma_start3A_193 = arith.constant 0 : i32
        %dma_start3A_194 = tpu.memref_slice %arg2[%add3A_32, %dma_start3A_193] : memref<25600x128xi32, #tpu.memory_space<hbm>> -> memref<8x128xi32, #tpu.memory_space<hbm>>
        tpu.enqueue_dma source(%dma_start3A_194 : memref<8x128xi32, #tpu.memory_space<hbm>>) target(%arg8 : memref<8x128xi32, #tpu.memory_space<vmem>>) target_semaphore(%run_scoped3A : memref<!tpu.dma_semaphore, #tpu.memory_space<semaphore_mem>>)
        %dma_wait3A_195 = arith.constant 0 : i32
        %dma_wait3A_196 = tpu.memref_slice %arg2[%add3A_32, %dma_wait3A_195] : memref<25600x128xi32, #tpu.memory_space<hbm>> -> memref<8x128xi32, #tpu.memory_space<hbm>>
        %dma_wait3A_197 = arith.constant 0 : i32
        %dma_wait3A_198 = tpu.memref_slice %arg2[%add3A_32, %dma_wait3A_197] : memref<25600x128xi32, #tpu.memory_space<hbm>> -> memref<8x128xi32, #tpu.memory_space<hbm>>
        tpu.wait_dma2 semaphore(%run_scoped3A : memref<!tpu.dma_semaphore, #tpu.memory_space<semaphore_mem>>) src(%dma_wait3A_198 : memref<8x128xi32, #tpu.memory_space<hbm>>) dst(%arg8 : memref<8x128xi32, #tpu.memory_space<vmem>>)
        tpu.yield
      }) : () -> ()
      %dma_start3A = arith.constant 0 : i32
      %dma_start3A_33 = arith.constant 0 : i32
      %dma_start3A_34 = arith.constant 0 : i32
      %dma_start3A_35 = tpu.memref_slice %arg9[%dma_start3A, %dma_start3A_34] : memref<8x128xf32, #tpu.memory_space<vmem>> -> memref<1x128xf32, #tpu.memory_space<vmem>>
      %dma_start3A_36 = tpu.memref_squeeze %dma_start3A_35 : memref<1x128xf32, #tpu.memory_space<vmem>> -> memref<128xf32, #tpu.memory_space<vmem>>
      %dma_start3A_37 = arith.constant 0 : i32
      %dma_start3A_38 = tpu.memref_slice %arg8[%dma_start3A_33, %dma_start3A_37] : memref<8x128xi32, #tpu.memory_space<vmem>> -> memref<1x128xi32, #tpu.memory_space<vmem>>
      %dma_start3A_39 = tpu.memref_squeeze %dma_start3A_38 : memref<1x128xi32, #tpu.memory_space<vmem>> -> memref<128xi32, #tpu.memory_space<vmem>>
      %dma_start3A_40 = arith.constant 0 : i32
      %dma_start3A_41 = tpu.memref_slice %arg7[%dma_start3A_40] : memref<102400xf32, #tpu.memory_space<vmem_shared>> -> memref<102400xf32, #tpu.memory_space<vmem_shared>>
      tpu.enqueue_indirect_dma source(%dma_start3A_36 : memref<128xf32, #tpu.memory_space<vmem>>) target(%dma_start3A_41 : memref<102400xf32, #tpu.memory_space<vmem_shared>>) offsets(%dma_start3A_39 : memref<128xi32, #tpu.memory_space<vmem>>) semaphore(%arg10 : memref<!tpu.dma_semaphore, #tpu.memory_space<semaphore_mem>>) {add = true}
      %dma_start3A_42 = arith.constant 1 : i32
      %dma_start3A_43 = arith.constant 1 : i32
      %dma_start3A_44 = arith.constant 0 : i32
      %dma_start3A_45 = tpu.memref_slice %arg9[%dma_start3A_42, %dma_start3A_44] : memref<8x128xf32, #tpu.memory_space<vmem>> -> memref<1x128xf32, #tpu.memory_space<vmem>>
      %dma_start3A_46 = tpu.memref_squeeze %dma_start3A_45 : memref<1x128xf32, #tpu.memory_space<vmem>> -> memref<128xf32, #tpu.memory_space<vmem>>
      %dma_start3A_47 = arith.constant 0 : i32
      %dma_start3A_48 = tpu.memref_slice %arg8[%dma_start3A_43, %dma_start3A_47] : memref<8x128xi32, #tpu.memory_space<vmem>> -> memref<1x128xi32, #tpu.memory_space<vmem>>
      %dma_start3A_49 = tpu.memref_squeeze %dma_start3A_48 : memref<1x128xi32, #tpu.memory_space<vmem>> -> memref<128xi32, #tpu.memory_space<vmem>>
      %dma_start3A_50 = arith.constant 0 : i32
      %dma_start3A_51 = tpu.memref_slice %arg7[%dma_start3A_50] : memref<102400xf32, #tpu.memory_space<vmem_shared>> -> memref<102400xf32, #tpu.memory_space<vmem_shared>>
      tpu.enqueue_indirect_dma source(%dma_start3A_46 : memref<128xf32, #tpu.memory_space<vmem>>) target(%dma_start3A_51 : memref<102400xf32, #tpu.memory_space<vmem_shared>>) offsets(%dma_start3A_49 : memref<128xi32, #tpu.memory_space<vmem>>) semaphore(%arg10 : memref<!tpu.dma_semaphore, #tpu.memory_space<semaphore_mem>>) {add = true}
      %dma_start3A_52 = arith.constant 2 : i32
      %dma_start3A_53 = arith.constant 2 : i32
      %dma_start3A_54 = arith.constant 0 : i32
      %dma_start3A_55 = tpu.memref_slice %arg9[%dma_start3A_52, %dma_start3A_54] : memref<8x128xf32, #tpu.memory_space<vmem>> -> memref<1x128xf32, #tpu.memory_space<vmem>>
      %dma_start3A_56 = tpu.memref_squeeze %dma_start3A_55 : memref<1x128xf32, #tpu.memory_space<vmem>> -> memref<128xf32, #tpu.memory_space<vmem>>
      %dma_start3A_57 = arith.constant 0 : i32
      %dma_start3A_58 = tpu.memref_slice %arg8[%dma_start3A_53, %dma_start3A_57] : memref<8x128xi32, #tpu.memory_space<vmem>> -> memref<1x128xi32, #tpu.memory_space<vmem>>
      %dma_start3A_59 = tpu.memref_squeeze %dma_start3A_58 : memref<1x128xi32, #tpu.memory_space<vmem>> -> memref<128xi32, #tpu.memory_space<vmem>>
      %dma_start3A_60 = arith.constant 0 : i32
      %dma_start3A_61 = tpu.memref_slice %arg7[%dma_start3A_60] : memref<102400xf32, #tpu.memory_space<vmem_shared>> -> memref<102400xf32, #tpu.memory_space<vmem_shared>>
      tpu.enqueue_indirect_dma source(%dma_start3A_56 : memref<128xf32, #tpu.memory_space<vmem>>) target(%dma_start3A_61 : memref<102400xf32, #tpu.memory_space<vmem_shared>>) offsets(%dma_start3A_59 : memref<128xi32, #tpu.memory_space<vmem>>) semaphore(%arg10 : memref<!tpu.dma_semaphore, #tpu.memory_space<semaphore_mem>>) {add = true}
      %dma_start3A_62 = arith.constant 3 : i32
      %dma_start3A_63 = arith.constant 3 : i32
      %dma_start3A_64 = arith.constant 0 : i32
      %dma_start3A_65 = tpu.memref_slice %arg9[%dma_start3A_62, %dma_start3A_64] : memref<8x128xf32, #tpu.memory_space<vmem>> -> memref<1x128xf32, #tpu.memory_space<vmem>>
      %dma_start3A_66 = tpu.memref_squeeze %dma_start3A_65 : memref<1x128xf32, #tpu.memory_space<vmem>> -> memref<128xf32, #tpu.memory_space<vmem>>
      %dma_start3A_67 = arith.constant 0 : i32
      %dma_start3A_68 = tpu.memref_slice %arg8[%dma_start3A_63, %dma_start3A_67] : memref<8x128xi32, #tpu.memory_space<vmem>> -> memref<1x128xi32, #tpu.memory_space<vmem>>
      %dma_start3A_69 = tpu.memref_squeeze %dma_start3A_68 : memref<1x128xi32, #tpu.memory_space<vmem>> -> memref<128xi32, #tpu.memory_space<vmem>>
      %dma_start3A_70 = arith.constant 0 : i32
      %dma_start3A_71 = tpu.memref_slice %arg7[%dma_start3A_70] : memref<102400xf32, #tpu.memory_space<vmem_shared>> -> memref<102400xf32, #tpu.memory_space<vmem_shared>>
      tpu.enqueue_indirect_dma source(%dma_start3A_66 : memref<128xf32, #tpu.memory_space<vmem>>) target(%dma_start3A_71 : memref<102400xf32, #tpu.memory_space<vmem_shared>>) offsets(%dma_start3A_69 : memref<128xi32, #tpu.memory_space<vmem>>) semaphore(%arg10 : memref<!tpu.dma_semaphore, #tpu.memory_space<semaphore_mem>>) {add = true}
      %dma_start3A_72 = arith.constant 4 : i32
      %dma_start3A_73 = arith.constant 4 : i32
      %dma_start3A_74 = arith.constant 0 : i32
      %dma_start3A_75 = tpu.memref_slice %arg9[%dma_start3A_72, %dma_start3A_74] : memref<8x128xf32, #tpu.memory_space<vmem>> -> memref<1x128xf32, #tpu.memory_space<vmem>>
      %dma_start3A_76 = tpu.memref_squeeze %dma_start3A_75 : memref<1x128xf32, #tpu.memory_space<vmem>> -> memref<128xf32, #tpu.memory_space<vmem>>
      %dma_start3A_77 = arith.constant 0 : i32
      %dma_start3A_78 = tpu.memref_slice %arg8[%dma_start3A_73, %dma_start3A_77] : memref<8x128xi32, #tpu.memory_space<vmem>> -> memref<1x128xi32, #tpu.memory_space<vmem>>
      %dma_start3A_79 = tpu.memref_squeeze %dma_start3A_78 : memref<1x128xi32, #tpu.memory_space<vmem>> -> memref<128xi32, #tpu.memory_space<vmem>>
      %dma_start3A_80 = arith.constant 0 : i32
      %dma_start3A_81 = tpu.memref_slice %arg7[%dma_start3A_80] : memref<102400xf32, #tpu.memory_space<vmem_shared>> -> memref<102400xf32, #tpu.memory_space<vmem_shared>>
      tpu.enqueue_indirect_dma source(%dma_start3A_76 : memref<128xf32, #tpu.memory_space<vmem>>) target(%dma_start3A_81 : memref<102400xf32, #tpu.memory_space<vmem_shared>>) offsets(%dma_start3A_79 : memref<128xi32, #tpu.memory_space<vmem>>) semaphore(%arg10 : memref<!tpu.dma_semaphore, #tpu.memory_space<semaphore_mem>>) {add = true}
      %dma_start3A_82 = arith.constant 5 : i32
      %dma_start3A_83 = arith.constant 5 : i32
      %dma_start3A_84 = arith.constant 0 : i32
      %dma_start3A_85 = tpu.memref_slice %arg9[%dma_start3A_82, %dma_start3A_84] : memref<8x128xf32, #tpu.memory_space<vmem>> -> memref<1x128xf32, #tpu.memory_space<vmem>>
      %dma_start3A_86 = tpu.memref_squeeze %dma_start3A_85 : memref<1x128xf32, #tpu.memory_space<vmem>> -> memref<128xf32, #tpu.memory_space<vmem>>
      %dma_start3A_87 = arith.constant 0 : i32
      %dma_start3A_88 = tpu.memref_slice %arg8[%dma_start3A_83, %dma_start3A_87] : memref<8x128xi32, #tpu.memory_space<vmem>> -> memref<1x128xi32, #tpu.memory_space<vmem>>
      %dma_start3A_89 = tpu.memref_squeeze %dma_start3A_88 : memref<1x128xi32, #tpu.memory_space<vmem>> -> memref<128xi32, #tpu.memory_space<vmem>>
      %dma_start3A_90 = arith.constant 0 : i32
      %dma_start3A_91 = tpu.memref_slice %arg7[%dma_start3A_90] : memref<102400xf32, #tpu.memory_space<vmem_shared>> -> memref<102400xf32, #tpu.memory_space<vmem_shared>>
      tpu.enqueue_indirect_dma source(%dma_start3A_86 : memref<128xf32, #tpu.memory_space<vmem>>) target(%dma_start3A_91 : memref<102400xf32, #tpu.memory_space<vmem_shared>>) offsets(%dma_start3A_89 : memref<128xi32, #tpu.memory_space<vmem>>) semaphore(%arg10 : memref<!tpu.dma_semaphore, #tpu.memory_space<semaphore_mem>>) {add = true}
      %dma_start3A_92 = arith.constant 6 : i32
      %dma_start3A_93 = arith.constant 6 : i32
      %dma_start3A_94 = arith.constant 0 : i32
      %dma_start3A_95 = tpu.memref_slice %arg9[%dma_start3A_92, %dma_start3A_94] : memref<8x128xf32, #tpu.memory_space<vmem>> -> memref<1x128xf32, #tpu.memory_space<vmem>>
      %dma_start3A_96 = tpu.memref_squeeze %dma_start3A_95 : memref<1x128xf32, #tpu.memory_space<vmem>> -> memref<128xf32, #tpu.memory_space<vmem>>
      %dma_start3A_97 = arith.constant 0 : i32
      %dma_start3A_98 = tpu.memref_slice %arg8[%dma_start3A_93, %dma_start3A_97] : memref<8x128xi32, #tpu.memory_space<vmem>> -> memref<1x128xi32, #tpu.memory_space<vmem>>
      %dma_start3A_99 = tpu.memref_squeeze %dma_start3A_98 : memref<1x128xi32, #tpu.memory_space<vmem>> -> memref<128xi32, #tpu.memory_space<vmem>>
      %dma_start3A_100 = arith.constant 0 : i32
      %dma_start3A_101 = tpu.memref_slice %arg7[%dma_start3A_100] : memref<102400xf32, #tpu.memory_space<vmem_shared>> -> memref<102400xf32, #tpu.memory_space<vmem_shared>>
      tpu.enqueue_indirect_dma source(%dma_start3A_96 : memref<128xf32, #tpu.memory_space<vmem>>) target(%dma_start3A_101 : memref<102400xf32, #tpu.memory_space<vmem_shared>>) offsets(%dma_start3A_99 : memref<128xi32, #tpu.memory_space<vmem>>) semaphore(%arg10 : memref<!tpu.dma_semaphore, #tpu.memory_space<semaphore_mem>>) {add = true}
      %dma_start3A_102 = arith.constant 7 : i32
      %dma_start3A_103 = arith.constant 7 : i32
      %dma_start3A_104 = arith.constant 0 : i32
      %dma_start3A_105 = tpu.memref_slice %arg9[%dma_start3A_102, %dma_start3A_104] : memref<8x128xf32, #tpu.memory_space<vmem>> -> memref<1x128xf32, #tpu.memory_space<vmem>>
      %dma_start3A_106 = tpu.memref_squeeze %dma_start3A_105 : memref<1x128xf32, #tpu.memory_space<vmem>> -> memref<128xf32, #tpu.memory_space<vmem>>
      %dma_start3A_107 = arith.constant 0 : i32
      %dma_start3A_108 = tpu.memref_slice %arg8[%dma_start3A_103, %dma_start3A_107] : memref<8x128xi32, #tpu.memory_space<vmem>> -> memref<1x128xi32, #tpu.memory_space<vmem>>
      %dma_start3A_109 = tpu.memref_squeeze %dma_start3A_108 : memref<1x128xi32, #tpu.memory_space<vmem>> -> memref<128xi32, #tpu.memory_space<vmem>>
      %dma_start3A_110 = arith.constant 0 : i32
      %dma_start3A_111 = tpu.memref_slice %arg7[%dma_start3A_110] : memref<102400xf32, #tpu.memory_space<vmem_shared>> -> memref<102400xf32, #tpu.memory_space<vmem_shared>>
      tpu.enqueue_indirect_dma source(%dma_start3A_106 : memref<128xf32, #tpu.memory_space<vmem>>) target(%dma_start3A_111 : memref<102400xf32, #tpu.memory_space<vmem_shared>>) offsets(%dma_start3A_109 : memref<128xi32, #tpu.memory_space<vmem>>) semaphore(%arg10 : memref<!tpu.dma_semaphore, #tpu.memory_space<semaphore_mem>>) {add = true}
      %dma_wait3A = arith.constant 0 : i32
      %dma_wait3A_112 = arith.constant 0 : i32
      %dma_wait3A_113 = arith.constant 0 : i32
      %dma_wait3A_114 = tpu.memref_slice %arg9[%dma_wait3A, %dma_wait3A_113] : memref<8x128xf32, #tpu.memory_space<vmem>> -> memref<1x128xf32, #tpu.memory_space<vmem>>
      %dma_wait3A_115 = tpu.memref_squeeze %dma_wait3A_114 : memref<1x128xf32, #tpu.memory_space<vmem>> -> memref<128xf32, #tpu.memory_space<vmem>>
      %dma_wait3A_116 = arith.constant 0 : i32
      %dma_wait3A_117 = tpu.memref_slice %arg8[%dma_wait3A_112, %dma_wait3A_116] : memref<8x128xi32, #tpu.memory_space<vmem>> -> memref<1x128xi32, #tpu.memory_space<vmem>>
      %dma_wait3A_118 = tpu.memref_squeeze %dma_wait3A_117 : memref<1x128xi32, #tpu.memory_space<vmem>> -> memref<128xi32, #tpu.memory_space<vmem>>
      %dma_wait3A_119 = arith.constant 0 : i32
      %dma_wait3A_120 = tpu.memref_slice %arg7[%dma_wait3A_119] : memref<102400xf32, #tpu.memory_space<vmem_shared>> -> memref<102400xf32, #tpu.memory_space<vmem_shared>>
      tpu.wait_indirect_dma semaphore(%arg10 : memref<!tpu.dma_semaphore, #tpu.memory_space<semaphore_mem>>) src(%dma_wait3A_115 : memref<128xf32, #tpu.memory_space<vmem>>) dst(%dma_wait3A_120 : memref<102400xf32, #tpu.memory_space<vmem_shared>>)
      %dma_wait3A_121 = arith.constant 1 : i32
      %dma_wait3A_122 = arith.constant 1 : i32
      %dma_wait3A_123 = arith.constant 0 : i32
      %dma_wait3A_124 = tpu.memref_slice %arg9[%dma_wait3A_121, %dma_wait3A_123] : memref<8x128xf32, #tpu.memory_space<vmem>> -> memref<1x128xf32, #tpu.memory_space<vmem>>
      %dma_wait3A_125 = tpu.memref_squeeze %dma_wait3A_124 : memref<1x128xf32, #tpu.memory_space<vmem>> -> memref<128xf32, #tpu.memory_space<vmem>>
      %dma_wait3A_126 = arith.constant 0 : i32
      %dma_wait3A_127 = tpu.memref_slice %arg8[%dma_wait3A_122, %dma_wait3A_126] : memref<8x128xi32, #tpu.memory_space<vmem>> -> memref<1x128xi32, #tpu.memory_space<vmem>>
      %dma_wait3A_128 = tpu.memref_squeeze %dma_wait3A_127 : memref<1x128xi32, #tpu.memory_space<vmem>> -> memref<128xi32, #tpu.memory_space<vmem>>
      %dma_wait3A_129 = arith.constant 0 : i32
      %dma_wait3A_130 = tpu.memref_slice %arg7[%dma_wait3A_129] : memref<102400xf32, #tpu.memory_space<vmem_shared>> -> memref<102400xf32, #tpu.memory_space<vmem_shared>>
      tpu.wait_indirect_dma semaphore(%arg10 : memref<!tpu.dma_semaphore, #tpu.memory_space<semaphore_mem>>) src(%dma_wait3A_125 : memref<128xf32, #tpu.memory_space<vmem>>) dst(%dma_wait3A_130 : memref<102400xf32, #tpu.memory_space<vmem_shared>>)
      %dma_wait3A_131 = arith.constant 2 : i32
      %dma_wait3A_132 = arith.constant 2 : i32
      %dma_wait3A_133 = arith.constant 0 : i32
      %dma_wait3A_134 = tpu.memref_slice %arg9[%dma_wait3A_131, %dma_wait3A_133] : memref<8x128xf32, #tpu.memory_space<vmem>> -> memref<1x128xf32, #tpu.memory_space<vmem>>
      %dma_wait3A_135 = tpu.memref_squeeze %dma_wait3A_134 : memref<1x128xf32, #tpu.memory_space<vmem>> -> memref<128xf32, #tpu.memory_space<vmem>>
      %dma_wait3A_136 = arith.constant 0 : i32
      %dma_wait3A_137 = tpu.memref_slice %arg8[%dma_wait3A_132, %dma_wait3A_136] : memref<8x128xi32, #tpu.memory_space<vmem>> -> memref<1x128xi32, #tpu.memory_space<vmem>>
      %dma_wait3A_138 = tpu.memref_squeeze %dma_wait3A_137 : memref<1x128xi32, #tpu.memory_space<vmem>> -> memref<128xi32, #tpu.memory_space<vmem>>
      %dma_wait3A_139 = arith.constant 0 : i32
      %dma_wait3A_140 = tpu.memref_slice %arg7[%dma_wait3A_139] : memref<102400xf32, #tpu.memory_space<vmem_shared>> -> memref<102400xf32, #tpu.memory_space<vmem_shared>>
      tpu.wait_indirect_dma semaphore(%arg10 : memref<!tpu.dma_semaphore, #tpu.memory_space<semaphore_mem>>) src(%dma_wait3A_135 : memref<128xf32, #tpu.memory_space<vmem>>) dst(%dma_wait3A_140 : memref<102400xf32, #tpu.memory_space<vmem_shared>>)
      %dma_wait3A_141 = arith.constant 3 : i32
      %dma_wait3A_142 = arith.constant 3 : i32
      %dma_wait3A_143 = arith.constant 0 : i32
      %dma_wait3A_144 = tpu.memref_slice %arg9[%dma_wait3A_141, %dma_wait3A_143] : memref<8x128xf32, #tpu.memory_space<vmem>> -> memref<1x128xf32, #tpu.memory_space<vmem>>
      %dma_wait3A_145 = tpu.memref_squeeze %dma_wait3A_144 : memref<1x128xf32, #tpu.memory_space<vmem>> -> memref<128xf32, #tpu.memory_space<vmem>>
      %dma_wait3A_146 = arith.constant 0 : i32
      %dma_wait3A_147 = tpu.memref_slice %arg8[%dma_wait3A_142, %dma_wait3A_146] : memref<8x128xi32, #tpu.memory_space<vmem>> -> memref<1x128xi32, #tpu.memory_space<vmem>>
      %dma_wait3A_148 = tpu.memref_squeeze %dma_wait3A_147 : memref<1x128xi32, #tpu.memory_space<vmem>> -> memref<128xi32, #tpu.memory_space<vmem>>
      %dma_wait3A_149 = arith.constant 0 : i32
      %dma_wait3A_150 = tpu.memref_slice %arg7[%dma_wait3A_149] : memref<102400xf32, #tpu.memory_space<vmem_shared>> -> memref<102400xf32, #tpu.memory_space<vmem_shared>>
      tpu.wait_indirect_dma semaphore(%arg10 : memref<!tpu.dma_semaphore, #tpu.memory_space<semaphore_mem>>) src(%dma_wait3A_145 : memref<128xf32, #tpu.memory_space<vmem>>) dst(%dma_wait3A_150 : memref<102400xf32, #tpu.memory_space<vmem_shared>>)
      %dma_wait3A_151 = arith.constant 4 : i32
      %dma_wait3A_152 = arith.constant 4 : i32
      %dma_wait3A_153 = arith.constant 0 : i32
      %dma_wait3A_154 = tpu.memref_slice %arg9[%dma_wait3A_151, %dma_wait3A_153] : memref<8x128xf32, #tpu.memory_space<vmem>> -> memref<1x128xf32, #tpu.memory_space<vmem>>
      %dma_wait3A_155 = tpu.memref_squeeze %dma_wait3A_154 : memref<1x128xf32, #tpu.memory_space<vmem>> -> memref<128xf32, #tpu.memory_space<vmem>>
      %dma_wait3A_156 = arith.constant 0 : i32
      %dma_wait3A_157 = tpu.memref_slice %arg8[%dma_wait3A_152, %dma_wait3A_156] : memref<8x128xi32, #tpu.memory_space<vmem>> -> memref<1x128xi32, #tpu.memory_space<vmem>>
      %dma_wait3A_158 = tpu.memref_squeeze %dma_wait3A_157 : memref<1x128xi32, #tpu.memory_space<vmem>> -> memref<128xi32, #tpu.memory_space<vmem>>
      %dma_wait3A_159 = arith.constant 0 : i32
      %dma_wait3A_160 = tpu.memref_slice %arg7[%dma_wait3A_159] : memref<102400xf32, #tpu.memory_space<vmem_shared>> -> memref<102400xf32, #tpu.memory_space<vmem_shared>>
      tpu.wait_indirect_dma semaphore(%arg10 : memref<!tpu.dma_semaphore, #tpu.memory_space<semaphore_mem>>) src(%dma_wait3A_155 : memref<128xf32, #tpu.memory_space<vmem>>) dst(%dma_wait3A_160 : memref<102400xf32, #tpu.memory_space<vmem_shared>>)
      %dma_wait3A_161 = arith.constant 5 : i32
      %dma_wait3A_162 = arith.constant 5 : i32
      %dma_wait3A_163 = arith.constant 0 : i32
      %dma_wait3A_164 = tpu.memref_slice %arg9[%dma_wait3A_161, %dma_wait3A_163] : memref<8x128xf32, #tpu.memory_space<vmem>> -> memref<1x128xf32, #tpu.memory_space<vmem>>
      %dma_wait3A_165 = tpu.memref_squeeze %dma_wait3A_164 : memref<1x128xf32, #tpu.memory_space<vmem>> -> memref<128xf32, #tpu.memory_space<vmem>>
      %dma_wait3A_166 = arith.constant 0 : i32
      %dma_wait3A_167 = tpu.memref_slice %arg8[%dma_wait3A_162, %dma_wait3A_166] : memref<8x128xi32, #tpu.memory_space<vmem>> -> memref<1x128xi32, #tpu.memory_space<vmem>>
      %dma_wait3A_168 = tpu.memref_squeeze %dma_wait3A_167 : memref<1x128xi32, #tpu.memory_space<vmem>> -> memref<128xi32, #tpu.memory_space<vmem>>
      %dma_wait3A_169 = arith.constant 0 : i32
      %dma_wait3A_170 = tpu.memref_slice %arg7[%dma_wait3A_169] : memref<102400xf32, #tpu.memory_space<vmem_shared>> -> memref<102400xf32, #tpu.memory_space<vmem_shared>>
      tpu.wait_indirect_dma semaphore(%arg10 : memref<!tpu.dma_semaphore, #tpu.memory_space<semaphore_mem>>) src(%dma_wait3A_165 : memref<128xf32, #tpu.memory_space<vmem>>) dst(%dma_wait3A_170 : memref<102400xf32, #tpu.memory_space<vmem_shared>>)
      %dma_wait3A_171 = arith.constant 6 : i32
      %dma_wait3A_172 = arith.constant 6 : i32
      %dma_wait3A_173 = arith.constant 0 : i32
      %dma_wait3A_174 = tpu.memref_slice %arg9[%dma_wait3A_171, %dma_wait3A_173] : memref<8x128xf32, #tpu.memory_space<vmem>> -> memref<1x128xf32, #tpu.memory_space<vmem>>
      %dma_wait3A_175 = tpu.memref_squeeze %dma_wait3A_174 : memref<1x128xf32, #tpu.memory_space<vmem>> -> memref<128xf32, #tpu.memory_space<vmem>>
      %dma_wait3A_176 = arith.constant 0 : i32
      %dma_wait3A_177 = tpu.memref_slice %arg8[%dma_wait3A_172, %dma_wait3A_176] : memref<8x128xi32, #tpu.memory_space<vmem>> -> memref<1x128xi32, #tpu.memory_space<vmem>>
      %dma_wait3A_178 = tpu.memref_squeeze %dma_wait3A_177 : memref<1x128xi32, #tpu.memory_space<vmem>> -> memref<128xi32, #tpu.memory_space<vmem>>
      %dma_wait3A_179 = arith.constant 0 : i32
      %dma_wait3A_180 = tpu.memref_slice %arg7[%dma_wait3A_179] : memref<102400xf32, #tpu.memory_space<vmem_shared>> -> memref<102400xf32, #tpu.memory_space<vmem_shared>>
      tpu.wait_indirect_dma semaphore(%arg10 : memref<!tpu.dma_semaphore, #tpu.memory_space<semaphore_mem>>) src(%dma_wait3A_175 : memref<128xf32, #tpu.memory_space<vmem>>) dst(%dma_wait3A_180 : memref<102400xf32, #tpu.memory_space<vmem_shared>>)
      %dma_wait3A_181 = arith.constant 7 : i32
      %dma_wait3A_182 = arith.constant 7 : i32
      %dma_wait3A_183 = arith.constant 0 : i32
      %dma_wait3A_184 = tpu.memref_slice %arg9[%dma_wait3A_181, %dma_wait3A_183] : memref<8x128xf32, #tpu.memory_space<vmem>> -> memref<1x128xf32, #tpu.memory_space<vmem>>
      %dma_wait3A_185 = tpu.memref_squeeze %dma_wait3A_184 : memref<1x128xf32, #tpu.memory_space<vmem>> -> memref<128xf32, #tpu.memory_space<vmem>>
      %dma_wait3A_186 = arith.constant 0 : i32
      %dma_wait3A_187 = tpu.memref_slice %arg8[%dma_wait3A_182, %dma_wait3A_186] : memref<8x128xi32, #tpu.memory_space<vmem>> -> memref<1x128xi32, #tpu.memory_space<vmem>>
      %dma_wait3A_188 = tpu.memref_squeeze %dma_wait3A_187 : memref<1x128xi32, #tpu.memory_space<vmem>> -> memref<128xi32, #tpu.memory_space<vmem>>
      %dma_wait3A_189 = arith.constant 0 : i32
      %dma_wait3A_190 = tpu.memref_slice %arg7[%dma_wait3A_189] : memref<102400xf32, #tpu.memory_space<vmem_shared>> -> memref<102400xf32, #tpu.memory_space<vmem_shared>>
      tpu.wait_indirect_dma semaphore(%arg10 : memref<!tpu.dma_semaphore, #tpu.memory_space<semaphore_mem>>) src(%dma_wait3A_185 : memref<128xf32, #tpu.memory_space<vmem>>) dst(%dma_wait3A_190 : memref<102400xf32, #tpu.memory_space<vmem_shared>>)
    }
    %barrier3A_20 = arith.constant 0 : index
    tpu.barrier barrier_id(%barrier3A_20)
    %eq3A_21 = arith.constant 0 : i32
    %eq3A_22 = arith.cmpi eq, %arg0, %eq3A_21 : i32
    %convert_element_type3A = arith.extui %eq3A_22 : i1 to i32
    %cond3A = arith.constant 0 : i32
    %cond3A_23 = arith.cmpi ne, %convert_element_type3A, %cond3A : i32
    scf.if %cond3A_23 {
      "tpu.region"() ({
        %run_scoped3A = tpu.sem_alloc : memref<!tpu.dma_semaphore, #tpu.memory_space<semaphore_mem>>
        %dma_start3A = tpu.memref_slice %arg5[%mul3A_0] : memref<102400xf32, #tpu.memory_space<hbm>> -> memref<6400xf32, #tpu.memory_space<hbm>>
        %dma_start3A_29 = tpu.memref_slice %arg7[%mul3A_0] : memref<102400xf32, #tpu.memory_space<vmem_shared>> -> memref<6400xf32, #tpu.memory_space<vmem_shared>>
        tpu.enqueue_dma source(%dma_start3A_29 : memref<6400xf32, #tpu.memory_space<vmem_shared>>) target(%dma_start3A : memref<6400xf32, #tpu.memory_space<hbm>>) target_semaphore(%run_scoped3A : memref<!tpu.dma_semaphore, #tpu.memory_space<semaphore_mem>>)
        %dma_wait3A = tpu.memref_slice %arg5[%mul3A_0] : memref<102400xf32, #tpu.memory_space<hbm>> -> memref<6400xf32, #tpu.memory_space<hbm>>
        %dma_wait3A_30 = tpu.memref_slice %arg7[%mul3A_0] : memref<102400xf32, #tpu.memory_space<vmem_shared>> -> memref<6400xf32, #tpu.memory_space<vmem_shared>>
        tpu.wait_dma2 semaphore(%run_scoped3A : memref<!tpu.dma_semaphore, #tpu.memory_space<semaphore_mem>>) src(%dma_wait3A_30 : memref<6400xf32, #tpu.memory_space<vmem_shared>>) dst(%dma_wait3A : memref<6400xf32, #tpu.memory_space<hbm>>)
        tpu.yield
      }) : () -> ()
    } else {
    }
    %eq3A_24 = arith.constant 1 : i32
    %eq3A_25 = arith.cmpi eq, %arg0, %eq3A_24 : i32
    %convert_element_type3A_26 = arith.extui %eq3A_25 : i1 to i32
    %cond3A_27 = arith.constant 0 : i32
    %cond3A_28 = arith.cmpi ne, %convert_element_type3A_26, %cond3A_27 : i32
    scf.if %cond3A_28 {
      "tpu.region"() ({
        %run_scoped3A = tpu.sem_alloc : memref<!tpu.dma_semaphore, #tpu.memory_space<semaphore_mem>>
        %dma_start3A = tpu.memref_slice %arg6[%mul3A_0] : memref<102400xf32, #tpu.memory_space<hbm>> -> memref<6400xf32, #tpu.memory_space<hbm>>
        %dma_start3A_29 = tpu.memref_slice %arg7[%mul3A_0] : memref<102400xf32, #tpu.memory_space<vmem_shared>> -> memref<6400xf32, #tpu.memory_space<vmem_shared>>
        tpu.enqueue_dma source(%dma_start3A_29 : memref<6400xf32, #tpu.memory_space<vmem_shared>>) target(%dma_start3A : memref<6400xf32, #tpu.memory_space<hbm>>) target_semaphore(%run_scoped3A : memref<!tpu.dma_semaphore, #tpu.memory_space<semaphore_mem>>)
        %dma_wait3A = tpu.memref_slice %arg6[%mul3A_0] : memref<102400xf32, #tpu.memory_space<hbm>> -> memref<6400xf32, #tpu.memory_space<hbm>>
        %dma_wait3A_30 = tpu.memref_slice %arg7[%mul3A_0] : memref<102400xf32, #tpu.memory_space<vmem_shared>> -> memref<6400xf32, #tpu.memory_space<vmem_shared>>
        tpu.wait_dma2 semaphore(%run_scoped3A : memref<!tpu.dma_semaphore, #tpu.memory_space<semaphore_mem>>) src(%dma_wait3A_30 : memref<6400xf32, #tpu.memory_space<vmem_shared>>) dst(%dma_wait3A : memref<6400xf32, #tpu.memory_space<hbm>>)
        tpu.yield
      }) : () -> ()
    } else {
    }
    return
  }
}

#map = affine_map<(d0, d1) -> (0, 0)>
module attributes {stable_mosaic.version = 14 : i64} {
  func.func @k(%arg0: i32, %arg1: i32, %arg2: memref<102400x16xf32, #tpu.memory_space<hbm>>, %arg3: memref<25600x128xi32, #tpu.memory_space<hbm>>, %arg4: memref<25600x128xi32, #tpu.memory_space<hbm>>, %arg5: memref<102400x16xf32, #tpu.memory_space<hbm>>, %arg6: memref<102400x16xf32, #tpu.memory_space<hbm>>, %arg7: memref<102400x16xf32, #tpu.memory_space<hbm>>, %arg8: memref<102400x16xf32, #tpu.memory_space<vmem_shared>>, %arg9: memref<4x128xi32, #tpu.memory_space<vmem>>, %arg10: memref<4x128xi32, #tpu.memory_space<vmem>>, %arg11: memref<4x128xi32, #tpu.memory_space<vmem>>, %arg12: memref<4x128xi32, #tpu.memory_space<vmem>>, %arg13: memref<4x128x16xf32, #tpu.memory_space<vmem>>, %arg14: memref<4x128x16xf32, #tpu.memory_space<vmem>>, %arg15: memref<!tpu.dma_semaphore, #tpu.memory_space<semaphore_mem>>, %arg16: memref<!tpu.dma_semaphore, #tpu.memory_space<semaphore_mem>>, %arg17: memref<!tpu.dma_semaphore, #tpu.memory_space<semaphore_mem>>) attributes {dimension_semantics = [#tpu.dimension_semantics<core_parallel>, #tpu.dimension_semantics<subcore_parallel>], iteration_bounds = array<i64: 2, 16>, scalar_prefetch = 0 : i64, scratch_operands = 10 : i64, tpu.core_type = #tpu.core_type<sc_vector_subcore>, window_params = [{transform_indices = #map}, {transform_indices = #map}, {transform_indices = #map}, {transform_indices = #map}, {transform_indices = #map}, {transform_indices = #map}]} {
    %mul3A = arith.constant 6400 : i32
    %mul3A_0 = arith.muli %arg1, %mul3A : i32
    "tpu.region"() ({
      %run_scoped3A = tpu.sem_alloc : memref<!tpu.dma_semaphore, #tpu.memory_space<semaphore_mem>>
      %dma_start3A_141 = arith.constant 0 : i32
      %dma_start3A_142 = tpu.memref_slice %arg8[%mul3A_0, %dma_start3A_141] : memref<102400x16xf32, #tpu.memory_space<vmem_shared>> -> memref<6400x16xf32, #tpu.memory_space<vmem_shared>>
      %dma_start3A_143 = arith.constant 0 : i32
      %dma_start3A_144 = tpu.memref_slice %arg5[%mul3A_0, %dma_start3A_143] : memref<102400x16xf32, #tpu.memory_space<hbm>> -> memref<6400x16xf32, #tpu.memory_space<hbm>>
      tpu.enqueue_dma source(%dma_start3A_144 : memref<6400x16xf32, #tpu.memory_space<hbm>>) target(%dma_start3A_142 : memref<6400x16xf32, #tpu.memory_space<vmem_shared>>) target_semaphore(%run_scoped3A : memref<!tpu.dma_semaphore, #tpu.memory_space<semaphore_mem>>)
      %dma_wait3A_145 = arith.constant 0 : i32
      %dma_wait3A_146 = tpu.memref_slice %arg8[%mul3A_0, %dma_wait3A_145] : memref<102400x16xf32, #tpu.memory_space<vmem_shared>> -> memref<6400x16xf32, #tpu.memory_space<vmem_shared>>
      %dma_wait3A_147 = arith.constant 0 : i32
      %dma_wait3A_148 = tpu.memref_slice %arg5[%mul3A_0, %dma_wait3A_147] : memref<102400x16xf32, #tpu.memory_space<hbm>> -> memref<6400x16xf32, #tpu.memory_space<hbm>>
      tpu.wait_dma2 semaphore(%run_scoped3A : memref<!tpu.dma_semaphore, #tpu.memory_space<semaphore_mem>>) src(%dma_wait3A_148 : memref<6400x16xf32, #tpu.memory_space<hbm>>) dst(%dma_wait3A_146 : memref<6400x16xf32, #tpu.memory_space<vmem_shared>>)
      tpu.yield
    }) : () -> ()
    %barrier3A = arith.constant 0 : index
    tpu.barrier barrier_id(%barrier3A)
    %eq3A = arith.constant 0 : i32
    %eq3A_1 = arith.cmpi eq, %arg0, %eq3A : i32
    %mul3A_2 = arith.constant 1432 : i32
    %mul3A_3 = arith.muli %arg1, %mul3A_2 : i32
    %mul3A_4 = arith.constant 168 : i32
    %mul3A_5 = arith.muli %arg1, %mul3A_4 : i32
    %add3A = arith.constant 22912 : i32
    %add3A_6 = arith.addi %add3A, %mul3A_5 : i32
    %select_n3A = arith.select %eq3A_1, %mul3A_3, %add3A_6 : i32
    %eq3A_7 = arith.constant 0 : i32
    %eq3A_8 = arith.cmpi eq, %arg0, %eq3A_7 : i32
    %jit3A = arith.constant 358 : i32
    %jit3A_9 = arith.constant 42 : i32
    %select_n3A_10 = arith.select %eq3A_8, %jit3A, %jit3A_9 : i32
    "tpu.region"() ({
      %run_scoped3A = tpu.sem_alloc : memref<!tpu.dma_semaphore, #tpu.memory_space<semaphore_mem>>
      %dma_start3A_141 = arith.constant 0 : i32
      %dma_start3A_142 = tpu.memref_slice %arg3[%select_n3A, %dma_start3A_141] : memref<25600x128xi32, #tpu.memory_space<hbm>> -> memref<4x128xi32, #tpu.memory_space<hbm>>
      %dma_start3A_143 = arith.constant 0 : i32
      %dma_start3A_144 = tpu.memref_slice %arg3[%select_n3A, %dma_start3A_143] : memref<25600x128xi32, #tpu.memory_space<hbm>> -> memref<4x128xi32, #tpu.memory_space<hbm>>
      tpu.enqueue_dma source(%dma_start3A_144 : memref<4x128xi32, #tpu.memory_space<hbm>>) target(%arg9 : memref<4x128xi32, #tpu.memory_space<vmem>>) target_semaphore(%run_scoped3A : memref<!tpu.dma_semaphore, #tpu.memory_space<semaphore_mem>>)
      %dma_wait3A_145 = arith.constant 0 : i32
      %dma_wait3A_146 = tpu.memref_slice %arg3[%select_n3A, %dma_wait3A_145] : memref<25600x128xi32, #tpu.memory_space<hbm>> -> memref<4x128xi32, #tpu.memory_space<hbm>>
      %dma_wait3A_147 = arith.constant 0 : i32
      %dma_wait3A_148 = tpu.memref_slice %arg3[%select_n3A, %dma_wait3A_147] : memref<25600x128xi32, #tpu.memory_space<hbm>> -> memref<4x128xi32, #tpu.memory_space<hbm>>
      tpu.wait_dma2 semaphore(%run_scoped3A : memref<!tpu.dma_semaphore, #tpu.memory_space<semaphore_mem>>) src(%dma_wait3A_148 : memref<4x128xi32, #tpu.memory_space<hbm>>) dst(%arg9 : memref<4x128xi32, #tpu.memory_space<vmem>>)
      tpu.yield
    }) : () -> ()
    "tpu.region"() ({
      %run_scoped3A = tpu.sem_alloc : memref<!tpu.dma_semaphore, #tpu.memory_space<semaphore_mem>>
      %dma_start3A_141 = arith.constant 0 : i32
      %dma_start3A_142 = tpu.memref_slice %arg4[%select_n3A, %dma_start3A_141] : memref<25600x128xi32, #tpu.memory_space<hbm>> -> memref<4x128xi32, #tpu.memory_space<hbm>>
      %dma_start3A_143 = arith.constant 0 : i32
      %dma_start3A_144 = tpu.memref_slice %arg4[%select_n3A, %dma_start3A_143] : memref<25600x128xi32, #tpu.memory_space<hbm>> -> memref<4x128xi32, #tpu.memory_space<hbm>>
      tpu.enqueue_dma source(%dma_start3A_144 : memref<4x128xi32, #tpu.memory_space<hbm>>) target(%arg11 : memref<4x128xi32, #tpu.memory_space<vmem>>) target_semaphore(%run_scoped3A : memref<!tpu.dma_semaphore, #tpu.memory_space<semaphore_mem>>)
      %dma_wait3A_145 = arith.constant 0 : i32
      %dma_wait3A_146 = tpu.memref_slice %arg4[%select_n3A, %dma_wait3A_145] : memref<25600x128xi32, #tpu.memory_space<hbm>> -> memref<4x128xi32, #tpu.memory_space<hbm>>
      %dma_wait3A_147 = arith.constant 0 : i32
      %dma_wait3A_148 = tpu.memref_slice %arg4[%select_n3A, %dma_wait3A_147] : memref<25600x128xi32, #tpu.memory_space<hbm>> -> memref<4x128xi32, #tpu.memory_space<hbm>>
      tpu.wait_dma2 semaphore(%run_scoped3A : memref<!tpu.dma_semaphore, #tpu.memory_space<semaphore_mem>>) src(%dma_wait3A_148 : memref<4x128xi32, #tpu.memory_space<hbm>>) dst(%arg11 : memref<4x128xi32, #tpu.memory_space<vmem>>)
      tpu.yield
    }) : () -> ()
    %dma_start3A = arith.constant 0 : i32
    %dma_start3A_11 = arith.constant 0 : i32
    %dma_start3A_12 = arith.constant 0 : i32
    %dma_start3A_13 = arith.constant 0 : i32
    %dma_start3A_14 = tpu.memref_slice %arg13[%dma_start3A_11, %dma_start3A_12, %dma_start3A_13] : memref<4x128x16xf32, #tpu.memory_space<vmem>> -> memref<1x128x16xf32, #tpu.memory_space<vmem>>
    %dma_start3A_15 = tpu.memref_squeeze %dma_start3A_14 : memref<1x128x16xf32, #tpu.memory_space<vmem>> -> memref<128x16xf32, #tpu.memory_space<vmem>>
    %dma_start3A_16 = arith.constant 0 : i32
    %dma_start3A_17 = tpu.memref_slice %arg9[%dma_start3A, %dma_start3A_16] : memref<4x128xi32, #tpu.memory_space<vmem>> -> memref<1x128xi32, #tpu.memory_space<vmem>>
    %dma_start3A_18 = tpu.memref_squeeze %dma_start3A_17 : memref<1x128xi32, #tpu.memory_space<vmem>> -> memref<128xi32, #tpu.memory_space<vmem>>
    %dma_start3A_19 = arith.constant 0 : i32
    %dma_start3A_20 = arith.constant 0 : i32
    %dma_start3A_21 = tpu.memref_slice %arg2[%dma_start3A_19, %dma_start3A_20] : memref<102400x16xf32, #tpu.memory_space<hbm>> -> memref<102400x16xf32, #tpu.memory_space<hbm>>
    tpu.enqueue_indirect_dma source(%dma_start3A_21 : memref<102400x16xf32, #tpu.memory_space<hbm>>) target(%dma_start3A_15 : memref<128x16xf32, #tpu.memory_space<vmem>>) offsets(%dma_start3A_18 : memref<128xi32, #tpu.memory_space<vmem>>) semaphore(%arg15 : memref<!tpu.dma_semaphore, #tpu.memory_space<semaphore_mem>>)
    %dma_start3A_22 = arith.constant 1 : i32
    %dma_start3A_23 = arith.constant 1 : i32
    %dma_start3A_24 = arith.constant 0 : i32
    %dma_start3A_25 = arith.constant 0 : i32
    %dma_start3A_26 = tpu.memref_slice %arg13[%dma_start3A_23, %dma_start3A_24, %dma_start3A_25] : memref<4x128x16xf32, #tpu.memory_space<vmem>> -> memref<1x128x16xf32, #tpu.memory_space<vmem>>
    %dma_start3A_27 = tpu.memref_squeeze %dma_start3A_26 : memref<1x128x16xf32, #tpu.memory_space<vmem>> -> memref<128x16xf32, #tpu.memory_space<vmem>>
    %dma_start3A_28 = arith.constant 0 : i32
    %dma_start3A_29 = tpu.memref_slice %arg9[%dma_start3A_22, %dma_start3A_28] : memref<4x128xi32, #tpu.memory_space<vmem>> -> memref<1x128xi32, #tpu.memory_space<vmem>>
    %dma_start3A_30 = tpu.memref_squeeze %dma_start3A_29 : memref<1x128xi32, #tpu.memory_space<vmem>> -> memref<128xi32, #tpu.memory_space<vmem>>
    %dma_start3A_31 = arith.constant 0 : i32
    %dma_start3A_32 = arith.constant 0 : i32
    %dma_start3A_33 = tpu.memref_slice %arg2[%dma_start3A_31, %dma_start3A_32] : memref<102400x16xf32, #tpu.memory_space<hbm>> -> memref<102400x16xf32, #tpu.memory_space<hbm>>
    tpu.enqueue_indirect_dma source(%dma_start3A_33 : memref<102400x16xf32, #tpu.memory_space<hbm>>) target(%dma_start3A_27 : memref<128x16xf32, #tpu.memory_space<vmem>>) offsets(%dma_start3A_30 : memref<128xi32, #tpu.memory_space<vmem>>) semaphore(%arg15 : memref<!tpu.dma_semaphore, #tpu.memory_space<semaphore_mem>>)
    %dma_start3A_34 = arith.constant 2 : i32
    %dma_start3A_35 = arith.constant 2 : i32
    %dma_start3A_36 = arith.constant 0 : i32
    %dma_start3A_37 = arith.constant 0 : i32
    %dma_start3A_38 = tpu.memref_slice %arg13[%dma_start3A_35, %dma_start3A_36, %dma_start3A_37] : memref<4x128x16xf32, #tpu.memory_space<vmem>> -> memref<1x128x16xf32, #tpu.memory_space<vmem>>
    %dma_start3A_39 = tpu.memref_squeeze %dma_start3A_38 : memref<1x128x16xf32, #tpu.memory_space<vmem>> -> memref<128x16xf32, #tpu.memory_space<vmem>>
    %dma_start3A_40 = arith.constant 0 : i32
    %dma_start3A_41 = tpu.memref_slice %arg9[%dma_start3A_34, %dma_start3A_40] : memref<4x128xi32, #tpu.memory_space<vmem>> -> memref<1x128xi32, #tpu.memory_space<vmem>>
    %dma_start3A_42 = tpu.memref_squeeze %dma_start3A_41 : memref<1x128xi32, #tpu.memory_space<vmem>> -> memref<128xi32, #tpu.memory_space<vmem>>
    %dma_start3A_43 = arith.constant 0 : i32
    %dma_start3A_44 = arith.constant 0 : i32
    %dma_start3A_45 = tpu.memref_slice %arg2[%dma_start3A_43, %dma_start3A_44] : memref<102400x16xf32, #tpu.memory_space<hbm>> -> memref<102400x16xf32, #tpu.memory_space<hbm>>
    tpu.enqueue_indirect_dma source(%dma_start3A_45 : memref<102400x16xf32, #tpu.memory_space<hbm>>) target(%dma_start3A_39 : memref<128x16xf32, #tpu.memory_space<vmem>>) offsets(%dma_start3A_42 : memref<128xi32, #tpu.memory_space<vmem>>) semaphore(%arg15 : memref<!tpu.dma_semaphore, #tpu.memory_space<semaphore_mem>>)
    %dma_start3A_46 = arith.constant 3 : i32
    %dma_start3A_47 = arith.constant 3 : i32
    %dma_start3A_48 = arith.constant 0 : i32
    %dma_start3A_49 = arith.constant 0 : i32
    %dma_start3A_50 = tpu.memref_slice %arg13[%dma_start3A_47, %dma_start3A_48, %dma_start3A_49] : memref<4x128x16xf32, #tpu.memory_space<vmem>> -> memref<1x128x16xf32, #tpu.memory_space<vmem>>
    %dma_start3A_51 = tpu.memref_squeeze %dma_start3A_50 : memref<1x128x16xf32, #tpu.memory_space<vmem>> -> memref<128x16xf32, #tpu.memory_space<vmem>>
    %dma_start3A_52 = arith.constant 0 : i32
    %dma_start3A_53 = tpu.memref_slice %arg9[%dma_start3A_46, %dma_start3A_52] : memref<4x128xi32, #tpu.memory_space<vmem>> -> memref<1x128xi32, #tpu.memory_space<vmem>>
    %dma_start3A_54 = tpu.memref_squeeze %dma_start3A_53 : memref<1x128xi32, #tpu.memory_space<vmem>> -> memref<128xi32, #tpu.memory_space<vmem>>
    %dma_start3A_55 = arith.constant 0 : i32
    %dma_start3A_56 = arith.constant 0 : i32
    %dma_start3A_57 = tpu.memref_slice %arg2[%dma_start3A_55, %dma_start3A_56] : memref<102400x16xf32, #tpu.memory_space<hbm>> -> memref<102400x16xf32, #tpu.memory_space<hbm>>
    tpu.enqueue_indirect_dma source(%dma_start3A_57 : memref<102400x16xf32, #tpu.memory_space<hbm>>) target(%dma_start3A_51 : memref<128x16xf32, #tpu.memory_space<vmem>>) offsets(%dma_start3A_54 : memref<128xi32, #tpu.memory_space<vmem>>) semaphore(%arg15 : memref<!tpu.dma_semaphore, #tpu.memory_space<semaphore_mem>>)
    %jit3A_58 = arith.constant 2 : i32
    %div3A = arith.divsi %select_n3A_10, %jit3A_58 : i32
    %sign3A = arith.constant 0 : i32
    %sign3A_59 = arith.cmpi sgt, %select_n3A_10, %sign3A : i32
    %sign3A_60 = arith.extui %sign3A_59 : i1 to i32
    %sign3A_61 = arith.constant 0 : i32
    %sign3A_62 = arith.cmpi slt, %select_n3A_10, %sign3A_61 : i32
    %sign3A_63 = arith.extui %sign3A_62 : i1 to i32
    %sign3A_64 = arith.subi %sign3A_60, %sign3A_63 : i32
    %sign3A_65 = arith.constant 0 : i32
    %sign3A_66 = arith.cmpi sgt, %jit3A_58, %sign3A_65 : i32
    %sign3A_67 = arith.extui %sign3A_66 : i1 to i32
    %sign3A_68 = arith.constant 0 : i32
    %sign3A_69 = arith.cmpi slt, %jit3A_58, %sign3A_68 : i32
    %sign3A_70 = arith.extui %sign3A_69 : i1 to i32
    %sign3A_71 = arith.subi %sign3A_67, %sign3A_70 : i32
    %ne3A = arith.cmpi ne, %sign3A_64, %sign3A_71 : i32
    %rem3A = arith.remsi %select_n3A_10, %jit3A_58 : i32
    %ne3A_72 = arith.constant 0 : i32
    %ne3A_73 = arith.cmpi ne, %rem3A, %ne3A_72 : i32
    %and3A = arith.andi %ne3A, %ne3A_73 : i1
    %sub3A = arith.constant 1 : i32
    %sub3A_74 = arith.subi %div3A, %sub3A : i32
    %select_n3A_75 = arith.select %and3A, %sub3A_74, %div3A : i32
    %while3A = arith.constant 0 : i32
    %while3A_76 = arith.constant 0 : i32
    %while3A_77 = arith.subi %select_n3A_75, %while3A_76 : i32
    %while3A_78 = arith.addi %while3A_76, %while3A_77 : i32
    %while3A_79 = arith.constant 1 : i32
    %while3A_80 = arith.divsi %while3A_77, %while3A_79 : i32
    %while3A_81 = arith.muli %while3A_80, %while3A_79 : i32
    %while3A_82 = arith.addi %while3A_76, %while3A_81 : i32
    %while3A_83 = arith.constant 1 : i32
    scf.for %while3A_141 = %while3A_76 to %while3A_82 step %while3A_83  : i32 {
      %mul3A_142 = arith.constant 2 : i32
      %mul3A_143 = arith.muli %mul3A_142, %while3A_141 : i32
      %ge3A = arith.constant 1 : i32
      %ge3A_144 = arith.cmpi sge, %mul3A_143, %ge3A : i32
      %convert_element_type3A_145 = arith.extui %ge3A_144 : i1 to i32
      %cond3A_146 = arith.constant 0 : i32
      %cond3A_147 = arith.cmpi ne, %convert_element_type3A_145, %cond3A_146 : i32
      scf.if %cond3A_147 {
        %dma_wait3A_372 = arith.constant 0 : i32
        %dma_wait3A_373 = arith.constant 0 : i32
        %dma_wait3A_374 = arith.constant 0 : i32
        %dma_wait3A_375 = arith.constant 0 : i32
        %dma_wait3A_376 = tpu.memref_slice %arg14[%dma_wait3A_372, %dma_wait3A_374, %dma_wait3A_375] : memref<4x128x16xf32, #tpu.memory_space<vmem>> -> memref<1x128x16xf32, #tpu.memory_space<vmem>>
        %dma_wait3A_377 = tpu.memref_squeeze %dma_wait3A_376 : memref<1x128x16xf32, #tpu.memory_space<vmem>> -> memref<128x16xf32, #tpu.memory_space<vmem>>
        %dma_wait3A_378 = arith.constant 0 : i32
        %dma_wait3A_379 = tpu.memref_slice %arg12[%dma_wait3A_373, %dma_wait3A_378] : memref<4x128xi32, #tpu.memory_space<vmem>> -> memref<1x128xi32, #tpu.memory_space<vmem>>
        %dma_wait3A_380 = tpu.memref_squeeze %dma_wait3A_379 : memref<1x128xi32, #tpu.memory_space<vmem>> -> memref<128xi32, #tpu.memory_space<vmem>>
        %dma_wait3A_381 = arith.constant 0 : i32
        %dma_wait3A_382 = arith.constant 0 : i32
        %dma_wait3A_383 = tpu.memref_slice %arg8[%dma_wait3A_381, %dma_wait3A_382] : memref<102400x16xf32, #tpu.memory_space<vmem_shared>> -> memref<102400x16xf32, #tpu.memory_space<vmem_shared>>
        tpu.wait_indirect_dma semaphore(%arg16 : memref<!tpu.dma_semaphore, #tpu.memory_space<semaphore_mem>>) src(%dma_wait3A_377 : memref<128x16xf32, #tpu.memory_space<vmem>>) dst(%dma_wait3A_383 : memref<102400x16xf32, #tpu.memory_space<vmem_shared>>)
        %dma_wait3A_384 = arith.constant 1 : i32
        %dma_wait3A_385 = arith.constant 1 : i32
        %dma_wait3A_386 = arith.constant 0 : i32
        %dma_wait3A_387 = arith.constant 0 : i32
        %dma_wait3A_388 = tpu.memref_slice %arg14[%dma_wait3A_384, %dma_wait3A_386, %dma_wait3A_387] : memref<4x128x16xf32, #tpu.memory_space<vmem>> -> memref<1x128x16xf32, #tpu.memory_space<vmem>>
        %dma_wait3A_389 = tpu.memref_squeeze %dma_wait3A_388 : memref<1x128x16xf32, #tpu.memory_space<vmem>> -> memref<128x16xf32, #tpu.memory_space<vmem>>
        %dma_wait3A_390 = arith.constant 0 : i32
        %dma_wait3A_391 = tpu.memref_slice %arg12[%dma_wait3A_385, %dma_wait3A_390] : memref<4x128xi32, #tpu.memory_space<vmem>> -> memref<1x128xi32, #tpu.memory_space<vmem>>
        %dma_wait3A_392 = tpu.memref_squeeze %dma_wait3A_391 : memref<1x128xi32, #tpu.memory_space<vmem>> -> memref<128xi32, #tpu.memory_space<vmem>>
        %dma_wait3A_393 = arith.constant 0 : i32
        %dma_wait3A_394 = arith.constant 0 : i32
        %dma_wait3A_395 = tpu.memref_slice %arg8[%dma_wait3A_393, %dma_wait3A_394] : memref<102400x16xf32, #tpu.memory_space<vmem_shared>> -> memref<102400x16xf32, #tpu.memory_space<vmem_shared>>
        tpu.wait_indirect_dma semaphore(%arg16 : memref<!tpu.dma_semaphore, #tpu.memory_space<semaphore_mem>>) src(%dma_wait3A_389 : memref<128x16xf32, #tpu.memory_space<vmem>>) dst(%dma_wait3A_395 : memref<102400x16xf32, #tpu.memory_space<vmem_shared>>)
        %dma_wait3A_396 = arith.constant 2 : i32
        %dma_wait3A_397 = arith.constant 2 : i32
        %dma_wait3A_398 = arith.constant 0 : i32
        %dma_wait3A_399 = arith.constant 0 : i32
        %dma_wait3A_400 = tpu.memref_slice %arg14[%dma_wait3A_396, %dma_wait3A_398, %dma_wait3A_399] : memref<4x128x16xf32, #tpu.memory_space<vmem>> -> memref<1x128x16xf32, #tpu.memory_space<vmem>>
        %dma_wait3A_401 = tpu.memref_squeeze %dma_wait3A_400 : memref<1x128x16xf32, #tpu.memory_space<vmem>> -> memref<128x16xf32, #tpu.memory_space<vmem>>
        %dma_wait3A_402 = arith.constant 0 : i32
        %dma_wait3A_403 = tpu.memref_slice %arg12[%dma_wait3A_397, %dma_wait3A_402] : memref<4x128xi32, #tpu.memory_space<vmem>> -> memref<1x128xi32, #tpu.memory_space<vmem>>
        %dma_wait3A_404 = tpu.memref_squeeze %dma_wait3A_403 : memref<1x128xi32, #tpu.memory_space<vmem>> -> memref<128xi32, #tpu.memory_space<vmem>>
        %dma_wait3A_405 = arith.constant 0 : i32
        %dma_wait3A_406 = arith.constant 0 : i32
        %dma_wait3A_407 = tpu.memref_slice %arg8[%dma_wait3A_405, %dma_wait3A_406] : memref<102400x16xf32, #tpu.memory_space<vmem_shared>> -> memref<102400x16xf32, #tpu.memory_space<vmem_shared>>
        tpu.wait_indirect_dma semaphore(%arg16 : memref<!tpu.dma_semaphore, #tpu.memory_space<semaphore_mem>>) src(%dma_wait3A_401 : memref<128x16xf32, #tpu.memory_space<vmem>>) dst(%dma_wait3A_407 : memref<102400x16xf32, #tpu.memory_space<vmem_shared>>)
        %dma_wait3A_408 = arith.constant 3 : i32
        %dma_wait3A_409 = arith.constant 3 : i32
        %dma_wait3A_410 = arith.constant 0 : i32
        %dma_wait3A_411 = arith.constant 0 : i32
        %dma_wait3A_412 = tpu.memref_slice %arg14[%dma_wait3A_408, %dma_wait3A_410, %dma_wait3A_411] : memref<4x128x16xf32, #tpu.memory_space<vmem>> -> memref<1x128x16xf32, #tpu.memory_space<vmem>>
        %dma_wait3A_413 = tpu.memref_squeeze %dma_wait3A_412 : memref<1x128x16xf32, #tpu.memory_space<vmem>> -> memref<128x16xf32, #tpu.memory_space<vmem>>
        %dma_wait3A_414 = arith.constant 0 : i32
        %dma_wait3A_415 = tpu.memref_slice %arg12[%dma_wait3A_409, %dma_wait3A_414] : memref<4x128xi32, #tpu.memory_space<vmem>> -> memref<1x128xi32, #tpu.memory_space<vmem>>
        %dma_wait3A_416 = tpu.memref_squeeze %dma_wait3A_415 : memref<1x128xi32, #tpu.memory_space<vmem>> -> memref<128xi32, #tpu.memory_space<vmem>>
        %dma_wait3A_417 = arith.constant 0 : i32
        %dma_wait3A_418 = arith.constant 0 : i32
        %dma_wait3A_419 = tpu.memref_slice %arg8[%dma_wait3A_417, %dma_wait3A_418] : memref<102400x16xf32, #tpu.memory_space<vmem_shared>> -> memref<102400x16xf32, #tpu.memory_space<vmem_shared>>
        tpu.wait_indirect_dma semaphore(%arg16 : memref<!tpu.dma_semaphore, #tpu.memory_space<semaphore_mem>>) src(%dma_wait3A_413 : memref<128x16xf32, #tpu.memory_space<vmem>>) dst(%dma_wait3A_419 : memref<102400x16xf32, #tpu.memory_space<vmem_shared>>)
      } else {
      }
      %add3A_148 = arith.constant 1 : i32
      %add3A_149 = arith.addi %mul3A_143, %add3A_148 : i32
      %lt3A = arith.cmpi slt, %add3A_149, %select_n3A_10 : i32
      %convert_element_type3A_150 = arith.extui %lt3A : i1 to i32
      %cond3A_151 = arith.constant 0 : i32
      %cond3A_152 = arith.cmpi ne, %convert_element_type3A_150, %cond3A_151 : i32
      scf.if %cond3A_152 {
        %add3A_372 = arith.constant 1 : i32
        %add3A_373 = arith.addi %mul3A_143, %add3A_372 : i32
        %mul3A_374 = arith.constant 4 : i32
        %mul3A_375 = arith.muli %add3A_373, %mul3A_374 : i32
        %add3A_376 = arith.addi %select_n3A, %mul3A_375 : i32
        %dma_start3A_377 = arith.constant 0 : i32
        %dma_start3A_378 = tpu.memref_slice %arg3[%add3A_376, %dma_start3A_377] : memref<25600x128xi32, #tpu.memory_space<hbm>> -> memref<4x128xi32, #tpu.memory_space<hbm>>
        %dma_start3A_379 = arith.constant 0 : i32
        %dma_start3A_380 = tpu.memref_slice %arg3[%add3A_376, %dma_start3A_379] : memref<25600x128xi32, #tpu.memory_space<hbm>> -> memref<4x128xi32, #tpu.memory_space<hbm>>
        tpu.enqueue_dma source(%dma_start3A_380 : memref<4x128xi32, #tpu.memory_space<hbm>>) target(%arg10 : memref<4x128xi32, #tpu.memory_space<vmem>>) target_semaphore(%arg17 : memref<!tpu.dma_semaphore, #tpu.memory_space<semaphore_mem>>)
        %dma_start3A_381 = arith.constant 0 : i32
        %dma_start3A_382 = tpu.memref_slice %arg4[%add3A_376, %dma_start3A_381] : memref<25600x128xi32, #tpu.memory_space<hbm>> -> memref<4x128xi32, #tpu.memory_space<hbm>>
        %dma_start3A_383 = arith.constant 0 : i32
        %dma_start3A_384 = tpu.memref_slice %arg4[%add3A_376, %dma_start3A_383] : memref<25600x128xi32, #tpu.memory_space<hbm>> -> memref<4x128xi32, #tpu.memory_space<hbm>>
        tpu.enqueue_dma source(%dma_start3A_384 : memref<4x128xi32, #tpu.memory_space<hbm>>) target(%arg12 : memref<4x128xi32, #tpu.memory_space<vmem>>) target_semaphore(%arg17 : memref<!tpu.dma_semaphore, #tpu.memory_space<semaphore_mem>>)
      } else {
      }
      %dma_wait3A_153 = arith.constant 0 : i32
      %dma_wait3A_154 = arith.constant 0 : i32
      %dma_wait3A_155 = arith.constant 0 : i32
      %dma_wait3A_156 = arith.constant 0 : i32
      %dma_wait3A_157 = tpu.memref_slice %arg13[%dma_wait3A_154, %dma_wait3A_155, %dma_wait3A_156] : memref<4x128x16xf32, #tpu.memory_space<vmem>> -> memref<1x128x16xf32, #tpu.memory_space<vmem>>
      %dma_wait3A_158 = tpu.memref_squeeze %dma_wait3A_157 : memref<1x128x16xf32, #tpu.memory_space<vmem>> -> memref<128x16xf32, #tpu.memory_space<vmem>>
      %dma_wait3A_159 = arith.constant 0 : i32
      %dma_wait3A_160 = tpu.memref_slice %arg9[%dma_wait3A_153, %dma_wait3A_159] : memref<4x128xi32, #tpu.memory_space<vmem>> -> memref<1x128xi32, #tpu.memory_space<vmem>>
      %dma_wait3A_161 = tpu.memref_squeeze %dma_wait3A_160 : memref<1x128xi32, #tpu.memory_space<vmem>> -> memref<128xi32, #tpu.memory_space<vmem>>
      %dma_wait3A_162 = arith.constant 0 : i32
      %dma_wait3A_163 = arith.constant 0 : i32
      %dma_wait3A_164 = tpu.memref_slice %arg2[%dma_wait3A_162, %dma_wait3A_163] : memref<102400x16xf32, #tpu.memory_space<hbm>> -> memref<102400x16xf32, #tpu.memory_space<hbm>>
      tpu.wait_indirect_dma semaphore(%arg15 : memref<!tpu.dma_semaphore, #tpu.memory_space<semaphore_mem>>) src(%dma_wait3A_164 : memref<102400x16xf32, #tpu.memory_space<hbm>>) dst(%dma_wait3A_158 : memref<128x16xf32, #tpu.memory_space<vmem>>)
      %dma_wait3A_165 = arith.constant 1 : i32
      %dma_wait3A_166 = arith.constant 1 : i32
      %dma_wait3A_167 = arith.constant 0 : i32
      %dma_wait3A_168 = arith.constant 0 : i32
      %dma_wait3A_169 = tpu.memref_slice %arg13[%dma_wait3A_166, %dma_wait3A_167, %dma_wait3A_168] : memref<4x128x16xf32, #tpu.memory_space<vmem>> -> memref<1x128x16xf32, #tpu.memory_space<vmem>>
      %dma_wait3A_170 = tpu.memref_squeeze %dma_wait3A_169 : memref<1x128x16xf32, #tpu.memory_space<vmem>> -> memref<128x16xf32, #tpu.memory_space<vmem>>
      %dma_wait3A_171 = arith.constant 0 : i32
      %dma_wait3A_172 = tpu.memref_slice %arg9[%dma_wait3A_165, %dma_wait3A_171] : memref<4x128xi32, #tpu.memory_space<vmem>> -> memref<1x128xi32, #tpu.memory_space<vmem>>
      %dma_wait3A_173 = tpu.memref_squeeze %dma_wait3A_172 : memref<1x128xi32, #tpu.memory_space<vmem>> -> memref<128xi32, #tpu.memory_space<vmem>>
      %dma_wait3A_174 = arith.constant 0 : i32
      %dma_wait3A_175 = arith.constant 0 : i32
      %dma_wait3A_176 = tpu.memref_slice %arg2[%dma_wait3A_174, %dma_wait3A_175] : memref<102400x16xf32, #tpu.memory_space<hbm>> -> memref<102400x16xf32, #tpu.memory_space<hbm>>
      tpu.wait_indirect_dma semaphore(%arg15 : memref<!tpu.dma_semaphore, #tpu.memory_space<semaphore_mem>>) src(%dma_wait3A_176 : memref<102400x16xf32, #tpu.memory_space<hbm>>) dst(%dma_wait3A_170 : memref<128x16xf32, #tpu.memory_space<vmem>>)
      %dma_wait3A_177 = arith.constant 2 : i32
      %dma_wait3A_178 = arith.constant 2 : i32
      %dma_wait3A_179 = arith.constant 0 : i32
      %dma_wait3A_180 = arith.constant 0 : i32
      %dma_wait3A_181 = tpu.memref_slice %arg13[%dma_wait3A_178, %dma_wait3A_179, %dma_wait3A_180] : memref<4x128x16xf32, #tpu.memory_space<vmem>> -> memref<1x128x16xf32, #tpu.memory_space<vmem>>
      %dma_wait3A_182 = tpu.memref_squeeze %dma_wait3A_181 : memref<1x128x16xf32, #tpu.memory_space<vmem>> -> memref<128x16xf32, #tpu.memory_space<vmem>>
      %dma_wait3A_183 = arith.constant 0 : i32
      %dma_wait3A_184 = tpu.memref_slice %arg9[%dma_wait3A_177, %dma_wait3A_183] : memref<4x128xi32, #tpu.memory_space<vmem>> -> memref<1x128xi32, #tpu.memory_space<vmem>>
      %dma_wait3A_185 = tpu.memref_squeeze %dma_wait3A_184 : memref<1x128xi32, #tpu.memory_space<vmem>> -> memref<128xi32, #tpu.memory_space<vmem>>
      %dma_wait3A_186 = arith.constant 0 : i32
      %dma_wait3A_187 = arith.constant 0 : i32
      %dma_wait3A_188 = tpu.memref_slice %arg2[%dma_wait3A_186, %dma_wait3A_187] : memref<102400x16xf32, #tpu.memory_space<hbm>> -> memref<102400x16xf32, #tpu.memory_space<hbm>>
      tpu.wait_indirect_dma semaphore(%arg15 : memref<!tpu.dma_semaphore, #tpu.memory_space<semaphore_mem>>) src(%dma_wait3A_188 : memref<102400x16xf32, #tpu.memory_space<hbm>>) dst(%dma_wait3A_182 : memref<128x16xf32, #tpu.memory_space<vmem>>)
      %dma_wait3A_189 = arith.constant 3 : i32
      %dma_wait3A_190 = arith.constant 3 : i32
      %dma_wait3A_191 = arith.constant 0 : i32
      %dma_wait3A_192 = arith.constant 0 : i32
      %dma_wait3A_193 = tpu.memref_slice %arg13[%dma_wait3A_190, %dma_wait3A_191, %dma_wait3A_192] : memref<4x128x16xf32, #tpu.memory_space<vmem>> -> memref<1x128x16xf32, #tpu.memory_space<vmem>>
      %dma_wait3A_194 = tpu.memref_squeeze %dma_wait3A_193 : memref<1x128x16xf32, #tpu.memory_space<vmem>> -> memref<128x16xf32, #tpu.memory_space<vmem>>
      %dma_wait3A_195 = arith.constant 0 : i32
      %dma_wait3A_196 = tpu.memref_slice %arg9[%dma_wait3A_189, %dma_wait3A_195] : memref<4x128xi32, #tpu.memory_space<vmem>> -> memref<1x128xi32, #tpu.memory_space<vmem>>
      %dma_wait3A_197 = tpu.memref_squeeze %dma_wait3A_196 : memref<1x128xi32, #tpu.memory_space<vmem>> -> memref<128xi32, #tpu.memory_space<vmem>>
      %dma_wait3A_198 = arith.constant 0 : i32
      %dma_wait3A_199 = arith.constant 0 : i32
      %dma_wait3A_200 = tpu.memref_slice %arg2[%dma_wait3A_198, %dma_wait3A_199] : memref<102400x16xf32, #tpu.memory_space<hbm>> -> memref<102400x16xf32, #tpu.memory_space<hbm>>
      tpu.wait_indirect_dma semaphore(%arg15 : memref<!tpu.dma_semaphore, #tpu.memory_space<semaphore_mem>>) src(%dma_wait3A_200 : memref<102400x16xf32, #tpu.memory_space<hbm>>) dst(%dma_wait3A_194 : memref<128x16xf32, #tpu.memory_space<vmem>>)
      %dma_start3A_201 = arith.constant 0 : i32
      %dma_start3A_202 = arith.constant 0 : i32
      %dma_start3A_203 = arith.constant 0 : i32
      %dma_start3A_204 = arith.constant 0 : i32
      %dma_start3A_205 = tpu.memref_slice %arg13[%dma_start3A_201, %dma_start3A_203, %dma_start3A_204] : memref<4x128x16xf32, #tpu.memory_space<vmem>> -> memref<1x128x16xf32, #tpu.memory_space<vmem>>
      %dma_start3A_206 = tpu.memref_squeeze %dma_start3A_205 : memref<1x128x16xf32, #tpu.memory_space<vmem>> -> memref<128x16xf32, #tpu.memory_space<vmem>>
      %dma_start3A_207 = arith.constant 0 : i32
      %dma_start3A_208 = tpu.memref_slice %arg11[%dma_start3A_202, %dma_start3A_207] : memref<4x128xi32, #tpu.memory_space<vmem>> -> memref<1x128xi32, #tpu.memory_space<vmem>>
      %dma_start3A_209 = tpu.memref_squeeze %dma_start3A_208 : memref<1x128xi32, #tpu.memory_space<vmem>> -> memref<128xi32, #tpu.memory_space<vmem>>
      %dma_start3A_210 = arith.constant 0 : i32
      %dma_start3A_211 = arith.constant 0 : i32
      %dma_start3A_212 = tpu.memref_slice %arg8[%dma_start3A_210, %dma_start3A_211] : memref<102400x16xf32, #tpu.memory_space<vmem_shared>> -> memref<102400x16xf32, #tpu.memory_space<vmem_shared>>
      tpu.enqueue_indirect_dma source(%dma_start3A_206 : memref<128x16xf32, #tpu.memory_space<vmem>>) target(%dma_start3A_212 : memref<102400x16xf32, #tpu.memory_space<vmem_shared>>) offsets(%dma_start3A_209 : memref<128xi32, #tpu.memory_space<vmem>>) semaphore(%arg16 : memref<!tpu.dma_semaphore, #tpu.memory_space<semaphore_mem>>) {add = true}
      %dma_start3A_213 = arith.constant 1 : i32
      %dma_start3A_214 = arith.constant 1 : i32
      %dma_start3A_215 = arith.constant 0 : i32
      %dma_start3A_216 = arith.constant 0 : i32
      %dma_start3A_217 = tpu.memref_slice %arg13[%dma_start3A_213, %dma_start3A_215, %dma_start3A_216] : memref<4x128x16xf32, #tpu.memory_space<vmem>> -> memref<1x128x16xf32, #tpu.memory_space<vmem>>
      %dma_start3A_218 = tpu.memref_squeeze %dma_start3A_217 : memref<1x128x16xf32, #tpu.memory_space<vmem>> -> memref<128x16xf32, #tpu.memory_space<vmem>>
      %dma_start3A_219 = arith.constant 0 : i32
      %dma_start3A_220 = tpu.memref_slice %arg11[%dma_start3A_214, %dma_start3A_219] : memref<4x128xi32, #tpu.memory_space<vmem>> -> memref<1x128xi32, #tpu.memory_space<vmem>>
      %dma_start3A_221 = tpu.memref_squeeze %dma_start3A_220 : memref<1x128xi32, #tpu.memory_space<vmem>> -> memref<128xi32, #tpu.memory_space<vmem>>
      %dma_start3A_222 = arith.constant 0 : i32
      %dma_start3A_223 = arith.constant 0 : i32
      %dma_start3A_224 = tpu.memref_slice %arg8[%dma_start3A_222, %dma_start3A_223] : memref<102400x16xf32, #tpu.memory_space<vmem_shared>> -> memref<102400x16xf32, #tpu.memory_space<vmem_shared>>
      tpu.enqueue_indirect_dma source(%dma_start3A_218 : memref<128x16xf32, #tpu.memory_space<vmem>>) target(%dma_start3A_224 : memref<102400x16xf32, #tpu.memory_space<vmem_shared>>) offsets(%dma_start3A_221 : memref<128xi32, #tpu.memory_space<vmem>>) semaphore(%arg16 : memref<!tpu.dma_semaphore, #tpu.memory_space<semaphore_mem>>) {add = true}
      %dma_start3A_225 = arith.constant 2 : i32
      %dma_start3A_226 = arith.constant 2 : i32
      %dma_start3A_227 = arith.constant 0 : i32
      %dma_start3A_228 = arith.constant 0 : i32
      %dma_start3A_229 = tpu.memref_slice %arg13[%dma_start3A_225, %dma_start3A_227, %dma_start3A_228] : memref<4x128x16xf32, #tpu.memory_space<vmem>> -> memref<1x128x16xf32, #tpu.memory_space<vmem>>
      %dma_start3A_230 = tpu.memref_squeeze %dma_start3A_229 : memref<1x128x16xf32, #tpu.memory_space<vmem>> -> memref<128x16xf32, #tpu.memory_space<vmem>>
      %dma_start3A_231 = arith.constant 0 : i32
      %dma_start3A_232 = tpu.memref_slice %arg11[%dma_start3A_226, %dma_start3A_231] : memref<4x128xi32, #tpu.memory_space<vmem>> -> memref<1x128xi32, #tpu.memory_space<vmem>>
      %dma_start3A_233 = tpu.memref_squeeze %dma_start3A_232 : memref<1x128xi32, #tpu.memory_space<vmem>> -> memref<128xi32, #tpu.memory_space<vmem>>
      %dma_start3A_234 = arith.constant 0 : i32
      %dma_start3A_235 = arith.constant 0 : i32
      %dma_start3A_236 = tpu.memref_slice %arg8[%dma_start3A_234, %dma_start3A_235] : memref<102400x16xf32, #tpu.memory_space<vmem_shared>> -> memref<102400x16xf32, #tpu.memory_space<vmem_shared>>
      tpu.enqueue_indirect_dma source(%dma_start3A_230 : memref<128x16xf32, #tpu.memory_space<vmem>>) target(%dma_start3A_236 : memref<102400x16xf32, #tpu.memory_space<vmem_shared>>) offsets(%dma_start3A_233 : memref<128xi32, #tpu.memory_space<vmem>>) semaphore(%arg16 : memref<!tpu.dma_semaphore, #tpu.memory_space<semaphore_mem>>) {add = true}
      %dma_start3A_237 = arith.constant 3 : i32
      %dma_start3A_238 = arith.constant 3 : i32
      %dma_start3A_239 = arith.constant 0 : i32
      %dma_start3A_240 = arith.constant 0 : i32
      %dma_start3A_241 = tpu.memref_slice %arg13[%dma_start3A_237, %dma_start3A_239, %dma_start3A_240] : memref<4x128x16xf32, #tpu.memory_space<vmem>> -> memref<1x128x16xf32, #tpu.memory_space<vmem>>
      %dma_start3A_242 = tpu.memref_squeeze %dma_start3A_241 : memref<1x128x16xf32, #tpu.memory_space<vmem>> -> memref<128x16xf32, #tpu.memory_space<vmem>>
      %dma_start3A_243 = arith.constant 0 : i32
      %dma_start3A_244 = tpu.memref_slice %arg11[%dma_start3A_238, %dma_start3A_243] : memref<4x128xi32, #tpu.memory_space<vmem>> -> memref<1x128xi32, #tpu.memory_space<vmem>>
      %dma_start3A_245 = tpu.memref_squeeze %dma_start3A_244 : memref<1x128xi32, #tpu.memory_space<vmem>> -> memref<128xi32, #tpu.memory_space<vmem>>
      %dma_start3A_246 = arith.constant 0 : i32
      %dma_start3A_247 = arith.constant 0 : i32
      %dma_start3A_248 = tpu.memref_slice %arg8[%dma_start3A_246, %dma_start3A_247] : memref<102400x16xf32, #tpu.memory_space<vmem_shared>> -> memref<102400x16xf32, #tpu.memory_space<vmem_shared>>
      tpu.enqueue_indirect_dma source(%dma_start3A_242 : memref<128x16xf32, #tpu.memory_space<vmem>>) target(%dma_start3A_248 : memref<102400x16xf32, #tpu.memory_space<vmem_shared>>) offsets(%dma_start3A_245 : memref<128xi32, #tpu.memory_space<vmem>>) semaphore(%arg16 : memref<!tpu.dma_semaphore, #tpu.memory_space<semaphore_mem>>) {add = true}
      %add3A_249 = arith.constant 1 : i32
      %add3A_250 = arith.addi %mul3A_143, %add3A_249 : i32
      %lt3A_251 = arith.cmpi slt, %add3A_250, %select_n3A_10 : i32
      %convert_element_type3A_252 = arith.extui %lt3A_251 : i1 to i32
      %cond3A_253 = arith.constant 0 : i32
      %cond3A_254 = arith.cmpi ne, %convert_element_type3A_252, %cond3A_253 : i32
      scf.if %cond3A_254 {
        %dma_wait3A_372 = arith.constant 0 : i32
        %dma_wait3A_373 = arith.constant 0 : i32
        %dma_wait3A_374 = tpu.memref_slice %arg3[%dma_wait3A_372, %dma_wait3A_373] : memref<25600x128xi32, #tpu.memory_space<hbm>> -> memref<4x128xi32, #tpu.memory_space<hbm>>
        %dma_wait3A_375 = arith.constant 0 : i32
        %dma_wait3A_376 = arith.constant 0 : i32
        %dma_wait3A_377 = tpu.memref_slice %arg3[%dma_wait3A_375, %dma_wait3A_376] : memref<25600x128xi32, #tpu.memory_space<hbm>> -> memref<4x128xi32, #tpu.memory_space<hbm>>
        tpu.wait_dma2 semaphore(%arg17 : memref<!tpu.dma_semaphore, #tpu.memory_space<semaphore_mem>>) src(%dma_wait3A_377 : memref<4x128xi32, #tpu.memory_space<hbm>>) dst(%arg10 : memref<4x128xi32, #tpu.memory_space<vmem>>)
        %dma_wait3A_378 = arith.constant 0 : i32
        %dma_wait3A_379 = arith.constant 0 : i32
        %dma_wait3A_380 = tpu.memref_slice %arg4[%dma_wait3A_378, %dma_wait3A_379] : memref<25600x128xi32, #tpu.memory_space<hbm>> -> memref<4x128xi32, #tpu.memory_space<hbm>>
        %dma_wait3A_381 = arith.constant 0 : i32
        %dma_wait3A_382 = arith.constant 0 : i32
        %dma_wait3A_383 = tpu.memref_slice %arg4[%dma_wait3A_381, %dma_wait3A_382] : memref<25600x128xi32, #tpu.memory_space<hbm>> -> memref<4x128xi32, #tpu.memory_space<hbm>>
        tpu.wait_dma2 semaphore(%arg17 : memref<!tpu.dma_semaphore, #tpu.memory_space<semaphore_mem>>) src(%dma_wait3A_383 : memref<4x128xi32, #tpu.memory_space<hbm>>) dst(%arg12 : memref<4x128xi32, #tpu.memory_space<vmem>>)
        %dma_start3A_384 = arith.constant 0 : i32
        %dma_start3A_385 = arith.constant 0 : i32
        %dma_start3A_386 = arith.constant 0 : i32
        %dma_start3A_387 = arith.constant 0 : i32
        %dma_start3A_388 = tpu.memref_slice %arg14[%dma_start3A_385, %dma_start3A_386, %dma_start3A_387] : memref<4x128x16xf32, #tpu.memory_space<vmem>> -> memref<1x128x16xf32, #tpu.memory_space<vmem>>
        %dma_start3A_389 = tpu.memref_squeeze %dma_start3A_388 : memref<1x128x16xf32, #tpu.memory_space<vmem>> -> memref<128x16xf32, #tpu.memory_space<vmem>>
        %dma_start3A_390 = arith.constant 0 : i32
        %dma_start3A_391 = tpu.memref_slice %arg10[%dma_start3A_384, %dma_start3A_390] : memref<4x128xi32, #tpu.memory_space<vmem>> -> memref<1x128xi32, #tpu.memory_space<vmem>>
        %dma_start3A_392 = tpu.memref_squeeze %dma_start3A_391 : memref<1x128xi32, #tpu.memory_space<vmem>> -> memref<128xi32, #tpu.memory_space<vmem>>
        %dma_start3A_393 = arith.constant 0 : i32
        %dma_start3A_394 = arith.constant 0 : i32
        %dma_start3A_395 = tpu.memref_slice %arg2[%dma_start3A_393, %dma_start3A_394] : memref<102400x16xf32, #tpu.memory_space<hbm>> -> memref<102400x16xf32, #tpu.memory_space<hbm>>
        tpu.enqueue_indirect_dma source(%dma_start3A_395 : memref<102400x16xf32, #tpu.memory_space<hbm>>) target(%dma_start3A_389 : memref<128x16xf32, #tpu.memory_space<vmem>>) offsets(%dma_start3A_392 : memref<128xi32, #tpu.memory_space<vmem>>) semaphore(%arg15 : memref<!tpu.dma_semaphore, #tpu.memory_space<semaphore_mem>>)
        %dma_start3A_396 = arith.constant 1 : i32
        %dma_start3A_397 = arith.constant 1 : i32
        %dma_start3A_398 = arith.constant 0 : i32
        %dma_start3A_399 = arith.constant 0 : i32
        %dma_start3A_400 = tpu.memref_slice %arg14[%dma_start3A_397, %dma_start3A_398, %dma_start3A_399] : memref<4x128x16xf32, #tpu.memory_space<vmem>> -> memref<1x128x16xf32, #tpu.memory_space<vmem>>
        %dma_start3A_401 = tpu.memref_squeeze %dma_start3A_400 : memref<1x128x16xf32, #tpu.memory_space<vmem>> -> memref<128x16xf32, #tpu.memory_space<vmem>>
        %dma_start3A_402 = arith.constant 0 : i32
        %dma_start3A_403 = tpu.memref_slice %arg10[%dma_start3A_396, %dma_start3A_402] : memref<4x128xi32, #tpu.memory_space<vmem>> -> memref<1x128xi32, #tpu.memory_space<vmem>>
        %dma_start3A_404 = tpu.memref_squeeze %dma_start3A_403 : memref<1x128xi32, #tpu.memory_space<vmem>> -> memref<128xi32, #tpu.memory_space<vmem>>
        %dma_start3A_405 = arith.constant 0 : i32
        %dma_start3A_406 = arith.constant 0 : i32
        %dma_start3A_407 = tpu.memref_slice %arg2[%dma_start3A_405, %dma_start3A_406] : memref<102400x16xf32, #tpu.memory_space<hbm>> -> memref<102400x16xf32, #tpu.memory_space<hbm>>
        tpu.enqueue_indirect_dma source(%dma_start3A_407 : memref<102400x16xf32, #tpu.memory_space<hbm>>) target(%dma_start3A_401 : memref<128x16xf32, #tpu.memory_space<vmem>>) offsets(%dma_start3A_404 : memref<128xi32, #tpu.memory_space<vmem>>) semaphore(%arg15 : memref<!tpu.dma_semaphore, #tpu.memory_space<semaphore_mem>>)
        %dma_start3A_408 = arith.constant 2 : i32
        %dma_start3A_409 = arith.constant 2 : i32
        %dma_start3A_410 = arith.constant 0 : i32
        %dma_start3A_411 = arith.constant 0 : i32
        %dma_start3A_412 = tpu.memref_slice %arg14[%dma_start3A_409, %dma_start3A_410, %dma_start3A_411] : memref<4x128x16xf32, #tpu.memory_space<vmem>> -> memref<1x128x16xf32, #tpu.memory_space<vmem>>
        %dma_start3A_413 = tpu.memref_squeeze %dma_start3A_412 : memref<1x128x16xf32, #tpu.memory_space<vmem>> -> memref<128x16xf32, #tpu.memory_space<vmem>>
        %dma_start3A_414 = arith.constant 0 : i32
        %dma_start3A_415 = tpu.memref_slice %arg10[%dma_start3A_408, %dma_start3A_414] : memref<4x128xi32, #tpu.memory_space<vmem>> -> memref<1x128xi32, #tpu.memory_space<vmem>>
        %dma_start3A_416 = tpu.memref_squeeze %dma_start3A_415 : memref<1x128xi32, #tpu.memory_space<vmem>> -> memref<128xi32, #tpu.memory_space<vmem>>
        %dma_start3A_417 = arith.constant 0 : i32
        %dma_start3A_418 = arith.constant 0 : i32
        %dma_start3A_419 = tpu.memref_slice %arg2[%dma_start3A_417, %dma_start3A_418] : memref<102400x16xf32, #tpu.memory_space<hbm>> -> memref<102400x16xf32, #tpu.memory_space<hbm>>
        tpu.enqueue_indirect_dma source(%dma_start3A_419 : memref<102400x16xf32, #tpu.memory_space<hbm>>) target(%dma_start3A_413 : memref<128x16xf32, #tpu.memory_space<vmem>>) offsets(%dma_start3A_416 : memref<128xi32, #tpu.memory_space<vmem>>) semaphore(%arg15 : memref<!tpu.dma_semaphore, #tpu.memory_space<semaphore_mem>>)
        %dma_start3A_420 = arith.constant 3 : i32
        %dma_start3A_421 = arith.constant 3 : i32
        %dma_start3A_422 = arith.constant 0 : i32
        %dma_start3A_423 = arith.constant 0 : i32
        %dma_start3A_424 = tpu.memref_slice %arg14[%dma_start3A_421, %dma_start3A_422, %dma_start3A_423] : memref<4x128x16xf32, #tpu.memory_space<vmem>> -> memref<1x128x16xf32, #tpu.memory_space<vmem>>
        %dma_start3A_425 = tpu.memref_squeeze %dma_start3A_424 : memref<1x128x16xf32, #tpu.memory_space<vmem>> -> memref<128x16xf32, #tpu.memory_space<vmem>>
        %dma_start3A_426 = arith.constant 0 : i32
        %dma_start3A_427 = tpu.memref_slice %arg10[%dma_start3A_420, %dma_start3A_426] : memref<4x128xi32, #tpu.memory_space<vmem>> -> memref<1x128xi32, #tpu.memory_space<vmem>>
        %dma_start3A_428 = tpu.memref_squeeze %dma_start3A_427 : memref<1x128xi32, #tpu.memory_space<vmem>> -> memref<128xi32, #tpu.memory_space<vmem>>
        %dma_start3A_429 = arith.constant 0 : i32
        %dma_start3A_430 = arith.constant 0 : i32
        %dma_start3A_431 = tpu.memref_slice %arg2[%dma_start3A_429, %dma_start3A_430] : memref<102400x16xf32, #tpu.memory_space<hbm>> -> memref<102400x16xf32, #tpu.memory_space<hbm>>
        tpu.enqueue_indirect_dma source(%dma_start3A_431 : memref<102400x16xf32, #tpu.memory_space<hbm>>) target(%dma_start3A_425 : memref<128x16xf32, #tpu.memory_space<vmem>>) offsets(%dma_start3A_428 : memref<128xi32, #tpu.memory_space<vmem>>) semaphore(%arg15 : memref<!tpu.dma_semaphore, #tpu.memory_space<semaphore_mem>>)
      } else {
      }
      %mul3A_255 = arith.constant 2 : i32
      %mul3A_256 = arith.muli %mul3A_255, %while3A_141 : i32
      %add3A_257 = arith.constant 1 : i32
      %add3A_258 = arith.addi %mul3A_256, %add3A_257 : i32
      %ge3A_259 = arith.constant 1 : i32
      %ge3A_260 = arith.cmpi sge, %add3A_258, %ge3A_259 : i32
      %convert_element_type3A_261 = arith.extui %ge3A_260 : i1 to i32
      %cond3A_262 = arith.constant 0 : i32
      %cond3A_263 = arith.cmpi ne, %convert_element_type3A_261, %cond3A_262 : i32
      scf.if %cond3A_263 {
        %dma_wait3A_372 = arith.constant 0 : i32
        %dma_wait3A_373 = arith.constant 0 : i32
        %dma_wait3A_374 = arith.constant 0 : i32
        %dma_wait3A_375 = arith.constant 0 : i32
        %dma_wait3A_376 = tpu.memref_slice %arg13[%dma_wait3A_372, %dma_wait3A_374, %dma_wait3A_375] : memref<4x128x16xf32, #tpu.memory_space<vmem>> -> memref<1x128x16xf32, #tpu.memory_space<vmem>>
        %dma_wait3A_377 = tpu.memref_squeeze %dma_wait3A_376 : memref<1x128x16xf32, #tpu.memory_space<vmem>> -> memref<128x16xf32, #tpu.memory_space<vmem>>
        %dma_wait3A_378 = arith.constant 0 : i32
        %dma_wait3A_379 = tpu.memref_slice %arg11[%dma_wait3A_373, %dma_wait3A_378] : memref<4x128xi32, #tpu.memory_space<vmem>> -> memref<1x128xi32, #tpu.memory_space<vmem>>
        %dma_wait3A_380 = tpu.memref_squeeze %dma_wait3A_379 : memref<1x128xi32, #tpu.memory_space<vmem>> -> memref<128xi32, #tpu.memory_space<vmem>>
        %dma_wait3A_381 = arith.constant 0 : i32
        %dma_wait3A_382 = arith.constant 0 : i32
        %dma_wait3A_383 = tpu.memref_slice %arg8[%dma_wait3A_381, %dma_wait3A_382] : memref<102400x16xf32, #tpu.memory_space<vmem_shared>> -> memref<102400x16xf32, #tpu.memory_space<vmem_shared>>
        tpu.wait_indirect_dma semaphore(%arg16 : memref<!tpu.dma_semaphore, #tpu.memory_space<semaphore_mem>>) src(%dma_wait3A_377 : memref<128x16xf32, #tpu.memory_space<vmem>>) dst(%dma_wait3A_383 : memref<102400x16xf32, #tpu.memory_space<vmem_shared>>)
        %dma_wait3A_384 = arith.constant 1 : i32
        %dma_wait3A_385 = arith.constant 1 : i32
        %dma_wait3A_386 = arith.constant 0 : i32
        %dma_wait3A_387 = arith.constant 0 : i32
        %dma_wait3A_388 = tpu.memref_slice %arg13[%dma_wait3A_384, %dma_wait3A_386, %dma_wait3A_387] : memref<4x128x16xf32, #tpu.memory_space<vmem>> -> memref<1x128x16xf32, #tpu.memory_space<vmem>>
        %dma_wait3A_389 = tpu.memref_squeeze %dma_wait3A_388 : memref<1x128x16xf32, #tpu.memory_space<vmem>> -> memref<128x16xf32, #tpu.memory_space<vmem>>
        %dma_wait3A_390 = arith.constant 0 : i32
        %dma_wait3A_391 = tpu.memref_slice %arg11[%dma_wait3A_385, %dma_wait3A_390] : memref<4x128xi32, #tpu.memory_space<vmem>> -> memref<1x128xi32, #tpu.memory_space<vmem>>
        %dma_wait3A_392 = tpu.memref_squeeze %dma_wait3A_391 : memref<1x128xi32, #tpu.memory_space<vmem>> -> memref<128xi32, #tpu.memory_space<vmem>>
        %dma_wait3A_393 = arith.constant 0 : i32
        %dma_wait3A_394 = arith.constant 0 : i32
        %dma_wait3A_395 = tpu.memref_slice %arg8[%dma_wait3A_393, %dma_wait3A_394] : memref<102400x16xf32, #tpu.memory_space<vmem_shared>> -> memref<102400x16xf32, #tpu.memory_space<vmem_shared>>
        tpu.wait_indirect_dma semaphore(%arg16 : memref<!tpu.dma_semaphore, #tpu.memory_space<semaphore_mem>>) src(%dma_wait3A_389 : memref<128x16xf32, #tpu.memory_space<vmem>>) dst(%dma_wait3A_395 : memref<102400x16xf32, #tpu.memory_space<vmem_shared>>)
        %dma_wait3A_396 = arith.constant 2 : i32
        %dma_wait3A_397 = arith.constant 2 : i32
        %dma_wait3A_398 = arith.constant 0 : i32
        %dma_wait3A_399 = arith.constant 0 : i32
        %dma_wait3A_400 = tpu.memref_slice %arg13[%dma_wait3A_396, %dma_wait3A_398, %dma_wait3A_399] : memref<4x128x16xf32, #tpu.memory_space<vmem>> -> memref<1x128x16xf32, #tpu.memory_space<vmem>>
        %dma_wait3A_401 = tpu.memref_squeeze %dma_wait3A_400 : memref<1x128x16xf32, #tpu.memory_space<vmem>> -> memref<128x16xf32, #tpu.memory_space<vmem>>
        %dma_wait3A_402 = arith.constant 0 : i32
        %dma_wait3A_403 = tpu.memref_slice %arg11[%dma_wait3A_397, %dma_wait3A_402] : memref<4x128xi32, #tpu.memory_space<vmem>> -> memref<1x128xi32, #tpu.memory_space<vmem>>
        %dma_wait3A_404 = tpu.memref_squeeze %dma_wait3A_403 : memref<1x128xi32, #tpu.memory_space<vmem>> -> memref<128xi32, #tpu.memory_space<vmem>>
        %dma_wait3A_405 = arith.constant 0 : i32
        %dma_wait3A_406 = arith.constant 0 : i32
        %dma_wait3A_407 = tpu.memref_slice %arg8[%dma_wait3A_405, %dma_wait3A_406] : memref<102400x16xf32, #tpu.memory_space<vmem_shared>> -> memref<102400x16xf32, #tpu.memory_space<vmem_shared>>
        tpu.wait_indirect_dma semaphore(%arg16 : memref<!tpu.dma_semaphore, #tpu.memory_space<semaphore_mem>>) src(%dma_wait3A_401 : memref<128x16xf32, #tpu.memory_space<vmem>>) dst(%dma_wait3A_407 : memref<102400x16xf32, #tpu.memory_space<vmem_shared>>)
        %dma_wait3A_408 = arith.constant 3 : i32
        %dma_wait3A_409 = arith.constant 3 : i32
        %dma_wait3A_410 = arith.constant 0 : i32
        %dma_wait3A_411 = arith.constant 0 : i32
        %dma_wait3A_412 = tpu.memref_slice %arg13[%dma_wait3A_408, %dma_wait3A_410, %dma_wait3A_411] : memref<4x128x16xf32, #tpu.memory_space<vmem>> -> memref<1x128x16xf32, #tpu.memory_space<vmem>>
        %dma_wait3A_413 = tpu.memref_squeeze %dma_wait3A_412 : memref<1x128x16xf32, #tpu.memory_space<vmem>> -> memref<128x16xf32, #tpu.memory_space<vmem>>
        %dma_wait3A_414 = arith.constant 0 : i32
        %dma_wait3A_415 = tpu.memref_slice %arg11[%dma_wait3A_409, %dma_wait3A_414] : memref<4x128xi32, #tpu.memory_space<vmem>> -> memref<1x128xi32, #tpu.memory_space<vmem>>
        %dma_wait3A_416 = tpu.memref_squeeze %dma_wait3A_415 : memref<1x128xi32, #tpu.memory_space<vmem>> -> memref<128xi32, #tpu.memory_space<vmem>>
        %dma_wait3A_417 = arith.constant 0 : i32
        %dma_wait3A_418 = arith.constant 0 : i32
        %dma_wait3A_419 = tpu.memref_slice %arg8[%dma_wait3A_417, %dma_wait3A_418] : memref<102400x16xf32, #tpu.memory_space<vmem_shared>> -> memref<102400x16xf32, #tpu.memory_space<vmem_shared>>
        tpu.wait_indirect_dma semaphore(%arg16 : memref<!tpu.dma_semaphore, #tpu.memory_space<semaphore_mem>>) src(%dma_wait3A_413 : memref<128x16xf32, #tpu.memory_space<vmem>>) dst(%dma_wait3A_419 : memref<102400x16xf32, #tpu.memory_space<vmem_shared>>)
      } else {
      }
      %add3A_264 = arith.constant 1 : i32
      %add3A_265 = arith.addi %add3A_258, %add3A_264 : i32
      %lt3A_266 = arith.cmpi slt, %add3A_265, %select_n3A_10 : i32
      %convert_element_type3A_267 = arith.extui %lt3A_266 : i1 to i32
      %cond3A_268 = arith.constant 0 : i32
      %cond3A_269 = arith.cmpi ne, %convert_element_type3A_267, %cond3A_268 : i32
      scf.if %cond3A_269 {
        %add3A_372 = arith.constant 1 : i32
        %add3A_373 = arith.addi %add3A_258, %add3A_372 : i32
        %mul3A_374 = arith.constant 4 : i32
        %mul3A_375 = arith.muli %add3A_373, %mul3A_374 : i32
        %add3A_376 = arith.addi %select_n3A, %mul3A_375 : i32
        %dma_start3A_377 = arith.constant 0 : i32
        %dma_start3A_378 = tpu.memref_slice %arg3[%add3A_376, %dma_start3A_377] : memref<25600x128xi32, #tpu.memory_space<hbm>> -> memref<4x128xi32, #tpu.memory_space<hbm>>
        %dma_start3A_379 = arith.constant 0 : i32
        %dma_start3A_380 = tpu.memref_slice %arg3[%add3A_376, %dma_start3A_379] : memref<25600x128xi32, #tpu.memory_space<hbm>> -> memref<4x128xi32, #tpu.memory_space<hbm>>
        tpu.enqueue_dma source(%dma_start3A_380 : memref<4x128xi32, #tpu.memory_space<hbm>>) target(%arg9 : memref<4x128xi32, #tpu.memory_space<vmem>>) target_semaphore(%arg17 : memref<!tpu.dma_semaphore, #tpu.memory_space<semaphore_mem>>)
        %dma_start3A_381 = arith.constant 0 : i32
        %dma_start3A_382 = tpu.memref_slice %arg4[%add3A_376, %dma_start3A_381] : memref<25600x128xi32, #tpu.memory_space<hbm>> -> memref<4x128xi32, #tpu.memory_space<hbm>>
        %dma_start3A_383 = arith.constant 0 : i32
        %dma_start3A_384 = tpu.memref_slice %arg4[%add3A_376, %dma_start3A_383] : memref<25600x128xi32, #tpu.memory_space<hbm>> -> memref<4x128xi32, #tpu.memory_space<hbm>>
        tpu.enqueue_dma source(%dma_start3A_384 : memref<4x128xi32, #tpu.memory_space<hbm>>) target(%arg11 : memref<4x128xi32, #tpu.memory_space<vmem>>) target_semaphore(%arg17 : memref<!tpu.dma_semaphore, #tpu.memory_space<semaphore_mem>>)
      } else {
      }
      %dma_wait3A_270 = arith.constant 0 : i32
      %dma_wait3A_271 = arith.constant 0 : i32
      %dma_wait3A_272 = arith.constant 0 : i32
      %dma_wait3A_273 = arith.constant 0 : i32
      %dma_wait3A_274 = tpu.memref_slice %arg14[%dma_wait3A_271, %dma_wait3A_272, %dma_wait3A_273] : memref<4x128x16xf32, #tpu.memory_space<vmem>> -> memref<1x128x16xf32, #tpu.memory_space<vmem>>
      %dma_wait3A_275 = tpu.memref_squeeze %dma_wait3A_274 : memref<1x128x16xf32, #tpu.memory_space<vmem>> -> memref<128x16xf32, #tpu.memory_space<vmem>>
      %dma_wait3A_276 = arith.constant 0 : i32
      %dma_wait3A_277 = tpu.memref_slice %arg10[%dma_wait3A_270, %dma_wait3A_276] : memref<4x128xi32, #tpu.memory_space<vmem>> -> memref<1x128xi32, #tpu.memory_space<vmem>>
      %dma_wait3A_278 = tpu.memref_squeeze %dma_wait3A_277 : memref<1x128xi32, #tpu.memory_space<vmem>> -> memref<128xi32, #tpu.memory_space<vmem>>
      %dma_wait3A_279 = arith.constant 0 : i32
      %dma_wait3A_280 = arith.constant 0 : i32
      %dma_wait3A_281 = tpu.memref_slice %arg2[%dma_wait3A_279, %dma_wait3A_280] : memref<102400x16xf32, #tpu.memory_space<hbm>> -> memref<102400x16xf32, #tpu.memory_space<hbm>>
      tpu.wait_indirect_dma semaphore(%arg15 : memref<!tpu.dma_semaphore, #tpu.memory_space<semaphore_mem>>) src(%dma_wait3A_281 : memref<102400x16xf32, #tpu.memory_space<hbm>>) dst(%dma_wait3A_275 : memref<128x16xf32, #tpu.memory_space<vmem>>)
      %dma_wait3A_282 = arith.constant 1 : i32
      %dma_wait3A_283 = arith.constant 1 : i32
      %dma_wait3A_284 = arith.constant 0 : i32
      %dma_wait3A_285 = arith.constant 0 : i32
      %dma_wait3A_286 = tpu.memref_slice %arg14[%dma_wait3A_283, %dma_wait3A_284, %dma_wait3A_285] : memref<4x128x16xf32, #tpu.memory_space<vmem>> -> memref<1x128x16xf32, #tpu.memory_space<vmem>>
      %dma_wait3A_287 = tpu.memref_squeeze %dma_wait3A_286 : memref<1x128x16xf32, #tpu.memory_space<vmem>> -> memref<128x16xf32, #tpu.memory_space<vmem>>
      %dma_wait3A_288 = arith.constant 0 : i32
      %dma_wait3A_289 = tpu.memref_slice %arg10[%dma_wait3A_282, %dma_wait3A_288] : memref<4x128xi32, #tpu.memory_space<vmem>> -> memref<1x128xi32, #tpu.memory_space<vmem>>
      %dma_wait3A_290 = tpu.memref_squeeze %dma_wait3A_289 : memref<1x128xi32, #tpu.memory_space<vmem>> -> memref<128xi32, #tpu.memory_space<vmem>>
      %dma_wait3A_291 = arith.constant 0 : i32
      %dma_wait3A_292 = arith.constant 0 : i32
      %dma_wait3A_293 = tpu.memref_slice %arg2[%dma_wait3A_291, %dma_wait3A_292] : memref<102400x16xf32, #tpu.memory_space<hbm>> -> memref<102400x16xf32, #tpu.memory_space<hbm>>
      tpu.wait_indirect_dma semaphore(%arg15 : memref<!tpu.dma_semaphore, #tpu.memory_space<semaphore_mem>>) src(%dma_wait3A_293 : memref<102400x16xf32, #tpu.memory_space<hbm>>) dst(%dma_wait3A_287 : memref<128x16xf32, #tpu.memory_space<vmem>>)
      %dma_wait3A_294 = arith.constant 2 : i32
      %dma_wait3A_295 = arith.constant 2 : i32
      %dma_wait3A_296 = arith.constant 0 : i32
      %dma_wait3A_297 = arith.constant 0 : i32
      %dma_wait3A_298 = tpu.memref_slice %arg14[%dma_wait3A_295, %dma_wait3A_296, %dma_wait3A_297] : memref<4x128x16xf32, #tpu.memory_space<vmem>> -> memref<1x128x16xf32, #tpu.memory_space<vmem>>
      %dma_wait3A_299 = tpu.memref_squeeze %dma_wait3A_298 : memref<1x128x16xf32, #tpu.memory_space<vmem>> -> memref<128x16xf32, #tpu.memory_space<vmem>>
      %dma_wait3A_300 = arith.constant 0 : i32
      %dma_wait3A_301 = tpu.memref_slice %arg10[%dma_wait3A_294, %dma_wait3A_300] : memref<4x128xi32, #tpu.memory_space<vmem>> -> memref<1x128xi32, #tpu.memory_space<vmem>>
      %dma_wait3A_302 = tpu.memref_squeeze %dma_wait3A_301 : memref<1x128xi32, #tpu.memory_space<vmem>> -> memref<128xi32, #tpu.memory_space<vmem>>
      %dma_wait3A_303 = arith.constant 0 : i32
      %dma_wait3A_304 = arith.constant 0 : i32
      %dma_wait3A_305 = tpu.memref_slice %arg2[%dma_wait3A_303, %dma_wait3A_304] : memref<102400x16xf32, #tpu.memory_space<hbm>> -> memref<102400x16xf32, #tpu.memory_space<hbm>>
      tpu.wait_indirect_dma semaphore(%arg15 : memref<!tpu.dma_semaphore, #tpu.memory_space<semaphore_mem>>) src(%dma_wait3A_305 : memref<102400x16xf32, #tpu.memory_space<hbm>>) dst(%dma_wait3A_299 : memref<128x16xf32, #tpu.memory_space<vmem>>)
      %dma_wait3A_306 = arith.constant 3 : i32
      %dma_wait3A_307 = arith.constant 3 : i32
      %dma_wait3A_308 = arith.constant 0 : i32
      %dma_wait3A_309 = arith.constant 0 : i32
      %dma_wait3A_310 = tpu.memref_slice %arg14[%dma_wait3A_307, %dma_wait3A_308, %dma_wait3A_309] : memref<4x128x16xf32, #tpu.memory_space<vmem>> -> memref<1x128x16xf32, #tpu.memory_space<vmem>>
      %dma_wait3A_311 = tpu.memref_squeeze %dma_wait3A_310 : memref<1x128x16xf32, #tpu.memory_space<vmem>> -> memref<128x16xf32, #tpu.memory_space<vmem>>
      %dma_wait3A_312 = arith.constant 0 : i32
      %dma_wait3A_313 = tpu.memref_slice %arg10[%dma_wait3A_306, %dma_wait3A_312] : memref<4x128xi32, #tpu.memory_space<vmem>> -> memref<1x128xi32, #tpu.memory_space<vmem>>
      %dma_wait3A_314 = tpu.memref_squeeze %dma_wait3A_313 : memref<1x128xi32, #tpu.memory_space<vmem>> -> memref<128xi32, #tpu.memory_space<vmem>>
      %dma_wait3A_315 = arith.constant 0 : i32
      %dma_wait3A_316 = arith.constant 0 : i32
      %dma_wait3A_317 = tpu.memref_slice %arg2[%dma_wait3A_315, %dma_wait3A_316] : memref<102400x16xf32, #tpu.memory_space<hbm>> -> memref<102400x16xf32, #tpu.memory_space<hbm>>
      tpu.wait_indirect_dma semaphore(%arg15 : memref<!tpu.dma_semaphore, #tpu.memory_space<semaphore_mem>>) src(%dma_wait3A_317 : memref<102400x16xf32, #tpu.memory_space<hbm>>) dst(%dma_wait3A_311 : memref<128x16xf32, #tpu.memory_space<vmem>>)
      %dma_start3A_318 = arith.constant 0 : i32
      %dma_start3A_319 = arith.constant 0 : i32
      %dma_start3A_320 = arith.constant 0 : i32
      %dma_start3A_321 = arith.constant 0 : i32
      %dma_start3A_322 = tpu.memref_slice %arg14[%dma_start3A_318, %dma_start3A_320, %dma_start3A_321] : memref<4x128x16xf32, #tpu.memory_space<vmem>> -> memref<1x128x16xf32, #tpu.memory_space<vmem>>
      %dma_start3A_323 = tpu.memref_squeeze %dma_start3A_322 : memref<1x128x16xf32, #tpu.memory_space<vmem>> -> memref<128x16xf32, #tpu.memory_space<vmem>>
      %dma_start3A_324 = arith.constant 0 : i32
      %dma_start3A_325 = tpu.memref_slice %arg12[%dma_start3A_319, %dma_start3A_324] : memref<4x128xi32, #tpu.memory_space<vmem>> -> memref<1x128xi32, #tpu.memory_space<vmem>>
      %dma_start3A_326 = tpu.memref_squeeze %dma_start3A_325 : memref<1x128xi32, #tpu.memory_space<vmem>> -> memref<128xi32, #tpu.memory_space<vmem>>
      %dma_start3A_327 = arith.constant 0 : i32
      %dma_start3A_328 = arith.constant 0 : i32
      %dma_start3A_329 = tpu.memref_slice %arg8[%dma_start3A_327, %dma_start3A_328] : memref<102400x16xf32, #tpu.memory_space<vmem_shared>> -> memref<102400x16xf32, #tpu.memory_space<vmem_shared>>
      tpu.enqueue_indirect_dma source(%dma_start3A_323 : memref<128x16xf32, #tpu.memory_space<vmem>>) target(%dma_start3A_329 : memref<102400x16xf32, #tpu.memory_space<vmem_shared>>) offsets(%dma_start3A_326 : memref<128xi32, #tpu.memory_space<vmem>>) semaphore(%arg16 : memref<!tpu.dma_semaphore, #tpu.memory_space<semaphore_mem>>) {add = true}
      %dma_start3A_330 = arith.constant 1 : i32
      %dma_start3A_331 = arith.constant 1 : i32
      %dma_start3A_332 = arith.constant 0 : i32
      %dma_start3A_333 = arith.constant 0 : i32
      %dma_start3A_334 = tpu.memref_slice %arg14[%dma_start3A_330, %dma_start3A_332, %dma_start3A_333] : memref<4x128x16xf32, #tpu.memory_space<vmem>> -> memref<1x128x16xf32, #tpu.memory_space<vmem>>
      %dma_start3A_335 = tpu.memref_squeeze %dma_start3A_334 : memref<1x128x16xf32, #tpu.memory_space<vmem>> -> memref<128x16xf32, #tpu.memory_space<vmem>>
      %dma_start3A_336 = arith.constant 0 : i32
      %dma_start3A_337 = tpu.memref_slice %arg12[%dma_start3A_331, %dma_start3A_336] : memref<4x128xi32, #tpu.memory_space<vmem>> -> memref<1x128xi32, #tpu.memory_space<vmem>>
      %dma_start3A_338 = tpu.memref_squeeze %dma_start3A_337 : memref<1x128xi32, #tpu.memory_space<vmem>> -> memref<128xi32, #tpu.memory_space<vmem>>
      %dma_start3A_339 = arith.constant 0 : i32
      %dma_start3A_340 = arith.constant 0 : i32
      %dma_start3A_341 = tpu.memref_slice %arg8[%dma_start3A_339, %dma_start3A_340] : memref<102400x16xf32, #tpu.memory_space<vmem_shared>> -> memref<102400x16xf32, #tpu.memory_space<vmem_shared>>
      tpu.enqueue_indirect_dma source(%dma_start3A_335 : memref<128x16xf32, #tpu.memory_space<vmem>>) target(%dma_start3A_341 : memref<102400x16xf32, #tpu.memory_space<vmem_shared>>) offsets(%dma_start3A_338 : memref<128xi32, #tpu.memory_space<vmem>>) semaphore(%arg16 : memref<!tpu.dma_semaphore, #tpu.memory_space<semaphore_mem>>) {add = true}
      %dma_start3A_342 = arith.constant 2 : i32
      %dma_start3A_343 = arith.constant 2 : i32
      %dma_start3A_344 = arith.constant 0 : i32
      %dma_start3A_345 = arith.constant 0 : i32
      %dma_start3A_346 = tpu.memref_slice %arg14[%dma_start3A_342, %dma_start3A_344, %dma_start3A_345] : memref<4x128x16xf32, #tpu.memory_space<vmem>> -> memref<1x128x16xf32, #tpu.memory_space<vmem>>
      %dma_start3A_347 = tpu.memref_squeeze %dma_start3A_346 : memref<1x128x16xf32, #tpu.memory_space<vmem>> -> memref<128x16xf32, #tpu.memory_space<vmem>>
      %dma_start3A_348 = arith.constant 0 : i32
      %dma_start3A_349 = tpu.memref_slice %arg12[%dma_start3A_343, %dma_start3A_348] : memref<4x128xi32, #tpu.memory_space<vmem>> -> memref<1x128xi32, #tpu.memory_space<vmem>>
      %dma_start3A_350 = tpu.memref_squeeze %dma_start3A_349 : memref<1x128xi32, #tpu.memory_space<vmem>> -> memref<128xi32, #tpu.memory_space<vmem>>
      %dma_start3A_351 = arith.constant 0 : i32
      %dma_start3A_352 = arith.constant 0 : i32
      %dma_start3A_353 = tpu.memref_slice %arg8[%dma_start3A_351, %dma_start3A_352] : memref<102400x16xf32, #tpu.memory_space<vmem_shared>> -> memref<102400x16xf32, #tpu.memory_space<vmem_shared>>
      tpu.enqueue_indirect_dma source(%dma_start3A_347 : memref<128x16xf32, #tpu.memory_space<vmem>>) target(%dma_start3A_353 : memref<102400x16xf32, #tpu.memory_space<vmem_shared>>) offsets(%dma_start3A_350 : memref<128xi32, #tpu.memory_space<vmem>>) semaphore(%arg16 : memref<!tpu.dma_semaphore, #tpu.memory_space<semaphore_mem>>) {add = true}
      %dma_start3A_354 = arith.constant 3 : i32
      %dma_start3A_355 = arith.constant 3 : i32
      %dma_start3A_356 = arith.constant 0 : i32
      %dma_start3A_357 = arith.constant 0 : i32
      %dma_start3A_358 = tpu.memref_slice %arg14[%dma_start3A_354, %dma_start3A_356, %dma_start3A_357] : memref<4x128x16xf32, #tpu.memory_space<vmem>> -> memref<1x128x16xf32, #tpu.memory_space<vmem>>
      %dma_start3A_359 = tpu.memref_squeeze %dma_start3A_358 : memref<1x128x16xf32, #tpu.memory_space<vmem>> -> memref<128x16xf32, #tpu.memory_space<vmem>>
      %dma_start3A_360 = arith.constant 0 : i32
      %dma_start3A_361 = tpu.memref_slice %arg12[%dma_start3A_355, %dma_start3A_360] : memref<4x128xi32, #tpu.memory_space<vmem>> -> memref<1x128xi32, #tpu.memory_space<vmem>>
      %dma_start3A_362 = tpu.memref_squeeze %dma_start3A_361 : memref<1x128xi32, #tpu.memory_space<vmem>> -> memref<128xi32, #tpu.memory_space<vmem>>
      %dma_start3A_363 = arith.constant 0 : i32
      %dma_start3A_364 = arith.constant 0 : i32
      %dma_start3A_365 = tpu.memref_slice %arg8[%dma_start3A_363, %dma_start3A_364] : memref<102400x16xf32, #tpu.memory_space<vmem_shared>> -> memref<102400x16xf32, #tpu.memory_space<vmem_shared>>
      tpu.enqueue_indirect_dma source(%dma_start3A_359 : memref<128x16xf32, #tpu.memory_space<vmem>>) target(%dma_start3A_365 : memref<102400x16xf32, #tpu.memory_space<vmem_shared>>) offsets(%dma_start3A_362 : memref<128xi32, #tpu.memory_space<vmem>>) semaphore(%arg16 : memref<!tpu.dma_semaphore, #tpu.memory_space<semaphore_mem>>) {add = true}
      %add3A_366 = arith.constant 1 : i32
      %add3A_367 = arith.addi %add3A_258, %add3A_366 : i32
      %lt3A_368 = arith.cmpi slt, %add3A_367, %select_n3A_10 : i32
      %convert_element_type3A_369 = arith.extui %lt3A_368 : i1 to i32
      %cond3A_370 = arith.constant 0 : i32
      %cond3A_371 = arith.cmpi ne, %convert_element_type3A_369, %cond3A_370 : i32
      scf.if %cond3A_371 {
        %dma_wait3A_372 = arith.constant 0 : i32
        %dma_wait3A_373 = arith.constant 0 : i32
        %dma_wait3A_374 = tpu.memref_slice %arg3[%dma_wait3A_372, %dma_wait3A_373] : memref<25600x128xi32, #tpu.memory_space<hbm>> -> memref<4x128xi32, #tpu.memory_space<hbm>>
        %dma_wait3A_375 = arith.constant 0 : i32
        %dma_wait3A_376 = arith.constant 0 : i32
        %dma_wait3A_377 = tpu.memref_slice %arg3[%dma_wait3A_375, %dma_wait3A_376] : memref<25600x128xi32, #tpu.memory_space<hbm>> -> memref<4x128xi32, #tpu.memory_space<hbm>>
        tpu.wait_dma2 semaphore(%arg17 : memref<!tpu.dma_semaphore, #tpu.memory_space<semaphore_mem>>) src(%dma_wait3A_377 : memref<4x128xi32, #tpu.memory_space<hbm>>) dst(%arg9 : memref<4x128xi32, #tpu.memory_space<vmem>>)
        %dma_wait3A_378 = arith.constant 0 : i32
        %dma_wait3A_379 = arith.constant 0 : i32
        %dma_wait3A_380 = tpu.memref_slice %arg4[%dma_wait3A_378, %dma_wait3A_379] : memref<25600x128xi32, #tpu.memory_space<hbm>> -> memref<4x128xi32, #tpu.memory_space<hbm>>
        %dma_wait3A_381 = arith.constant 0 : i32
        %dma_wait3A_382 = arith.constant 0 : i32
        %dma_wait3A_383 = tpu.memref_slice %arg4[%dma_wait3A_381, %dma_wait3A_382] : memref<25600x128xi32, #tpu.memory_space<hbm>> -> memref<4x128xi32, #tpu.memory_space<hbm>>
        tpu.wait_dma2 semaphore(%arg17 : memref<!tpu.dma_semaphore, #tpu.memory_space<semaphore_mem>>) src(%dma_wait3A_383 : memref<4x128xi32, #tpu.memory_space<hbm>>) dst(%arg11 : memref<4x128xi32, #tpu.memory_space<vmem>>)
        %dma_start3A_384 = arith.constant 0 : i32
        %dma_start3A_385 = arith.constant 0 : i32
        %dma_start3A_386 = arith.constant 0 : i32
        %dma_start3A_387 = arith.constant 0 : i32
        %dma_start3A_388 = tpu.memref_slice %arg13[%dma_start3A_385, %dma_start3A_386, %dma_start3A_387] : memref<4x128x16xf32, #tpu.memory_space<vmem>> -> memref<1x128x16xf32, #tpu.memory_space<vmem>>
        %dma_start3A_389 = tpu.memref_squeeze %dma_start3A_388 : memref<1x128x16xf32, #tpu.memory_space<vmem>> -> memref<128x16xf32, #tpu.memory_space<vmem>>
        %dma_start3A_390 = arith.constant 0 : i32
        %dma_start3A_391 = tpu.memref_slice %arg9[%dma_start3A_384, %dma_start3A_390] : memref<4x128xi32, #tpu.memory_space<vmem>> -> memref<1x128xi32, #tpu.memory_space<vmem>>
        %dma_start3A_392 = tpu.memref_squeeze %dma_start3A_391 : memref<1x128xi32, #tpu.memory_space<vmem>> -> memref<128xi32, #tpu.memory_space<vmem>>
        %dma_start3A_393 = arith.constant 0 : i32
        %dma_start3A_394 = arith.constant 0 : i32
        %dma_start3A_395 = tpu.memref_slice %arg2[%dma_start3A_393, %dma_start3A_394] : memref<102400x16xf32, #tpu.memory_space<hbm>> -> memref<102400x16xf32, #tpu.memory_space<hbm>>
        tpu.enqueue_indirect_dma source(%dma_start3A_395 : memref<102400x16xf32, #tpu.memory_space<hbm>>) target(%dma_start3A_389 : memref<128x16xf32, #tpu.memory_space<vmem>>) offsets(%dma_start3A_392 : memref<128xi32, #tpu.memory_space<vmem>>) semaphore(%arg15 : memref<!tpu.dma_semaphore, #tpu.memory_space<semaphore_mem>>)
        %dma_start3A_396 = arith.constant 1 : i32
        %dma_start3A_397 = arith.constant 1 : i32
        %dma_start3A_398 = arith.constant 0 : i32
        %dma_start3A_399 = arith.constant 0 : i32
        %dma_start3A_400 = tpu.memref_slice %arg13[%dma_start3A_397, %dma_start3A_398, %dma_start3A_399] : memref<4x128x16xf32, #tpu.memory_space<vmem>> -> memref<1x128x16xf32, #tpu.memory_space<vmem>>
        %dma_start3A_401 = tpu.memref_squeeze %dma_start3A_400 : memref<1x128x16xf32, #tpu.memory_space<vmem>> -> memref<128x16xf32, #tpu.memory_space<vmem>>
        %dma_start3A_402 = arith.constant 0 : i32
        %dma_start3A_403 = tpu.memref_slice %arg9[%dma_start3A_396, %dma_start3A_402] : memref<4x128xi32, #tpu.memory_space<vmem>> -> memref<1x128xi32, #tpu.memory_space<vmem>>
        %dma_start3A_404 = tpu.memref_squeeze %dma_start3A_403 : memref<1x128xi32, #tpu.memory_space<vmem>> -> memref<128xi32, #tpu.memory_space<vmem>>
        %dma_start3A_405 = arith.constant 0 : i32
        %dma_start3A_406 = arith.constant 0 : i32
        %dma_start3A_407 = tpu.memref_slice %arg2[%dma_start3A_405, %dma_start3A_406] : memref<102400x16xf32, #tpu.memory_space<hbm>> -> memref<102400x16xf32, #tpu.memory_space<hbm>>
        tpu.enqueue_indirect_dma source(%dma_start3A_407 : memref<102400x16xf32, #tpu.memory_space<hbm>>) target(%dma_start3A_401 : memref<128x16xf32, #tpu.memory_space<vmem>>) offsets(%dma_start3A_404 : memref<128xi32, #tpu.memory_space<vmem>>) semaphore(%arg15 : memref<!tpu.dma_semaphore, #tpu.memory_space<semaphore_mem>>)
        %dma_start3A_408 = arith.constant 2 : i32
        %dma_start3A_409 = arith.constant 2 : i32
        %dma_start3A_410 = arith.constant 0 : i32
        %dma_start3A_411 = arith.constant 0 : i32
        %dma_start3A_412 = tpu.memref_slice %arg13[%dma_start3A_409, %dma_start3A_410, %dma_start3A_411] : memref<4x128x16xf32, #tpu.memory_space<vmem>> -> memref<1x128x16xf32, #tpu.memory_space<vmem>>
        %dma_start3A_413 = tpu.memref_squeeze %dma_start3A_412 : memref<1x128x16xf32, #tpu.memory_space<vmem>> -> memref<128x16xf32, #tpu.memory_space<vmem>>
        %dma_start3A_414 = arith.constant 0 : i32
        %dma_start3A_415 = tpu.memref_slice %arg9[%dma_start3A_408, %dma_start3A_414] : memref<4x128xi32, #tpu.memory_space<vmem>> -> memref<1x128xi32, #tpu.memory_space<vmem>>
        %dma_start3A_416 = tpu.memref_squeeze %dma_start3A_415 : memref<1x128xi32, #tpu.memory_space<vmem>> -> memref<128xi32, #tpu.memory_space<vmem>>
        %dma_start3A_417 = arith.constant 0 : i32
        %dma_start3A_418 = arith.constant 0 : i32
        %dma_start3A_419 = tpu.memref_slice %arg2[%dma_start3A_417, %dma_start3A_418] : memref<102400x16xf32, #tpu.memory_space<hbm>> -> memref<102400x16xf32, #tpu.memory_space<hbm>>
        tpu.enqueue_indirect_dma source(%dma_start3A_419 : memref<102400x16xf32, #tpu.memory_space<hbm>>) target(%dma_start3A_413 : memref<128x16xf32, #tpu.memory_space<vmem>>) offsets(%dma_start3A_416 : memref<128xi32, #tpu.memory_space<vmem>>) semaphore(%arg15 : memref<!tpu.dma_semaphore, #tpu.memory_space<semaphore_mem>>)
        %dma_start3A_420 = arith.constant 3 : i32
        %dma_start3A_421 = arith.constant 3 : i32
        %dma_start3A_422 = arith.constant 0 : i32
        %dma_start3A_423 = arith.constant 0 : i32
        %dma_start3A_424 = tpu.memref_slice %arg13[%dma_start3A_421, %dma_start3A_422, %dma_start3A_423] : memref<4x128x16xf32, #tpu.memory_space<vmem>> -> memref<1x128x16xf32, #tpu.memory_space<vmem>>
        %dma_start3A_425 = tpu.memref_squeeze %dma_start3A_424 : memref<1x128x16xf32, #tpu.memory_space<vmem>> -> memref<128x16xf32, #tpu.memory_space<vmem>>
        %dma_start3A_426 = arith.constant 0 : i32
        %dma_start3A_427 = tpu.memref_slice %arg9[%dma_start3A_420, %dma_start3A_426] : memref<4x128xi32, #tpu.memory_space<vmem>> -> memref<1x128xi32, #tpu.memory_space<vmem>>
        %dma_start3A_428 = tpu.memref_squeeze %dma_start3A_427 : memref<1x128xi32, #tpu.memory_space<vmem>> -> memref<128xi32, #tpu.memory_space<vmem>>
        %dma_start3A_429 = arith.constant 0 : i32
        %dma_start3A_430 = arith.constant 0 : i32
        %dma_start3A_431 = tpu.memref_slice %arg2[%dma_start3A_429, %dma_start3A_430] : memref<102400x16xf32, #tpu.memory_space<hbm>> -> memref<102400x16xf32, #tpu.memory_space<hbm>>
        tpu.enqueue_indirect_dma source(%dma_start3A_431 : memref<102400x16xf32, #tpu.memory_space<hbm>>) target(%dma_start3A_425 : memref<128x16xf32, #tpu.memory_space<vmem>>) offsets(%dma_start3A_428 : memref<128xi32, #tpu.memory_space<vmem>>) semaphore(%arg15 : memref<!tpu.dma_semaphore, #tpu.memory_space<semaphore_mem>>)
      } else {
      }
    }
    %while3A_84 = arith.constant 1 : i32
    scf.for %while3A_141 = %while3A_82 to %while3A_78 step %while3A_84  : i32 {
      %mul3A_142 = arith.constant 2 : i32
      %mul3A_143 = arith.muli %mul3A_142, %while3A_141 : i32
      %ge3A = arith.constant 1 : i32
      %ge3A_144 = arith.cmpi sge, %mul3A_143, %ge3A : i32
      %convert_element_type3A_145 = arith.extui %ge3A_144 : i1 to i32
      %cond3A_146 = arith.constant 0 : i32
      %cond3A_147 = arith.cmpi ne, %convert_element_type3A_145, %cond3A_146 : i32
      scf.if %cond3A_147 {
        %dma_wait3A_372 = arith.constant 0 : i32
        %dma_wait3A_373 = arith.constant 0 : i32
        %dma_wait3A_374 = arith.constant 0 : i32
        %dma_wait3A_375 = arith.constant 0 : i32
        %dma_wait3A_376 = tpu.memref_slice %arg14[%dma_wait3A_372, %dma_wait3A_374, %dma_wait3A_375] : memref<4x128x16xf32, #tpu.memory_space<vmem>> -> memref<1x128x16xf32, #tpu.memory_space<vmem>>
        %dma_wait3A_377 = tpu.memref_squeeze %dma_wait3A_376 : memref<1x128x16xf32, #tpu.memory_space<vmem>> -> memref<128x16xf32, #tpu.memory_space<vmem>>
        %dma_wait3A_378 = arith.constant 0 : i32
        %dma_wait3A_379 = tpu.memref_slice %arg12[%dma_wait3A_373, %dma_wait3A_378] : memref<4x128xi32, #tpu.memory_space<vmem>> -> memref<1x128xi32, #tpu.memory_space<vmem>>
        %dma_wait3A_380 = tpu.memref_squeeze %dma_wait3A_379 : memref<1x128xi32, #tpu.memory_space<vmem>> -> memref<128xi32, #tpu.memory_space<vmem>>
        %dma_wait3A_381 = arith.constant 0 : i32
        %dma_wait3A_382 = arith.constant 0 : i32
        %dma_wait3A_383 = tpu.memref_slice %arg8[%dma_wait3A_381, %dma_wait3A_382] : memref<102400x16xf32, #tpu.memory_space<vmem_shared>> -> memref<102400x16xf32, #tpu.memory_space<vmem_shared>>
        tpu.wait_indirect_dma semaphore(%arg16 : memref<!tpu.dma_semaphore, #tpu.memory_space<semaphore_mem>>) src(%dma_wait3A_377 : memref<128x16xf32, #tpu.memory_space<vmem>>) dst(%dma_wait3A_383 : memref<102400x16xf32, #tpu.memory_space<vmem_shared>>)
        %dma_wait3A_384 = arith.constant 1 : i32
        %dma_wait3A_385 = arith.constant 1 : i32
        %dma_wait3A_386 = arith.constant 0 : i32
        %dma_wait3A_387 = arith.constant 0 : i32
        %dma_wait3A_388 = tpu.memref_slice %arg14[%dma_wait3A_384, %dma_wait3A_386, %dma_wait3A_387] : memref<4x128x16xf32, #tpu.memory_space<vmem>> -> memref<1x128x16xf32, #tpu.memory_space<vmem>>
        %dma_wait3A_389 = tpu.memref_squeeze %dma_wait3A_388 : memref<1x128x16xf32, #tpu.memory_space<vmem>> -> memref<128x16xf32, #tpu.memory_space<vmem>>
        %dma_wait3A_390 = arith.constant 0 : i32
        %dma_wait3A_391 = tpu.memref_slice %arg12[%dma_wait3A_385, %dma_wait3A_390] : memref<4x128xi32, #tpu.memory_space<vmem>> -> memref<1x128xi32, #tpu.memory_space<vmem>>
        %dma_wait3A_392 = tpu.memref_squeeze %dma_wait3A_391 : memref<1x128xi32, #tpu.memory_space<vmem>> -> memref<128xi32, #tpu.memory_space<vmem>>
        %dma_wait3A_393 = arith.constant 0 : i32
        %dma_wait3A_394 = arith.constant 0 : i32
        %dma_wait3A_395 = tpu.memref_slice %arg8[%dma_wait3A_393, %dma_wait3A_394] : memref<102400x16xf32, #tpu.memory_space<vmem_shared>> -> memref<102400x16xf32, #tpu.memory_space<vmem_shared>>
        tpu.wait_indirect_dma semaphore(%arg16 : memref<!tpu.dma_semaphore, #tpu.memory_space<semaphore_mem>>) src(%dma_wait3A_389 : memref<128x16xf32, #tpu.memory_space<vmem>>) dst(%dma_wait3A_395 : memref<102400x16xf32, #tpu.memory_space<vmem_shared>>)
        %dma_wait3A_396 = arith.constant 2 : i32
        %dma_wait3A_397 = arith.constant 2 : i32
        %dma_wait3A_398 = arith.constant 0 : i32
        %dma_wait3A_399 = arith.constant 0 : i32
        %dma_wait3A_400 = tpu.memref_slice %arg14[%dma_wait3A_396, %dma_wait3A_398, %dma_wait3A_399] : memref<4x128x16xf32, #tpu.memory_space<vmem>> -> memref<1x128x16xf32, #tpu.memory_space<vmem>>
        %dma_wait3A_401 = tpu.memref_squeeze %dma_wait3A_400 : memref<1x128x16xf32, #tpu.memory_space<vmem>> -> memref<128x16xf32, #tpu.memory_space<vmem>>
        %dma_wait3A_402 = arith.constant 0 : i32
        %dma_wait3A_403 = tpu.memref_slice %arg12[%dma_wait3A_397, %dma_wait3A_402] : memref<4x128xi32, #tpu.memory_space<vmem>> -> memref<1x128xi32, #tpu.memory_space<vmem>>
        %dma_wait3A_404 = tpu.memref_squeeze %dma_wait3A_403 : memref<1x128xi32, #tpu.memory_space<vmem>> -> memref<128xi32, #tpu.memory_space<vmem>>
        %dma_wait3A_405 = arith.constant 0 : i32
        %dma_wait3A_406 = arith.constant 0 : i32
        %dma_wait3A_407 = tpu.memref_slice %arg8[%dma_wait3A_405, %dma_wait3A_406] : memref<102400x16xf32, #tpu.memory_space<vmem_shared>> -> memref<102400x16xf32, #tpu.memory_space<vmem_shared>>
        tpu.wait_indirect_dma semaphore(%arg16 : memref<!tpu.dma_semaphore, #tpu.memory_space<semaphore_mem>>) src(%dma_wait3A_401 : memref<128x16xf32, #tpu.memory_space<vmem>>) dst(%dma_wait3A_407 : memref<102400x16xf32, #tpu.memory_space<vmem_shared>>)
        %dma_wait3A_408 = arith.constant 3 : i32
        %dma_wait3A_409 = arith.constant 3 : i32
        %dma_wait3A_410 = arith.constant 0 : i32
        %dma_wait3A_411 = arith.constant 0 : i32
        %dma_wait3A_412 = tpu.memref_slice %arg14[%dma_wait3A_408, %dma_wait3A_410, %dma_wait3A_411] : memref<4x128x16xf32, #tpu.memory_space<vmem>> -> memref<1x128x16xf32, #tpu.memory_space<vmem>>
        %dma_wait3A_413 = tpu.memref_squeeze %dma_wait3A_412 : memref<1x128x16xf32, #tpu.memory_space<vmem>> -> memref<128x16xf32, #tpu.memory_space<vmem>>
        %dma_wait3A_414 = arith.constant 0 : i32
        %dma_wait3A_415 = tpu.memref_slice %arg12[%dma_wait3A_409, %dma_wait3A_414] : memref<4x128xi32, #tpu.memory_space<vmem>> -> memref<1x128xi32, #tpu.memory_space<vmem>>
        %dma_wait3A_416 = tpu.memref_squeeze %dma_wait3A_415 : memref<1x128xi32, #tpu.memory_space<vmem>> -> memref<128xi32, #tpu.memory_space<vmem>>
        %dma_wait3A_417 = arith.constant 0 : i32
        %dma_wait3A_418 = arith.constant 0 : i32
        %dma_wait3A_419 = tpu.memref_slice %arg8[%dma_wait3A_417, %dma_wait3A_418] : memref<102400x16xf32, #tpu.memory_space<vmem_shared>> -> memref<102400x16xf32, #tpu.memory_space<vmem_shared>>
        tpu.wait_indirect_dma semaphore(%arg16 : memref<!tpu.dma_semaphore, #tpu.memory_space<semaphore_mem>>) src(%dma_wait3A_413 : memref<128x16xf32, #tpu.memory_space<vmem>>) dst(%dma_wait3A_419 : memref<102400x16xf32, #tpu.memory_space<vmem_shared>>)
      } else {
      }
      %add3A_148 = arith.constant 1 : i32
      %add3A_149 = arith.addi %mul3A_143, %add3A_148 : i32
      %lt3A = arith.cmpi slt, %add3A_149, %select_n3A_10 : i32
      %convert_element_type3A_150 = arith.extui %lt3A : i1 to i32
      %cond3A_151 = arith.constant 0 : i32
      %cond3A_152 = arith.cmpi ne, %convert_element_type3A_150, %cond3A_151 : i32
      scf.if %cond3A_152 {
        %add3A_372 = arith.constant 1 : i32
        %add3A_373 = arith.addi %mul3A_143, %add3A_372 : i32
        %mul3A_374 = arith.constant 4 : i32
        %mul3A_375 = arith.muli %add3A_373, %mul3A_374 : i32
        %add3A_376 = arith.addi %select_n3A, %mul3A_375 : i32
        %dma_start3A_377 = arith.constant 0 : i32
        %dma_start3A_378 = tpu.memref_slice %arg3[%add3A_376, %dma_start3A_377] : memref<25600x128xi32, #tpu.memory_space<hbm>> -> memref<4x128xi32, #tpu.memory_space<hbm>>
        %dma_start3A_379 = arith.constant 0 : i32
        %dma_start3A_380 = tpu.memref_slice %arg3[%add3A_376, %dma_start3A_379] : memref<25600x128xi32, #tpu.memory_space<hbm>> -> memref<4x128xi32, #tpu.memory_space<hbm>>
        tpu.enqueue_dma source(%dma_start3A_380 : memref<4x128xi32, #tpu.memory_space<hbm>>) target(%arg10 : memref<4x128xi32, #tpu.memory_space<vmem>>) target_semaphore(%arg17 : memref<!tpu.dma_semaphore, #tpu.memory_space<semaphore_mem>>)
        %dma_start3A_381 = arith.constant 0 : i32
        %dma_start3A_382 = tpu.memref_slice %arg4[%add3A_376, %dma_start3A_381] : memref<25600x128xi32, #tpu.memory_space<hbm>> -> memref<4x128xi32, #tpu.memory_space<hbm>>
        %dma_start3A_383 = arith.constant 0 : i32
        %dma_start3A_384 = tpu.memref_slice %arg4[%add3A_376, %dma_start3A_383] : memref<25600x128xi32, #tpu.memory_space<hbm>> -> memref<4x128xi32, #tpu.memory_space<hbm>>
        tpu.enqueue_dma source(%dma_start3A_384 : memref<4x128xi32, #tpu.memory_space<hbm>>) target(%arg12 : memref<4x128xi32, #tpu.memory_space<vmem>>) target_semaphore(%arg17 : memref<!tpu.dma_semaphore, #tpu.memory_space<semaphore_mem>>)
      } else {
      }
      %dma_wait3A_153 = arith.constant 0 : i32
      %dma_wait3A_154 = arith.constant 0 : i32
      %dma_wait3A_155 = arith.constant 0 : i32
      %dma_wait3A_156 = arith.constant 0 : i32
      %dma_wait3A_157 = tpu.memref_slice %arg13[%dma_wait3A_154, %dma_wait3A_155, %dma_wait3A_156] : memref<4x128x16xf32, #tpu.memory_space<vmem>> -> memref<1x128x16xf32, #tpu.memory_space<vmem>>
      %dma_wait3A_158 = tpu.memref_squeeze %dma_wait3A_157 : memref<1x128x16xf32, #tpu.memory_space<vmem>> -> memref<128x16xf32, #tpu.memory_space<vmem>>
      %dma_wait3A_159 = arith.constant 0 : i32
      %dma_wait3A_160 = tpu.memref_slice %arg9[%dma_wait3A_153, %dma_wait3A_159] : memref<4x128xi32, #tpu.memory_space<vmem>> -> memref<1x128xi32, #tpu.memory_space<vmem>>
      %dma_wait3A_161 = tpu.memref_squeeze %dma_wait3A_160 : memref<1x128xi32, #tpu.memory_space<vmem>> -> memref<128xi32, #tpu.memory_space<vmem>>
      %dma_wait3A_162 = arith.constant 0 : i32
      %dma_wait3A_163 = arith.constant 0 : i32
      %dma_wait3A_164 = tpu.memref_slice %arg2[%dma_wait3A_162, %dma_wait3A_163] : memref<102400x16xf32, #tpu.memory_space<hbm>> -> memref<102400x16xf32, #tpu.memory_space<hbm>>
      tpu.wait_indirect_dma semaphore(%arg15 : memref<!tpu.dma_semaphore, #tpu.memory_space<semaphore_mem>>) src(%dma_wait3A_164 : memref<102400x16xf32, #tpu.memory_space<hbm>>) dst(%dma_wait3A_158 : memref<128x16xf32, #tpu.memory_space<vmem>>)
      %dma_wait3A_165 = arith.constant 1 : i32
      %dma_wait3A_166 = arith.constant 1 : i32
      %dma_wait3A_167 = arith.constant 0 : i32
      %dma_wait3A_168 = arith.constant 0 : i32
      %dma_wait3A_169 = tpu.memref_slice %arg13[%dma_wait3A_166, %dma_wait3A_167, %dma_wait3A_168] : memref<4x128x16xf32, #tpu.memory_space<vmem>> -> memref<1x128x16xf32, #tpu.memory_space<vmem>>
      %dma_wait3A_170 = tpu.memref_squeeze %dma_wait3A_169 : memref<1x128x16xf32, #tpu.memory_space<vmem>> -> memref<128x16xf32, #tpu.memory_space<vmem>>
      %dma_wait3A_171 = arith.constant 0 : i32
      %dma_wait3A_172 = tpu.memref_slice %arg9[%dma_wait3A_165, %dma_wait3A_171] : memref<4x128xi32, #tpu.memory_space<vmem>> -> memref<1x128xi32, #tpu.memory_space<vmem>>
      %dma_wait3A_173 = tpu.memref_squeeze %dma_wait3A_172 : memref<1x128xi32, #tpu.memory_space<vmem>> -> memref<128xi32, #tpu.memory_space<vmem>>
      %dma_wait3A_174 = arith.constant 0 : i32
      %dma_wait3A_175 = arith.constant 0 : i32
      %dma_wait3A_176 = tpu.memref_slice %arg2[%dma_wait3A_174, %dma_wait3A_175] : memref<102400x16xf32, #tpu.memory_space<hbm>> -> memref<102400x16xf32, #tpu.memory_space<hbm>>
      tpu.wait_indirect_dma semaphore(%arg15 : memref<!tpu.dma_semaphore, #tpu.memory_space<semaphore_mem>>) src(%dma_wait3A_176 : memref<102400x16xf32, #tpu.memory_space<hbm>>) dst(%dma_wait3A_170 : memref<128x16xf32, #tpu.memory_space<vmem>>)
      %dma_wait3A_177 = arith.constant 2 : i32
      %dma_wait3A_178 = arith.constant 2 : i32
      %dma_wait3A_179 = arith.constant 0 : i32
      %dma_wait3A_180 = arith.constant 0 : i32
      %dma_wait3A_181 = tpu.memref_slice %arg13[%dma_wait3A_178, %dma_wait3A_179, %dma_wait3A_180] : memref<4x128x16xf32, #tpu.memory_space<vmem>> -> memref<1x128x16xf32, #tpu.memory_space<vmem>>
      %dma_wait3A_182 = tpu.memref_squeeze %dma_wait3A_181 : memref<1x128x16xf32, #tpu.memory_space<vmem>> -> memref<128x16xf32, #tpu.memory_space<vmem>>
      %dma_wait3A_183 = arith.constant 0 : i32
      %dma_wait3A_184 = tpu.memref_slice %arg9[%dma_wait3A_177, %dma_wait3A_183] : memref<4x128xi32, #tpu.memory_space<vmem>> -> memref<1x128xi32, #tpu.memory_space<vmem>>
      %dma_wait3A_185 = tpu.memref_squeeze %dma_wait3A_184 : memref<1x128xi32, #tpu.memory_space<vmem>> -> memref<128xi32, #tpu.memory_space<vmem>>
      %dma_wait3A_186 = arith.constant 0 : i32
      %dma_wait3A_187 = arith.constant 0 : i32
      %dma_wait3A_188 = tpu.memref_slice %arg2[%dma_wait3A_186, %dma_wait3A_187] : memref<102400x16xf32, #tpu.memory_space<hbm>> -> memref<102400x16xf32, #tpu.memory_space<hbm>>
      tpu.wait_indirect_dma semaphore(%arg15 : memref<!tpu.dma_semaphore, #tpu.memory_space<semaphore_mem>>) src(%dma_wait3A_188 : memref<102400x16xf32, #tpu.memory_space<hbm>>) dst(%dma_wait3A_182 : memref<128x16xf32, #tpu.memory_space<vmem>>)
      %dma_wait3A_189 = arith.constant 3 : i32
      %dma_wait3A_190 = arith.constant 3 : i32
      %dma_wait3A_191 = arith.constant 0 : i32
      %dma_wait3A_192 = arith.constant 0 : i32
      %dma_wait3A_193 = tpu.memref_slice %arg13[%dma_wait3A_190, %dma_wait3A_191, %dma_wait3A_192] : memref<4x128x16xf32, #tpu.memory_space<vmem>> -> memref<1x128x16xf32, #tpu.memory_space<vmem>>
      %dma_wait3A_194 = tpu.memref_squeeze %dma_wait3A_193 : memref<1x128x16xf32, #tpu.memory_space<vmem>> -> memref<128x16xf32, #tpu.memory_space<vmem>>
      %dma_wait3A_195 = arith.constant 0 : i32
      %dma_wait3A_196 = tpu.memref_slice %arg9[%dma_wait3A_189, %dma_wait3A_195] : memref<4x128xi32, #tpu.memory_space<vmem>> -> memref<1x128xi32, #tpu.memory_space<vmem>>
      %dma_wait3A_197 = tpu.memref_squeeze %dma_wait3A_196 : memref<1x128xi32, #tpu.memory_space<vmem>> -> memref<128xi32, #tpu.memory_space<vmem>>
      %dma_wait3A_198 = arith.constant 0 : i32
      %dma_wait3A_199 = arith.constant 0 : i32
      %dma_wait3A_200 = tpu.memref_slice %arg2[%dma_wait3A_198, %dma_wait3A_199] : memref<102400x16xf32, #tpu.memory_space<hbm>> -> memref<102400x16xf32, #tpu.memory_space<hbm>>
      tpu.wait_indirect_dma semaphore(%arg15 : memref<!tpu.dma_semaphore, #tpu.memory_space<semaphore_mem>>) src(%dma_wait3A_200 : memref<102400x16xf32, #tpu.memory_space<hbm>>) dst(%dma_wait3A_194 : memref<128x16xf32, #tpu.memory_space<vmem>>)
      %dma_start3A_201 = arith.constant 0 : i32
      %dma_start3A_202 = arith.constant 0 : i32
      %dma_start3A_203 = arith.constant 0 : i32
      %dma_start3A_204 = arith.constant 0 : i32
      %dma_start3A_205 = tpu.memref_slice %arg13[%dma_start3A_201, %dma_start3A_203, %dma_start3A_204] : memref<4x128x16xf32, #tpu.memory_space<vmem>> -> memref<1x128x16xf32, #tpu.memory_space<vmem>>
      %dma_start3A_206 = tpu.memref_squeeze %dma_start3A_205 : memref<1x128x16xf32, #tpu.memory_space<vmem>> -> memref<128x16xf32, #tpu.memory_space<vmem>>
      %dma_start3A_207 = arith.constant 0 : i32
      %dma_start3A_208 = tpu.memref_slice %arg11[%dma_start3A_202, %dma_start3A_207] : memref<4x128xi32, #tpu.memory_space<vmem>> -> memref<1x128xi32, #tpu.memory_space<vmem>>
      %dma_start3A_209 = tpu.memref_squeeze %dma_start3A_208 : memref<1x128xi32, #tpu.memory_space<vmem>> -> memref<128xi32, #tpu.memory_space<vmem>>
      %dma_start3A_210 = arith.constant 0 : i32
      %dma_start3A_211 = arith.constant 0 : i32
      %dma_start3A_212 = tpu.memref_slice %arg8[%dma_start3A_210, %dma_start3A_211] : memref<102400x16xf32, #tpu.memory_space<vmem_shared>> -> memref<102400x16xf32, #tpu.memory_space<vmem_shared>>
      tpu.enqueue_indirect_dma source(%dma_start3A_206 : memref<128x16xf32, #tpu.memory_space<vmem>>) target(%dma_start3A_212 : memref<102400x16xf32, #tpu.memory_space<vmem_shared>>) offsets(%dma_start3A_209 : memref<128xi32, #tpu.memory_space<vmem>>) semaphore(%arg16 : memref<!tpu.dma_semaphore, #tpu.memory_space<semaphore_mem>>) {add = true}
      %dma_start3A_213 = arith.constant 1 : i32
      %dma_start3A_214 = arith.constant 1 : i32
      %dma_start3A_215 = arith.constant 0 : i32
      %dma_start3A_216 = arith.constant 0 : i32
      %dma_start3A_217 = tpu.memref_slice %arg13[%dma_start3A_213, %dma_start3A_215, %dma_start3A_216] : memref<4x128x16xf32, #tpu.memory_space<vmem>> -> memref<1x128x16xf32, #tpu.memory_space<vmem>>
      %dma_start3A_218 = tpu.memref_squeeze %dma_start3A_217 : memref<1x128x16xf32, #tpu.memory_space<vmem>> -> memref<128x16xf32, #tpu.memory_space<vmem>>
      %dma_start3A_219 = arith.constant 0 : i32
      %dma_start3A_220 = tpu.memref_slice %arg11[%dma_start3A_214, %dma_start3A_219] : memref<4x128xi32, #tpu.memory_space<vmem>> -> memref<1x128xi32, #tpu.memory_space<vmem>>
      %dma_start3A_221 = tpu.memref_squeeze %dma_start3A_220 : memref<1x128xi32, #tpu.memory_space<vmem>> -> memref<128xi32, #tpu.memory_space<vmem>>
      %dma_start3A_222 = arith.constant 0 : i32
      %dma_start3A_223 = arith.constant 0 : i32
      %dma_start3A_224 = tpu.memref_slice %arg8[%dma_start3A_222, %dma_start3A_223] : memref<102400x16xf32, #tpu.memory_space<vmem_shared>> -> memref<102400x16xf32, #tpu.memory_space<vmem_shared>>
      tpu.enqueue_indirect_dma source(%dma_start3A_218 : memref<128x16xf32, #tpu.memory_space<vmem>>) target(%dma_start3A_224 : memref<102400x16xf32, #tpu.memory_space<vmem_shared>>) offsets(%dma_start3A_221 : memref<128xi32, #tpu.memory_space<vmem>>) semaphore(%arg16 : memref<!tpu.dma_semaphore, #tpu.memory_space<semaphore_mem>>) {add = true}
      %dma_start3A_225 = arith.constant 2 : i32
      %dma_start3A_226 = arith.constant 2 : i32
      %dma_start3A_227 = arith.constant 0 : i32
      %dma_start3A_228 = arith.constant 0 : i32
      %dma_start3A_229 = tpu.memref_slice %arg13[%dma_start3A_225, %dma_start3A_227, %dma_start3A_228] : memref<4x128x16xf32, #tpu.memory_space<vmem>> -> memref<1x128x16xf32, #tpu.memory_space<vmem>>
      %dma_start3A_230 = tpu.memref_squeeze %dma_start3A_229 : memref<1x128x16xf32, #tpu.memory_space<vmem>> -> memref<128x16xf32, #tpu.memory_space<vmem>>
      %dma_start3A_231 = arith.constant 0 : i32
      %dma_start3A_232 = tpu.memref_slice %arg11[%dma_start3A_226, %dma_start3A_231] : memref<4x128xi32, #tpu.memory_space<vmem>> -> memref<1x128xi32, #tpu.memory_space<vmem>>
      %dma_start3A_233 = tpu.memref_squeeze %dma_start3A_232 : memref<1x128xi32, #tpu.memory_space<vmem>> -> memref<128xi32, #tpu.memory_space<vmem>>
      %dma_start3A_234 = arith.constant 0 : i32
      %dma_start3A_235 = arith.constant 0 : i32
      %dma_start3A_236 = tpu.memref_slice %arg8[%dma_start3A_234, %dma_start3A_235] : memref<102400x16xf32, #tpu.memory_space<vmem_shared>> -> memref<102400x16xf32, #tpu.memory_space<vmem_shared>>
      tpu.enqueue_indirect_dma source(%dma_start3A_230 : memref<128x16xf32, #tpu.memory_space<vmem>>) target(%dma_start3A_236 : memref<102400x16xf32, #tpu.memory_space<vmem_shared>>) offsets(%dma_start3A_233 : memref<128xi32, #tpu.memory_space<vmem>>) semaphore(%arg16 : memref<!tpu.dma_semaphore, #tpu.memory_space<semaphore_mem>>) {add = true}
      %dma_start3A_237 = arith.constant 3 : i32
      %dma_start3A_238 = arith.constant 3 : i32
      %dma_start3A_239 = arith.constant 0 : i32
      %dma_start3A_240 = arith.constant 0 : i32
      %dma_start3A_241 = tpu.memref_slice %arg13[%dma_start3A_237, %dma_start3A_239, %dma_start3A_240] : memref<4x128x16xf32, #tpu.memory_space<vmem>> -> memref<1x128x16xf32, #tpu.memory_space<vmem>>
      %dma_start3A_242 = tpu.memref_squeeze %dma_start3A_241 : memref<1x128x16xf32, #tpu.memory_space<vmem>> -> memref<128x16xf32, #tpu.memory_space<vmem>>
      %dma_start3A_243 = arith.constant 0 : i32
      %dma_start3A_244 = tpu.memref_slice %arg11[%dma_start3A_238, %dma_start3A_243] : memref<4x128xi32, #tpu.memory_space<vmem>> -> memref<1x128xi32, #tpu.memory_space<vmem>>
      %dma_start3A_245 = tpu.memref_squeeze %dma_start3A_244 : memref<1x128xi32, #tpu.memory_space<vmem>> -> memref<128xi32, #tpu.memory_space<vmem>>
      %dma_start3A_246 = arith.constant 0 : i32
      %dma_start3A_247 = arith.constant 0 : i32
      %dma_start3A_248 = tpu.memref_slice %arg8[%dma_start3A_246, %dma_start3A_247] : memref<102400x16xf32, #tpu.memory_space<vmem_shared>> -> memref<102400x16xf32, #tpu.memory_space<vmem_shared>>
      tpu.enqueue_indirect_dma source(%dma_start3A_242 : memref<128x16xf32, #tpu.memory_space<vmem>>) target(%dma_start3A_248 : memref<102400x16xf32, #tpu.memory_space<vmem_shared>>) offsets(%dma_start3A_245 : memref<128xi32, #tpu.memory_space<vmem>>) semaphore(%arg16 : memref<!tpu.dma_semaphore, #tpu.memory_space<semaphore_mem>>) {add = true}
      %add3A_249 = arith.constant 1 : i32
      %add3A_250 = arith.addi %mul3A_143, %add3A_249 : i32
      %lt3A_251 = arith.cmpi slt, %add3A_250, %select_n3A_10 : i32
      %convert_element_type3A_252 = arith.extui %lt3A_251 : i1 to i32
      %cond3A_253 = arith.constant 0 : i32
      %cond3A_254 = arith.cmpi ne, %convert_element_type3A_252, %cond3A_253 : i32
      scf.if %cond3A_254 {
        %dma_wait3A_372 = arith.constant 0 : i32
        %dma_wait3A_373 = arith.constant 0 : i32
        %dma_wait3A_374 = tpu.memref_slice %arg3[%dma_wait3A_372, %dma_wait3A_373] : memref<25600x128xi32, #tpu.memory_space<hbm>> -> memref<4x128xi32, #tpu.memory_space<hbm>>
        %dma_wait3A_375 = arith.constant 0 : i32
        %dma_wait3A_376 = arith.constant 0 : i32
        %dma_wait3A_377 = tpu.memref_slice %arg3[%dma_wait3A_375, %dma_wait3A_376] : memref<25600x128xi32, #tpu.memory_space<hbm>> -> memref<4x128xi32, #tpu.memory_space<hbm>>
        tpu.wait_dma2 semaphore(%arg17 : memref<!tpu.dma_semaphore, #tpu.memory_space<semaphore_mem>>) src(%dma_wait3A_377 : memref<4x128xi32, #tpu.memory_space<hbm>>) dst(%arg10 : memref<4x128xi32, #tpu.memory_space<vmem>>)
        %dma_wait3A_378 = arith.constant 0 : i32
        %dma_wait3A_379 = arith.constant 0 : i32
        %dma_wait3A_380 = tpu.memref_slice %arg4[%dma_wait3A_378, %dma_wait3A_379] : memref<25600x128xi32, #tpu.memory_space<hbm>> -> memref<4x128xi32, #tpu.memory_space<hbm>>
        %dma_wait3A_381 = arith.constant 0 : i32
        %dma_wait3A_382 = arith.constant 0 : i32
        %dma_wait3A_383 = tpu.memref_slice %arg4[%dma_wait3A_381, %dma_wait3A_382] : memref<25600x128xi32, #tpu.memory_space<hbm>> -> memref<4x128xi32, #tpu.memory_space<hbm>>
        tpu.wait_dma2 semaphore(%arg17 : memref<!tpu.dma_semaphore, #tpu.memory_space<semaphore_mem>>) src(%dma_wait3A_383 : memref<4x128xi32, #tpu.memory_space<hbm>>) dst(%arg12 : memref<4x128xi32, #tpu.memory_space<vmem>>)
        %dma_start3A_384 = arith.constant 0 : i32
        %dma_start3A_385 = arith.constant 0 : i32
        %dma_start3A_386 = arith.constant 0 : i32
        %dma_start3A_387 = arith.constant 0 : i32
        %dma_start3A_388 = tpu.memref_slice %arg14[%dma_start3A_385, %dma_start3A_386, %dma_start3A_387] : memref<4x128x16xf32, #tpu.memory_space<vmem>> -> memref<1x128x16xf32, #tpu.memory_space<vmem>>
        %dma_start3A_389 = tpu.memref_squeeze %dma_start3A_388 : memref<1x128x16xf32, #tpu.memory_space<vmem>> -> memref<128x16xf32, #tpu.memory_space<vmem>>
        %dma_start3A_390 = arith.constant 0 : i32
        %dma_start3A_391 = tpu.memref_slice %arg10[%dma_start3A_384, %dma_start3A_390] : memref<4x128xi32, #tpu.memory_space<vmem>> -> memref<1x128xi32, #tpu.memory_space<vmem>>
        %dma_start3A_392 = tpu.memref_squeeze %dma_start3A_391 : memref<1x128xi32, #tpu.memory_space<vmem>> -> memref<128xi32, #tpu.memory_space<vmem>>
        %dma_start3A_393 = arith.constant 0 : i32
        %dma_start3A_394 = arith.constant 0 : i32
        %dma_start3A_395 = tpu.memref_slice %arg2[%dma_start3A_393, %dma_start3A_394] : memref<102400x16xf32, #tpu.memory_space<hbm>> -> memref<102400x16xf32, #tpu.memory_space<hbm>>
        tpu.enqueue_indirect_dma source(%dma_start3A_395 : memref<102400x16xf32, #tpu.memory_space<hbm>>) target(%dma_start3A_389 : memref<128x16xf32, #tpu.memory_space<vmem>>) offsets(%dma_start3A_392 : memref<128xi32, #tpu.memory_space<vmem>>) semaphore(%arg15 : memref<!tpu.dma_semaphore, #tpu.memory_space<semaphore_mem>>)
        %dma_start3A_396 = arith.constant 1 : i32
        %dma_start3A_397 = arith.constant 1 : i32
        %dma_start3A_398 = arith.constant 0 : i32
        %dma_start3A_399 = arith.constant 0 : i32
        %dma_start3A_400 = tpu.memref_slice %arg14[%dma_start3A_397, %dma_start3A_398, %dma_start3A_399] : memref<4x128x16xf32, #tpu.memory_space<vmem>> -> memref<1x128x16xf32, #tpu.memory_space<vmem>>
        %dma_start3A_401 = tpu.memref_squeeze %dma_start3A_400 : memref<1x128x16xf32, #tpu.memory_space<vmem>> -> memref<128x16xf32, #tpu.memory_space<vmem>>
        %dma_start3A_402 = arith.constant 0 : i32
        %dma_start3A_403 = tpu.memref_slice %arg10[%dma_start3A_396, %dma_start3A_402] : memref<4x128xi32, #tpu.memory_space<vmem>> -> memref<1x128xi32, #tpu.memory_space<vmem>>
        %dma_start3A_404 = tpu.memref_squeeze %dma_start3A_403 : memref<1x128xi32, #tpu.memory_space<vmem>> -> memref<128xi32, #tpu.memory_space<vmem>>
        %dma_start3A_405 = arith.constant 0 : i32
        %dma_start3A_406 = arith.constant 0 : i32
        %dma_start3A_407 = tpu.memref_slice %arg2[%dma_start3A_405, %dma_start3A_406] : memref<102400x16xf32, #tpu.memory_space<hbm>> -> memref<102400x16xf32, #tpu.memory_space<hbm>>
        tpu.enqueue_indirect_dma source(%dma_start3A_407 : memref<102400x16xf32, #tpu.memory_space<hbm>>) target(%dma_start3A_401 : memref<128x16xf32, #tpu.memory_space<vmem>>) offsets(%dma_start3A_404 : memref<128xi32, #tpu.memory_space<vmem>>) semaphore(%arg15 : memref<!tpu.dma_semaphore, #tpu.memory_space<semaphore_mem>>)
        %dma_start3A_408 = arith.constant 2 : i32
        %dma_start3A_409 = arith.constant 2 : i32
        %dma_start3A_410 = arith.constant 0 : i32
        %dma_start3A_411 = arith.constant 0 : i32
        %dma_start3A_412 = tpu.memref_slice %arg14[%dma_start3A_409, %dma_start3A_410, %dma_start3A_411] : memref<4x128x16xf32, #tpu.memory_space<vmem>> -> memref<1x128x16xf32, #tpu.memory_space<vmem>>
        %dma_start3A_413 = tpu.memref_squeeze %dma_start3A_412 : memref<1x128x16xf32, #tpu.memory_space<vmem>> -> memref<128x16xf32, #tpu.memory_space<vmem>>
        %dma_start3A_414 = arith.constant 0 : i32
        %dma_start3A_415 = tpu.memref_slice %arg10[%dma_start3A_408, %dma_start3A_414] : memref<4x128xi32, #tpu.memory_space<vmem>> -> memref<1x128xi32, #tpu.memory_space<vmem>>
        %dma_start3A_416 = tpu.memref_squeeze %dma_start3A_415 : memref<1x128xi32, #tpu.memory_space<vmem>> -> memref<128xi32, #tpu.memory_space<vmem>>
        %dma_start3A_417 = arith.constant 0 : i32
        %dma_start3A_418 = arith.constant 0 : i32
        %dma_start3A_419 = tpu.memref_slice %arg2[%dma_start3A_417, %dma_start3A_418] : memref<102400x16xf32, #tpu.memory_space<hbm>> -> memref<102400x16xf32, #tpu.memory_space<hbm>>
        tpu.enqueue_indirect_dma source(%dma_start3A_419 : memref<102400x16xf32, #tpu.memory_space<hbm>>) target(%dma_start3A_413 : memref<128x16xf32, #tpu.memory_space<vmem>>) offsets(%dma_start3A_416 : memref<128xi32, #tpu.memory_space<vmem>>) semaphore(%arg15 : memref<!tpu.dma_semaphore, #tpu.memory_space<semaphore_mem>>)
        %dma_start3A_420 = arith.constant 3 : i32
        %dma_start3A_421 = arith.constant 3 : i32
        %dma_start3A_422 = arith.constant 0 : i32
        %dma_start3A_423 = arith.constant 0 : i32
        %dma_start3A_424 = tpu.memref_slice %arg14[%dma_start3A_421, %dma_start3A_422, %dma_start3A_423] : memref<4x128x16xf32, #tpu.memory_space<vmem>> -> memref<1x128x16xf32, #tpu.memory_space<vmem>>
        %dma_start3A_425 = tpu.memref_squeeze %dma_start3A_424 : memref<1x128x16xf32, #tpu.memory_space<vmem>> -> memref<128x16xf32, #tpu.memory_space<vmem>>
        %dma_start3A_426 = arith.constant 0 : i32
        %dma_start3A_427 = tpu.memref_slice %arg10[%dma_start3A_420, %dma_start3A_426] : memref<4x128xi32, #tpu.memory_space<vmem>> -> memref<1x128xi32, #tpu.memory_space<vmem>>
        %dma_start3A_428 = tpu.memref_squeeze %dma_start3A_427 : memref<1x128xi32, #tpu.memory_space<vmem>> -> memref<128xi32, #tpu.memory_space<vmem>>
        %dma_start3A_429 = arith.constant 0 : i32
        %dma_start3A_430 = arith.constant 0 : i32
        %dma_start3A_431 = tpu.memref_slice %arg2[%dma_start3A_429, %dma_start3A_430] : memref<102400x16xf32, #tpu.memory_space<hbm>> -> memref<102400x16xf32, #tpu.memory_space<hbm>>
        tpu.enqueue_indirect_dma source(%dma_start3A_431 : memref<102400x16xf32, #tpu.memory_space<hbm>>) target(%dma_start3A_425 : memref<128x16xf32, #tpu.memory_space<vmem>>) offsets(%dma_start3A_428 : memref<128xi32, #tpu.memory_space<vmem>>) semaphore(%arg15 : memref<!tpu.dma_semaphore, #tpu.memory_space<semaphore_mem>>)
      } else {
      }
      %mul3A_255 = arith.constant 2 : i32
      %mul3A_256 = arith.muli %mul3A_255, %while3A_141 : i32
      %add3A_257 = arith.constant 1 : i32
      %add3A_258 = arith.addi %mul3A_256, %add3A_257 : i32
      %ge3A_259 = arith.constant 1 : i32
      %ge3A_260 = arith.cmpi sge, %add3A_258, %ge3A_259 : i32
      %convert_element_type3A_261 = arith.extui %ge3A_260 : i1 to i32
      %cond3A_262 = arith.constant 0 : i32
      %cond3A_263 = arith.cmpi ne, %convert_element_type3A_261, %cond3A_262 : i32
      scf.if %cond3A_263 {
        %dma_wait3A_372 = arith.constant 0 : i32
        %dma_wait3A_373 = arith.constant 0 : i32
        %dma_wait3A_374 = arith.constant 0 : i32
        %dma_wait3A_375 = arith.constant 0 : i32
        %dma_wait3A_376 = tpu.memref_slice %arg13[%dma_wait3A_372, %dma_wait3A_374, %dma_wait3A_375] : memref<4x128x16xf32, #tpu.memory_space<vmem>> -> memref<1x128x16xf32, #tpu.memory_space<vmem>>
        %dma_wait3A_377 = tpu.memref_squeeze %dma_wait3A_376 : memref<1x128x16xf32, #tpu.memory_space<vmem>> -> memref<128x16xf32, #tpu.memory_space<vmem>>
        %dma_wait3A_378 = arith.constant 0 : i32
        %dma_wait3A_379 = tpu.memref_slice %arg11[%dma_wait3A_373, %dma_wait3A_378] : memref<4x128xi32, #tpu.memory_space<vmem>> -> memref<1x128xi32, #tpu.memory_space<vmem>>
        %dma_wait3A_380 = tpu.memref_squeeze %dma_wait3A_379 : memref<1x128xi32, #tpu.memory_space<vmem>> -> memref<128xi32, #tpu.memory_space<vmem>>
        %dma_wait3A_381 = arith.constant 0 : i32
        %dma_wait3A_382 = arith.constant 0 : i32
        %dma_wait3A_383 = tpu.memref_slice %arg8[%dma_wait3A_381, %dma_wait3A_382] : memref<102400x16xf32, #tpu.memory_space<vmem_shared>> -> memref<102400x16xf32, #tpu.memory_space<vmem_shared>>
        tpu.wait_indirect_dma semaphore(%arg16 : memref<!tpu.dma_semaphore, #tpu.memory_space<semaphore_mem>>) src(%dma_wait3A_377 : memref<128x16xf32, #tpu.memory_space<vmem>>) dst(%dma_wait3A_383 : memref<102400x16xf32, #tpu.memory_space<vmem_shared>>)
        %dma_wait3A_384 = arith.constant 1 : i32
        %dma_wait3A_385 = arith.constant 1 : i32
        %dma_wait3A_386 = arith.constant 0 : i32
        %dma_wait3A_387 = arith.constant 0 : i32
        %dma_wait3A_388 = tpu.memref_slice %arg13[%dma_wait3A_384, %dma_wait3A_386, %dma_wait3A_387] : memref<4x128x16xf32, #tpu.memory_space<vmem>> -> memref<1x128x16xf32, #tpu.memory_space<vmem>>
        %dma_wait3A_389 = tpu.memref_squeeze %dma_wait3A_388 : memref<1x128x16xf32, #tpu.memory_space<vmem>> -> memref<128x16xf32, #tpu.memory_space<vmem>>
        %dma_wait3A_390 = arith.constant 0 : i32
        %dma_wait3A_391 = tpu.memref_slice %arg11[%dma_wait3A_385, %dma_wait3A_390] : memref<4x128xi32, #tpu.memory_space<vmem>> -> memref<1x128xi32, #tpu.memory_space<vmem>>
        %dma_wait3A_392 = tpu.memref_squeeze %dma_wait3A_391 : memref<1x128xi32, #tpu.memory_space<vmem>> -> memref<128xi32, #tpu.memory_space<vmem>>
        %dma_wait3A_393 = arith.constant 0 : i32
        %dma_wait3A_394 = arith.constant 0 : i32
        %dma_wait3A_395 = tpu.memref_slice %arg8[%dma_wait3A_393, %dma_wait3A_394] : memref<102400x16xf32, #tpu.memory_space<vmem_shared>> -> memref<102400x16xf32, #tpu.memory_space<vmem_shared>>
        tpu.wait_indirect_dma semaphore(%arg16 : memref<!tpu.dma_semaphore, #tpu.memory_space<semaphore_mem>>) src(%dma_wait3A_389 : memref<128x16xf32, #tpu.memory_space<vmem>>) dst(%dma_wait3A_395 : memref<102400x16xf32, #tpu.memory_space<vmem_shared>>)
        %dma_wait3A_396 = arith.constant 2 : i32
        %dma_wait3A_397 = arith.constant 2 : i32
        %dma_wait3A_398 = arith.constant 0 : i32
        %dma_wait3A_399 = arith.constant 0 : i32
        %dma_wait3A_400 = tpu.memref_slice %arg13[%dma_wait3A_396, %dma_wait3A_398, %dma_wait3A_399] : memref<4x128x16xf32, #tpu.memory_space<vmem>> -> memref<1x128x16xf32, #tpu.memory_space<vmem>>
        %dma_wait3A_401 = tpu.memref_squeeze %dma_wait3A_400 : memref<1x128x16xf32, #tpu.memory_space<vmem>> -> memref<128x16xf32, #tpu.memory_space<vmem>>
        %dma_wait3A_402 = arith.constant 0 : i32
        %dma_wait3A_403 = tpu.memref_slice %arg11[%dma_wait3A_397, %dma_wait3A_402] : memref<4x128xi32, #tpu.memory_space<vmem>> -> memref<1x128xi32, #tpu.memory_space<vmem>>
        %dma_wait3A_404 = tpu.memref_squeeze %dma_wait3A_403 : memref<1x128xi32, #tpu.memory_space<vmem>> -> memref<128xi32, #tpu.memory_space<vmem>>
        %dma_wait3A_405 = arith.constant 0 : i32
        %dma_wait3A_406 = arith.constant 0 : i32
        %dma_wait3A_407 = tpu.memref_slice %arg8[%dma_wait3A_405, %dma_wait3A_406] : memref<102400x16xf32, #tpu.memory_space<vmem_shared>> -> memref<102400x16xf32, #tpu.memory_space<vmem_shared>>
        tpu.wait_indirect_dma semaphore(%arg16 : memref<!tpu.dma_semaphore, #tpu.memory_space<semaphore_mem>>) src(%dma_wait3A_401 : memref<128x16xf32, #tpu.memory_space<vmem>>) dst(%dma_wait3A_407 : memref<102400x16xf32, #tpu.memory_space<vmem_shared>>)
        %dma_wait3A_408 = arith.constant 3 : i32
        %dma_wait3A_409 = arith.constant 3 : i32
        %dma_wait3A_410 = arith.constant 0 : i32
        %dma_wait3A_411 = arith.constant 0 : i32
        %dma_wait3A_412 = tpu.memref_slice %arg13[%dma_wait3A_408, %dma_wait3A_410, %dma_wait3A_411] : memref<4x128x16xf32, #tpu.memory_space<vmem>> -> memref<1x128x16xf32, #tpu.memory_space<vmem>>
        %dma_wait3A_413 = tpu.memref_squeeze %dma_wait3A_412 : memref<1x128x16xf32, #tpu.memory_space<vmem>> -> memref<128x16xf32, #tpu.memory_space<vmem>>
        %dma_wait3A_414 = arith.constant 0 : i32
        %dma_wait3A_415 = tpu.memref_slice %arg11[%dma_wait3A_409, %dma_wait3A_414] : memref<4x128xi32, #tpu.memory_space<vmem>> -> memref<1x128xi32, #tpu.memory_space<vmem>>
        %dma_wait3A_416 = tpu.memref_squeeze %dma_wait3A_415 : memref<1x128xi32, #tpu.memory_space<vmem>> -> memref<128xi32, #tpu.memory_space<vmem>>
        %dma_wait3A_417 = arith.constant 0 : i32
        %dma_wait3A_418 = arith.constant 0 : i32
        %dma_wait3A_419 = tpu.memref_slice %arg8[%dma_wait3A_417, %dma_wait3A_418] : memref<102400x16xf32, #tpu.memory_space<vmem_shared>> -> memref<102400x16xf32, #tpu.memory_space<vmem_shared>>
        tpu.wait_indirect_dma semaphore(%arg16 : memref<!tpu.dma_semaphore, #tpu.memory_space<semaphore_mem>>) src(%dma_wait3A_413 : memref<128x16xf32, #tpu.memory_space<vmem>>) dst(%dma_wait3A_419 : memref<102400x16xf32, #tpu.memory_space<vmem_shared>>)
      } else {
      }
      %add3A_264 = arith.constant 1 : i32
      %add3A_265 = arith.addi %add3A_258, %add3A_264 : i32
      %lt3A_266 = arith.cmpi slt, %add3A_265, %select_n3A_10 : i32
      %convert_element_type3A_267 = arith.extui %lt3A_266 : i1 to i32
      %cond3A_268 = arith.constant 0 : i32
      %cond3A_269 = arith.cmpi ne, %convert_element_type3A_267, %cond3A_268 : i32
      scf.if %cond3A_269 {
        %add3A_372 = arith.constant 1 : i32
        %add3A_373 = arith.addi %add3A_258, %add3A_372 : i32
        %mul3A_374 = arith.constant 4 : i32
        %mul3A_375 = arith.muli %add3A_373, %mul3A_374 : i32
        %add3A_376 = arith.addi %select_n3A, %mul3A_375 : i32
        %dma_start3A_377 = arith.constant 0 : i32
        %dma_start3A_378 = tpu.memref_slice %arg3[%add3A_376, %dma_start3A_377] : memref<25600x128xi32, #tpu.memory_space<hbm>> -> memref<4x128xi32, #tpu.memory_space<hbm>>
        %dma_start3A_379 = arith.constant 0 : i32
        %dma_start3A_380 = tpu.memref_slice %arg3[%add3A_376, %dma_start3A_379] : memref<25600x128xi32, #tpu.memory_space<hbm>> -> memref<4x128xi32, #tpu.memory_space<hbm>>
        tpu.enqueue_dma source(%dma_start3A_380 : memref<4x128xi32, #tpu.memory_space<hbm>>) target(%arg9 : memref<4x128xi32, #tpu.memory_space<vmem>>) target_semaphore(%arg17 : memref<!tpu.dma_semaphore, #tpu.memory_space<semaphore_mem>>)
        %dma_start3A_381 = arith.constant 0 : i32
        %dma_start3A_382 = tpu.memref_slice %arg4[%add3A_376, %dma_start3A_381] : memref<25600x128xi32, #tpu.memory_space<hbm>> -> memref<4x128xi32, #tpu.memory_space<hbm>>
        %dma_start3A_383 = arith.constant 0 : i32
        %dma_start3A_384 = tpu.memref_slice %arg4[%add3A_376, %dma_start3A_383] : memref<25600x128xi32, #tpu.memory_space<hbm>> -> memref<4x128xi32, #tpu.memory_space<hbm>>
        tpu.enqueue_dma source(%dma_start3A_384 : memref<4x128xi32, #tpu.memory_space<hbm>>) target(%arg11 : memref<4x128xi32, #tpu.memory_space<vmem>>) target_semaphore(%arg17 : memref<!tpu.dma_semaphore, #tpu.memory_space<semaphore_mem>>)
      } else {
      }
      %dma_wait3A_270 = arith.constant 0 : i32
      %dma_wait3A_271 = arith.constant 0 : i32
      %dma_wait3A_272 = arith.constant 0 : i32
      %dma_wait3A_273 = arith.constant 0 : i32
      %dma_wait3A_274 = tpu.memref_slice %arg14[%dma_wait3A_271, %dma_wait3A_272, %dma_wait3A_273] : memref<4x128x16xf32, #tpu.memory_space<vmem>> -> memref<1x128x16xf32, #tpu.memory_space<vmem>>
      %dma_wait3A_275 = tpu.memref_squeeze %dma_wait3A_274 : memref<1x128x16xf32, #tpu.memory_space<vmem>> -> memref<128x16xf32, #tpu.memory_space<vmem>>
      %dma_wait3A_276 = arith.constant 0 : i32
      %dma_wait3A_277 = tpu.memref_slice %arg10[%dma_wait3A_270, %dma_wait3A_276] : memref<4x128xi32, #tpu.memory_space<vmem>> -> memref<1x128xi32, #tpu.memory_space<vmem>>
      %dma_wait3A_278 = tpu.memref_squeeze %dma_wait3A_277 : memref<1x128xi32, #tpu.memory_space<vmem>> -> memref<128xi32, #tpu.memory_space<vmem>>
      %dma_wait3A_279 = arith.constant 0 : i32
      %dma_wait3A_280 = arith.constant 0 : i32
      %dma_wait3A_281 = tpu.memref_slice %arg2[%dma_wait3A_279, %dma_wait3A_280] : memref<102400x16xf32, #tpu.memory_space<hbm>> -> memref<102400x16xf32, #tpu.memory_space<hbm>>
      tpu.wait_indirect_dma semaphore(%arg15 : memref<!tpu.dma_semaphore, #tpu.memory_space<semaphore_mem>>) src(%dma_wait3A_281 : memref<102400x16xf32, #tpu.memory_space<hbm>>) dst(%dma_wait3A_275 : memref<128x16xf32, #tpu.memory_space<vmem>>)
      %dma_wait3A_282 = arith.constant 1 : i32
      %dma_wait3A_283 = arith.constant 1 : i32
      %dma_wait3A_284 = arith.constant 0 : i32
      %dma_wait3A_285 = arith.constant 0 : i32
      %dma_wait3A_286 = tpu.memref_slice %arg14[%dma_wait3A_283, %dma_wait3A_284, %dma_wait3A_285] : memref<4x128x16xf32, #tpu.memory_space<vmem>> -> memref<1x128x16xf32, #tpu.memory_space<vmem>>
      %dma_wait3A_287 = tpu.memref_squeeze %dma_wait3A_286 : memref<1x128x16xf32, #tpu.memory_space<vmem>> -> memref<128x16xf32, #tpu.memory_space<vmem>>
      %dma_wait3A_288 = arith.constant 0 : i32
      %dma_wait3A_289 = tpu.memref_slice %arg10[%dma_wait3A_282, %dma_wait3A_288] : memref<4x128xi32, #tpu.memory_space<vmem>> -> memref<1x128xi32, #tpu.memory_space<vmem>>
      %dma_wait3A_290 = tpu.memref_squeeze %dma_wait3A_289 : memref<1x128xi32, #tpu.memory_space<vmem>> -> memref<128xi32, #tpu.memory_space<vmem>>
      %dma_wait3A_291 = arith.constant 0 : i32
      %dma_wait3A_292 = arith.constant 0 : i32
      %dma_wait3A_293 = tpu.memref_slice %arg2[%dma_wait3A_291, %dma_wait3A_292] : memref<102400x16xf32, #tpu.memory_space<hbm>> -> memref<102400x16xf32, #tpu.memory_space<hbm>>
      tpu.wait_indirect_dma semaphore(%arg15 : memref<!tpu.dma_semaphore, #tpu.memory_space<semaphore_mem>>) src(%dma_wait3A_293 : memref<102400x16xf32, #tpu.memory_space<hbm>>) dst(%dma_wait3A_287 : memref<128x16xf32, #tpu.memory_space<vmem>>)
      %dma_wait3A_294 = arith.constant 2 : i32
      %dma_wait3A_295 = arith.constant 2 : i32
      %dma_wait3A_296 = arith.constant 0 : i32
      %dma_wait3A_297 = arith.constant 0 : i32
      %dma_wait3A_298 = tpu.memref_slice %arg14[%dma_wait3A_295, %dma_wait3A_296, %dma_wait3A_297] : memref<4x128x16xf32, #tpu.memory_space<vmem>> -> memref<1x128x16xf32, #tpu.memory_space<vmem>>
      %dma_wait3A_299 = tpu.memref_squeeze %dma_wait3A_298 : memref<1x128x16xf32, #tpu.memory_space<vmem>> -> memref<128x16xf32, #tpu.memory_space<vmem>>
      %dma_wait3A_300 = arith.constant 0 : i32
      %dma_wait3A_301 = tpu.memref_slice %arg10[%dma_wait3A_294, %dma_wait3A_300] : memref<4x128xi32, #tpu.memory_space<vmem>> -> memref<1x128xi32, #tpu.memory_space<vmem>>
      %dma_wait3A_302 = tpu.memref_squeeze %dma_wait3A_301 : memref<1x128xi32, #tpu.memory_space<vmem>> -> memref<128xi32, #tpu.memory_space<vmem>>
      %dma_wait3A_303 = arith.constant 0 : i32
      %dma_wait3A_304 = arith.constant 0 : i32
      %dma_wait3A_305 = tpu.memref_slice %arg2[%dma_wait3A_303, %dma_wait3A_304] : memref<102400x16xf32, #tpu.memory_space<hbm>> -> memref<102400x16xf32, #tpu.memory_space<hbm>>
      tpu.wait_indirect_dma semaphore(%arg15 : memref<!tpu.dma_semaphore, #tpu.memory_space<semaphore_mem>>) src(%dma_wait3A_305 : memref<102400x16xf32, #tpu.memory_space<hbm>>) dst(%dma_wait3A_299 : memref<128x16xf32, #tpu.memory_space<vmem>>)
      %dma_wait3A_306 = arith.constant 3 : i32
      %dma_wait3A_307 = arith.constant 3 : i32
      %dma_wait3A_308 = arith.constant 0 : i32
      %dma_wait3A_309 = arith.constant 0 : i32
      %dma_wait3A_310 = tpu.memref_slice %arg14[%dma_wait3A_307, %dma_wait3A_308, %dma_wait3A_309] : memref<4x128x16xf32, #tpu.memory_space<vmem>> -> memref<1x128x16xf32, #tpu.memory_space<vmem>>
      %dma_wait3A_311 = tpu.memref_squeeze %dma_wait3A_310 : memref<1x128x16xf32, #tpu.memory_space<vmem>> -> memref<128x16xf32, #tpu.memory_space<vmem>>
      %dma_wait3A_312 = arith.constant 0 : i32
      %dma_wait3A_313 = tpu.memref_slice %arg10[%dma_wait3A_306, %dma_wait3A_312] : memref<4x128xi32, #tpu.memory_space<vmem>> -> memref<1x128xi32, #tpu.memory_space<vmem>>
      %dma_wait3A_314 = tpu.memref_squeeze %dma_wait3A_313 : memref<1x128xi32, #tpu.memory_space<vmem>> -> memref<128xi32, #tpu.memory_space<vmem>>
      %dma_wait3A_315 = arith.constant 0 : i32
      %dma_wait3A_316 = arith.constant 0 : i32
      %dma_wait3A_317 = tpu.memref_slice %arg2[%dma_wait3A_315, %dma_wait3A_316] : memref<102400x16xf32, #tpu.memory_space<hbm>> -> memref<102400x16xf32, #tpu.memory_space<hbm>>
      tpu.wait_indirect_dma semaphore(%arg15 : memref<!tpu.dma_semaphore, #tpu.memory_space<semaphore_mem>>) src(%dma_wait3A_317 : memref<102400x16xf32, #tpu.memory_space<hbm>>) dst(%dma_wait3A_311 : memref<128x16xf32, #tpu.memory_space<vmem>>)
      %dma_start3A_318 = arith.constant 0 : i32
      %dma_start3A_319 = arith.constant 0 : i32
      %dma_start3A_320 = arith.constant 0 : i32
      %dma_start3A_321 = arith.constant 0 : i32
      %dma_start3A_322 = tpu.memref_slice %arg14[%dma_start3A_318, %dma_start3A_320, %dma_start3A_321] : memref<4x128x16xf32, #tpu.memory_space<vmem>> -> memref<1x128x16xf32, #tpu.memory_space<vmem>>
      %dma_start3A_323 = tpu.memref_squeeze %dma_start3A_322 : memref<1x128x16xf32, #tpu.memory_space<vmem>> -> memref<128x16xf32, #tpu.memory_space<vmem>>
      %dma_start3A_324 = arith.constant 0 : i32
      %dma_start3A_325 = tpu.memref_slice %arg12[%dma_start3A_319, %dma_start3A_324] : memref<4x128xi32, #tpu.memory_space<vmem>> -> memref<1x128xi32, #tpu.memory_space<vmem>>
      %dma_start3A_326 = tpu.memref_squeeze %dma_start3A_325 : memref<1x128xi32, #tpu.memory_space<vmem>> -> memref<128xi32, #tpu.memory_space<vmem>>
      %dma_start3A_327 = arith.constant 0 : i32
      %dma_start3A_328 = arith.constant 0 : i32
      %dma_start3A_329 = tpu.memref_slice %arg8[%dma_start3A_327, %dma_start3A_328] : memref<102400x16xf32, #tpu.memory_space<vmem_shared>> -> memref<102400x16xf32, #tpu.memory_space<vmem_shared>>
      tpu.enqueue_indirect_dma source(%dma_start3A_323 : memref<128x16xf32, #tpu.memory_space<vmem>>) target(%dma_start3A_329 : memref<102400x16xf32, #tpu.memory_space<vmem_shared>>) offsets(%dma_start3A_326 : memref<128xi32, #tpu.memory_space<vmem>>) semaphore(%arg16 : memref<!tpu.dma_semaphore, #tpu.memory_space<semaphore_mem>>) {add = true}
      %dma_start3A_330 = arith.constant 1 : i32
      %dma_start3A_331 = arith.constant 1 : i32
      %dma_start3A_332 = arith.constant 0 : i32
      %dma_start3A_333 = arith.constant 0 : i32
      %dma_start3A_334 = tpu.memref_slice %arg14[%dma_start3A_330, %dma_start3A_332, %dma_start3A_333] : memref<4x128x16xf32, #tpu.memory_space<vmem>> -> memref<1x128x16xf32, #tpu.memory_space<vmem>>
      %dma_start3A_335 = tpu.memref_squeeze %dma_start3A_334 : memref<1x128x16xf32, #tpu.memory_space<vmem>> -> memref<128x16xf32, #tpu.memory_space<vmem>>
      %dma_start3A_336 = arith.constant 0 : i32
      %dma_start3A_337 = tpu.memref_slice %arg12[%dma_start3A_331, %dma_start3A_336] : memref<4x128xi32, #tpu.memory_space<vmem>> -> memref<1x128xi32, #tpu.memory_space<vmem>>
      %dma_start3A_338 = tpu.memref_squeeze %dma_start3A_337 : memref<1x128xi32, #tpu.memory_space<vmem>> -> memref<128xi32, #tpu.memory_space<vmem>>
      %dma_start3A_339 = arith.constant 0 : i32
      %dma_start3A_340 = arith.constant 0 : i32
      %dma_start3A_341 = tpu.memref_slice %arg8[%dma_start3A_339, %dma_start3A_340] : memref<102400x16xf32, #tpu.memory_space<vmem_shared>> -> memref<102400x16xf32, #tpu.memory_space<vmem_shared>>
      tpu.enqueue_indirect_dma source(%dma_start3A_335 : memref<128x16xf32, #tpu.memory_space<vmem>>) target(%dma_start3A_341 : memref<102400x16xf32, #tpu.memory_space<vmem_shared>>) offsets(%dma_start3A_338 : memref<128xi32, #tpu.memory_space<vmem>>) semaphore(%arg16 : memref<!tpu.dma_semaphore, #tpu.memory_space<semaphore_mem>>) {add = true}
      %dma_start3A_342 = arith.constant 2 : i32
      %dma_start3A_343 = arith.constant 2 : i32
      %dma_start3A_344 = arith.constant 0 : i32
      %dma_start3A_345 = arith.constant 0 : i32
      %dma_start3A_346 = tpu.memref_slice %arg14[%dma_start3A_342, %dma_start3A_344, %dma_start3A_345] : memref<4x128x16xf32, #tpu.memory_space<vmem>> -> memref<1x128x16xf32, #tpu.memory_space<vmem>>
      %dma_start3A_347 = tpu.memref_squeeze %dma_start3A_346 : memref<1x128x16xf32, #tpu.memory_space<vmem>> -> memref<128x16xf32, #tpu.memory_space<vmem>>
      %dma_start3A_348 = arith.constant 0 : i32
      %dma_start3A_349 = tpu.memref_slice %arg12[%dma_start3A_343, %dma_start3A_348] : memref<4x128xi32, #tpu.memory_space<vmem>> -> memref<1x128xi32, #tpu.memory_space<vmem>>
      %dma_start3A_350 = tpu.memref_squeeze %dma_start3A_349 : memref<1x128xi32, #tpu.memory_space<vmem>> -> memref<128xi32, #tpu.memory_space<vmem>>
      %dma_start3A_351 = arith.constant 0 : i32
      %dma_start3A_352 = arith.constant 0 : i32
      %dma_start3A_353 = tpu.memref_slice %arg8[%dma_start3A_351, %dma_start3A_352] : memref<102400x16xf32, #tpu.memory_space<vmem_shared>> -> memref<102400x16xf32, #tpu.memory_space<vmem_shared>>
      tpu.enqueue_indirect_dma source(%dma_start3A_347 : memref<128x16xf32, #tpu.memory_space<vmem>>) target(%dma_start3A_353 : memref<102400x16xf32, #tpu.memory_space<vmem_shared>>) offsets(%dma_start3A_350 : memref<128xi32, #tpu.memory_space<vmem>>) semaphore(%arg16 : memref<!tpu.dma_semaphore, #tpu.memory_space<semaphore_mem>>) {add = true}
      %dma_start3A_354 = arith.constant 3 : i32
      %dma_start3A_355 = arith.constant 3 : i32
      %dma_start3A_356 = arith.constant 0 : i32
      %dma_start3A_357 = arith.constant 0 : i32
      %dma_start3A_358 = tpu.memref_slice %arg14[%dma_start3A_354, %dma_start3A_356, %dma_start3A_357] : memref<4x128x16xf32, #tpu.memory_space<vmem>> -> memref<1x128x16xf32, #tpu.memory_space<vmem>>
      %dma_start3A_359 = tpu.memref_squeeze %dma_start3A_358 : memref<1x128x16xf32, #tpu.memory_space<vmem>> -> memref<128x16xf32, #tpu.memory_space<vmem>>
      %dma_start3A_360 = arith.constant 0 : i32
      %dma_start3A_361 = tpu.memref_slice %arg12[%dma_start3A_355, %dma_start3A_360] : memref<4x128xi32, #tpu.memory_space<vmem>> -> memref<1x128xi32, #tpu.memory_space<vmem>>
      %dma_start3A_362 = tpu.memref_squeeze %dma_start3A_361 : memref<1x128xi32, #tpu.memory_space<vmem>> -> memref<128xi32, #tpu.memory_space<vmem>>
      %dma_start3A_363 = arith.constant 0 : i32
      %dma_start3A_364 = arith.constant 0 : i32
      %dma_start3A_365 = tpu.memref_slice %arg8[%dma_start3A_363, %dma_start3A_364] : memref<102400x16xf32, #tpu.memory_space<vmem_shared>> -> memref<102400x16xf32, #tpu.memory_space<vmem_shared>>
      tpu.enqueue_indirect_dma source(%dma_start3A_359 : memref<128x16xf32, #tpu.memory_space<vmem>>) target(%dma_start3A_365 : memref<102400x16xf32, #tpu.memory_space<vmem_shared>>) offsets(%dma_start3A_362 : memref<128xi32, #tpu.memory_space<vmem>>) semaphore(%arg16 : memref<!tpu.dma_semaphore, #tpu.memory_space<semaphore_mem>>) {add = true}
      %add3A_366 = arith.constant 1 : i32
      %add3A_367 = arith.addi %add3A_258, %add3A_366 : i32
      %lt3A_368 = arith.cmpi slt, %add3A_367, %select_n3A_10 : i32
      %convert_element_type3A_369 = arith.extui %lt3A_368 : i1 to i32
      %cond3A_370 = arith.constant 0 : i32
      %cond3A_371 = arith.cmpi ne, %convert_element_type3A_369, %cond3A_370 : i32
      scf.if %cond3A_371 {
        %dma_wait3A_372 = arith.constant 0 : i32
        %dma_wait3A_373 = arith.constant 0 : i32
        %dma_wait3A_374 = tpu.memref_slice %arg3[%dma_wait3A_372, %dma_wait3A_373] : memref<25600x128xi32, #tpu.memory_space<hbm>> -> memref<4x128xi32, #tpu.memory_space<hbm>>
        %dma_wait3A_375 = arith.constant 0 : i32
        %dma_wait3A_376 = arith.constant 0 : i32
        %dma_wait3A_377 = tpu.memref_slice %arg3[%dma_wait3A_375, %dma_wait3A_376] : memref<25600x128xi32, #tpu.memory_space<hbm>> -> memref<4x128xi32, #tpu.memory_space<hbm>>
        tpu.wait_dma2 semaphore(%arg17 : memref<!tpu.dma_semaphore, #tpu.memory_space<semaphore_mem>>) src(%dma_wait3A_377 : memref<4x128xi32, #tpu.memory_space<hbm>>) dst(%arg9 : memref<4x128xi32, #tpu.memory_space<vmem>>)
        %dma_wait3A_378 = arith.constant 0 : i32
        %dma_wait3A_379 = arith.constant 0 : i32
        %dma_wait3A_380 = tpu.memref_slice %arg4[%dma_wait3A_378, %dma_wait3A_379] : memref<25600x128xi32, #tpu.memory_space<hbm>> -> memref<4x128xi32, #tpu.memory_space<hbm>>
        %dma_wait3A_381 = arith.constant 0 : i32
        %dma_wait3A_382 = arith.constant 0 : i32
        %dma_wait3A_383 = tpu.memref_slice %arg4[%dma_wait3A_381, %dma_wait3A_382] : memref<25600x128xi32, #tpu.memory_space<hbm>> -> memref<4x128xi32, #tpu.memory_space<hbm>>
        tpu.wait_dma2 semaphore(%arg17 : memref<!tpu.dma_semaphore, #tpu.memory_space<semaphore_mem>>) src(%dma_wait3A_383 : memref<4x128xi32, #tpu.memory_space<hbm>>) dst(%arg11 : memref<4x128xi32, #tpu.memory_space<vmem>>)
        %dma_start3A_384 = arith.constant 0 : i32
        %dma_start3A_385 = arith.constant 0 : i32
        %dma_start3A_386 = arith.constant 0 : i32
        %dma_start3A_387 = arith.constant 0 : i32
        %dma_start3A_388 = tpu.memref_slice %arg13[%dma_start3A_385, %dma_start3A_386, %dma_start3A_387] : memref<4x128x16xf32, #tpu.memory_space<vmem>> -> memref<1x128x16xf32, #tpu.memory_space<vmem>>
        %dma_start3A_389 = tpu.memref_squeeze %dma_start3A_388 : memref<1x128x16xf32, #tpu.memory_space<vmem>> -> memref<128x16xf32, #tpu.memory_space<vmem>>
        %dma_start3A_390 = arith.constant 0 : i32
        %dma_start3A_391 = tpu.memref_slice %arg9[%dma_start3A_384, %dma_start3A_390] : memref<4x128xi32, #tpu.memory_space<vmem>> -> memref<1x128xi32, #tpu.memory_space<vmem>>
        %dma_start3A_392 = tpu.memref_squeeze %dma_start3A_391 : memref<1x128xi32, #tpu.memory_space<vmem>> -> memref<128xi32, #tpu.memory_space<vmem>>
        %dma_start3A_393 = arith.constant 0 : i32
        %dma_start3A_394 = arith.constant 0 : i32
        %dma_start3A_395 = tpu.memref_slice %arg2[%dma_start3A_393, %dma_start3A_394] : memref<102400x16xf32, #tpu.memory_space<hbm>> -> memref<102400x16xf32, #tpu.memory_space<hbm>>
        tpu.enqueue_indirect_dma source(%dma_start3A_395 : memref<102400x16xf32, #tpu.memory_space<hbm>>) target(%dma_start3A_389 : memref<128x16xf32, #tpu.memory_space<vmem>>) offsets(%dma_start3A_392 : memref<128xi32, #tpu.memory_space<vmem>>) semaphore(%arg15 : memref<!tpu.dma_semaphore, #tpu.memory_space<semaphore_mem>>)
        %dma_start3A_396 = arith.constant 1 : i32
        %dma_start3A_397 = arith.constant 1 : i32
        %dma_start3A_398 = arith.constant 0 : i32
        %dma_start3A_399 = arith.constant 0 : i32
        %dma_start3A_400 = tpu.memref_slice %arg13[%dma_start3A_397, %dma_start3A_398, %dma_start3A_399] : memref<4x128x16xf32, #tpu.memory_space<vmem>> -> memref<1x128x16xf32, #tpu.memory_space<vmem>>
        %dma_start3A_401 = tpu.memref_squeeze %dma_start3A_400 : memref<1x128x16xf32, #tpu.memory_space<vmem>> -> memref<128x16xf32, #tpu.memory_space<vmem>>
        %dma_start3A_402 = arith.constant 0 : i32
        %dma_start3A_403 = tpu.memref_slice %arg9[%dma_start3A_396, %dma_start3A_402] : memref<4x128xi32, #tpu.memory_space<vmem>> -> memref<1x128xi32, #tpu.memory_space<vmem>>
        %dma_start3A_404 = tpu.memref_squeeze %dma_start3A_403 : memref<1x128xi32, #tpu.memory_space<vmem>> -> memref<128xi32, #tpu.memory_space<vmem>>
        %dma_start3A_405 = arith.constant 0 : i32
        %dma_start3A_406 = arith.constant 0 : i32
        %dma_start3A_407 = tpu.memref_slice %arg2[%dma_start3A_405, %dma_start3A_406] : memref<102400x16xf32, #tpu.memory_space<hbm>> -> memref<102400x16xf32, #tpu.memory_space<hbm>>
        tpu.enqueue_indirect_dma source(%dma_start3A_407 : memref<102400x16xf32, #tpu.memory_space<hbm>>) target(%dma_start3A_401 : memref<128x16xf32, #tpu.memory_space<vmem>>) offsets(%dma_start3A_404 : memref<128xi32, #tpu.memory_space<vmem>>) semaphore(%arg15 : memref<!tpu.dma_semaphore, #tpu.memory_space<semaphore_mem>>)
        %dma_start3A_408 = arith.constant 2 : i32
        %dma_start3A_409 = arith.constant 2 : i32
        %dma_start3A_410 = arith.constant 0 : i32
        %dma_start3A_411 = arith.constant 0 : i32
        %dma_start3A_412 = tpu.memref_slice %arg13[%dma_start3A_409, %dma_start3A_410, %dma_start3A_411] : memref<4x128x16xf32, #tpu.memory_space<vmem>> -> memref<1x128x16xf32, #tpu.memory_space<vmem>>
        %dma_start3A_413 = tpu.memref_squeeze %dma_start3A_412 : memref<1x128x16xf32, #tpu.memory_space<vmem>> -> memref<128x16xf32, #tpu.memory_space<vmem>>
        %dma_start3A_414 = arith.constant 0 : i32
        %dma_start3A_415 = tpu.memref_slice %arg9[%dma_start3A_408, %dma_start3A_414] : memref<4x128xi32, #tpu.memory_space<vmem>> -> memref<1x128xi32, #tpu.memory_space<vmem>>
        %dma_start3A_416 = tpu.memref_squeeze %dma_start3A_415 : memref<1x128xi32, #tpu.memory_space<vmem>> -> memref<128xi32, #tpu.memory_space<vmem>>
        %dma_start3A_417 = arith.constant 0 : i32
        %dma_start3A_418 = arith.constant 0 : i32
        %dma_start3A_419 = tpu.memref_slice %arg2[%dma_start3A_417, %dma_start3A_418] : memref<102400x16xf32, #tpu.memory_space<hbm>> -> memref<102400x16xf32, #tpu.memory_space<hbm>>
        tpu.enqueue_indirect_dma source(%dma_start3A_419 : memref<102400x16xf32, #tpu.memory_space<hbm>>) target(%dma_start3A_413 : memref<128x16xf32, #tpu.memory_space<vmem>>) offsets(%dma_start3A_416 : memref<128xi32, #tpu.memory_space<vmem>>) semaphore(%arg15 : memref<!tpu.dma_semaphore, #tpu.memory_space<semaphore_mem>>)
        %dma_start3A_420 = arith.constant 3 : i32
        %dma_start3A_421 = arith.constant 3 : i32
        %dma_start3A_422 = arith.constant 0 : i32
        %dma_start3A_423 = arith.constant 0 : i32
        %dma_start3A_424 = tpu.memref_slice %arg13[%dma_start3A_421, %dma_start3A_422, %dma_start3A_423] : memref<4x128x16xf32, #tpu.memory_space<vmem>> -> memref<1x128x16xf32, #tpu.memory_space<vmem>>
        %dma_start3A_425 = tpu.memref_squeeze %dma_start3A_424 : memref<1x128x16xf32, #tpu.memory_space<vmem>> -> memref<128x16xf32, #tpu.memory_space<vmem>>
        %dma_start3A_426 = arith.constant 0 : i32
        %dma_start3A_427 = tpu.memref_slice %arg9[%dma_start3A_420, %dma_start3A_426] : memref<4x128xi32, #tpu.memory_space<vmem>> -> memref<1x128xi32, #tpu.memory_space<vmem>>
        %dma_start3A_428 = tpu.memref_squeeze %dma_start3A_427 : memref<1x128xi32, #tpu.memory_space<vmem>> -> memref<128xi32, #tpu.memory_space<vmem>>
        %dma_start3A_429 = arith.constant 0 : i32
        %dma_start3A_430 = arith.constant 0 : i32
        %dma_start3A_431 = tpu.memref_slice %arg2[%dma_start3A_429, %dma_start3A_430] : memref<102400x16xf32, #tpu.memory_space<hbm>> -> memref<102400x16xf32, #tpu.memory_space<hbm>>
        tpu.enqueue_indirect_dma source(%dma_start3A_431 : memref<102400x16xf32, #tpu.memory_space<hbm>>) target(%dma_start3A_425 : memref<128x16xf32, #tpu.memory_space<vmem>>) offsets(%dma_start3A_428 : memref<128xi32, #tpu.memory_space<vmem>>) semaphore(%arg15 : memref<!tpu.dma_semaphore, #tpu.memory_space<semaphore_mem>>)
      } else {
      }
    }
    %dma_wait3A = arith.constant 0 : i32
    %dma_wait3A_85 = arith.constant 0 : i32
    %dma_wait3A_86 = arith.constant 0 : i32
    %dma_wait3A_87 = arith.constant 0 : i32
    %dma_wait3A_88 = tpu.memref_slice %arg14[%dma_wait3A, %dma_wait3A_86, %dma_wait3A_87] : memref<4x128x16xf32, #tpu.memory_space<vmem>> -> memref<1x128x16xf32, #tpu.memory_space<vmem>>
    %dma_wait3A_89 = tpu.memref_squeeze %dma_wait3A_88 : memref<1x128x16xf32, #tpu.memory_space<vmem>> -> memref<128x16xf32, #tpu.memory_space<vmem>>
    %dma_wait3A_90 = arith.constant 0 : i32
    %dma_wait3A_91 = tpu.memref_slice %arg12[%dma_wait3A_85, %dma_wait3A_90] : memref<4x128xi32, #tpu.memory_space<vmem>> -> memref<1x128xi32, #tpu.memory_space<vmem>>
    %dma_wait3A_92 = tpu.memref_squeeze %dma_wait3A_91 : memref<1x128xi32, #tpu.memory_space<vmem>> -> memref<128xi32, #tpu.memory_space<vmem>>
    %dma_wait3A_93 = arith.constant 0 : i32
    %dma_wait3A_94 = arith.constant 0 : i32
    %dma_wait3A_95 = tpu.memref_slice %arg8[%dma_wait3A_93, %dma_wait3A_94] : memref<102400x16xf32, #tpu.memory_space<vmem_shared>> -> memref<102400x16xf32, #tpu.memory_space<vmem_shared>>
    tpu.wait_indirect_dma semaphore(%arg16 : memref<!tpu.dma_semaphore, #tpu.memory_space<semaphore_mem>>) src(%dma_wait3A_89 : memref<128x16xf32, #tpu.memory_space<vmem>>) dst(%dma_wait3A_95 : memref<102400x16xf32, #tpu.memory_space<vmem_shared>>)
    %dma_wait3A_96 = arith.constant 1 : i32
    %dma_wait3A_97 = arith.constant 1 : i32
    %dma_wait3A_98 = arith.constant 0 : i32
    %dma_wait3A_99 = arith.constant 0 : i32
    %dma_wait3A_100 = tpu.memref_slice %arg14[%dma_wait3A_96, %dma_wait3A_98, %dma_wait3A_99] : memref<4x128x16xf32, #tpu.memory_space<vmem>> -> memref<1x128x16xf32, #tpu.memory_space<vmem>>
    %dma_wait3A_101 = tpu.memref_squeeze %dma_wait3A_100 : memref<1x128x16xf32, #tpu.memory_space<vmem>> -> memref<128x16xf32, #tpu.memory_space<vmem>>
    %dma_wait3A_102 = arith.constant 0 : i32
    %dma_wait3A_103 = tpu.memref_slice %arg12[%dma_wait3A_97, %dma_wait3A_102] : memref<4x128xi32, #tpu.memory_space<vmem>> -> memref<1x128xi32, #tpu.memory_space<vmem>>
    %dma_wait3A_104 = tpu.memref_squeeze %dma_wait3A_103 : memref<1x128xi32, #tpu.memory_space<vmem>> -> memref<128xi32, #tpu.memory_space<vmem>>
    %dma_wait3A_105 = arith.constant 0 : i32
    %dma_wait3A_106 = arith.constant 0 : i32
    %dma_wait3A_107 = tpu.memref_slice %arg8[%dma_wait3A_105, %dma_wait3A_106] : memref<102400x16xf32, #tpu.memory_space<vmem_shared>> -> memref<102400x16xf32, #tpu.memory_space<vmem_shared>>
    tpu.wait_indirect_dma semaphore(%arg16 : memref<!tpu.dma_semaphore, #tpu.memory_space<semaphore_mem>>) src(%dma_wait3A_101 : memref<128x16xf32, #tpu.memory_space<vmem>>) dst(%dma_wait3A_107 : memref<102400x16xf32, #tpu.memory_space<vmem_shared>>)
    %dma_wait3A_108 = arith.constant 2 : i32
    %dma_wait3A_109 = arith.constant 2 : i32
    %dma_wait3A_110 = arith.constant 0 : i32
    %dma_wait3A_111 = arith.constant 0 : i32
    %dma_wait3A_112 = tpu.memref_slice %arg14[%dma_wait3A_108, %dma_wait3A_110, %dma_wait3A_111] : memref<4x128x16xf32, #tpu.memory_space<vmem>> -> memref<1x128x16xf32, #tpu.memory_space<vmem>>
    %dma_wait3A_113 = tpu.memref_squeeze %dma_wait3A_112 : memref<1x128x16xf32, #tpu.memory_space<vmem>> -> memref<128x16xf32, #tpu.memory_space<vmem>>
    %dma_wait3A_114 = arith.constant 0 : i32
    %dma_wait3A_115 = tpu.memref_slice %arg12[%dma_wait3A_109, %dma_wait3A_114] : memref<4x128xi32, #tpu.memory_space<vmem>> -> memref<1x128xi32, #tpu.memory_space<vmem>>
    %dma_wait3A_116 = tpu.memref_squeeze %dma_wait3A_115 : memref<1x128xi32, #tpu.memory_space<vmem>> -> memref<128xi32, #tpu.memory_space<vmem>>
    %dma_wait3A_117 = arith.constant 0 : i32
    %dma_wait3A_118 = arith.constant 0 : i32
    %dma_wait3A_119 = tpu.memref_slice %arg8[%dma_wait3A_117, %dma_wait3A_118] : memref<102400x16xf32, #tpu.memory_space<vmem_shared>> -> memref<102400x16xf32, #tpu.memory_space<vmem_shared>>
    tpu.wait_indirect_dma semaphore(%arg16 : memref<!tpu.dma_semaphore, #tpu.memory_space<semaphore_mem>>) src(%dma_wait3A_113 : memref<128x16xf32, #tpu.memory_space<vmem>>) dst(%dma_wait3A_119 : memref<102400x16xf32, #tpu.memory_space<vmem_shared>>)
    %dma_wait3A_120 = arith.constant 3 : i32
    %dma_wait3A_121 = arith.constant 3 : i32
    %dma_wait3A_122 = arith.constant 0 : i32
    %dma_wait3A_123 = arith.constant 0 : i32
    %dma_wait3A_124 = tpu.memref_slice %arg14[%dma_wait3A_120, %dma_wait3A_122, %dma_wait3A_123] : memref<4x128x16xf32, #tpu.memory_space<vmem>> -> memref<1x128x16xf32, #tpu.memory_space<vmem>>
    %dma_wait3A_125 = tpu.memref_squeeze %dma_wait3A_124 : memref<1x128x16xf32, #tpu.memory_space<vmem>> -> memref<128x16xf32, #tpu.memory_space<vmem>>
    %dma_wait3A_126 = arith.constant 0 : i32
    %dma_wait3A_127 = tpu.memref_slice %arg12[%dma_wait3A_121, %dma_wait3A_126] : memref<4x128xi32, #tpu.memory_space<vmem>> -> memref<1x128xi32, #tpu.memory_space<vmem>>
    %dma_wait3A_128 = tpu.memref_squeeze %dma_wait3A_127 : memref<1x128xi32, #tpu.memory_space<vmem>> -> memref<128xi32, #tpu.memory_space<vmem>>
    %dma_wait3A_129 = arith.constant 0 : i32
    %dma_wait3A_130 = arith.constant 0 : i32
    %dma_wait3A_131 = tpu.memref_slice %arg8[%dma_wait3A_129, %dma_wait3A_130] : memref<102400x16xf32, #tpu.memory_space<vmem_shared>> -> memref<102400x16xf32, #tpu.memory_space<vmem_shared>>
    tpu.wait_indirect_dma semaphore(%arg16 : memref<!tpu.dma_semaphore, #tpu.memory_space<semaphore_mem>>) src(%dma_wait3A_125 : memref<128x16xf32, #tpu.memory_space<vmem>>) dst(%dma_wait3A_131 : memref<102400x16xf32, #tpu.memory_space<vmem_shared>>)
    %barrier3A_132 = arith.constant 0 : index
    tpu.barrier barrier_id(%barrier3A_132)
    %eq3A_133 = arith.constant 0 : i32
    %eq3A_134 = arith.cmpi eq, %arg0, %eq3A_133 : i32
    %convert_element_type3A = arith.extui %eq3A_134 : i1 to i32
    %cond3A = arith.constant 0 : i32
    %cond3A_135 = arith.cmpi ne, %convert_element_type3A, %cond3A : i32
    scf.if %cond3A_135 {
      "tpu.region"() ({
        %run_scoped3A = tpu.sem_alloc : memref<!tpu.dma_semaphore, #tpu.memory_space<semaphore_mem>>
        %dma_start3A_141 = arith.constant 0 : i32
        %dma_start3A_142 = tpu.memref_slice %arg6[%mul3A_0, %dma_start3A_141] : memref<102400x16xf32, #tpu.memory_space<hbm>> -> memref<6400x16xf32, #tpu.memory_space<hbm>>
        %dma_start3A_143 = arith.constant 0 : i32
        %dma_start3A_144 = tpu.memref_slice %arg8[%mul3A_0, %dma_start3A_143] : memref<102400x16xf32, #tpu.memory_space<vmem_shared>> -> memref<6400x16xf32, #tpu.memory_space<vmem_shared>>
        tpu.enqueue_dma source(%dma_start3A_144 : memref<6400x16xf32, #tpu.memory_space<vmem_shared>>) target(%dma_start3A_142 : memref<6400x16xf32, #tpu.memory_space<hbm>>) target_semaphore(%run_scoped3A : memref<!tpu.dma_semaphore, #tpu.memory_space<semaphore_mem>>)
        %dma_wait3A_145 = arith.constant 0 : i32
        %dma_wait3A_146 = tpu.memref_slice %arg6[%mul3A_0, %dma_wait3A_145] : memref<102400x16xf32, #tpu.memory_space<hbm>> -> memref<6400x16xf32, #tpu.memory_space<hbm>>
        %dma_wait3A_147 = arith.constant 0 : i32
        %dma_wait3A_148 = tpu.memref_slice %arg8[%mul3A_0, %dma_wait3A_147] : memref<102400x16xf32, #tpu.memory_space<vmem_shared>> -> memref<6400x16xf32, #tpu.memory_space<vmem_shared>>
        tpu.wait_dma2 semaphore(%run_scoped3A : memref<!tpu.dma_semaphore, #tpu.memory_space<semaphore_mem>>) src(%dma_wait3A_148 : memref<6400x16xf32, #tpu.memory_space<vmem_shared>>) dst(%dma_wait3A_146 : memref<6400x16xf32, #tpu.memory_space<hbm>>)
        tpu.yield
      }) : () -> ()
    } else {
    }
    %eq3A_136 = arith.constant 1 : i32
    %eq3A_137 = arith.cmpi eq, %arg0, %eq3A_136 : i32
    %convert_element_type3A_138 = arith.extui %eq3A_137 : i1 to i32
    %cond3A_139 = arith.constant 0 : i32
    %cond3A_140 = arith.cmpi ne, %convert_element_type3A_138, %cond3A_139 : i32
    scf.if %cond3A_140 {
      "tpu.region"() ({
        %run_scoped3A = tpu.sem_alloc : memref<!tpu.dma_semaphore, #tpu.memory_space<semaphore_mem>>
        %dma_start3A_141 = arith.constant 0 : i32
        %dma_start3A_142 = tpu.memref_slice %arg7[%mul3A_0, %dma_start3A_141] : memref<102400x16xf32, #tpu.memory_space<hbm>> -> memref<6400x16xf32, #tpu.memory_space<hbm>>
        %dma_start3A_143 = arith.constant 0 : i32
        %dma_start3A_144 = tpu.memref_slice %arg8[%mul3A_0, %dma_start3A_143] : memref<102400x16xf32, #tpu.memory_space<vmem_shared>> -> memref<6400x16xf32, #tpu.memory_space<vmem_shared>>
        tpu.enqueue_dma source(%dma_start3A_144 : memref<6400x16xf32, #tpu.memory_space<vmem_shared>>) target(%dma_start3A_142 : memref<6400x16xf32, #tpu.memory_space<hbm>>) target_semaphore(%run_scoped3A : memref<!tpu.dma_semaphore, #tpu.memory_space<semaphore_mem>>)
        %dma_wait3A_145 = arith.constant 0 : i32
        %dma_wait3A_146 = tpu.memref_slice %arg7[%mul3A_0, %dma_wait3A_145] : memref<102400x16xf32, #tpu.memory_space<hbm>> -> memref<6400x16xf32, #tpu.memory_space<hbm>>
        %dma_wait3A_147 = arith.constant 0 : i32
        %dma_wait3A_148 = tpu.memref_slice %arg8[%mul3A_0, %dma_wait3A_147] : memref<102400x16xf32, #tpu.memory_space<vmem_shared>> -> memref<6400x16xf32, #tpu.memory_space<vmem_shared>>
        tpu.wait_dma2 semaphore(%run_scoped3A : memref<!tpu.dma_semaphore, #tpu.memory_space<semaphore_mem>>) src(%dma_wait3A_148 : memref<6400x16xf32, #tpu.memory_space<vmem_shared>>) dst(%dma_wait3A_146 : memref<6400x16xf32, #tpu.memory_space<hbm>>)
        tpu.yield
      }) : () -> ()
    } else {
    }
    return
  }
}

module attributes {stable_mosaic.version = 14 : i64} {
  func.func @body(%arg0: i32, %arg1: memref<2048x1xf32, #tpu.memory_space<vmem>>, %arg2: memref<2048x1xf32, #tpu.memory_space<vmem>>, %arg3: memref<2048x2xf32, #tpu.memory_space<vmem>>, %arg4: memref<2x16xf32, #tpu.memory_space<vmem>>, %arg5: memref<2048x1xf32, #tpu.memory_space<vmem>>, %arg6: memref<2048x16xf32, #tpu.memory_space<vmem>>) attributes {dimension_semantics = [#tpu.dimension_semantics<arbitrary>], iteration_bounds = array<i64: 50>, scalar_prefetch = 0 : i64, scratch_operands = 0 : i64, tpu.core_type = #tpu.core_type<tc>, window_params = [{transform_indices = @transform_0, window_bounds = array<i64: 2048, 1>}, {transform_indices = @transform_1, window_bounds = array<i64: 2048, 1>}, {transform_indices = @transform_2, window_bounds = array<i64: 2048, 2>}, {pipeline_mode = #tpu.pipeline_mode<synchronous>, transform_indices = @transform_3, window_bounds = array<i64: 2, 16>}, {transform_indices = @transform_4, window_bounds = array<i64: 2048, 1>}, {transform_indices = @transform_5, window_bounds = array<i64: 2048, 16>}]} {
    %get3A = arith.constant 0 : index
    %get3A_0 = arith.constant 0 : index
    %get3A_1 = vector.load %arg1[%get3A, %get3A_0] : memref<2048x1xf32, #tpu.memory_space<vmem>>, vector<2048x1xf32>
    %get3A_2 = arith.constant 0 : index
    %get3A_3 = arith.constant 0 : index
    %get3A_4 = vector.load %arg2[%get3A_2, %get3A_3] : memref<2048x1xf32, #tpu.memory_space<vmem>>, vector<2048x1xf32>
    %add3A = arith.addf %get3A_1, %get3A_4 : vector<2048x1xf32>
    %add3A_5 = arith.constant 1.000000e+00 : f32
    %add3A_6 = vector.broadcast %add3A_5 : f32 to vector<2048x1xf32>
    %add3A_7 = arith.addf %add3A, %add3A_6 : vector<2048x1xf32>
    %rsqrt3A = math.rsqrt %add3A_7 : vector<2048x1xf32>
    %swap3A = arith.constant 0 : index
    %swap3A_8 = arith.constant 0 : index
    %swap3A_9 = vector.load %arg5[%swap3A, %swap3A_8] : memref<2048x1xf32, #tpu.memory_space<vmem>>, vector<2048x1xf32>
    tpu.vector_store %arg5[%swap3A, %swap3A_8], %rsqrt3A {strides = array<i32>} : memref<2048x1xf32, #tpu.memory_space<vmem>>, vector<2048x1xf32>,
    %get3A_10 = arith.constant 0 : index
    %get3A_11 = arith.constant 0 : index
    %get3A_12 = vector.load %arg3[%get3A_10, %get3A_11] : memref<2048x2xf32, #tpu.memory_space<vmem>>, vector<2048x1xf32>
    %get3A_13 = arith.constant 0 : index
    %get3A_14 = arith.constant 0 : index
    %get3A_15 = vector.load %arg4[%get3A_13, %get3A_14] : memref<2x16xf32, #tpu.memory_space<vmem>>, vector<1x16xf32>
    %mul3A = vector.broadcast %get3A_12 : vector<2048x1xf32> to vector<2048x16xf32>
    %mul3A_16 = vector.broadcast %get3A_15 : vector<1x16xf32> to vector<2048x16xf32>
    %mul3A_17 = arith.mulf %mul3A, %mul3A_16 : vector<2048x16xf32>
    %get3A_18 = arith.constant 0 : index
    %get3A_19 = arith.constant 1 : index
    %get3A_20 = vector.load %arg3[%get3A_18, %get3A_19] : memref<2048x2xf32, #tpu.memory_space<vmem>>, vector<2048x1xf32>
    %get3A_21 = arith.constant 1 : index
    %get3A_22 = arith.constant 0 : index
    %get3A_23 = vector.load %arg4[%get3A_21, %get3A_22] : memref<2x16xf32, #tpu.memory_space<vmem>>, vector<1x16xf32>
    %mul3A_24 = vector.broadcast %get3A_20 : vector<2048x1xf32> to vector<2048x16xf32>
    %mul3A_25 = vector.broadcast %get3A_23 : vector<1x16xf32> to vector<2048x16xf32>
    %mul3A_26 = arith.mulf %mul3A_24, %mul3A_25 : vector<2048x16xf32>
    %add3A_27 = arith.addf %mul3A_17, %mul3A_26 : vector<2048x16xf32>
    %mul3A_28 = vector.broadcast %rsqrt3A : vector<2048x1xf32> to vector<2048x16xf32>
    %mul3A_29 = arith.mulf %add3A_27, %mul3A_28 : vector<2048x16xf32>
    %swap3A_30 = arith.constant 0 : index
    %swap3A_31 = arith.constant 0 : index
    %swap3A_32 = vector.load %arg6[%swap3A_30, %swap3A_31] : memref<2048x16xf32, #tpu.memory_space<vmem>>, vector<2048x16xf32>
    tpu.vector_store %arg6[%swap3A_30, %swap3A_31], %mul3A_29 {strides = array<i32>} : memref<2048x16xf32, #tpu.memory_space<vmem>>, vector<2048x16xf32>,
    return
  }
  func.func @transform_0(%arg0: i32) -> (i32, i32) {
    %c0_i32 = arith.constant 0 : i32
    %c0_i32_0 = arith.constant 0 : i32
    return %arg0, %c0_i32 : i32, i32
  }
  func.func @transform_1(%arg0: i32) -> (i32, i32) {
    %c0_i32 = arith.constant 0 : i32
    %c0_i32_0 = arith.constant 0 : i32
    return %arg0, %c0_i32 : i32, i32
  }
  func.func @transform_2(%arg0: i32) -> (i32, i32) {
    %c0_i32 = arith.constant 0 : i32
    %c0_i32_0 = arith.constant 0 : i32
    return %arg0, %c0_i32 : i32, i32
  }
  func.func @transform_3(%arg0: i32) -> (i32, i32) {
    %c0_i32 = arith.constant 0 : i32
    %c0_i32_0 = arith.constant 0 : i32
    %c0_i32_1 = arith.constant 0 : i32
    return %c0_i32, %c0_i32_0 : i32, i32
  }
  func.func @transform_4(%arg0: i32) -> (i32, i32) {
    %c0_i32 = arith.constant 0 : i32
    %c0_i32_0 = arith.constant 0 : i32
    return %arg0, %c0_i32 : i32, i32
  }
  func.func @transform_5(%arg0: i32) -> (i32, i32) {
    %c0_i32 = arith.constant 0 : i32
    %c0_i32_0 = arith.constant 0 : i32
    return %arg0, %c0_i32 : i32, i32
  }
}

module attributes {stable_mosaic.version = 14 : i64} {
  func.func @body(%arg0: i32, %arg1: memref<2048x16xf32, #tpu.memory_space<vmem>>, %arg2: memref<2048x16xf32, #tpu.memory_space<vmem>>, %arg3: memref<2048x16xf32, #tpu.memory_space<vmem>>, %arg4: memref<2048x1xf32, #tpu.memory_space<vmem>>, %arg5: memref<1x16xf32, #tpu.memory_space<vmem>>, %arg6: memref<2048x16xf32, #tpu.memory_space<vmem>>) attributes {dimension_semantics = [#tpu.dimension_semantics<arbitrary>], iteration_bounds = array<i64: 50>, scalar_prefetch = 0 : i64, scratch_operands = 0 : i64, tpu.core_type = #tpu.core_type<tc>, window_params = [{transform_indices = @transform_0, window_bounds = array<i64: 2048, 16>}, {transform_indices = @transform_1, window_bounds = array<i64: 2048, 16>}, {transform_indices = @transform_2, window_bounds = array<i64: 2048, 16>}, {transform_indices = @transform_3, window_bounds = array<i64: 2048, 1>}, {pipeline_mode = #tpu.pipeline_mode<synchronous>, transform_indices = @transform_4, window_bounds = array<i64: 1, 16>}, {transform_indices = @transform_5, window_bounds = array<i64: 2048, 16>}]} {
    %get3A = arith.constant 0 : index
    %get3A_0 = arith.constant 0 : index
    %get3A_1 = vector.load %arg1[%get3A, %get3A_0] : memref<2048x16xf32, #tpu.memory_space<vmem>>, vector<2048x16xf32>
    %get3A_2 = arith.constant 0 : index
    %get3A_3 = arith.constant 0 : index
    %get3A_4 = vector.load %arg2[%get3A_2, %get3A_3] : memref<2048x16xf32, #tpu.memory_space<vmem>>, vector<2048x16xf32>
    %add3A = arith.addf %get3A_1, %get3A_4 : vector<2048x16xf32>
    %get3A_5 = arith.constant 0 : index
    %get3A_6 = arith.constant 0 : index
    %get3A_7 = vector.load %arg3[%get3A_5, %get3A_6] : memref<2048x16xf32, #tpu.memory_space<vmem>>, vector<2048x16xf32>
    %add3A_8 = arith.addf %add3A, %get3A_7 : vector<2048x16xf32>
    %get3A_9 = arith.constant 0 : index
    %get3A_10 = arith.constant 0 : index
    %get3A_11 = vector.load %arg4[%get3A_9, %get3A_10] : memref<2048x1xf32, #tpu.memory_space<vmem>>, vector<2048x1xf32>
    %mul3A = vector.broadcast %get3A_11 : vector<2048x1xf32> to vector<2048x16xf32>
    %mul3A_12 = arith.mulf %add3A_8, %mul3A : vector<2048x16xf32>
    %get3A_13 = arith.constant 0 : index
    %get3A_14 = arith.constant 0 : index
    %get3A_15 = vector.load %arg5[%get3A_13, %get3A_14] : memref<1x16xf32, #tpu.memory_space<vmem>>, vector<1x16xf32>
    %add3A_16 = vector.broadcast %get3A_15 : vector<1x16xf32> to vector<2048x16xf32>
    %add3A_17 = arith.addf %mul3A_12, %add3A_16 : vector<2048x16xf32>
    %max3A = arith.constant 0.000000e+00 : f32
    %max3A_18 = vector.broadcast %max3A : f32 to vector<2048x16xf32>
    %max3A_19 = arith.maximumf %add3A_17, %max3A_18 : vector<2048x16xf32>
    %get3A_20 = arith.constant 0 : index
    %get3A_21 = arith.constant 0 : index
    %get3A_22 = vector.load %arg4[%get3A_20, %get3A_21] : memref<2048x1xf32, #tpu.memory_space<vmem>>, vector<2048x1xf32>
    %mul3A_23 = vector.broadcast %get3A_22 : vector<2048x1xf32> to vector<2048x16xf32>
    %mul3A_24 = arith.mulf %max3A_19, %mul3A_23 : vector<2048x16xf32>
    %swap3A = arith.constant 0 : index
    %swap3A_25 = arith.constant 0 : index
    %swap3A_26 = vector.load %arg6[%swap3A, %swap3A_25] : memref<2048x16xf32, #tpu.memory_space<vmem>>, vector<2048x16xf32>
    tpu.vector_store %arg6[%swap3A, %swap3A_25], %mul3A_24 {strides = array<i32>} : memref<2048x16xf32, #tpu.memory_space<vmem>>, vector<2048x16xf32>,
    return
  }
  func.func @transform_0(%arg0: i32) -> (i32, i32) {
    %c0_i32 = arith.constant 0 : i32
    %c0_i32_0 = arith.constant 0 : i32
    return %arg0, %c0_i32 : i32, i32
  }
  func.func @transform_1(%arg0: i32) -> (i32, i32) {
    %c0_i32 = arith.constant 0 : i32
    %c0_i32_0 = arith.constant 0 : i32
    return %arg0, %c0_i32 : i32, i32
  }
  func.func @transform_2(%arg0: i32) -> (i32, i32) {
    %c0_i32 = arith.constant 0 : i32
    %c0_i32_0 = arith.constant 0 : i32
    return %arg0, %c0_i32 : i32, i32
  }
  func.func @transform_3(%arg0: i32) -> (i32, i32) {
    %c0_i32 = arith.constant 0 : i32
    %c0_i32_0 = arith.constant 0 : i32
    return %arg0, %c0_i32 : i32, i32
  }
  func.func @transform_4(%arg0: i32) -> (i32, i32) {
    %c0_i32 = arith.constant 0 : i32
    %c0_i32_0 = arith.constant 0 : i32
    %c0_i32_1 = arith.constant 0 : i32
    return %c0_i32, %c0_i32_0 : i32, i32
  }
  func.func @transform_5(%arg0: i32) -> (i32, i32) {
    %c0_i32 = arith.constant 0 : i32
    %c0_i32_0 = arith.constant 0 : i32
    return %arg0, %c0_i32 : i32, i32
  }
}

module attributes {stable_mosaic.version = 14 : i64} {
  func.func @body(%arg0: i32, %arg1: memref<512x16xf32, #tpu.memory_space<vmem>>, %arg2: memref<512x16xf32, #tpu.memory_space<vmem>>, %arg3: memref<512x16xf32, #tpu.memory_space<vmem>>, %arg4: memref<512x1xf32, #tpu.memory_space<vmem>>, %arg5: memref<16x32xf32, #tpu.memory_space<vmem>>, %arg6: memref<1x32xf32, #tpu.memory_space<vmem>>, %arg7: memref<1x1x512xi32, #tpu.memory_space<vmem>>, %arg8: memref<32x16xf32, #tpu.memory_space<vmem>>, %arg9: memref<1x16xf32, #tpu.memory_space<vmem>>, %arg10: memref<16x1xf32, #tpu.memory_space<vmem>>, %arg11: memref<1x1xf32, #tpu.memory_space<vmem>>, %arg12: memref<64x1xf32, #tpu.memory_space<vmem>>, %arg13: memref<64x32xf32, #tpu.memory_space<vmem>>, %arg14: memref<64x1xf32, #tpu.memory_space<vmem>>) attributes {dimension_semantics = [#tpu.dimension_semantics<arbitrary>], iteration_bounds = array<i64: 200>, scalar_prefetch = 0 : i64, scratch_operands = 2 : i64, tpu.core_type = #tpu.core_type<tc>, window_params = [{transform_indices = @transform_0, window_bounds = array<i64: 512, 16>}, {transform_indices = @transform_1, window_bounds = array<i64: 512, 16>}, {transform_indices = @transform_2, window_bounds = array<i64: 512, 16>}, {transform_indices = @transform_3, window_bounds = array<i64: 512, 1>}, {pipeline_mode = #tpu.pipeline_mode<synchronous>, transform_indices = @transform_4, window_bounds = array<i64: 16, 32>}, {pipeline_mode = #tpu.pipeline_mode<synchronous>, transform_indices = @transform_5, window_bounds = array<i64: 1, 32>}, {transform_indices = @transform_6, window_bounds = array<i64: 1, 1, 512>}, {pipeline_mode = #tpu.pipeline_mode<synchronous>, transform_indices = @transform_7, window_bounds = array<i64: 32, 16>}, {pipeline_mode = #tpu.pipeline_mode<synchronous>, transform_indices = @transform_8, window_bounds = array<i64: 1, 16>}, {pipeline_mode = #tpu.pipeline_mode<synchronous>, transform_indices = @transform_9, window_bounds = array<i64: 16, 1>}, {pipeline_mode = #tpu.pipeline_mode<synchronous>, transform_indices = @transform_10, window_bounds = array<i64: 1, 1>}, {pipeline_mode = #tpu.pipeline_mode<synchronous>, transform_indices = @transform_11, window_bounds = array<i64: 64, 1>}]} {
    %eq3A = arith.constant 0 : i32
    %eq3A_0 = arith.cmpi eq, %arg0, %eq3A : i32
    %convert_element_type3A = arith.extui %eq3A_0 : i1 to i32
    %cond3A = arith.constant 0 : i32
    %cond3A_1 = arith.cmpi ne, %convert_element_type3A, %cond3A : i32
    scf.if %cond3A_1 {
      %broadcast_in_dim3A_57 = arith.constant 0.000000e+00 : f32
      %broadcast_in_dim3A_58 = vector.broadcast %broadcast_in_dim3A_57 : f32 to vector<64x32xf32>
      %swap3A_59 = arith.constant 0 : index
      %swap3A_60 = arith.constant 0 : index
      %swap3A_61 = vector.load %arg13[%swap3A_59, %swap3A_60] : memref<64x32xf32, #tpu.memory_space<vmem>>, vector<64x32xf32>
      tpu.vector_store %arg13[%swap3A_59, %swap3A_60], %broadcast_in_dim3A_58 {strides = array<i32>} : memref<64x32xf32, #tpu.memory_space<vmem>>, vector<64x32xf32>,
      %broadcast_in_dim3A_62 = arith.constant 0.000000e+00 : f32
      %broadcast_in_dim3A_63 = vector.broadcast %broadcast_in_dim3A_62 : f32 to vector<64x1xf32>
      %swap3A_64 = arith.constant 0 : index
      %swap3A_65 = arith.constant 0 : index
      %swap3A_66 = vector.load %arg14[%swap3A_64, %swap3A_65] : memref<64x1xf32, #tpu.memory_space<vmem>>, vector<64x1xf32>
      tpu.vector_store %arg14[%swap3A_64, %swap3A_65], %broadcast_in_dim3A_63 {strides = array<i32>} : memref<64x1xf32, #tpu.memory_space<vmem>>, vector<64x1xf32>,
    } else {
    }
    %get3A = arith.constant 0 : index
    %get3A_2 = arith.constant 0 : index
    %get3A_3 = vector.load %arg1[%get3A, %get3A_2] : memref<512x16xf32, #tpu.memory_space<vmem>>, vector<512x16xf32>
    %get3A_4 = arith.constant 0 : index
    %get3A_5 = arith.constant 0 : index
    %get3A_6 = vector.load %arg2[%get3A_4, %get3A_5] : memref<512x16xf32, #tpu.memory_space<vmem>>, vector<512x16xf32>
    %add3A = arith.addf %get3A_3, %get3A_6 : vector<512x16xf32>
    %get3A_7 = arith.constant 0 : index
    %get3A_8 = arith.constant 0 : index
    %get3A_9 = vector.load %arg3[%get3A_7, %get3A_8] : memref<512x16xf32, #tpu.memory_space<vmem>>, vector<512x16xf32>
    %add3A_10 = arith.addf %add3A, %get3A_9 : vector<512x16xf32>
    %get3A_11 = arith.constant 0 : index
    %get3A_12 = arith.constant 0 : index
    %get3A_13 = vector.load %arg5[%get3A_11, %get3A_12] : memref<16x32xf32, #tpu.memory_space<vmem>>, vector<16x32xf32>
    %dot_general3A = arith.constant dense<0.000000e+00> : vector<512x32xf32>
    %dot_general3A_14 = tpu.matmul %add3A_10, %get3A_13, %dot_general3A {dimension_numbers = #tpu.dot_dimension_numbers<[1], [0], [0], [1], [0, 0, 1, 1], [], []>, transpose_lhs_hint = false} : vector<512x16xf32>, vector<16x32xf32>, vector<512x32xf32> -> vector<512x32xf32>
    %get3A_15 = arith.constant 0 : index
    %get3A_16 = arith.constant 0 : index
    %get3A_17 = vector.load %arg4[%get3A_15, %get3A_16] : memref<512x1xf32, #tpu.memory_space<vmem>>, vector<512x1xf32>
    %mul3A = vector.broadcast %get3A_17 : vector<512x1xf32> to vector<512x32xf32>
    %mul3A_18 = arith.mulf %dot_general3A_14, %mul3A : vector<512x32xf32>
    %get3A_19 = arith.constant 0 : index
    %get3A_20 = arith.constant 0 : index
    %get3A_21 = vector.load %arg6[%get3A_19, %get3A_20] : memref<1x32xf32, #tpu.memory_space<vmem>>, vector<1x32xf32>
    %add3A_22 = vector.broadcast %get3A_21 : vector<1x32xf32> to vector<512x32xf32>
    %add3A_23 = arith.addf %mul3A_18, %add3A_22 : vector<512x32xf32>
    %max3A = arith.constant 0.000000e+00 : f32
    %max3A_24 = vector.broadcast %max3A : f32 to vector<512x32xf32>
    %max3A_25 = arith.maximumf %add3A_23, %max3A_24 : vector<512x32xf32>
    %get3A_26 = arith.constant 0 : index
    %get3A_27 = arith.constant 0 : index
    %get3A_28 = arith.constant 0 : index
    %get3A_29 = vector.load %arg7[%get3A_26, %get3A_27, %get3A_28] : memref<1x1x512xi32, #tpu.memory_space<vmem>>, vector<1x1x512xi32>
    %get3A_30 = vector.shape_cast %get3A_29 : vector<1x1x512xi32> to vector<512xi32>
    %broadcast_in_dim3A = vector.shape_cast %get3A_30 : vector<512xi32> to vector<1x512xi32>
    %iota3A = tpu.iota {dimensions = array<i32: 0>} : vector<64x512xi32>
    %eq3A_31 = vector.broadcast %broadcast_in_dim3A : vector<1x512xi32> to vector<64x512xi32>
    %eq3A_32 = arith.cmpi eq, %eq3A_31, %iota3A : vector<64x512xi32>
    %convert_element_type3A_33 = arith.extui %eq3A_32 : vector<64x512xi1> to vector<64x512xi32>
    %convert_element_type3A_34 = arith.sitofp %convert_element_type3A_33 : vector<64x512xi32> to vector<64x512xf32>
    %get3A_35 = arith.constant 0 : index
    %get3A_36 = arith.constant 0 : index
    %get3A_37 = vector.load %arg13[%get3A_35, %get3A_36] : memref<64x32xf32, #tpu.memory_space<vmem>>, vector<64x32xf32>
    %dot_general3A_38 = arith.constant dense<0.000000e+00> : vector<64x32xf32>
    %dot_general3A_39 = tpu.matmul %convert_element_type3A_34, %max3A_25, %dot_general3A_38 {dimension_numbers = #tpu.dot_dimension_numbers<[1], [0], [0], [1], [0, 0, 1, 1], [], []>, transpose_lhs_hint = false} : vector<64x512xf32>, vector<512x32xf32>, vector<64x32xf32> -> vector<64x32xf32>
    %add3A_40 = arith.addf %get3A_37, %dot_general3A_39 : vector<64x32xf32>
    %swap3A = arith.constant 0 : index
    %swap3A_41 = arith.constant 0 : index
    %swap3A_42 = vector.load %arg13[%swap3A, %swap3A_41] : memref<64x32xf32, #tpu.memory_space<vmem>>, vector<64x32xf32>
    tpu.vector_store %arg13[%swap3A, %swap3A_41], %add3A_40 {strides = array<i32>} : memref<64x32xf32, #tpu.memory_space<vmem>>, vector<64x32xf32>,
    %get3A_43 = arith.constant 0 : index
    %get3A_44 = arith.constant 0 : index
    %get3A_45 = vector.load %arg14[%get3A_43, %get3A_44] : memref<64x1xf32, #tpu.memory_space<vmem>>, vector<64x1xf32>
    %reduce_sum3A = arith.constant dense<0.000000e+00> : vector<64xf32>
    %reduce_sum3A_46 = vector.multi_reduction <add>, %convert_element_type3A_34, %reduce_sum3A [1] : vector<64x512xf32> to vector<64xf32>
    %broadcast_in_dim3A_47 = vector.shape_cast %reduce_sum3A_46 : vector<64xf32> to vector<64x1xf32>
    %add3A_48 = arith.addf %get3A_45, %broadcast_in_dim3A_47 : vector<64x1xf32>
    %swap3A_49 = arith.constant 0 : index
    %swap3A_50 = arith.constant 0 : index
    %swap3A_51 = vector.load %arg14[%swap3A_49, %swap3A_50] : memref<64x1xf32, #tpu.memory_space<vmem>>, vector<64x1xf32>
    tpu.vector_store %arg14[%swap3A_49, %swap3A_50], %add3A_48 {strides = array<i32>} : memref<64x1xf32, #tpu.memory_space<vmem>>, vector<64x1xf32>,
    %eq3A_52 = arith.constant 199 : i32
    %eq3A_53 = arith.cmpi eq, %arg0, %eq3A_52 : i32
    %convert_element_type3A_54 = arith.extui %eq3A_53 : i1 to i32
    %cond3A_55 = arith.constant 0 : i32
    %cond3A_56 = arith.cmpi ne, %convert_element_type3A_54, %cond3A_55 : i32
    scf.if %cond3A_56 {
      %get3A_57 = arith.constant 0 : index
      %get3A_58 = arith.constant 0 : index
      %get3A_59 = vector.load %arg13[%get3A_57, %get3A_58] : memref<64x32xf32, #tpu.memory_space<vmem>>, vector<64x32xf32>
      %get3A_60 = arith.constant 0 : index
      %get3A_61 = arith.constant 0 : index
      %get3A_62 = vector.load %arg14[%get3A_60, %get3A_61] : memref<64x1xf32, #tpu.memory_space<vmem>>, vector<64x1xf32>
      %max3A_63 = arith.constant 1.000000e+00 : f32
      %max3A_64 = vector.broadcast %max3A_63 : f32 to vector<64x1xf32>
      %max3A_65 = arith.maximumf %get3A_62, %max3A_64 : vector<64x1xf32>
      %div3A = vector.broadcast %max3A_65 : vector<64x1xf32> to vector<64x32xf32>
      %div3A_66 = arith.divf %get3A_59, %div3A : vector<64x32xf32>
      %get3A_67 = arith.constant 0 : index
      %get3A_68 = arith.constant 0 : index
      %get3A_69 = vector.load %arg8[%get3A_67, %get3A_68] : memref<32x16xf32, #tpu.memory_space<vmem>>, vector<32x16xf32>
      %dot_general3A_70 = arith.constant dense<0.000000e+00> : vector<64x16xf32>
      %dot_general3A_71 = tpu.matmul %div3A_66, %get3A_69, %dot_general3A_70 {dimension_numbers = #tpu.dot_dimension_numbers<[1], [0], [0], [1], [0, 0, 1, 1], [], []>, transpose_lhs_hint = false} : vector<64x32xf32>, vector<32x16xf32>, vector<64x16xf32> -> vector<64x16xf32>
      %get3A_72 = arith.constant 0 : index
      %get3A_73 = arith.constant 0 : index
      %get3A_74 = vector.load %arg9[%get3A_72, %get3A_73] : memref<1x16xf32, #tpu.memory_space<vmem>>, vector<1x16xf32>
      %add3A_75 = vector.broadcast %get3A_74 : vector<1x16xf32> to vector<64x16xf32>
      %add3A_76 = arith.addf %dot_general3A_71, %add3A_75 : vector<64x16xf32>
      %max3A_77 = arith.constant 0.000000e+00 : f32
      %max3A_78 = vector.broadcast %max3A_77 : f32 to vector<64x16xf32>
      %max3A_79 = arith.maximumf %add3A_76, %max3A_78 : vector<64x16xf32>
      %get3A_80 = arith.constant 0 : index
      %get3A_81 = arith.constant 0 : index
      %get3A_82 = vector.load %arg10[%get3A_80, %get3A_81] : memref<16x1xf32, #tpu.memory_space<vmem>>, vector<16x1xf32>
      %dot_general3A_83 = arith.constant dense<0.000000e+00> : vector<64x1xf32>
      %dot_general3A_84 = tpu.matmul %max3A_79, %get3A_82, %dot_general3A_83 {dimension_numbers = #tpu.dot_dimension_numbers<[1], [0], [0], [1], [0, 0, 1, 1], [], []>, transpose_lhs_hint = false} : vector<64x16xf32>, vector<16x1xf32>, vector<64x1xf32> -> vector<64x1xf32>
      %get3A_85 = arith.constant 0 : index
      %get3A_86 = arith.constant 0 : index
      %get3A_87 = vector.load %arg11[%get3A_85, %get3A_86] : memref<1x1xf32, #tpu.memory_space<vmem>>, vector<1x1xf32>
      %add3A_88 = vector.broadcast %get3A_87 : vector<1x1xf32> to vector<64x1xf32>
      %add3A_89 = arith.addf %dot_general3A_84, %add3A_88 : vector<64x1xf32>
      %swap3A_90 = arith.constant 0 : index
      %swap3A_91 = arith.constant 0 : index
      %swap3A_92 = vector.load %arg12[%swap3A_90, %swap3A_91] : memref<64x1xf32, #tpu.memory_space<vmem>>, vector<64x1xf32>
      tpu.vector_store %arg12[%swap3A_90, %swap3A_91], %add3A_89 {strides = array<i32>} : memref<64x1xf32, #tpu.memory_space<vmem>>, vector<64x1xf32>,
    } else {
    }
    return
  }
  func.func @transform_0(%arg0: i32) -> (i32, i32) {
    %c0_i32 = arith.constant 0 : i32
    %c0_i32_0 = arith.constant 0 : i32
    return %arg0, %c0_i32 : i32, i32
  }
  func.func @transform_1(%arg0: i32) -> (i32, i32) {
    %c0_i32 = arith.constant 0 : i32
    %c0_i32_0 = arith.constant 0 : i32
    return %arg0, %c0_i32 : i32, i32
  }
  func.func @transform_2(%arg0: i32) -> (i32, i32) {
    %c0_i32 = arith.constant 0 : i32
    %c0_i32_0 = arith.constant 0 : i32
    return %arg0, %c0_i32 : i32, i32
  }
  func.func @transform_3(%arg0: i32) -> (i32, i32) {
    %c0_i32 = arith.constant 0 : i32
    %c0_i32_0 = arith.constant 0 : i32
    return %arg0, %c0_i32 : i32, i32
  }
  func.func @transform_4(%arg0: i32) -> (i32, i32) {
    %c0_i32 = arith.constant 0 : i32
    %c0_i32_0 = arith.constant 0 : i32
    %c0_i32_1 = arith.constant 0 : i32
    return %c0_i32, %c0_i32_0 : i32, i32
  }
  func.func @transform_5(%arg0: i32) -> (i32, i32) {
    %c0_i32 = arith.constant 0 : i32
    %c0_i32_0 = arith.constant 0 : i32
    %c0_i32_1 = arith.constant 0 : i32
    return %c0_i32, %c0_i32_0 : i32, i32
  }
  func.func @transform_6(%arg0: i32) -> (i32, i32, i32) {
    %c0_i32 = arith.constant 0 : i32
    %c0_i32_0 = arith.constant 0 : i32
    %c0_i32_1 = arith.constant 0 : i32
    return %arg0, %c0_i32, %c0_i32_0 : i32, i32, i32
  }
  func.func @transform_7(%arg0: i32) -> (i32, i32) {
    %c0_i32 = arith.constant 0 : i32
    %c0_i32_0 = arith.constant 0 : i32
    %c0_i32_1 = arith.constant 0 : i32
    return %c0_i32, %c0_i32_0 : i32, i32
  }
  func.func @transform_8(%arg0: i32) -> (i32, i32) {
    %c0_i32 = arith.constant 0 : i32
    %c0_i32_0 = arith.constant 0 : i32
    %c0_i32_1 = arith.constant 0 : i32
    return %c0_i32, %c0_i32_0 : i32, i32
  }
  func.func @transform_9(%arg0: i32) -> (i32, i32) {
    %c0_i32 = arith.constant 0 : i32
    %c0_i32_0 = arith.constant 0 : i32
    %c0_i32_1 = arith.constant 0 : i32
    return %c0_i32, %c0_i32_0 : i32, i32
  }
  func.func @transform_10(%arg0: i32) -> (i32, i32) {
    %c0_i32 = arith.constant 0 : i32
    %c0_i32_0 = arith.constant 0 : i32
    %c0_i32_1 = arith.constant 0 : i32
    return %c0_i32, %c0_i32_0 : i32, i32
  }
  func.func @transform_11(%arg0: i32) -> (i32, i32) {
    %c0_i32 = arith.constant 0 : i32
    %c0_i32_0 = arith.constant 0 : i32
    %c0_i32_1 = arith.constant 0 : i32
    return %c0_i32, %c0_i32_0 : i32, i32
  }
}

</mosaic_0001>

<sc_bundles>
// kernel: kernel.11.cloned.1.call-start
scs
__scs_entry_jumppad:
0x0: {  	(pc) =	sbr.rel $0x88, $3  }
0x1: {  	(tag) =	ssettag $0x0;
	lr =	simm.s32 $0x1  }
0x2: {  	[smem:$0x3F96] =	sst lr;
	_ =	strace $0xD0000000  }
0x3: {  	_ = 	snop  }
0x4: {  	_ = 	snop  }
0x5: {  	_ = 	snop  }
0x6: {  	_ = 	snop  }
0x7: {  	_ = 	snop  }
__scs_overlays_trampoline_lowered:
0x8: {  	[smem:$0x3FA5] =	sst s0  }
0x9: {  	[smem:$0x3FA6] =	sst s1  }
0xa: {  	[smem:$0x3FA7] =	sst s2  }
0xb: {  	[smem:$0x3FA8] =	sst s3  }
0xc: {  	[smem:$0x3FA9] =	sst s4  }
0xd: {  	[smem:$0x3FAA] =	sst s5  }
0xe: {  	[smem:$0x3FAB] =	sst s6  }
0xf: {  	[smem:$0x3FAC] =	sst s7  }
0x10: {  	[smem:$0x3FAD] =	sst s8  }
0x11: {  	[smem:$0x3FAE] =	sst s9;
	s0 =	simm.s32 @!p0 $0x0  }
0x12: {  	s1 =	sld [smem:$0x3F94];
	s0 =	simm.s32 @p0 $0x1  }
0x13: {  	[smem:$0x3FAF] =	sst s0;
	s0 =	simm.s32 @!p1 $0x0  }
0x14: {  	s2 =	sld [smem:$0x3F93];
	s0 =	simm.s32 @p1 $0x1  }
0x15: {  	[smem:$0x3FB0] =	sst s0;
	s0 =	simm.s32 @!p2 $0x0  }
0x16: {  	s3 =	sld [smem:$0x3FDB];
	s0 =	simm.s32 @p2 $0x1  }
0x17: {  	s4 =	simm.s32 $0x1BF5;
	[smem:$0x3FB2] =	sst s0  }
0x18: {  	s0 =	sld [smem:$0x3F95];
	_ =	swait.ge [sflag:s4], $0x0  }
0x19: {  	s7 =	sld [smem:$0x3F96]  }
0x1a: {  	s8 =	sadd.s32 $0xFFFFE003, lr  }
0x1b: {  	s9 =	sadd.s32 $0xFFFFFEF7, lr;
	s5 =	simm.s32 $0xFFFFFFFF;
	p2 =	slt.u32 s8, $0xFFFFF086  }
0x1c: {  	p1 =	slt.u32 s9, $0xF7A;
	s5 =	simm.s32 @!p2 $0x0  }
0x1d: {  	s5 =	simm.s32 @p1 $0x1;
	p0 =	seq.s32 s7, s2  }
0x1e: {  	s7 =	smul.u32 @!p0 $0xF7A, s2;
	p2 =	seq.s32 @!p0 s5, $0x0  }
0x1f: {  	s9 =	smul.u32 $0xF7A, s1;
	s8 =	simm.s32 @!p0 $0x1BF5;
	p2 =	por !p2, p0  }
0x20: {  	[sflag:s8] =	ssyncset.s32 @!p0 $0xFFFFF086;
	s6 =	sadd.s32 @!p0 s3, s7;
	s7 =	simm.s32 @!p0 $0x108  }
0x21: {  	s3 =	sadd.s32 s3, s9;
	s6 =	sadd.s32 @!p0 $0x88, s6;
	s7 =	simm.s32 @p2 $0x1082  }
0x22: {  	[simem:s7], [sflag:s8] =	dma.local @!p0 [hbm:s6], $0xF7A  }
0x23: {  	s9 =	sor.u32 $0xD0000000, s2;
	s6 =	simm.s32 $0x108;
	_ =	swait.ge @!p0 [sflag:s8], $0x0  }
0x24: {  	s3 =	sadd.s32 $0x88, s3;
	s6 =	simm.s32 @!p1 $0x1082;
	[sflag:s4] =	ssyncset.s32 $0xFFFFF086  }
0x25: {  	[simem:s6], [sflag:s4] =	dma.local [hbm:s3], $0xF7A  }
0x26: {  	[smem:$0x3F96] =	sst s1;
	(tag) =	ssettag s2;
	_ =	strace s9  }
0x27: {  	s1 =	sld [smem:$0x3FA6]  }
0x28: {  	s2 =	sld [smem:$0x3FA7]  }
0x29: {  	s4 =	sld [smem:$0x3FA9]  }
0x2a: {  	p0 =	seq.s32 s5, $0x0;
	s5 =	sld [smem:$0x3FAA]  }
0x2b: {  	s6 =	sld [smem:$0x3FAB]  }
0x2c: {  	s7 =	sld [smem:$0x3FAC]  }
0x2d: {  	s3 =	simm.s32 $0x108;
	s8 =	sld [smem:$0x3FAD]  }
0x2e: {  	s3 =	simm.s32 @!p0 $0x1082;
	s9 =	sld [smem:$0x3FAE]  }
0x2f: {  	lr =	sadd.s32 s0, s3;
	s0 =	sld [smem:$0x3FA5]  }
0x30: {  	s3 =	sld [smem:$0x3FA8]  }
0x31: {  	[smem:$0x3FB1] =	sst s10  }
0x32: {  	s10 =	sld [smem:$0x3FAF];
	_ =	sdelay $0x3  }
0x33: {  	p0 =	seq.s32 s10, $0x1;
	s10 =	sld [smem:$0x3FB1];
	_ =	sdelay $0x3  }
0x34: {  	[smem:$0x3FB1] =	sst s10  }
0x35: {  	s10 =	sld [smem:$0x3FB0];
	_ =	sdelay $0x3  }
0x36: {  	p1 =	seq.s32 s10, $0x1;
	s10 =	sld [smem:$0x3FB1];
	_ =	sdelay $0x3  }
0x37: {  	[smem:$0x3FB1] =	sst s10  }
0x38: {  	s10 =	sld [smem:$0x3FB2]  }
0x39: {  	_ = 	snop;
	(pc) =	sbr.ind lr, $3  }
0x3a: {  	_ = 	snop  }
0x3b: {  	_ = 	snop  }
0x3c: {  	p2 =	seq.s32 s10, $0x1;
	s10 =	sld [smem:$0x3FB1]  }
0x3d: {  	_ =	shalt  }
0x3e: {  	_ =	shalt  }
0x3f: {  	_ =	shalt  }
0x40: {  	_ =	shalt  }
0x41: {  	_ =	shalt  }
0x42: {  	_ =	shalt  }
0x43: {  	_ =	shalt  }
0x44: {  	_ =	shalt  }
0x45: {  	_ =	shalt  }
0x46: {  	_ =	shalt  }
0x47: {  	_ =	shalt  }
0x48: {  	_ =	shalt  }
0x49: {  	_ =	shalt  }
0x4a: {  	_ =	shalt  }
0x4b: {  	_ =	shalt  }
0x4c: {  	_ =	shalt  }
0x4d: {  	_ =	shalt  }
0x4e: {  	_ =	shalt  }
0x4f: {  	_ =	shalt  }
0x50: {  	_ =	shalt  }
0x51: {  	_ =	shalt  }
0x52: {  	_ =	shalt  }
0x53: {  	_ =	shalt  }
0x54: {  	_ =	shalt  }
0x55: {  	_ =	shalt  }
0x56: {  	_ =	shalt  }
0x57: {  	_ =	shalt  }
0x58: {  	_ =	shalt  }
0x59: {  	_ =	shalt  }
0x5a: {  	_ =	shalt  }
0x5b: {  	_ =	shalt  }
0x5c: {  	_ =	shalt  }
0x5d: {  	_ =	shalt  }
0x5e: {  	_ =	shalt  }
0x5f: {  	_ =	shalt  }
0x60: {  	_ =	shalt  }
0x61: {  	_ =	shalt  }
0x62: {  	_ =	shalt  }
0x63: {  	_ =	shalt  }
0x64: {  	_ =	shalt  }
0x65: {  	_ =	shalt  }
0x66: {  	_ =	shalt  }
0x67: {  	_ =	shalt  }
0x68: {  	_ =	shalt  }
0x69: {  	_ =	shalt  }
0x6a: {  	_ =	shalt  }
0x6b: {  	_ =	shalt  }
0x6c: {  	_ =	shalt  }
0x6d: {  	_ =	shalt  }
0x6e: {  	_ =	shalt  }
0x6f: {  	_ =	shalt  }
0x70: {  	_ =	shalt  }
0x71: {  	_ =	shalt  }
0x72: {  	_ =	shalt  }
0x73: {  	_ =	shalt  }
0x74: {  	_ =	shalt  }
0x75: {  	_ =	shalt  }
0x76: {  	_ =	shalt  }
0x77: {  	_ =	shalt  }
0x78: {  	_ =	shalt  }
0x79: {  	_ =	shalt  }
0x7a: {  	_ =	shalt  }
0x7b: {  	_ =	shalt  }
0x7c: {  	_ =	shalt  }
0x7d: {  	_ =	shalt  }
0x7e: {  	_ =	shalt  }
0x7f: {  	_ =	shalt  }
0x80: {  	_ =	shalt  }
0x81: {  	_ =	shalt  }
0x82: {  	_ =	shalt  }
0x83: {  	_ =	shalt  }
0x84: {  	_ =	shalt  }
0x85: {  	_ =	shalt  }
0x86: {  	_ =	shalt  }
0x87: {  	_ =	shalt  }
.Lfunc_end0:
.L_simem_size_0:
called_computation.1_lowered:
.L_overlay_start_0:
0x88: {  	s2 =	sld [smem:$0x3FD9]  }
0x89: {  	s3 =	sld [smem:$0x3FFE];
	_ =	sdelay $0x1  }
0x8a: {  	s1 =	srdreg.scid  }
0x8b: {  	s0 =	sand.u32 $0x1, s1  }
0x8c: {  	s16 =	sshll.u32 s0, $0xA;
	s2 =	sadd.s32 s3, s2  }
0x8d: {  	s2 =	sadd.s32 s2, s16  }
0x8e: {  	[smem:$0x3FBD] =	sst s2  }
0x8f: {  	_ = 	snop  }
0x90: {  	(tm) =	ssettm $0x1  }
0x91: {  	s17 =	sld [smem:$0x3FFB];
	_ =	sdelay $0x3  }
0x92: {  	_ =	strace s17  }
0x93: {  	s2 =	sld [smem:$0x3FFC];
	_ =	sdelay $0x3  }
0x94: {  	_ =	strace s2  }
0x95: {  	s2 =	sld [smem:$0x3FFD];
	_ =	sdelay $0x3  }
0x96: {  	_ =	strace s2  }
0x97: {  	_ =	strace $0x8FFFFFFF  }
0x98: {  	s18 =	sld [smem:$0x3FDB];
	_ =	sdelay $0x1  }
0x99: {  	s19 =	simm.s32 $_scs_section_size  }
0x9a: {  	s4 =	simm.s32 $_size__tile_overlayer_lowered;
	s5 =	simm.s32 $_tile_overlayer_lowered  }
0x9b: {  	s22 =	simm.s32 $0x1BFF;
	s21 =	sshll.u32 s5, $0x1;
	s2 =	sadd.s32 s19, s18  }
0x9c: {  	s6 =	simm.s32 $0x0;
	s20 =	sshll.u32 s4, $0x1;
	s4 =	sadd.s32 s21, s2  }
0x9d: {  	[timem:s6], [sflag:s22] =	dma.local [hbm:s4], s20  }
0x9e: {  	_ =	swait.ge [sflag:s22], s20  }
0x9f: {  	s3 =	ssub.s32 $0x0, s20;
	[sflag:s22] =	ssyncset.done $0x0  }
0xa0: {  	[sflag:s22] =	ssyncadd.s32 s3;
	_ =	sdelay $0x1  }
0xa1: {  	s23 =	simm.s32 $0x1B8B  }
0xa2: {  	_ =	swait.ge [sflag:s23], $0x1  }
0xa3: {  	[sflag:s23] =	ssyncset.done $0x0  }
0xa4: {  	s25 =	simm.s32 $0x1B8E;
	s24 =	sld [smem:$0x3FFE];
	[sflag:s23] =	ssyncadd.s32 $0xFFFFFFFF  }
0xa5: {  	s26 =	simm.s32 $execute0_lowered;
	[smem:$0x3FD2] =	sst s25  }
0xa6: {  	s4 =	sshll.u32 s26, $0x1;
	_ =	strace $0x80000049;
	[dreg:$0x1] =	wrdreg $0xFFFFFFFF  }
0xa7: {  	s28 =	simm.s32 $_size_execute0_lowered;
	s2 =	sadd.s32 s2, s4;
	[dreg:$0x0] =	wrdreg $0x0  }
0xa8: {  	s4 =	sshll.u32 s28, $0x1;
	[dreg:$0x2] =	wrdreg s2  }
0xa9: {  	[dreg:$0x3] =	wrdreg s4  }
0xaa: {  	[dreg:$0x4] =	wrdreg $0xC0  }
0xab: {  	_ =	task [dreg:s6], $0x5FFFF  }
0xac: {  	[dreg:$0x1] =	wrdreg $0xFFFFFFFF  }
0xad: {  	[dreg:$0x0] =	wrdreg $0x60  }
0xae: {  	[dreg:$0x2] =	wrdreg s24  }
0xaf: {  	[dreg:$0x3] =	wrdreg $0x0  }
0xb0: {  	[dreg:$0x4] =	wrdreg $0x9  }
0xb1: {  	_ =	task.clear_ibuf [dreg:s6], $0x5FFFF;
	_ =	strace $0x90000049  }
0xb2: {  	s29 =	simm.s32 $0x9;
	_ =	strace $0x8000004B  }
0xb3: {  	_ =	swait.ge [sflag:s29], $0x1  }
0xb4: {  	[sflag:s29] =	ssyncadd.s32 $0xFFFFFFFF  }
0xb5: {  	_ =	strace $0x9000004B  }
0xb6: {  	_ =	sfence  }
0xb7: {  	s30 =	sld [smem:$0x0];
	_ =	sdelay $0x2  }
0xb8: {  	s31 =	sshll.u32 s1, $0xD;
	s1 =	sshrl.u32 s1, $0x2  }
0xb9: {  	s3 =	sand.u32 $0x4000, s31;
	s1 =	sadd.s32 s1, s30  }
0xba: {  	s0 =	sor.u32 s3, s0;
	s1 =	sshll.u32 s1, $0x11  }
0xbb: {  	s0 =	sor.u32 s1, s0  }
0xbc: {  	s0 =	sadd.s32 $0x8F2B, s0  }
0xbd: {  	[sflag:s0] =	ssyncadd.remote.s32 $0x1  }
0xbe: {  	_ =	sfence.sel $0xFFFF  }
0xbf: {  	[dreg:$0x0] =	wrdreg $0xFFFFFFFF;
	(pc) =	sbr.abs _section_cstart, $3  }
0xc0: {  	[dreg:$0x1] =	wrdreg $0xFFFFFFFF  }
0xc1: {  	_ =	task.clear_ibuf [dreg:s6], $0x2FFFF;
	_ =	strace $0x9FFFFFFF  }
0xc2: {  	(tm) =	ssettm $0x7FFFFFFF  }
0xc3: {  	_ =	shalt  }
tec
execute0_lowered:
.L_overlay_start_1:
0x0: {  	(tag) =	ssettag $0x1  }
0x1: {  	s5 =	rddreg [dreg:$0x0]  }
0x2: {  	s2 =	rddreg [dreg:$0x1];
	s0 =	stileid.u32;
	s3 =	simm.s32 $0x0  }
0x3: {  	s4 =	srdreg.scid;
	s16 =	simm.s32 $0x19480;
	s15 =	simm.s32 $0x19400  }
0x4: {  	s17 =	simm.s32 $0x19500;
	s18 =	simm.s32 $0x19580;
	s19 =	simm.s32 $0x19600  }
0x5: {  	s20 =	simm.s32 $0x1B800;
	s21 =	simm.s32 $0x19680;
	s22 =	simm.s32 $0x1C000  }
0x6: {  	s23 =	simm.s32 $0x19700;
	s24 =	simm.s32 $0x1C800;
	[smem:$0x7FF] =	sst s3  }
0x7: {  	s25 =	simm.s32 $0x19780;
	_ =	strace $0x8000004A;
	[dreg:$0x4] =	wrdreg s16  }
0x8: {  	s31 =	simm.s32 $0x1D000;
	s6 =	smul.u32 $0xA8, s0;
	[dreg:$0x5] =	wrdreg s17  }
0x9: {  	s7 =	sand.u32 $0x1, s4;
	s4 =	smul.u32 $0x598, s0;
	[dreg:$0x6] =	wrdreg s18  }
0xa: {  	s8 =	smul.u32 $0x19000, s0;
	s12 =	sadd.s32 $0x16A800, s5;
	[dreg:$0x7] =	wrdreg s19  }
0xb: {  	s13 =	sadd.s32 $0x138800, s5;
	s29 =	sshll.u32 s0, $0x6;
	[dreg:$0x8] =	wrdreg s20  }
0xc: {  	p0 =	seq.s32 s7, $0x0;
	s7 =	ssub.s32 $0x2, s7;
	[dreg:$0x9] =	wrdreg s21  }
0xd: {  	s16 =	simm.s32 $0x80;
	s17 =	simm.s32 $0x19800;
	[dreg:$0xa] =	wrdreg s22  }
0xe: {  	s19 =	simm.s32 $0x1A000;
	s20 =	simm.s32 $0x19100;
	[dreg:$0xb] =	wrdreg s23  }
0xf: {  	s21 =	simm.s32 $0x1A800;
	s22 =	simm.s32 $0x19180;
	[dreg:$0xc] =	wrdreg s24  }
0x10: {  	s23 =	simm.s32 $0x1B000;
	s24 =	simm.s32 $0x1;
	[dreg:$0xd] =	wrdreg s25  }
0x11: {  	[dreg:$0xe] =	wrdreg s31;
	s25 =	simm.s32 $0x2;
	s6 =	sadd.s32 $0x5980, s6  }
0x12: {  	s11 =	sshrl.u32 s8, $0x3;
	s28 =	sshrl.u32 s7, $0x1;
	s14 =	sadd.s32 s8, s2  }
0x13: {  	s13 =	smov.u32 @p0 s12;
	s6 =	smov.u32 @p0 s4;
	s4 =	sadd.s32 $0xD4800, s5  }
0x14: {  	s26 =	sadd.s32 s11, s5;
	s10 =	ssub.s32 s7, s28;
	s7 =	simm.s32 $0x166  }
0x15: {  	s11 =	sadd.s32 s13, s11;
	s12 =	sshrl.u32 s14, $0x3;
	s13 =	simm.s32 $0x4  }
0x16: {  	s14 =	simm.s32 $0x19000;
	s6 =	sshll.u32 s6, $0x4;
	s7 =	simm.s32 @!p0 $0x2A  }
0x17: {  	s10 =	smax.u32 s10, $0x1;
	s9 =	sadd.s32 s6, s5;
	s5 =	sadd.s32 $0x106800, s26  }
0x18: {  	s6 =	sor.u32 $0x1C04, s29;
	s30 =	sshll.u32 s7, $0x6;
	s26 =	simm.s32 $0x0  }
0x19: {  	s8 =	sadd.s32 $0x70800, s9;
	s9 =	sadd.s32 $0x3000, s9;
	[dreg:$0x3] =	wrdreg s30  }
.LBB2_1:
0x1a: {  	[spmem:s12], [sflag:s6] =	dma.local [hbm:s5], $0x3200  }
0x1b: {  	_ =	swait.ge [sflag:s13], $0x3200  }
0x1c: {  	[sflag:s13] =	ssyncset.done $0x0  }
0x1d: {  	[sflag:s13] =	ssyncadd.s32 $0xFFFFCE00  }
0x1e: {  	[bflag:$0x0] =	sbarrier.arrive $0xFFFF  }
0x1f: {  	[tilespmem:s14], [sflag:$0x4] =	stream.linear.gather [hbm4b:s8+s3], $0x200, $0x38;
	[tilespmem:$0x1D800] =	vst v63  }
0x20: {  	_ =	swait.ge [sflag:s13], $0x200  }
0x21: {  	[sflag:s13] =	ssyncset.done $0x0  }
0x22: {  	[sflag:s13] =	ssyncadd.s32 $0xFFFFFE00  }
0x23: {  	[tilespmem:s15], [sflag:$0x4] =	stream.linear.gather [hbm4b:s9+s3], $0x200, $0x38;
	[tilespmem:$0x1D800] =	vst v63  }
0x24: {  	_ =	swait.ge [sflag:s13], $0x200  }
0x25: {  	[sflag:s13] =	ssyncset.done $0x0  }
0x26: {  	[sflag:s13] =	ssyncadd.s32 $0xFFFFFE00  }
0x27: {  	[tilespmem:s17], [sflag:$0x1] =	stream.indirect.gather [hbm4b:s4+s16], $0x10, s14, s16, $0xb8;
	[tilespmem:$0x1D800] =	vst v63  }
0x28: {  	s0 =	simm.s32 $0x19080  }
0x29: {  	[tilespmem:s19], [sflag:$0x1] =	stream.indirect.gather [hbm4b:s4+s16], $0x10, s0, s16, $0xb8;
	[tilespmem:$0x1D800] =	vst v63  }
0x2a: {  	_ = 	snop  }
0x2b: {  	[tilespmem:s21], [sflag:$0x1] =	stream.indirect.gather [hbm4b:s4+s16], $0x10, s20, s16, $0xb8;
	[tilespmem:$0x1D800] =	vst v63  }
0x2c: {  	s28 =	simm.s32 $0x1;
	s29 =	simm.s32 $0x0  }
0x2d: {  	[tilespmem:s23], [sflag:$0x1] =	stream.indirect.gather [hbm4b:s4+s16], $0x10, s22, s16, $0xb8;
	[tilespmem:$0x1D800] =	vst v63  }
.LBB2_2:
0x2e: {  	p1 =	seq.s32 s29, $0x0  }
0x2f: {  	s30 =	simm.s32 @!p1 $0x2  }
0x30: {  	_ =	swait.ge @!p1 [sflag:s30], $0x800  }
0x31: {  	[sflag:s30] =	ssyncset.done @!p1 $0x0  }
0x32: {  	[sflag:s30] =	ssyncadd.s32 @!p1 $0xFFFFF800  }
0x33: {  	_ =	swait.ge @!p1 [sflag:s30], $0x800  }
0x34: {  	[sflag:s30] =	ssyncset.done @!p1 $0x0  }
0x35: {  	[sflag:s30] =	ssyncadd.s32 @!p1 $0xFFFFF800  }
0x36: {  	_ =	swait.ge @!p1 [sflag:s30], $0x800  }
0x37: {  	[sflag:s30] =	ssyncset.done @!p1 $0x0  }
0x38: {  	[sflag:s30] =	ssyncadd.s32 @!p1 $0xFFFFF800  }
0x39: {  	_ =	swait.ge @!p1 [sflag:s30], $0x800  }
0x3a: {  	p0 =	sge.u32 s28, s7;
	[sflag:s30] =	ssyncset.done @!p1 $0x0  }
0x3b: {  	[sflag:s30] =	ssyncadd.s32 @!p1 $0xFFFFF800;
	s30 =	sadd.s32 @!p0 s29, s8  }
0x3c: {  	s31 =	simm.s32 @!p0 $0x0;
	s0 =	simm.s32 @!p0 $0x19200;
	s30 =	sadd.s32 @!p0 $0x40, s30  }
0x3d: {  	[tilespmem:s0], [sflag:$0x3] =	stream.linear.gather @!p0 [hbm4b:s30+s31], $0x200, $0x38;
	[tilespmem:$0x1D800] =	vst v63  }
0x3e: {  	s30 =	sadd.s32 @!p0 s29, s9  }
0x3f: {  	s1 =	simm.s32 @!p0 $0x19600;
	s30 =	sadd.s32 @!p0 $0x40, s30  }
0x40: {  	[tilespmem:s1], [sflag:$0x3] =	stream.linear.gather @!p0 [hbm4b:s30+s31], $0x200, $0x38;
	[tilespmem:$0x1D800] =	vst v63  }
0x41: {  	_ =	swait.ge [sflag:s24], $0x800  }
0x42: {  	[sflag:s24] =	ssyncset.done $0x0  }
0x43: {  	[sflag:s24] =	ssyncadd.s32 $0xFFFFF800  }
0x44: {  	_ =	swait.ge [sflag:s24], $0x800  }
0x45: {  	[sflag:s24] =	ssyncset.done $0x0  }
0x46: {  	[sflag:s24] =	ssyncadd.s32 $0xFFFFF800  }
0x47: {  	_ =	swait.ge [sflag:s24], $0x800  }
0x48: {  	[sflag:s24] =	ssyncset.done $0x0  }
0x49: {  	[sflag:s24] =	ssyncadd.s32 $0xFFFFF800  }
0x4a: {  	_ =	swait.ge [sflag:s24], $0x800  }
0x4b: {  	[sflag:s24] =	ssyncset.done $0x0  }
0x4c: {  	[sflag:s24] =	ssyncadd.s32 $0xFFFFF800  }
0x4d: {  	[spmem:s2] =	stream.indirect.scatter.add.f32 [tilespmem:s17], [sflag:$0x2], $0x10, s15, s16, $0xb8;
	[tilespmem:$0x1D800] =	vst v63  }
0x4e: {  	s18 =	rddreg [dreg:$0x4]  }
0x4f: {  	[spmem:s2] =	stream.indirect.scatter.add.f32 [tilespmem:s19], [sflag:$0x2], $0x10, s18, s16, $0xb8;
	[tilespmem:$0x1D800] =	vst v63  }
0x50: {  	s31 =	rddreg [dreg:$0x5]  }
0x51: {  	[spmem:s2] =	stream.indirect.scatter.add.f32 [tilespmem:s21], [sflag:$0x2], $0x10, s31, s16, $0xb8;
	[tilespmem:$0x1D800] =	vst v63  }
0x52: {  	s1 =	simm.s32 @!p0 $0x3;
	s18 =	rddreg [dreg:$0x6]  }
0x53: {  	[spmem:s2] =	stream.indirect.scatter.add.f32 [tilespmem:s23], [sflag:$0x2], $0x10, s18, s16, $0xb8;
	[tilespmem:$0x1D800] =	vst v63  }
0x54: {  	_ =	swait.ge @!p0 [sflag:s1], $0x200  }
0x55: {  	[sflag:s1] =	ssyncset.done @!p0 $0x0  }
0x56: {  	[sflag:s1] =	ssyncadd.s32 @!p0 $0xFFFFFE00  }
0x57: {  	_ =	swait.ge @!p0 [sflag:s1], $0x200  }
0x58: {  	[sflag:s1] =	ssyncset.done @!p0 $0x0  }
0x59: {  	s30 =	simm.s32 @!p0 $0x1B800;
	[sflag:s1] =	ssyncadd.s32 @!p0 $0xFFFFFE00;
	s1 =	simm.s32 @!p0 $0x80  }
0x5a: {  	[tilespmem:s30], [sflag:$0x1] =	stream.indirect.gather @!p0 [hbm4b:s4+s1], $0x10, s0, s1, $0xb8;
	[tilespmem:$0x1D800] =	vst v63  }
0x5b: {  	s0 =	simm.s32 @!p0 $0x19280;
	s30 =	simm.s32 @!p0 $0x1C000  }
0x5c: {  	[tilespmem:s30], [sflag:$0x1] =	stream.indirect.gather @!p0 [hbm4b:s4+s1], $0x10, s0, s1, $0xb8;
	[tilespmem:$0x1D800] =	vst v63  }
0x5d: {  	s0 =	simm.s32 @!p0 $0x19300;
	s30 =	simm.s32 @!p0 $0x1C800  }
0x5e: {  	[tilespmem:s30], [sflag:$0x1] =	stream.indirect.gather @!p0 [hbm4b:s4+s1], $0x10, s0, s1, $0xb8;
	[tilespmem:$0x1D800] =	vst v63  }
0x5f: {  	s0 =	simm.s32 @!p0 $0x19380;
	s30 =	simm.s32 @!p0 $0x1D000  }
0x60: {  	[tilespmem:s30], [sflag:$0x1] =	stream.indirect.gather @!p0 [hbm4b:s4+s1], $0x10, s0, s1, $0xb8;
	[tilespmem:$0x1D800] =	vst v63  }
0x61: {  	_ =	swait.ge [sflag:s25], $0x800  }
0x62: {  	[sflag:s25] =	ssyncset.done $0x0  }
0x63: {  	[sflag:s25] =	ssyncadd.s32 $0xFFFFF800  }
0x64: {  	_ =	swait.ge [sflag:s25], $0x800  }
0x65: {  	[sflag:s25] =	ssyncset.done $0x0  }
0x66: {  	[sflag:s25] =	ssyncadd.s32 $0xFFFFF800  }
0x67: {  	_ =	swait.ge [sflag:s25], $0x800  }
0x68: {  	[sflag:s25] =	ssyncset.done $0x0  }
0x69: {  	s30 =	sadd.s32 $0x1, s28;
	[sflag:s25] =	ssyncadd.s32 $0xFFFFF800  }
0x6a: {  	p0 =	sge.u32 s30, s7;
	_ =	swait.ge [sflag:s25], $0x800  }
0x6b: {  	s0 =	sadd.s32 @!p0 s29, s8;
	s1 =	simm.s32 @!p0 $0x0;
	[sflag:s25] =	ssyncset.done $0x0  }
0x6c: {  	s30 =	simm.s32 @!p0 $0x19000;
	s0 =	sadd.s32 @!p0 $0x80, s0;
	[sflag:s25] =	ssyncadd.s32 $0xFFFFF800  }
0x6d: {  	[tilespmem:s30], [sflag:$0x3] =	stream.linear.gather @!p0 [hbm4b:s0+s1], $0x200, $0x38;
	[tilespmem:$0x1D800] =	vst v63  }
0x6e: {  	s0 =	sadd.s32 @!p0 s29, s9  }
0x6f: {  	s31 =	simm.s32 @!p0 $0x19400;
	s0 =	sadd.s32 @!p0 $0x80, s0  }
0x70: {  	[tilespmem:s31], [sflag:$0x3] =	stream.linear.gather @!p0 [hbm4b:s0+s1], $0x200, $0x38;
	[tilespmem:$0x1D800] =	vst v63  }
0x71: {  	_ =	swait.ge [sflag:s24], $0x800  }
0x72: {  	[sflag:s24] =	ssyncset.done $0x0  }
0x73: {  	[sflag:s24] =	ssyncadd.s32 $0xFFFFF800  }
0x74: {  	_ =	swait.ge [sflag:s24], $0x800  }
0x75: {  	[sflag:s24] =	ssyncset.done $0x0  }
0x76: {  	[sflag:s24] =	ssyncadd.s32 $0xFFFFF800  }
0x77: {  	_ =	swait.ge [sflag:s24], $0x800  }
0x78: {  	[sflag:s24] =	ssyncset.done $0x0  }
0x79: {  	[sflag:s24] =	ssyncadd.s32 $0xFFFFF800  }
0x7a: {  	_ =	swait.ge [sflag:s24], $0x800  }
0x7b: {  	s0 =	rddreg [dreg:$0x7]  }
0x7c: {  	s1 =	rddreg [dreg:$0x8]  }
0x7d: {  	[sflag:s24] =	ssyncset.done $0x0;
	s31 =	rddreg [dreg:$0x9]  }
0x7e: {  	s18 =	rddreg [dreg:$0xa];
	[sflag:s24] =	ssyncadd.s32 $0xFFFFF800  }
0x7f: {  	[spmem:s2] =	stream.indirect.scatter.add.f32 [tilespmem:s1], [sflag:$0x2], $0x10, s0, s16, $0xb8;
	[tilespmem:$0x1D800] =	vst v63  }
0x80: {  	s0 =	rddreg [dreg:$0xb]  }
0x81: {  	s1 =	rddreg [dreg:$0xc]  }
0x82: {  	[spmem:s2] =	stream.indirect.scatter.add.f32 [tilespmem:s18], [sflag:$0x2], $0x10, s31, s16, $0xb8;
	[tilespmem:$0x1D800] =	vst v63  }
0x83: {  	s18 =	rddreg [dreg:$0xd]  }
0x84: {  	[spmem:s2] =	stream.indirect.scatter.add.f32 [tilespmem:s1], [sflag:$0x2], $0x10, s0, s16, $0xb8;
	[tilespmem:$0x1D800] =	vst v63  }
0x85: {  	s31 =	rddreg [dreg:$0xe];
	s0 =	simm.s32 @!p0 $0x3  }
0x86: {  	[spmem:s2] =	stream.indirect.scatter.add.f32 [tilespmem:s31], [sflag:$0x2], $0x10, s18, s16, $0xb8;
	[tilespmem:$0x1D800] =	vst v63  }
0x87: {  	_ =	swait.ge @!p0 [sflag:s0], $0x200  }
0x88: {  	[sflag:s0] =	ssyncset.done @!p0 $0x0  }
0x89: {  	[sflag:s0] =	ssyncadd.s32 @!p0 $0xFFFFFE00  }
0x8a: {  	_ =	swait.ge @!p0 [sflag:s0], $0x200  }
0x8b: {  	[sflag:s0] =	ssyncset.done @!p0 $0x0  }
0x8c: {  	s1 =	simm.s32 @!p0 $0x19800;
	[sflag:s0] =	ssyncadd.s32 @!p0 $0xFFFFFE00;
	s0 =	simm.s32 @!p0 $0x80  }
0x8d: {  	[tilespmem:s1], [sflag:$0x1] =	stream.indirect.gather @!p0 [hbm4b:s4+s0], $0x10, s30, s0, $0xb8;
	[tilespmem:$0x1D800] =	vst v63  }
0x8e: {  	s18 =	simm.s32 @!p0 $0x1A000;
	s1 =	simm.s32 @!p0 $0x19080  }
0x8f: {  	[tilespmem:s18], [sflag:$0x1] =	stream.indirect.gather @!p0 [hbm4b:s4+s0], $0x10, s1, s0, $0xb8;
	[tilespmem:$0x1D800] =	vst v63  }
0x90: {  	s29 =	sadd.s32 $0x80, s29;
	s1 =	simm.s32 @!p0 $0x19100;
	s18 =	simm.s32 @!p0 $0x1A800  }
0x91: {  	[tilespmem:s18], [sflag:$0x1] =	stream.indirect.gather @!p0 [hbm4b:s4+s0], $0x10, s1, s0, $0xb8;
	[tilespmem:$0x1D800] =	vst v63  }
0x92: {  	s31 =	rddreg [dreg:$0x3];
	s1 =	simm.s32 @!p0 $0x19180;
	s18 =	simm.s32 @!p0 $0x1B000  }
0x93: {  	[tilespmem:s18], [sflag:$0x1] =	stream.indirect.gather @!p0 [hbm4b:s4+s0], $0x10, s1, s0, $0xb8;
	[tilespmem:$0x1D800] =	vst v63  }
0x94: {  	p0 =	sne.s32 s31, s29  }
.Ltmp0:
0x95: {  	_ = 	snop;
	(pc) =	sbr.rel @p0 .LBB2_2-.Ltmp0, $2  }
0x96: {  	_ =	sdelay $0x2  }
0x97: {  	s28 =	sadd.s32 $0x2, s28  }
0x98: {  	_ =	swait.ge [sflag:s25], $0x800  }
0x99: {  	[sflag:s25] =	ssyncset.done $0x0  }
0x9a: {  	[sflag:s25] =	ssyncadd.s32 $0xFFFFF800  }
0x9b: {  	_ =	swait.ge [sflag:s25], $0x800  }
0x9c: {  	[sflag:s25] =	ssyncset.done $0x0  }
0x9d: {  	[sflag:s25] =	ssyncadd.s32 $0xFFFFF800  }
0x9e: {  	_ =	swait.ge [sflag:s25], $0x800  }
0x9f: {  	[sflag:s25] =	ssyncset.done $0x0  }
0xa0: {  	[sflag:s25] =	ssyncadd.s32 $0xFFFFF800  }
0xa1: {  	_ =	swait.ge [sflag:s25], $0x800  }
0xa2: {  	s26 =	sadd.s32 $0x1, s26;
	[sflag:s25] =	ssyncset.done $0x0  }
0xa3: {  	p0 =	sne.s32 s26, s10;
	[sflag:s25] =	ssyncadd.s32 $0xFFFFF800  }
.Ltmp1:
0xa4: {  	[bflag:$0x0] =	sbarrier.arrive $0xFFFF;
	(pc) =	sbr.rel @p0 .LBB2_1-.Ltmp1, $4  }
0xa5: {  	[hbm:s11], [sflag:s6] =	dma.local [spmem:s12], $0x3200  }
0xa6: {  	_ =	swait.ge [sflag:s13], $0x3200  }
0xa7: {  	[sflag:s13] =	ssyncset.done $0x0  }
0xa8: {  	[sflag:s13] =	ssyncadd.s32 $0xFFFFCE00  }
0xa9: {  	_ =	sfence.sel $0x180000  }
0xaa: {  	[bflag:$0x0] =	sbarrier.arrive $0xFFFF  }
0xab: {  	_ =	strace $0x9000004A  }
0xac: {  	s0 =	stileid.u32;
	[bflag:$0x2] =	sbarrier.arrive $0xFFFF  }
0xad: {  	p0 =	sne.s32 s0, $0x0;
	s0 =	rddreg [dreg:$0x2]  }
0xae: {  	s0 =	sadd.s32 @!p0 $0x100000, s0  }
0xaf: {  	[sflag:s0] =	ssyncadd.tile.s32 @!p0 $0x1;
	_ =	shalt  }
.Lfunc_end2:
_tile_overlayer_lowered:
.L_overlay_start_2:
0xb0: {  	(tag) =	ssettag $0x2  }
0xb1: {  	s0 =	rddreg [dreg:$0x0];
	s2 =	stileid.u32  }
0xb2: {  	s1 =	rddreg [dreg:$0x1];
	p0 =	sne.s32 s2, $0x0  }
0xb3: {  	s3 =	rddreg [dreg:$0x2];
	[bflag:$0x3] =	sbarrier.arrive $0xFFFF;
	s2 =	simm.s32 @!p0 $0x1C04  }
0xb4: {  	[timem:s3], [sflag:s2] =	dma.local @!p0 [hbm:s0], s1  }
0xb5: {  	s0 =	simm.s32 @!p0 $0x4  }
0xb6: {  	_ =	swait.ge @!p0 [sflag:s0], s1  }
0xb7: {  	s1 =	ssub.s32 @!p0 $0x0, s1;
	[sflag:s0] =	ssyncset.done @!p0 $0x0  }
0xb8: {  	[sflag:s0] =	ssyncadd.s32 @!p0 s1  }
0xb9: {  	[bflag:$0x3] =	sbarrier.arrive $0xFFFF  }
0xba: {  	_ =	shalt  }

// kernel: kernel.14.cloned.1.call-start
scs
__scs_entry_jumppad:
0x0: {  	(pc) =	sbr.rel $0x88, $3  }
0x1: {  	(tag) =	ssettag $0x0;
	lr =	simm.s32 $0x1  }
0x2: {  	[smem:$0x3F96] =	sst lr;
	_ =	strace $0xD0000000  }
0x3: {  	_ = 	snop  }
0x4: {  	_ = 	snop  }
0x5: {  	_ = 	snop  }
0x6: {  	_ = 	snop  }
0x7: {  	_ = 	snop  }
__scs_overlays_trampoline_lowered:
0x8: {  	[smem:$0x3FA5] =	sst s0  }
0x9: {  	[smem:$0x3FA6] =	sst s1  }
0xa: {  	[smem:$0x3FA7] =	sst s2  }
0xb: {  	[smem:$0x3FA8] =	sst s3  }
0xc: {  	[smem:$0x3FA9] =	sst s4  }
0xd: {  	[smem:$0x3FAA] =	sst s5  }
0xe: {  	[smem:$0x3FAB] =	sst s6  }
0xf: {  	[smem:$0x3FAC] =	sst s7  }
0x10: {  	[smem:$0x3FAD] =	sst s8  }
0x11: {  	[smem:$0x3FAE] =	sst s9;
	s0 =	simm.s32 @!p0 $0x0  }
0x12: {  	s1 =	sld [smem:$0x3F94];
	s0 =	simm.s32 @p0 $0x1  }
0x13: {  	[smem:$0x3FAF] =	sst s0;
	s0 =	simm.s32 @!p1 $0x0  }
0x14: {  	s2 =	sld [smem:$0x3F93];
	s0 =	simm.s32 @p1 $0x1  }
0x15: {  	[smem:$0x3FB0] =	sst s0;
	s0 =	simm.s32 @!p2 $0x0  }
0x16: {  	s3 =	sld [smem:$0x3FDB];
	s0 =	simm.s32 @p2 $0x1  }
0x17: {  	s4 =	simm.s32 $0x1BF5;
	[smem:$0x3FB2] =	sst s0  }
0x18: {  	s0 =	sld [smem:$0x3F95];
	_ =	swait.ge [sflag:s4], $0x0  }
0x19: {  	s7 =	sld [smem:$0x3F96]  }
0x1a: {  	s8 =	sadd.s32 $0xFFFFE003, lr  }
0x1b: {  	s9 =	sadd.s32 $0xFFFFFEF7, lr;
	s5 =	simm.s32 $0xFFFFFFFF;
	p2 =	slt.u32 s8, $0xFFFFF086  }
0x1c: {  	p1 =	slt.u32 s9, $0xF7A;
	s5 =	simm.s32 @!p2 $0x0  }
0x1d: {  	s5 =	simm.s32 @p1 $0x1;
	p0 =	seq.s32 s7, s2  }
0x1e: {  	s7 =	smul.u32 @!p0 $0xF7A, s2;
	p2 =	seq.s32 @!p0 s5, $0x0  }
0x1f: {  	s9 =	smul.u32 $0xF7A, s1;
	s8 =	simm.s32 @!p0 $0x1BF5;
	p2 =	por !p2, p0  }
0x20: {  	[sflag:s8] =	ssyncset.s32 @!p0 $0xFFFFF086;
	s6 =	sadd.s32 @!p0 s3, s7;
	s7 =	simm.s32 @!p0 $0x108  }
0x21: {  	s3 =	sadd.s32 s3, s9;
	s6 =	sadd.s32 @!p0 $0x88, s6;
	s7 =	simm.s32 @p2 $0x1082  }
0x22: {  	[simem:s7], [sflag:s8] =	dma.local @!p0 [hbm:s6], $0xF7A  }
0x23: {  	s9 =	sor.u32 $0xD0000000, s2;
	s6 =	simm.s32 $0x108;
	_ =	swait.ge @!p0 [sflag:s8], $0x0  }
0x24: {  	s3 =	sadd.s32 $0x88, s3;
	s6 =	simm.s32 @!p1 $0x1082;
	[sflag:s4] =	ssyncset.s32 $0xFFFFF086  }
0x25: {  	[simem:s6], [sflag:s4] =	dma.local [hbm:s3], $0xF7A  }
0x26: {  	[smem:$0x3F96] =	sst s1;
	(tag) =	ssettag s2;
	_ =	strace s9  }
0x27: {  	s1 =	sld [smem:$0x3FA6]  }
0x28: {  	s2 =	sld [smem:$0x3FA7]  }
0x29: {  	s4 =	sld [smem:$0x3FA9]  }
0x2a: {  	p0 =	seq.s32 s5, $0x0;
	s5 =	sld [smem:$0x3FAA]  }
0x2b: {  	s6 =	sld [smem:$0x3FAB]  }
0x2c: {  	s7 =	sld [smem:$0x3FAC]  }
0x2d: {  	s3 =	simm.s32 $0x108;
	s8 =	sld [smem:$0x3FAD]  }
0x2e: {  	s3 =	simm.s32 @!p0 $0x1082;
	s9 =	sld [smem:$0x3FAE]  }
0x2f: {  	lr =	sadd.s32 s0, s3;
	s0 =	sld [smem:$0x3FA5]  }
0x30: {  	s3 =	sld [smem:$0x3FA8]  }
0x31: {  	[smem:$0x3FB1] =	sst s10  }
0x32: {  	s10 =	sld [smem:$0x3FAF];
	_ =	sdelay $0x3  }
0x33: {  	p0 =	seq.s32 s10, $0x1;
	s10 =	sld [smem:$0x3FB1];
	_ =	sdelay $0x3  }
0x34: {  	[smem:$0x3FB1] =	sst s10  }
0x35: {  	s10 =	sld [smem:$0x3FB0];
	_ =	sdelay $0x3  }
0x36: {  	p1 =	seq.s32 s10, $0x1;
	s10 =	sld [smem:$0x3FB1];
	_ =	sdelay $0x3  }
0x37: {  	[smem:$0x3FB1] =	sst s10  }
0x38: {  	s10 =	sld [smem:$0x3FB2]  }
0x39: {  	_ = 	snop;
	(pc) =	sbr.ind lr, $3  }
0x3a: {  	_ = 	snop  }
0x3b: {  	_ = 	snop  }
0x3c: {  	p2 =	seq.s32 s10, $0x1;
	s10 =	sld [smem:$0x3FB1]  }
0x3d: {  	_ =	shalt  }
0x3e: {  	_ =	shalt  }
0x3f: {  	_ =	shalt  }
0x40: {  	_ =	shalt  }
0x41: {  	_ =	shalt  }
0x42: {  	_ =	shalt  }
0x43: {  	_ =	shalt  }
0x44: {  	_ =	shalt  }
0x45: {  	_ =	shalt  }
0x46: {  	_ =	shalt  }
0x47: {  	_ =	shalt  }
0x48: {  	_ =	shalt  }
0x49: {  	_ =	shalt  }
0x4a: {  	_ =	shalt  }
0x4b: {  	_ =	shalt  }
0x4c: {  	_ =	shalt  }
0x4d: {  	_ =	shalt  }
0x4e: {  	_ =	shalt  }
0x4f: {  	_ =	shalt  }
0x50: {  	_ =	shalt  }
0x51: {  	_ =	shalt  }
0x52: {  	_ =	shalt  }
0x53: {  	_ =	shalt  }
0x54: {  	_ =	shalt  }
0x55: {  	_ =	shalt  }
0x56: {  	_ =	shalt  }
0x57: {  	_ =	shalt  }
0x58: {  	_ =	shalt  }
0x59: {  	_ =	shalt  }
0x5a: {  	_ =	shalt  }
0x5b: {  	_ =	shalt  }
0x5c: {  	_ =	shalt  }
0x5d: {  	_ =	shalt  }
0x5e: {  	_ =	shalt  }
0x5f: {  	_ =	shalt  }
0x60: {  	_ =	shalt  }
0x61: {  	_ =	shalt  }
0x62: {  	_ =	shalt  }
0x63: {  	_ =	shalt  }
0x64: {  	_ =	shalt  }
0x65: {  	_ =	shalt  }
0x66: {  	_ =	shalt  }
0x67: {  	_ =	shalt  }
0x68: {  	_ =	shalt  }
0x69: {  	_ =	shalt  }
0x6a: {  	_ =	shalt  }
0x6b: {  	_ =	shalt  }
0x6c: {  	_ =	shalt  }
0x6d: {  	_ =	shalt  }
0x6e: {  	_ =	shalt  }
0x6f: {  	_ =	shalt  }
0x70: {  	_ =	shalt  }
0x71: {  	_ =	shalt  }
0x72: {  	_ =	shalt  }
0x73: {  	_ =	shalt  }
0x74: {  	_ =	shalt  }
0x75: {  	_ =	shalt  }
0x76: {  	_ =	shalt  }
0x77: {  	_ =	shalt  }
0x78: {  	_ =	shalt  }
0x79: {  	_ =	shalt  }
0x7a: {  	_ =	shalt  }
0x7b: {  	_ =	shalt  }
0x7c: {  	_ =	shalt  }
0x7d: {  	_ =	shalt  }
0x7e: {  	_ =	shalt  }
0x7f: {  	_ =	shalt  }
0x80: {  	_ =	shalt  }
0x81: {  	_ =	shalt  }
0x82: {  	_ =	shalt  }
0x83: {  	_ =	shalt  }
0x84: {  	_ =	shalt  }
0x85: {  	_ =	shalt  }
0x86: {  	_ =	shalt  }
0x87: {  	_ =	shalt  }
.Lfunc_end0:
.L_simem_size_0:
called_computation.2_lowered:
.L_overlay_start_0:
0x88: {  	s2 =	sld [smem:$0x3FD9]  }
0x89: {  	s3 =	sld [smem:$0x3FFE];
	_ =	sdelay $0x1  }
0x8a: {  	s1 =	srdreg.scid  }
0x8b: {  	s0 =	sand.u32 $0x1, s1  }
0x8c: {  	s16 =	sshll.u32 s0, $0xA;
	s2 =	sadd.s32 s3, s2  }
0x8d: {  	s2 =	sadd.s32 s2, s16  }
0x8e: {  	[smem:$0x3FBD] =	sst s2  }
0x8f: {  	_ = 	snop  }
0x90: {  	(tm) =	ssettm $0x1  }
0x91: {  	s17 =	sld [smem:$0x3FFB];
	_ =	sdelay $0x3  }
0x92: {  	_ =	strace s17  }
0x93: {  	s2 =	sld [smem:$0x3FFC];
	_ =	sdelay $0x3  }
0x94: {  	_ =	strace s2  }
0x95: {  	s2 =	sld [smem:$0x3FFD];
	_ =	sdelay $0x3  }
0x96: {  	_ =	strace s2  }
0x97: {  	_ =	strace $0x8FFFFFFF  }
0x98: {  	s18 =	sld [smem:$0x3FDB];
	_ =	sdelay $0x1  }
0x99: {  	s19 =	simm.s32 $_scs_section_size  }
0x9a: {  	s4 =	simm.s32 $_size__tile_overlayer_lowered;
	s5 =	simm.s32 $_tile_overlayer_lowered  }
0x9b: {  	s22 =	simm.s32 $0x1BFF;
	s21 =	sshll.u32 s5, $0x1;
	s2 =	sadd.s32 s19, s18  }
0x9c: {  	s6 =	simm.s32 $0x0;
	s20 =	sshll.u32 s4, $0x1;
	s4 =	sadd.s32 s21, s2  }
0x9d: {  	[timem:s6], [sflag:s22] =	dma.local [hbm:s4], s20  }
0x9e: {  	_ =	swait.ge [sflag:s22], s20  }
0x9f: {  	s3 =	ssub.s32 $0x0, s20;
	[sflag:s22] =	ssyncset.done $0x0  }
0xa0: {  	[sflag:s22] =	ssyncadd.s32 s3;
	_ =	sdelay $0x1  }
0xa1: {  	s23 =	simm.s32 $0x1B8B  }
0xa2: {  	_ =	swait.ge [sflag:s23], $0x1  }
0xa3: {  	[sflag:s23] =	ssyncset.done $0x0  }
0xa4: {  	s25 =	simm.s32 $0x1B8E;
	s24 =	sld [smem:$0x3FFE];
	[sflag:s23] =	ssyncadd.s32 $0xFFFFFFFF  }
0xa5: {  	s26 =	simm.s32 $execute0_lowered;
	[smem:$0x3FD2] =	sst s25  }
0xa6: {  	s4 =	sshll.u32 s26, $0x1;
	_ =	strace $0x8000004C;
	[dreg:$0x1] =	wrdreg $0xFFFFFFFF  }
0xa7: {  	s28 =	simm.s32 $_size_execute0_lowered;
	s2 =	sadd.s32 s2, s4;
	[dreg:$0x0] =	wrdreg $0x0  }
0xa8: {  	s4 =	sshll.u32 s28, $0x1;
	[dreg:$0x2] =	wrdreg s2  }
0xa9: {  	[dreg:$0x3] =	wrdreg s4  }
0xaa: {  	[dreg:$0x4] =	wrdreg $0xC0  }
0xab: {  	_ =	task [dreg:s6], $0x5FFFF  }
0xac: {  	[dreg:$0x1] =	wrdreg $0xFFFFFFFF  }
0xad: {  	[dreg:$0x0] =	wrdreg $0x60  }
0xae: {  	[dreg:$0x2] =	wrdreg s24  }
0xaf: {  	[dreg:$0x3] =	wrdreg $0x0  }
0xb0: {  	[dreg:$0x4] =	wrdreg $0x9  }
0xb1: {  	_ =	task.clear_ibuf [dreg:s6], $0x5FFFF;
	_ =	strace $0x9000004C  }
0xb2: {  	s29 =	simm.s32 $0x9;
	_ =	strace $0x8000004E  }
0xb3: {  	_ =	swait.ge [sflag:s29], $0x1  }
0xb4: {  	[sflag:s29] =	ssyncadd.s32 $0xFFFFFFFF  }
0xb5: {  	_ =	strace $0x9000004E  }
0xb6: {  	_ =	sfence  }
0xb7: {  	s30 =	sld [smem:$0x0];
	_ =	sdelay $0x2  }
0xb8: {  	s31 =	sshll.u32 s1, $0xD;
	s1 =	sshrl.u32 s1, $0x2  }
0xb9: {  	s3 =	sand.u32 $0x4000, s31;
	s1 =	sadd.s32 s1, s30  }
0xba: {  	s0 =	sor.u32 s3, s0;
	s1 =	sshll.u32 s1, $0x11  }
0xbb: {  	s0 =	sor.u32 s1, s0  }
0xbc: {  	s0 =	sadd.s32 $0x8F2B, s0  }
0xbd: {  	[sflag:s0] =	ssyncadd.remote.s32 $0x1  }
0xbe: {  	_ =	sfence.sel $0xFFFF  }
0xbf: {  	[dreg:$0x0] =	wrdreg $0xFFFFFFFF;
	(pc) =	sbr.abs _section_cstart, $3  }
0xc0: {  	[dreg:$0x1] =	wrdreg $0xFFFFFFFF  }
0xc1: {  	_ =	task.clear_ibuf [dreg:s6], $0x2FFFF;
	_ =	strace $0x9FFFFFFF  }
0xc2: {  	(tm) =	ssettm $0x7FFFFFFF  }
0xc3: {  	_ =	shalt  }
tec
execute0_lowered:
.L_overlay_start_1:
0x0: {  	(tag) =	ssettag $0x1  }
0x1: {  	s5 =	rddreg [dreg:$0x0]  }
0x2: {  	s2 =	rddreg [dreg:$0x1];
	s0 =	stileid.u32;
	s3 =	simm.s32 $0x0  }
0x3: {  	s4 =	srdreg.scid;
	s16 =	simm.s32 $0x19480;
	s15 =	simm.s32 $0x19400  }
0x4: {  	s17 =	simm.s32 $0x19500;
	s18 =	simm.s32 $0x19580;
	s19 =	simm.s32 $0x19600  }
0x5: {  	s20 =	simm.s32 $0x1B800;
	s21 =	simm.s32 $0x19680;
	s22 =	simm.s32 $0x1C000  }
0x6: {  	s23 =	simm.s32 $0x19700;
	s24 =	simm.s32 $0x1C800;
	[smem:$0x7FF] =	sst s3  }
0x7: {  	s25 =	simm.s32 $0x19780;
	_ =	strace $0x8000004D;
	[dreg:$0x4] =	wrdreg s16  }
0x8: {  	s31 =	simm.s32 $0x1D000;
	s6 =	smul.u32 $0xA8, s0;
	[dreg:$0x5] =	wrdreg s17  }
0x9: {  	s7 =	sand.u32 $0x1, s4;
	s4 =	smul.u32 $0x598, s0;
	[dreg:$0x6] =	wrdreg s18  }
0xa: {  	s8 =	smul.u32 $0x19000, s0;
	s12 =	sadd.s32 $0x67E800, s5;
	[dreg:$0x7] =	wrdreg s19  }
0xb: {  	s13 =	sadd.s32 $0x64C800, s5;
	s29 =	sshll.u32 s0, $0x6;
	[dreg:$0x8] =	wrdreg s20  }
0xc: {  	p0 =	seq.s32 s7, $0x0;
	s7 =	ssub.s32 $0x2, s7;
	[dreg:$0x9] =	wrdreg s21  }
0xd: {  	s16 =	simm.s32 $0x80;
	s17 =	simm.s32 $0x19800;
	[dreg:$0xa] =	wrdreg s22  }
0xe: {  	s19 =	simm.s32 $0x1A000;
	s20 =	simm.s32 $0x19100;
	[dreg:$0xb] =	wrdreg s23  }
0xf: {  	s21 =	simm.s32 $0x1A800;
	s22 =	simm.s32 $0x19180;
	[dreg:$0xc] =	wrdreg s24  }
0x10: {  	s23 =	simm.s32 $0x1B000;
	s24 =	simm.s32 $0x1;
	[dreg:$0xd] =	wrdreg s25  }
0x11: {  	[dreg:$0xe] =	wrdreg s31;
	s25 =	simm.s32 $0x2;
	s6 =	sadd.s32 $0x5980, s6  }
0x12: {  	s11 =	sshrl.u32 s8, $0x3;
	s28 =	sshrl.u32 s7, $0x1;
	s14 =	sadd.s32 s8, s2  }
0x13: {  	s13 =	smov.u32 @p0 s12;
	s6 =	smov.u32 @p0 s4;
	s4 =	sadd.s32 $0xD4800, s5  }
0x14: {  	s26 =	sadd.s32 s11, s5;
	s10 =	ssub.s32 s7, s28;
	s7 =	simm.s32 $0x166  }
0x15: {  	s11 =	sadd.s32 s13, s11;
	s12 =	sshrl.u32 s14, $0x3;
	s13 =	simm.s32 $0x4  }
0x16: {  	s14 =	simm.s32 $0x19000;
	s6 =	sshll.u32 s6, $0x4;
	s7 =	simm.s32 @!p0 $0x2A  }
0x17: {  	s10 =	smax.u32 s10, $0x1;
	s9 =	sadd.s32 s6, s5;
	s5 =	sadd.s32 $0x106800, s26  }
0x18: {  	s6 =	sor.u32 $0x1C04, s29;
	s30 =	sshll.u32 s7, $0x6;
	s26 =	simm.s32 $0x0  }
0x19: {  	s8 =	sadd.s32 $0x70800, s9;
	s9 =	sadd.s32 $0x3000, s9;
	[dreg:$0x3] =	wrdreg s30  }
.LBB2_1:
0x1a: {  	[spmem:s12], [sflag:s6] =	dma.local [hbm:s5], $0x3200  }
0x1b: {  	_ =	swait.ge [sflag:s13], $0x3200  }
0x1c: {  	[sflag:s13] =	ssyncset.done $0x0  }
0x1d: {  	[sflag:s13] =	ssyncadd.s32 $0xFFFFCE00  }
0x1e: {  	[bflag:$0x0] =	sbarrier.arrive $0xFFFF  }
0x1f: {  	[tilespmem:s14], [sflag:$0x4] =	stream.linear.gather [hbm4b:s8+s3], $0x200, $0x38;
	[tilespmem:$0x1D800] =	vst v63  }
0x20: {  	_ =	swait.ge [sflag:s13], $0x200  }
0x21: {  	[sflag:s13] =	ssyncset.done $0x0  }
0x22: {  	[sflag:s13] =	ssyncadd.s32 $0xFFFFFE00  }
0x23: {  	[tilespmem:s15], [sflag:$0x4] =	stream.linear.gather [hbm4b:s9+s3], $0x200, $0x38;
	[tilespmem:$0x1D800] =	vst v63  }
0x24: {  	_ =	swait.ge [sflag:s13], $0x200  }
0x25: {  	[sflag:s13] =	ssyncset.done $0x0  }
0x26: {  	[sflag:s13] =	ssyncadd.s32 $0xFFFFFE00  }
0x27: {  	[tilespmem:s17], [sflag:$0x1] =	stream.indirect.gather [hbm4b:s4+s16], $0x10, s14, s16, $0xb8;
	[tilespmem:$0x1D800] =	vst v63  }
0x28: {  	s0 =	simm.s32 $0x19080  }
0x29: {  	[tilespmem:s19], [sflag:$0x1] =	stream.indirect.gather [hbm4b:s4+s16], $0x10, s0, s16, $0xb8;
	[tilespmem:$0x1D800] =	vst v63  }
0x2a: {  	_ = 	snop  }
0x2b: {  	[tilespmem:s21], [sflag:$0x1] =	stream.indirect.gather [hbm4b:s4+s16], $0x10, s20, s16, $0xb8;
	[tilespmem:$0x1D800] =	vst v63  }
0x2c: {  	s28 =	simm.s32 $0x1;
	s29 =	simm.s32 $0x0  }
0x2d: {  	[tilespmem:s23], [sflag:$0x1] =	stream.indirect.gather [hbm4b:s4+s16], $0x10, s22, s16, $0xb8;
	[tilespmem:$0x1D800] =	vst v63  }
.LBB2_2:
0x2e: {  	p1 =	seq.s32 s29, $0x0  }
0x2f: {  	s30 =	simm.s32 @!p1 $0x2  }
0x30: {  	_ =	swait.ge @!p1 [sflag:s30], $0x800  }
0x31: {  	[sflag:s30] =	ssyncset.done @!p1 $0x0  }
0x32: {  	[sflag:s30] =	ssyncadd.s32 @!p1 $0xFFFFF800  }
0x33: {  	_ =	swait.ge @!p1 [sflag:s30], $0x800  }
0x34: {  	[sflag:s30] =	ssyncset.done @!p1 $0x0  }
0x35: {  	[sflag:s30] =	ssyncadd.s32 @!p1 $0xFFFFF800  }
0x36: {  	_ =	swait.ge @!p1 [sflag:s30], $0x800  }
0x37: {  	[sflag:s30] =	ssyncset.done @!p1 $0x0  }
0x38: {  	[sflag:s30] =	ssyncadd.s32 @!p1 $0xFFFFF800  }
0x39: {  	_ =	swait.ge @!p1 [sflag:s30], $0x800  }
0x3a: {  	p0 =	sge.u32 s28, s7;
	[sflag:s30] =	ssyncset.done @!p1 $0x0  }
0x3b: {  	[sflag:s30] =	ssyncadd.s32 @!p1 $0xFFFFF800;
	s30 =	sadd.s32 @!p0 s29, s8  }
0x3c: {  	s31 =	simm.s32 @!p0 $0x0;
	s0 =	simm.s32 @!p0 $0x19200;
	s30 =	sadd.s32 @!p0 $0x40, s30  }
0x3d: {  	[tilespmem:s0], [sflag:$0x3] =	stream.linear.gather @!p0 [hbm4b:s30+s31], $0x200, $0x38;
	[tilespmem:$0x1D800] =	vst v63  }
0x3e: {  	s30 =	sadd.s32 @!p0 s29, s9  }
0x3f: {  	s1 =	simm.s32 @!p0 $0x19600;
	s30 =	sadd.s32 @!p0 $0x40, s30  }
0x40: {  	[tilespmem:s1], [sflag:$0x3] =	stream.linear.gather @!p0 [hbm4b:s30+s31], $0x200, $0x38;
	[tilespmem:$0x1D800] =	vst v63  }
0x41: {  	_ =	swait.ge [sflag:s24], $0x800  }
0x42: {  	[sflag:s24] =	ssyncset.done $0x0  }
0x43: {  	[sflag:s24] =	ssyncadd.s32 $0xFFFFF800  }
0x44: {  	_ =	swait.ge [sflag:s24], $0x800  }
0x45: {  	[sflag:s24] =	ssyncset.done $0x0  }
0x46: {  	[sflag:s24] =	ssyncadd.s32 $0xFFFFF800  }
0x47: {  	_ =	swait.ge [sflag:s24], $0x800  }
0x48: {  	[sflag:s24] =	ssyncset.done $0x0  }
0x49: {  	[sflag:s24] =	ssyncadd.s32 $0xFFFFF800  }
0x4a: {  	_ =	swait.ge [sflag:s24], $0x800  }
0x4b: {  	[sflag:s24] =	ssyncset.done $0x0  }
0x4c: {  	[sflag:s24] =	ssyncadd.s32 $0xFFFFF800  }
0x4d: {  	[spmem:s2] =	stream.indirect.scatter.add.f32 [tilespmem:s17], [sflag:$0x2], $0x10, s15, s16, $0xb8;
	[tilespmem:$0x1D800] =	vst v63  }
0x4e: {  	s18 =	rddreg [dreg:$0x4]  }
0x4f: {  	[spmem:s2] =	stream.indirect.scatter.add.f32 [tilespmem:s19], [sflag:$0x2], $0x10, s18, s16, $0xb8;
	[tilespmem:$0x1D800] =	vst v63  }
0x50: {  	s31 =	rddreg [dreg:$0x5]  }
0x51: {  	[spmem:s2] =	stream.indirect.scatter.add.f32 [tilespmem:s21], [sflag:$0x2], $0x10, s31, s16, $0xb8;
	[tilespmem:$0x1D800] =	vst v63  }
0x52: {  	s1 =	simm.s32 @!p0 $0x3;
	s18 =	rddreg [dreg:$0x6]  }
0x53: {  	[spmem:s2] =	stream.indirect.scatter.add.f32 [tilespmem:s23], [sflag:$0x2], $0x10, s18, s16, $0xb8;
	[tilespmem:$0x1D800] =	vst v63  }
0x54: {  	_ =	swait.ge @!p0 [sflag:s1], $0x200  }
0x55: {  	[sflag:s1] =	ssyncset.done @!p0 $0x0  }
0x56: {  	[sflag:s1] =	ssyncadd.s32 @!p0 $0xFFFFFE00  }
0x57: {  	_ =	swait.ge @!p0 [sflag:s1], $0x200  }
0x58: {  	[sflag:s1] =	ssyncset.done @!p0 $0x0  }
0x59: {  	s30 =	simm.s32 @!p0 $0x1B800;
	[sflag:s1] =	ssyncadd.s32 @!p0 $0xFFFFFE00;
	s1 =	simm.s32 @!p0 $0x80  }
0x5a: {  	[tilespmem:s30], [sflag:$0x1] =	stream.indirect.gather @!p0 [hbm4b:s4+s1], $0x10, s0, s1, $0xb8;
	[tilespmem:$0x1D800] =	vst v63  }
0x5b: {  	s0 =	simm.s32 @!p0 $0x19280;
	s30 =	simm.s32 @!p0 $0x1C000  }
0x5c: {  	[tilespmem:s30], [sflag:$0x1] =	stream.indirect.gather @!p0 [hbm4b:s4+s1], $0x10, s0, s1, $0xb8;
	[tilespmem:$0x1D800] =	vst v63  }
0x5d: {  	s0 =	simm.s32 @!p0 $0x19300;
	s30 =	simm.s32 @!p0 $0x1C800  }
0x5e: {  	[tilespmem:s30], [sflag:$0x1] =	stream.indirect.gather @!p0 [hbm4b:s4+s1], $0x10, s0, s1, $0xb8;
	[tilespmem:$0x1D800] =	vst v63  }
0x5f: {  	s0 =	simm.s32 @!p0 $0x19380;
	s30 =	simm.s32 @!p0 $0x1D000  }
0x60: {  	[tilespmem:s30], [sflag:$0x1] =	stream.indirect.gather @!p0 [hbm4b:s4+s1], $0x10, s0, s1, $0xb8;
	[tilespmem:$0x1D800] =	vst v63  }
0x61: {  	_ =	swait.ge [sflag:s25], $0x800  }
0x62: {  	[sflag:s25] =	ssyncset.done $0x0  }
0x63: {  	[sflag:s25] =	ssyncadd.s32 $0xFFFFF800  }
0x64: {  	_ =	swait.ge [sflag:s25], $0x800  }
0x65: {  	[sflag:s25] =	ssyncset.done $0x0  }
0x66: {  	[sflag:s25] =	ssyncadd.s32 $0xFFFFF800  }
0x67: {  	_ =	swait.ge [sflag:s25], $0x800  }
0x68: {  	[sflag:s25] =	ssyncset.done $0x0  }
0x69: {  	s30 =	sadd.s32 $0x1, s28;
	[sflag:s25] =	ssyncadd.s32 $0xFFFFF800  }
0x6a: {  	p0 =	sge.u32 s30, s7;
	_ =	swait.ge [sflag:s25], $0x800  }
0x6b: {  	s0 =	sadd.s32 @!p0 s29, s8;
	s1 =	simm.s32 @!p0 $0x0;
	[sflag:s25] =	ssyncset.done $0x0  }
0x6c: {  	s30 =	simm.s32 @!p0 $0x19000;
	s0 =	sadd.s32 @!p0 $0x80, s0;
	[sflag:s25] =	ssyncadd.s32 $0xFFFFF800  }
0x6d: {  	[tilespmem:s30], [sflag:$0x3] =	stream.linear.gather @!p0 [hbm4b:s0+s1], $0x200, $0x38;
	[tilespmem:$0x1D800] =	vst v63  }
0x6e: {  	s0 =	sadd.s32 @!p0 s29, s9  }
0x6f: {  	s31 =	simm.s32 @!p0 $0x19400;
	s0 =	sadd.s32 @!p0 $0x80, s0  }
0x70: {  	[tilespmem:s31], [sflag:$0x3] =	stream.linear.gather @!p0 [hbm4b:s0+s1], $0x200, $0x38;
	[tilespmem:$0x1D800] =	vst v63  }
0x71: {  	_ =	swait.ge [sflag:s24], $0x800  }
0x72: {  	[sflag:s24] =	ssyncset.done $0x0  }
0x73: {  	[sflag:s24] =	ssyncadd.s32 $0xFFFFF800  }
0x74: {  	_ =	swait.ge [sflag:s24], $0x800  }
0x75: {  	[sflag:s24] =	ssyncset.done $0x0  }
0x76: {  	[sflag:s24] =	ssyncadd.s32 $0xFFFFF800  }
0x77: {  	_ =	swait.ge [sflag:s24], $0x800  }
0x78: {  	[sflag:s24] =	ssyncset.done $0x0  }
0x79: {  	[sflag:s24] =	ssyncadd.s32 $0xFFFFF800  }
0x7a: {  	_ =	swait.ge [sflag:s24], $0x800  }
0x7b: {  	s0 =	rddreg [dreg:$0x7]  }
0x7c: {  	s1 =	rddreg [dreg:$0x8]  }
0x7d: {  	[sflag:s24] =	ssyncset.done $0x0;
	s31 =	rddreg [dreg:$0x9]  }
0x7e: {  	s18 =	rddreg [dreg:$0xa];
	[sflag:s24] =	ssyncadd.s32 $0xFFFFF800  }
0x7f: {  	[spmem:s2] =	stream.indirect.scatter.add.f32 [tilespmem:s1], [sflag:$0x2], $0x10, s0, s16, $0xb8;
	[tilespmem:$0x1D800] =	vst v63  }
0x80: {  	s0 =	rddreg [dreg:$0xb]  }
0x81: {  	s1 =	rddreg [dreg:$0xc]  }
0x82: {  	[spmem:s2] =	stream.indirect.scatter.add.f32 [tilespmem:s18], [sflag:$0x2], $0x10, s31, s16, $0xb8;
	[tilespmem:$0x1D800] =	vst v63  }
0x83: {  	s18 =	rddreg [dreg:$0xd]  }
0x84: {  	[spmem:s2] =	stream.indirect.scatter.add.f32 [tilespmem:s1], [sflag:$0x2], $0x10, s0, s16, $0xb8;
	[tilespmem:$0x1D800] =	vst v63  }
0x85: {  	s31 =	rddreg [dreg:$0xe];
	s0 =	simm.s32 @!p0 $0x3  }
0x86: {  	[spmem:s2] =	stream.indirect.scatter.add.f32 [tilespmem:s31], [sflag:$0x2], $0x10, s18, s16, $0xb8;
	[tilespmem:$0x1D800] =	vst v63  }
0x87: {  	_ =	swait.ge @!p0 [sflag:s0], $0x200  }
0x88: {  	[sflag:s0] =	ssyncset.done @!p0 $0x0  }
0x89: {  	[sflag:s0] =	ssyncadd.s32 @!p0 $0xFFFFFE00  }
0x8a: {  	_ =	swait.ge @!p0 [sflag:s0], $0x200  }
0x8b: {  	[sflag:s0] =	ssyncset.done @!p0 $0x0  }
0x8c: {  	s1 =	simm.s32 @!p0 $0x19800;
	[sflag:s0] =	ssyncadd.s32 @!p0 $0xFFFFFE00;
	s0 =	simm.s32 @!p0 $0x80  }
0x8d: {  	[tilespmem:s1], [sflag:$0x1] =	stream.indirect.gather @!p0 [hbm4b:s4+s0], $0x10, s30, s0, $0xb8;
	[tilespmem:$0x1D800] =	vst v63  }
0x8e: {  	s18 =	simm.s32 @!p0 $0x1A000;
	s1 =	simm.s32 @!p0 $0x19080  }
0x8f: {  	[tilespmem:s18], [sflag:$0x1] =	stream.indirect.gather @!p0 [hbm4b:s4+s0], $0x10, s1, s0, $0xb8;
	[tilespmem:$0x1D800] =	vst v63  }
0x90: {  	s29 =	sadd.s32 $0x80, s29;
	s1 =	simm.s32 @!p0 $0x19100;
	s18 =	simm.s32 @!p0 $0x1A800  }
0x91: {  	[tilespmem:s18], [sflag:$0x1] =	stream.indirect.gather @!p0 [hbm4b:s4+s0], $0x10, s1, s0, $0xb8;
	[tilespmem:$0x1D800] =	vst v63  }
0x92: {  	s31 =	rddreg [dreg:$0x3];
	s1 =	simm.s32 @!p0 $0x19180;
	s18 =	simm.s32 @!p0 $0x1B000  }
0x93: {  	[tilespmem:s18], [sflag:$0x1] =	stream.indirect.gather @!p0 [hbm4b:s4+s0], $0x10, s1, s0, $0xb8;
	[tilespmem:$0x1D800] =	vst v63  }
0x94: {  	p0 =	sne.s32 s31, s29  }
.Ltmp0:
0x95: {  	_ = 	snop;
	(pc) =	sbr.rel @p0 .LBB2_2-.Ltmp0, $2  }
0x96: {  	_ =	sdelay $0x2  }
0x97: {  	s28 =	sadd.s32 $0x2, s28  }
0x98: {  	_ =	swait.ge [sflag:s25], $0x800  }
0x99: {  	[sflag:s25] =	ssyncset.done $0x0  }
0x9a: {  	[sflag:s25] =	ssyncadd.s32 $0xFFFFF800  }
0x9b: {  	_ =	swait.ge [sflag:s25], $0x800  }
0x9c: {  	[sflag:s25] =	ssyncset.done $0x0  }
0x9d: {  	[sflag:s25] =	ssyncadd.s32 $0xFFFFF800  }
0x9e: {  	_ =	swait.ge [sflag:s25], $0x800  }
0x9f: {  	[sflag:s25] =	ssyncset.done $0x0  }
0xa0: {  	[sflag:s25] =	ssyncadd.s32 $0xFFFFF800  }
0xa1: {  	_ =	swait.ge [sflag:s25], $0x800  }
0xa2: {  	s26 =	sadd.s32 $0x1, s26;
	[sflag:s25] =	ssyncset.done $0x0  }
0xa3: {  	p0 =	sne.s32 s26, s10;
	[sflag:s25] =	ssyncadd.s32 $0xFFFFF800  }
.Ltmp1:
0xa4: {  	[bflag:$0x0] =	sbarrier.arrive $0xFFFF;
	(pc) =	sbr.rel @p0 .LBB2_1-.Ltmp1, $4  }
0xa5: {  	[hbm:s11], [sflag:s6] =	dma.local [spmem:s12], $0x3200  }
0xa6: {  	_ =	swait.ge [sflag:s13], $0x3200  }
0xa7: {  	[sflag:s13] =	ssyncset.done $0x0  }
0xa8: {  	[sflag:s13] =	ssyncadd.s32 $0xFFFFCE00  }
0xa9: {  	_ =	sfence.sel $0x180000  }
0xaa: {  	[bflag:$0x0] =	sbarrier.arrive $0xFFFF  }
0xab: {  	_ =	strace $0x9000004D  }
0xac: {  	s0 =	stileid.u32;
	[bflag:$0x2] =	sbarrier.arrive $0xFFFF  }
0xad: {  	p0 =	sne.s32 s0, $0x0;
	s0 =	rddreg [dreg:$0x2]  }
0xae: {  	s0 =	sadd.s32 @!p0 $0x100000, s0  }
0xaf: {  	[sflag:s0] =	ssyncadd.tile.s32 @!p0 $0x1;
	_ =	shalt  }
.Lfunc_end2:
_tile_overlayer_lowered:
.L_overlay_start_2:
0xb0: {  	(tag) =	ssettag $0x2  }
0xb1: {  	s0 =	rddreg [dreg:$0x0];
	s2 =	stileid.u32  }
0xb2: {  	s1 =	rddreg [dreg:$0x1];
	p0 =	sne.s32 s2, $0x0  }
0xb3: {  	s3 =	rddreg [dreg:$0x2];
	[bflag:$0x3] =	sbarrier.arrive $0xFFFF;
	s2 =	simm.s32 @!p0 $0x1C04  }
0xb4: {  	[timem:s3], [sflag:s2] =	dma.local @!p0 [hbm:s0], s1  }
0xb5: {  	s0 =	simm.s32 @!p0 $0x4  }
0xb6: {  	_ =	swait.ge @!p0 [sflag:s0], s1  }
0xb7: {  	s1 =	ssub.s32 @!p0 $0x0, s1;
	[sflag:s0] =	ssyncset.done @!p0 $0x0  }
0xb8: {  	[sflag:s0] =	ssyncadd.s32 @!p0 s1  }
0xb9: {  	[bflag:$0x3] =	sbarrier.arrive $0xFFFF  }
0xba: {  	_ =	shalt  }

// kernel: kernel.8.cloned.1.call-start
scs
__scs_entry_jumppad:
0x0: {  	(pc) =	sbr.rel $0x88, $3  }
0x1: {  	(tag) =	ssettag $0x0;
	lr =	simm.s32 $0x1  }
0x2: {  	[smem:$0x3F96] =	sst lr;
	_ =	strace $0xD0000000  }
0x3: {  	_ = 	snop  }
0x4: {  	_ = 	snop  }
0x5: {  	_ = 	snop  }
0x6: {  	_ = 	snop  }
0x7: {  	_ = 	snop  }
__scs_overlays_trampoline_lowered:
0x8: {  	[smem:$0x3FA5] =	sst s0  }
0x9: {  	[smem:$0x3FA6] =	sst s1  }
0xa: {  	[smem:$0x3FA7] =	sst s2  }
0xb: {  	[smem:$0x3FA8] =	sst s3  }
0xc: {  	[smem:$0x3FA9] =	sst s4  }
0xd: {  	[smem:$0x3FAA] =	sst s5  }
0xe: {  	[smem:$0x3FAB] =	sst s6  }
0xf: {  	[smem:$0x3FAC] =	sst s7  }
0x10: {  	[smem:$0x3FAD] =	sst s8  }
0x11: {  	[smem:$0x3FAE] =	sst s9;
	s0 =	simm.s32 @!p0 $0x0  }
0x12: {  	s1 =	sld [smem:$0x3F94];
	s0 =	simm.s32 @p0 $0x1  }
0x13: {  	[smem:$0x3FAF] =	sst s0;
	s0 =	simm.s32 @!p1 $0x0  }
0x14: {  	s2 =	sld [smem:$0x3F93];
	s0 =	simm.s32 @p1 $0x1  }
0x15: {  	[smem:$0x3FB0] =	sst s0;
	s0 =	simm.s32 @!p2 $0x0  }
0x16: {  	s3 =	sld [smem:$0x3FDB];
	s0 =	simm.s32 @p2 $0x1  }
0x17: {  	s4 =	simm.s32 $0x1BF5;
	[smem:$0x3FB2] =	sst s0  }
0x18: {  	s0 =	sld [smem:$0x3F95];
	_ =	swait.ge [sflag:s4], $0x0  }
0x19: {  	s7 =	sld [smem:$0x3F96]  }
0x1a: {  	s8 =	sadd.s32 $0xFFFFE003, lr  }
0x1b: {  	s9 =	sadd.s32 $0xFFFFFEF7, lr;
	s5 =	simm.s32 $0xFFFFFFFF;
	p2 =	slt.u32 s8, $0xFFFFF086  }
0x1c: {  	p1 =	slt.u32 s9, $0xF7A;
	s5 =	simm.s32 @!p2 $0x0  }
0x1d: {  	s5 =	simm.s32 @p1 $0x1;
	p0 =	seq.s32 s7, s2  }
0x1e: {  	s7 =	smul.u32 @!p0 $0xF7A, s2;
	p2 =	seq.s32 @!p0 s5, $0x0  }
0x1f: {  	s9 =	smul.u32 $0xF7A, s1;
	s8 =	simm.s32 @!p0 $0x1BF5;
	p2 =	por !p2, p0  }
0x20: {  	[sflag:s8] =	ssyncset.s32 @!p0 $0xFFFFF086;
	s6 =	sadd.s32 @!p0 s3, s7;
	s7 =	simm.s32 @!p0 $0x108  }
0x21: {  	s3 =	sadd.s32 s3, s9;
	s6 =	sadd.s32 @!p0 $0x88, s6;
	s7 =	simm.s32 @p2 $0x1082  }
0x22: {  	[simem:s7], [sflag:s8] =	dma.local @!p0 [hbm:s6], $0xF7A  }
0x23: {  	s9 =	sor.u32 $0xD0000000, s2;
	s6 =	simm.s32 $0x108;
	_ =	swait.ge @!p0 [sflag:s8], $0x0  }
0x24: {  	s3 =	sadd.s32 $0x88, s3;
	s6 =	simm.s32 @!p1 $0x1082;
	[sflag:s4] =	ssyncset.s32 $0xFFFFF086  }
0x25: {  	[simem:s6], [sflag:s4] =	dma.local [hbm:s3], $0xF7A  }
0x26: {  	[smem:$0x3F96] =	sst s1;
	(tag) =	ssettag s2;
	_ =	strace s9  }
0x27: {  	s1 =	sld [smem:$0x3FA6]  }
0x28: {  	s2 =	sld [smem:$0x3FA7]  }
0x29: {  	s4 =	sld [smem:$0x3FA9]  }
0x2a: {  	p0 =	seq.s32 s5, $0x0;
	s5 =	sld [smem:$0x3FAA]  }
0x2b: {  	s6 =	sld [smem:$0x3FAB]  }
0x2c: {  	s7 =	sld [smem:$0x3FAC]  }
0x2d: {  	s3 =	simm.s32 $0x108;
	s8 =	sld [smem:$0x3FAD]  }
0x2e: {  	s3 =	simm.s32 @!p0 $0x1082;
	s9 =	sld [smem:$0x3FAE]  }
0x2f: {  	lr =	sadd.s32 s0, s3;
	s0 =	sld [smem:$0x3FA5]  }
0x30: {  	s3 =	sld [smem:$0x3FA8]  }
0x31: {  	[smem:$0x3FB1] =	sst s10  }
0x32: {  	s10 =	sld [smem:$0x3FAF];
	_ =	sdelay $0x3  }
0x33: {  	p0 =	seq.s32 s10, $0x1;
	s10 =	sld [smem:$0x3FB1];
	_ =	sdelay $0x3  }
0x34: {  	[smem:$0x3FB1] =	sst s10  }
0x35: {  	s10 =	sld [smem:$0x3FB0];
	_ =	sdelay $0x3  }
0x36: {  	p1 =	seq.s32 s10, $0x1;
	s10 =	sld [smem:$0x3FB1];
	_ =	sdelay $0x3  }
0x37: {  	[smem:$0x3FB1] =	sst s10  }
0x38: {  	s10 =	sld [smem:$0x3FB2]  }
0x39: {  	_ = 	snop;
	(pc) =	sbr.ind lr, $3  }
0x3a: {  	_ = 	snop  }
0x3b: {  	_ = 	snop  }
0x3c: {  	p2 =	seq.s32 s10, $0x1;
	s10 =	sld [smem:$0x3FB1]  }
0x3d: {  	_ =	shalt  }
0x3e: {  	_ =	shalt  }
0x3f: {  	_ =	shalt  }
0x40: {  	_ =	shalt  }
0x41: {  	_ =	shalt  }
0x42: {  	_ =	shalt  }
0x43: {  	_ =	shalt  }
0x44: {  	_ =	shalt  }
0x45: {  	_ =	shalt  }
0x46: {  	_ =	shalt  }
0x47: {  	_ =	shalt  }
0x48: {  	_ =	shalt  }
0x49: {  	_ =	shalt  }
0x4a: {  	_ =	shalt  }
0x4b: {  	_ =	shalt  }
0x4c: {  	_ =	shalt  }
0x4d: {  	_ =	shalt  }
0x4e: {  	_ =	shalt  }
0x4f: {  	_ =	shalt  }
0x50: {  	_ =	shalt  }
0x51: {  	_ =	shalt  }
0x52: {  	_ =	shalt  }
0x53: {  	_ =	shalt  }
0x54: {  	_ =	shalt  }
0x55: {  	_ =	shalt  }
0x56: {  	_ =	shalt  }
0x57: {  	_ =	shalt  }
0x58: {  	_ =	shalt  }
0x59: {  	_ =	shalt  }
0x5a: {  	_ =	shalt  }
0x5b: {  	_ =	shalt  }
0x5c: {  	_ =	shalt  }
0x5d: {  	_ =	shalt  }
0x5e: {  	_ =	shalt  }
0x5f: {  	_ =	shalt  }
0x60: {  	_ =	shalt  }
0x61: {  	_ =	shalt  }
0x62: {  	_ =	shalt  }
0x63: {  	_ =	shalt  }
0x64: {  	_ =	shalt  }
0x65: {  	_ =	shalt  }
0x66: {  	_ =	shalt  }
0x67: {  	_ =	shalt  }
0x68: {  	_ =	shalt  }
0x69: {  	_ =	shalt  }
0x6a: {  	_ =	shalt  }
0x6b: {  	_ =	shalt  }
0x6c: {  	_ =	shalt  }
0x6d: {  	_ =	shalt  }
0x6e: {  	_ =	shalt  }
0x6f: {  	_ =	shalt  }
0x70: {  	_ =	shalt  }
0x71: {  	_ =	shalt  }
0x72: {  	_ =	shalt  }
0x73: {  	_ =	shalt  }
0x74: {  	_ =	shalt  }
0x75: {  	_ =	shalt  }
0x76: {  	_ =	shalt  }
0x77: {  	_ =	shalt  }
0x78: {  	_ =	shalt  }
0x79: {  	_ =	shalt  }
0x7a: {  	_ =	shalt  }
0x7b: {  	_ =	shalt  }
0x7c: {  	_ =	shalt  }
0x7d: {  	_ =	shalt  }
0x7e: {  	_ =	shalt  }
0x7f: {  	_ =	shalt  }
0x80: {  	_ =	shalt  }
0x81: {  	_ =	shalt  }
0x82: {  	_ =	shalt  }
0x83: {  	_ =	shalt  }
0x84: {  	_ =	shalt  }
0x85: {  	_ =	shalt  }
0x86: {  	_ =	shalt  }
0x87: {  	_ =	shalt  }
.Lfunc_end0:
.L_simem_size_0:
called_computation_lowered:
.L_overlay_start_0:
0x88: {  	s2 =	sld [smem:$0x3FD9]  }
0x89: {  	s3 =	sld [smem:$0x3FFE];
	_ =	sdelay $0x1  }
0x8a: {  	s1 =	srdreg.scid  }
0x8b: {  	s0 =	sand.u32 $0x1, s1  }
0x8c: {  	s16 =	sshll.u32 s0, $0xA;
	s2 =	sadd.s32 s3, s2  }
0x8d: {  	s2 =	sadd.s32 s2, s16  }
0x8e: {  	[smem:$0x3FBD] =	sst s2  }
0x8f: {  	_ = 	snop  }
0x90: {  	(tm) =	ssettm $0x1  }
0x91: {  	s17 =	sld [smem:$0x3FFB];
	_ =	sdelay $0x3  }
0x92: {  	_ =	strace s17  }
0x93: {  	s2 =	sld [smem:$0x3FFC];
	_ =	sdelay $0x3  }
0x94: {  	_ =	strace s2  }
0x95: {  	s2 =	sld [smem:$0x3FFD];
	_ =	sdelay $0x3  }
0x96: {  	_ =	strace s2  }
0x97: {  	_ =	strace $0x8FFFFFFF  }
0x98: {  	s18 =	sld [smem:$0x3FDB];
	_ =	sdelay $0x1  }
0x99: {  	s19 =	simm.s32 $_scs_section_size  }
0x9a: {  	s4 =	simm.s32 $_size__tile_overlayer_lowered;
	s5 =	simm.s32 $_tile_overlayer_lowered  }
0x9b: {  	s22 =	simm.s32 $0x1BFF;
	s21 =	sshll.u32 s5, $0x1;
	s2 =	sadd.s32 s19, s18  }
0x9c: {  	s6 =	simm.s32 $0x0;
	s20 =	sshll.u32 s4, $0x1;
	s4 =	sadd.s32 s21, s2  }
0x9d: {  	[timem:s6], [sflag:s22] =	dma.local [hbm:s4], s20  }
0x9e: {  	_ =	swait.ge [sflag:s22], s20  }
0x9f: {  	s3 =	ssub.s32 $0x0, s20;
	[sflag:s22] =	ssyncset.done $0x0  }
0xa0: {  	[sflag:s22] =	ssyncadd.s32 s3;
	_ =	sdelay $0x1  }
0xa1: {  	s23 =	simm.s32 $0x1B8B  }
0xa2: {  	_ =	swait.ge [sflag:s23], $0x1  }
0xa3: {  	[sflag:s23] =	ssyncset.done $0x0  }
0xa4: {  	s25 =	simm.s32 $0x1B8E;
	s24 =	sld [smem:$0x3FFE];
	[sflag:s23] =	ssyncadd.s32 $0xFFFFFFFF  }
0xa5: {  	s26 =	simm.s32 $execute0_lowered;
	[smem:$0x3FD2] =	sst s25  }
0xa6: {  	s4 =	sshll.u32 s26, $0x1;
	_ =	strace $0x80000046;
	[dreg:$0x1] =	wrdreg $0xFFFFFFFF  }
0xa7: {  	s28 =	simm.s32 $_size_execute0_lowered;
	s2 =	sadd.s32 s2, s4;
	[dreg:$0x0] =	wrdreg $0x0  }
0xa8: {  	s4 =	sshll.u32 s28, $0x1;
	[dreg:$0x2] =	wrdreg s2  }
0xa9: {  	[dreg:$0x3] =	wrdreg s4  }
0xaa: {  	[dreg:$0x4] =	wrdreg $0xC0  }
0xab: {  	_ =	task [dreg:s6], $0x5FFFF  }
0xac: {  	[dreg:$0x1] =	wrdreg $0xFFFFFFFF  }
0xad: {  	[dreg:$0x0] =	wrdreg $0x60  }
0xae: {  	[dreg:$0x2] =	wrdreg s24  }
0xaf: {  	[dreg:$0x3] =	wrdreg $0x0  }
0xb0: {  	[dreg:$0x4] =	wrdreg $0x9  }
0xb1: {  	_ =	task.clear_ibuf [dreg:s6], $0x5FFFF;
	_ =	strace $0x90000046  }
0xb2: {  	s29 =	simm.s32 $0x9;
	_ =	strace $0x80000048  }
0xb3: {  	_ =	swait.ge [sflag:s29], $0x1  }
0xb4: {  	[sflag:s29] =	ssyncadd.s32 $0xFFFFFFFF  }
0xb5: {  	_ =	strace $0x90000048  }
0xb6: {  	_ =	sfence  }
0xb7: {  	s30 =	sld [smem:$0x0];
	_ =	sdelay $0x2  }
0xb8: {  	s31 =	sshll.u32 s1, $0xD;
	s1 =	sshrl.u32 s1, $0x2  }
0xb9: {  	s3 =	sand.u32 $0x4000, s31;
	s1 =	sadd.s32 s1, s30  }
0xba: {  	s0 =	sor.u32 s3, s0;
	s1 =	sshll.u32 s1, $0x11  }
0xbb: {  	s0 =	sor.u32 s1, s0  }
0xbc: {  	s0 =	sadd.s32 $0x8F2B, s0  }
0xbd: {  	[sflag:s0] =	ssyncadd.remote.s32 $0x1  }
0xbe: {  	_ =	sfence.sel $0xFFFF  }
0xbf: {  	[dreg:$0x0] =	wrdreg $0xFFFFFFFF;
	(pc) =	sbr.abs _section_cstart, $3  }
0xc0: {  	[dreg:$0x1] =	wrdreg $0xFFFFFFFF  }
0xc1: {  	_ =	task.clear_ibuf [dreg:s6], $0x2FFFF;
	_ =	strace $0x9FFFFFFF  }
0xc2: {  	(tm) =	ssettm $0x7FFFFFFF  }
0xc3: {  	_ =	shalt  }
tec
execute0_lowered:
.L_overlay_start_1:
0x0: {  	(tag) =	ssettag $0x1  }
0x1: {  	s0 =	rddreg [dreg:$0x0]  }
0x2: {  	s2 =	rddreg [dreg:$0x1]  }
0x3: {  	s11 =	stileid.u32;
	s1 =	srdreg.scid;
	s3 =	simm.s32 $0x0  }
0x4: {  	s12 =	simm.s32 $0x2;
	s13 =	simm.s32 $0x1D00;
	s14 =	simm.s32 $0x1900  }
0x5: {  	s15 =	simm.s32 $0x80;
	s16 =	simm.s32 $0x1980;
	s17 =	simm.s32 $0x1D80  }
0x6: {  	s18 =	simm.s32 $0x1A00;
	s19 =	simm.s32 $0x1E00;
	s20 =	simm.s32 $0x1A80  }
0x7: {  	s21 =	simm.s32 $0x1E80;
	s22 =	simm.s32 $0x1B00;
	s23 =	simm.s32 $0x1F00  }
0x8: {  	s28 =	simm.s32 $0x2000;
	s29 =	simm.s32 $0x1C80;
	s4 =	smul.u32 $0x2A8, s11  }
0x9: {  	s30 =	simm.s32 $0x2080;
	s31 =	simm.s32 $0x1;
	s5 =	smul.u32 $0x398, s11  }
0xa: {  	s1 =	sand.u32 $0x1, s1;
	s6 =	smul.u32 $0x1900, s11;
	[smem:$0x7FF] =	sst s3  }
0xb: {  	s7 =	sadd.s32 $0x6A200, s0;
	s8 =	sadd.s32 $0x6A400, s0;
	s26 =	sshll.u32 s11, $0x6  }
0xc: {  	p0 =	seq.s32 s1, $0x0;
	_ =	strace $0x80000047;
	s1 =	ssub.s32 $0x2, s1  }
0xd: {  	[dreg:$0x3] =	wrdreg s7;
	s7 =	sor.u32 $0x1C02, s26;
	s26 =	simm.s32 $0x1C00  }
0xe: {  	s4 =	sadd.s32 $0x3980, s4;
	s9 =	sshrl.u32 s6, $0x3;
	s25 =	sshrl.u32 s1, $0x1  }
0xf: {  	s10 =	sadd.s32 s6, s2;
	s6 =	simm.s32 $0x73;
	s4 =	smov.u32 @p0 s5  }
0x10: {  	s24 =	sadd.s32 s9, s0;
	s1 =	ssub.s32 s1, s25;
	s6 =	simm.s32 @!p0 $0x55  }
0x11: {  	s11 =	sshrl.u32 s10, $0x3;
	s25 =	simm.s32 $0x1F80;
	s4 =	sshll.u32 s4, $0x4  }
0x12: {  	s5 =	sadd.s32 $0x67000, s24;
	s4 =	sadd.s32 s4, s0;
	s0 =	sadd.s32 $0x6D600, s0  }
0x13: {  	s24 =	simm.s32 $0x1B80;
	s0 =	smov.u32 @p0 s8;
	s8 =	smax.u32 s1, $0x1  }
0x14: {  	s4 =	sadd.s32 $0x3000, s4;
	s9 =	sadd.s32 s0, s9;
	s0 =	simm.s32 $0x0  }
.LBB2_1:
0x15: {  	[spmem:s11], [sflag:s7] =	dma.local [hbm:s5], $0x320  }
0x16: {  	_ =	swait.ge [sflag:s12], $0x320  }
0x17: {  	[sflag:s12] =	ssyncset.done $0x0  }
0x18: {  	s1 =	rddreg [dreg:$0x3];
	[sflag:s12] =	ssyncadd.s32 $0xFFFFFCE0  }
0x19: {  	[tilespmem:s13], [sflag:$0x2] =	stream.linear.gather [hbm4b:s1+s3], $0x400, $0x38;
	[tilespmem:$0x2100] =	vst v63  }
0x1a: {  	_ =	swait.ge [sflag:s12], $0x400  }
0x1b: {  	[sflag:s12] =	ssyncset.done $0x0  }
0x1c: {  	[sflag:s12] =	ssyncadd.s32 $0xFFFFFC00  }
0x1d: {  	[bflag:$0x0] =	sbarrier.arrive $0xFFFF  }
0x1e: {  	[tilespmem:s14], [sflag:$0x2] =	stream.linear.gather [hbm4b:s4+s3], $0x400, $0x38;
	[tilespmem:$0x2100] =	vst v63  }
0x1f: {  	_ =	swait.ge [sflag:s12], $0x400  }
0x20: {  	[sflag:s12] =	ssyncset.done $0x0  }
0x21: {  	[sflag:s12] =	ssyncadd.s32 $0xFFFFFC00  }
0x22: {  	[spmem:s2] =	stream.indirect.scatter.add.f32 [tilespmem:s13], [sflag:$0x1], $0x1, s14, s15, $0xb8;
	[tilespmem:$0x2100] =	vst v63  }
0x23: {  	_ = 	snop  }
0x24: {  	[spmem:s2] =	stream.indirect.scatter.add.f32 [tilespmem:s17], [sflag:$0x1], $0x1, s16, s15, $0xb8;
	[tilespmem:$0x2100] =	vst v63  }
0x25: {  	_ = 	snop  }
0x26: {  	[spmem:s2] =	stream.indirect.scatter.add.f32 [tilespmem:s19], [sflag:$0x1], $0x1, s18, s15, $0xb8;
	[tilespmem:$0x2100] =	vst v63  }
0x27: {  	_ = 	snop  }
0x28: {  	[spmem:s2] =	stream.indirect.scatter.add.f32 [tilespmem:s21], [sflag:$0x1], $0x1, s20, s15, $0xb8;
	[tilespmem:$0x2100] =	vst v63  }
0x29: {  	_ = 	snop  }
0x2a: {  	[spmem:s2] =	stream.indirect.scatter.add.f32 [tilespmem:s23], [sflag:$0x1], $0x1, s22, s15, $0xb8;
	[tilespmem:$0x2100] =	vst v63  }
0x2b: {  	_ = 	snop  }
0x2c: {  	[spmem:s2] =	stream.indirect.scatter.add.f32 [tilespmem:s25], [sflag:$0x1], $0x1, s24, s15, $0xb8;
	[tilespmem:$0x2100] =	vst v63  }
0x2d: {  	_ = 	snop  }
0x2e: {  	[spmem:s2] =	stream.indirect.scatter.add.f32 [tilespmem:s28], [sflag:$0x1], $0x1, s26, s15, $0xb8;
	[tilespmem:$0x2100] =	vst v63  }
0x2f: {  	_ = 	snop  }
0x30: {  	[spmem:s2] =	stream.indirect.scatter.add.f32 [tilespmem:s30], [sflag:$0x1], $0x1, s29, s15, $0xb8;
	[tilespmem:$0x2100] =	vst v63  }
0x31: {  	_ =	swait.ge [sflag:s31], $0x80  }
0x32: {  	[sflag:s31] =	ssyncset.done $0x0  }
0x33: {  	[sflag:s31] =	ssyncadd.s32 $0xFFFFFF80  }
0x34: {  	_ =	swait.ge [sflag:s31], $0x80  }
0x35: {  	[sflag:s31] =	ssyncset.done $0x0  }
0x36: {  	[sflag:s31] =	ssyncadd.s32 $0xFFFFFF80  }
0x37: {  	_ =	swait.ge [sflag:s31], $0x80  }
0x38: {  	[sflag:s31] =	ssyncset.done $0x0  }
0x39: {  	[sflag:s31] =	ssyncadd.s32 $0xFFFFFF80  }
0x3a: {  	_ =	swait.ge [sflag:s31], $0x80  }
0x3b: {  	[sflag:s31] =	ssyncset.done $0x0  }
0x3c: {  	[sflag:s31] =	ssyncadd.s32 $0xFFFFFF80  }
0x3d: {  	_ =	swait.ge [sflag:s31], $0x80  }
0x3e: {  	[sflag:s31] =	ssyncset.done $0x0  }
0x3f: {  	[sflag:s31] =	ssyncadd.s32 $0xFFFFFF80  }
0x40: {  	_ =	swait.ge [sflag:s31], $0x80  }
0x41: {  	[sflag:s31] =	ssyncset.done $0x0  }
0x42: {  	p0 =	sne.s32 s6, $0x1;
	[sflag:s31] =	ssyncadd.s32 $0xFFFFFF80  }
.Ltmp0:
0x43: {  	_ =	swait.ge [sflag:s31], $0x80;
	(pc) =	sbr.rel @!p0 .LBB2_3-.Ltmp0, $4  }
0x44: {  	[sflag:s31] =	ssyncset.done $0x0  }
0x45: {  	[sflag:s31] =	ssyncadd.s32 $0xFFFFFF80  }
0x46: {  	_ =	swait.ge [sflag:s31], $0x80  }
0x47: {  	s10 =	smov.u32 s4;
	s1 =	sadd.s32 $0xFFFFFFFF, s6;
	[sflag:s31] =	ssyncset.done $0x0  }
.LBB2_2:
0x48: {  	p0 =	sne.s32 s1, $0x1;
	[sflag:s31] =	ssyncadd.s32 $0xFFFFFF80;
	s10 =	sadd.s32 $0x80, s10  }
0x49: {  	[tilespmem:s14], [sflag:$0x2] =	stream.linear.gather [hbm4b:s10+s3], $0x400, $0x38;
	[tilespmem:$0x2100] =	vst v63  }
0x4a: {  	s1 =	sadd.s32 $0xFFFFFFFF, s1;
	_ =	swait.ge [sflag:s12], $0x400  }
0x4b: {  	[sflag:s12] =	ssyncset.done $0x0  }
0x4c: {  	[sflag:s12] =	ssyncadd.s32 $0xFFFFFC00  }
0x4d: {  	[spmem:s2] =	stream.indirect.scatter.add.f32 [tilespmem:s13], [sflag:$0x1], $0x1, s14, s15, $0xb8;
	[tilespmem:$0x2100] =	vst v63  }
0x4e: {  	_ = 	snop  }
0x4f: {  	[spmem:s2] =	stream.indirect.scatter.add.f32 [tilespmem:s17], [sflag:$0x1], $0x1, s16, s15, $0xb8;
	[tilespmem:$0x2100] =	vst v63  }
0x50: {  	_ = 	snop  }
0x51: {  	[spmem:s2] =	stream.indirect.scatter.add.f32 [tilespmem:s19], [sflag:$0x1], $0x1, s18, s15, $0xb8;
	[tilespmem:$0x2100] =	vst v63  }
0x52: {  	_ = 	snop  }
0x53: {  	[spmem:s2] =	stream.indirect.scatter.add.f32 [tilespmem:s21], [sflag:$0x1], $0x1, s20, s15, $0xb8;
	[tilespmem:$0x2100] =	vst v63  }
0x54: {  	_ = 	snop  }
0x55: {  	[spmem:s2] =	stream.indirect.scatter.add.f32 [tilespmem:s23], [sflag:$0x1], $0x1, s22, s15, $0xb8;
	[tilespmem:$0x2100] =	vst v63  }
0x56: {  	_ = 	snop  }
0x57: {  	[spmem:s2] =	stream.indirect.scatter.add.f32 [tilespmem:s25], [sflag:$0x1], $0x1, s24, s15, $0xb8;
	[tilespmem:$0x2100] =	vst v63  }
0x58: {  	_ = 	snop  }
0x59: {  	[spmem:s2] =	stream.indirect.scatter.add.f32 [tilespmem:s28], [sflag:$0x1], $0x1, s26, s15, $0xb8;
	[tilespmem:$0x2100] =	vst v63  }
0x5a: {  	_ = 	snop  }
0x5b: {  	[spmem:s2] =	stream.indirect.scatter.add.f32 [tilespmem:s30], [sflag:$0x1], $0x1, s29, s15, $0xb8;
	[tilespmem:$0x2100] =	vst v63  }
0x5c: {  	_ =	swait.ge [sflag:s31], $0x80  }
0x5d: {  	[sflag:s31] =	ssyncset.done $0x0  }
0x5e: {  	[sflag:s31] =	ssyncadd.s32 $0xFFFFFF80  }
0x5f: {  	_ =	swait.ge [sflag:s31], $0x80  }
0x60: {  	[sflag:s31] =	ssyncset.done $0x0  }
0x61: {  	[sflag:s31] =	ssyncadd.s32 $0xFFFFFF80  }
0x62: {  	_ =	swait.ge [sflag:s31], $0x80  }
0x63: {  	[sflag:s31] =	ssyncset.done $0x0  }
0x64: {  	[sflag:s31] =	ssyncadd.s32 $0xFFFFFF80  }
0x65: {  	_ =	swait.ge [sflag:s31], $0x80  }
0x66: {  	[sflag:s31] =	ssyncset.done $0x0  }
0x67: {  	[sflag:s31] =	ssyncadd.s32 $0xFFFFFF80  }
0x68: {  	_ =	swait.ge [sflag:s31], $0x80  }
0x69: {  	[sflag:s31] =	ssyncset.done $0x0  }
0x6a: {  	[sflag:s31] =	ssyncadd.s32 $0xFFFFFF80  }
0x6b: {  	_ =	swait.ge [sflag:s31], $0x80  }
0x6c: {  	[sflag:s31] =	ssyncset.done $0x0  }
0x6d: {  	[sflag:s31] =	ssyncadd.s32 $0xFFFFFF80  }
.Ltmp1:
0x6e: {  	_ =	swait.ge [sflag:s31], $0x80;
	(pc) =	sbr.rel @p0 .LBB2_2-.Ltmp1, $4  }
0x6f: {  	[sflag:s31] =	ssyncset.done $0x0  }
0x70: {  	[sflag:s31] =	ssyncadd.s32 $0xFFFFFF80  }
0x71: {  	_ =	swait.ge [sflag:s31], $0x80  }
0x72: {  	[sflag:s31] =	ssyncset.done $0x0  }
.LBB2_3:
0x73: {  	s0 =	sadd.s32 $0x1, s0  }
0x74: {  	[sflag:s31] =	ssyncadd.s32 $0xFFFFFF80;
	p0 =	sne.s32 s0, s8  }
.Ltmp2:
0x75: {  	[bflag:$0x0] =	sbarrier.arrive $0xFFFF;
	(pc) =	sbr.rel @p0 .LBB2_1-.Ltmp2, $4  }
0x76: {  	[hbm:s9], [sflag:s7] =	dma.local [spmem:s11], $0x320  }
0x77: {  	_ =	swait.ge [sflag:s12], $0x320  }
0x78: {  	[sflag:s12] =	ssyncset.done $0x0  }
0x79: {  	[sflag:s12] =	ssyncadd.s32 $0xFFFFFCE0  }
0x7a: {  	_ =	sfence.sel $0x180000  }
0x7b: {  	[bflag:$0x0] =	sbarrier.arrive $0xFFFF  }
0x7c: {  	_ =	strace $0x90000047  }
0x7d: {  	s0 =	stileid.u32;
	[bflag:$0x2] =	sbarrier.arrive $0xFFFF  }
0x7e: {  	p0 =	sne.s32 s0, $0x0;
	s0 =	rddreg [dreg:$0x2]  }
0x7f: {  	s0 =	sadd.s32 @!p0 $0x100000, s0  }
0x80: {  	[sflag:s0] =	ssyncadd.tile.s32 @!p0 $0x1;
	_ =	shalt  }
.Lfunc_end2:
_tile_overlayer_lowered:
.L_overlay_start_2:
0x81: {  	(tag) =	ssettag $0x2  }
0x82: {  	s0 =	rddreg [dreg:$0x0];
	s2 =	stileid.u32  }
0x83: {  	s1 =	rddreg [dreg:$0x1];
	p0 =	sne.s32 s2, $0x0  }
0x84: {  	s3 =	rddreg [dreg:$0x2];
	[bflag:$0x3] =	sbarrier.arrive $0xFFFF;
	s2 =	simm.s32 @!p0 $0x1C02  }
0x85: {  	[timem:s3], [sflag:s2] =	dma.local @!p0 [hbm:s0], s1  }
0x86: {  	s0 =	simm.s32 @!p0 $0x2  }
0x87: {  	_ =	swait.ge @!p0 [sflag:s0], s1  }
0x88: {  	s1 =	ssub.s32 @!p0 $0x0, s1;
	[sflag:s0] =	ssyncset.done @!p0 $0x0  }
0x89: {  	[sflag:s0] =	ssyncadd.s32 @!p0 s1  }
0x8a: {  	[bflag:$0x3] =	sbarrier.arrive $0xFFFF  }
0x8b: {  	_ =	shalt  }

</sc_bundles>
